<compile_context>
chip_gen: v7x
topology: tpu7x:2x2x1
jax: 0.10.2.dev20260603
libtpu: 0.0.44.dev20260713+nightly
codegen_flags: <defaults>
</compile_context>

<pallas_src>
import functools

import jax
import jax.numpy as jnp
from jax import lax
from jax.experimental import pallas as pl
from jax.experimental.pallas import tpu as pltpu
from jax.experimental.pallas import tpu_sc as plsc

F32 = jnp.float32


def _dot(a, b):
    return jnp.dot(a, b, preferred_element_type=F32)



_SC_CHUNK = 128
_SC_NCHUNK = 40
_SC_PER_W = _SC_CHUNK * _SC_NCHUNK
_SC_NW = 32
_SC_EPAD = _SC_PER_W * _SC_NW
_SC_TOTCH = _SC_NCHUNK * _SC_NW


_SC_NBUF = 4
_SC_NCH0 = 40
_SC_NCH1 = 40


def _sc_gather(table, idx_pad):
    d = table.shape[1]
    dt = table.dtype
    mesh = plsc.VectorSubcoreMesh(core_axis_name="c", subcore_axis_name="s")

    @functools.partial(
        pl.kernel,
        out_type=jax.ShapeDtypeStruct((_SC_TOTCH, _SC_CHUNK, d), dt),
        mesh=mesh,
        scratch_types=(
            [pltpu.VMEM((_SC_NCH0 * _SC_CHUNK,), jnp.int32)]
            + [pltpu.VMEM((_SC_CHUNK, d), dt) for _ in range(_SC_NBUF)]
            + [pltpu.SemaphoreType.DMA for _ in range(2 * _SC_NBUF)]
        ),
        compiler_params=pltpu.CompilerParams(use_tc_tiling_on_sc=False),
    )
    def k(table_hbm, idx_hbm, out_hbm, idx_v, *bufsem):
        bufs = bufsem[:_SC_NBUF]
        gsems = bufsem[_SC_NBUF:2 * _SC_NBUF]
        wsems = bufsem[2 * _SC_NBUF:]
        cid = lax.axis_index("c")
        sid = lax.axis_index("s")

        def pipeline(nch, cbase):
            pltpu.sync_copy(
                idx_hbm.at[pl.ds(cbase * _SC_CHUNK, nch * _SC_CHUNK)],
                idx_v.at[pl.ds(0, nch * _SC_CHUNK)])

            def gather(c, b):
                return pltpu.async_copy(
                    table_hbm.at[idx_v.at[pl.ds(c * _SC_CHUNK, _SC_CHUNK)]],
                    bufs[b], gsems[b])

            for b in range(_SC_NBUF):
                gather(b, b)

            ngrp = nch // _SC_NBUF

            def grp_body(gi, _):
                c0 = gi * _SC_NBUF
                for b in range(_SC_NBUF):
                    pltpu.make_async_copy(
                        table_hbm.at[idx_v.at[pl.ds(0, _SC_CHUNK)]],
                        bufs[b], gsems[b]).wait()
                    pltpu.async_copy(bufs[b], out_hbm.at[cbase + c0 + b],
                                     wsems[b])
                for b in range(_SC_NBUF):
                    @pl.when(gi < ngrp - 1)
                    def _(b=b):
                        pltpu.make_async_copy(
                            bufs[b], out_hbm.at[cbase + c0 + b],
                            wsems[b]).wait()
                        gather(c0 + _SC_NBUF + b, b)
                return 0

            lax.fori_loop(0, ngrp, grp_body, 0, unroll=False)
            for b in range(_SC_NBUF):
                pltpu.make_async_copy(
                    bufs[b], out_hbm.at[cbase + (ngrp - 1) * _SC_NBUF + b],
                    wsems[b]).wait()

        @pl.when(cid == 0)
        def _():
            pipeline(_SC_NCH0, sid * _SC_NCH0)

        if _SC_NCH1:
            @pl.when(cid == 1)
            def _():
                pipeline(_SC_NCH1, 16 * _SC_NCH0 + sid * _SC_NCH1)

    return k(table, idx_pad)




def _prologue_body(af_ref, sf_ref, wat, ba, wst, bs, want, wsnt, waet, wset, be1,
                   atom_ref, state_ref, pas_ref, base_ref):
    atom = _dot(af_ref[...], wat[...]) + ba[...]
    state = _dot(sf_ref[...], wst[...]) + bs[...]
    atom_ref[...] = atom
    state_ref[...] = state
    pas_ref[...] = _dot(atom, want[...]) + _dot(state, wsnt[...])
    base_ref[...] = _dot(atom, waet[...]) + _dot(state, wset[...]) + be1[...]


def _prologue(atom_fea, state_fea, wat, ba, wst, bs, want, wsnt, waet, wset, be1):
    n = atom_fea.shape[0]
    return pl.pallas_call(
        _prologue_body,
        out_shape=(
            jax.ShapeDtypeStruct((n, 32), F32),
            jax.ShapeDtypeStruct((n, 32), F32),
            jax.ShapeDtypeStruct((n, 64), F32),
            jax.ShapeDtypeStruct((n, 64), F32),
        ),
    )(atom_fea, state_fea, wat, ba, wst, bs, want, wsnt, waet, wset, be1)



_NB = 400
_R4 = _NB * 4
_NGRID = 25
_E4 = _R4 * _NGRID


def _pass1_body(first, *args):
    if first:
        (raw_ref, gpa_ref, gpb_ref, base_ref, wnt_ref,
         bn_ref, w1q_ref, w2d_ref, b2p_ref,
         epa_ref, epb_ref, nbrp_out_ref, ssum_ref, ssq_ref) = args
        raw = raw_ref[...]
        nf = raw.shape[-1]
        embs = [_dot(raw[:, 4 * q:4 * q + 4, :].reshape(_R4, nf), wnt_ref[...])
                + bn_ref[...] for q in range(4)]
        nbrp = jnp.concatenate(embs, axis=1)
        nbrp_out_ref[...] = nbrp
    else:
        (nbr_ref, gpa_ref, gpb_ref, base_ref,
         w1q_ref, w2d_ref, b2p_ref,
         epa_ref, epb_ref, ssum_ref, ssq_ref) = args
        nbrp = nbr_ref[...]
    znbr4 = _dot(nbrp, w1q_ref[...])
    base = base_ref[...]
    br = jnp.broadcast_to(base[:, None, :], (_NB, 4, 64)).reshape(_R4, 64)
    basep = jnp.concatenate([br, br], axis=1)
    zpa = jnp.concatenate([znbr4[:, 0:64], znbr4[:, 128:192]], axis=1) \
        + gpa_ref[...] + basep
    zpb = jnp.concatenate([znbr4[:, 64:128], znbr4[:, 192:256]], axis=1) \
        + gpb_ref[...] + basep
    epa = _dot(jnp.tanh(zpa), w2d_ref[...]) + b2p_ref[...]
    epb = _dot(jnp.tanh(zpb), w2d_ref[...]) + b2p_ref[...]
    epa_ref[...] = epa
    epb_ref[...] = epb
    part = (jnp.sum(epa.reshape(_R4 // 8, 8, 128), axis=0)
            + jnp.sum(epb.reshape(_R4 // 8, 8, 128), axis=0))
    part2 = (jnp.sum((epa * epa).reshape(_R4 // 8, 8, 128), axis=0)
             + jnp.sum((epb * epb).reshape(_R4 // 8, 8, 128), axis=0))

    @pl.when(pl.program_id(0) == 0)
    def _():
        ssum_ref[...] = part
        ssq_ref[...] = part2

    @pl.when(pl.program_id(0) != 0)
    def _():
        ssum_ref[...] += part
        ssq_ref[...] += part2


def _pass1(first, nbr_in, gp, base, wnt, bn, w1q, w2d, b2p):
    full = lambda s: pl.BlockSpec(s, lambda i: (0, 0))
    out_shape = [jax.ShapeDtypeStruct((_E4, 128), F32)] * 2
    out_specs = [pl.BlockSpec((_R4, 128), lambda i: (i, 0))] * 2
    if first:
        out_shape.append(jax.ShapeDtypeStruct((_E4, 128), F32))
        out_specs.append(pl.BlockSpec((_R4, 128), lambda i: (i, 0)))
    out_shape += [jax.ShapeDtypeStruct((8, 128), F32)] * 2
    out_specs += [pl.BlockSpec((8, 128), lambda i: (0, 0))] * 2
    gp_specs = [pl.BlockSpec((_R4, 128), lambda i: (i, 0)),
                pl.BlockSpec((_R4, 128), lambda i: (i + _NGRID, 0))]
    base_spec = pl.BlockSpec((_NB, 64), lambda i: (i, 0))
    w_specs = [full((128, 256)), full((128, 128)), full((1, 128))]
    if first:
        nf = nbr_in.shape[-1]
        raw_spec = pl.BlockSpec((_NB, 16, nf), lambda i: (i, 0, 0))
        in_specs = ([raw_spec] + gp_specs + [base_spec]
                    + [full((nf, 32)), full((1, 32))] + w_specs)
        ins = (nbr_in, gp, gp, base, wnt, bn, w1q, w2d, b2p)
    else:
        in_specs = ([pl.BlockSpec((_R4, 128), lambda i: (i, 0))]
                    + gp_specs + [base_spec] + w_specs)
        ins = (nbr_in, gp, gp, base, w1q, w2d, b2p)
    return pl.pallas_call(
        functools.partial(_pass1_body, first),
        grid=(_NGRID,),
        in_specs=in_specs,
        out_specs=tuple(out_specs),
        out_shape=tuple(out_shape),
    )(*ins)


def _pass2_body(epa_ref, epb_ref, nbrp_ref, scale_ref, shift_ref,
                eop_ref, em_ref):
    eha = epa_ref[...] * scale_ref[...] + shift_ref[...]
    ehb = epb_ref[...] * scale_ref[...] + shift_ref[...]
    pa0 = eha[:, 0:32] * eha[:, 32:64]
    pa2 = eha[:, 64:96] * eha[:, 96:128]
    pb1 = ehb[:, 0:32] * ehb[:, 32:64]
    pb3 = ehb[:, 64:96] * ehb[:, 96:128]
    eop = jnp.concatenate([pa0, pb1, pa2, pb3], axis=1) + nbrp_ref[...]
    eop_ref[...] = eop
    s = jnp.sum(eop.reshape(_NB, 4, 128), axis=1)
    em_ref[...] = (s[:, 0:32] + s[:, 32:64] + s[:, 64:96] + s[:, 96:128]) \
        * (1.0 / 16.0)


def _pass2(epa, epb, nbrp, scalep, shiftp):
    n = _NB * _NGRID
    full = lambda s: pl.BlockSpec(s, lambda i: (0, 0))
    return pl.pallas_call(
        _pass2_body,
        grid=(_NGRID,),
        in_specs=[
            pl.BlockSpec((_R4, 128), lambda i: (i, 0)),
            pl.BlockSpec((_R4, 128), lambda i: (i, 0)),
            pl.BlockSpec((_R4, 128), lambda i: (i, 0)),
            full((1, 128)),
            full((1, 128)),
        ],
        out_specs=(pl.BlockSpec((_R4, 128), lambda i: (i, 0)),
                   pl.BlockSpec((_NB, 32), lambda i: (i, 0))),
        out_shape=(jax.ShapeDtypeStruct((_E4, 128), F32),
                   jax.ShapeDtypeStruct((n, 32), F32)),
    )(epa, epb, nbrp, scalep, shiftp)


def _bn_cols(x, g, b):
    n = x.shape[0]
    m = jnp.sum(x, axis=0, keepdims=True) / n
    var = jnp.sum(x * x, axis=0, keepdims=True) / n - m * m
    return (x - m) * (g / jnp.sqrt(var + 1e-5)) + b


def _node_body(em_ref, atom_ref, state_ref, v1t, bv1, v2t, bv2,
               g2, bt2, ut, bu, g3, bt3, want, wsnt, waet, wset, be1n,
               atom_o, state_o, pas_o, base_o):
    x = jnp.concatenate([em_ref[...], atom_ref[...]], axis=1)
    h = jnp.tanh(_dot(x, v1t[...]) + bv1[...])
    v = jnp.tanh(_dot(h, v2t[...]) + bv2[...])
    vn = _bn_cols(v, g2[...], bt2[...])
    atom_new = vn[:, :32] * vn[:, 32:] + atom_ref[...]
    su = _dot(state_ref[...], ut[...]) + bu[...]
    state_new = _bn_cols(su, g3[...], bt3[...]) + state_ref[...]
    atom_o[...] = atom_new
    state_o[...] = state_new
    pas_o[...] = _dot(atom_new, want[...]) + _dot(state_new, wsnt[...])
    base_o[...] = _dot(atom_new, waet[...]) + _dot(state_new, wset[...]) + be1n[...]


def _node(em, atom, state, v1t, bv1, v2t, bv2, g2, bt2, ut, bu, g3, bt3,
          want, wsnt, waet, wset, be1n):
    n = atom.shape[0]
    return pl.pallas_call(
        _node_body,
        out_shape=(
            jax.ShapeDtypeStruct((n, 32), F32),
            jax.ShapeDtypeStruct((n, 32), F32),
            jax.ShapeDtypeStruct((n, 64), F32),
            jax.ShapeDtypeStruct((n, 64), F32),
        ),
    )(em, atom, state, v1t, bv1, v2t, bv2, g2, bt2, ut, bu, g3, bt3,
      want, wsnt, waet, wset, be1n)


def _node_last_body(em_ref, atom_ref, state_ref, v1t, bv1, v2t,
                    bv2, g2, bt2, ut, bu, g3, bt3, pooled_o):
    em = em_ref[...]
    x = jnp.concatenate([em, atom_ref[...]], axis=1)
    h = jnp.tanh(_dot(x, v1t[...]) + bv1[...])
    v = jnp.tanh(_dot(h, v2t[...]) + bv2[...])
    vn = _bn_cols(v, g2[...], bt2[...])
    atom_new = vn[:, :32] * vn[:, 32:] + atom_ref[...]
    su = _dot(state_ref[...], ut[...]) + bu[...]
    state_new = _bn_cols(su, g3[...], bt3[...]) + state_ref[...]
    crys = jnp.concatenate([em * 16.0, atom_new, state_new], axis=1)
    n = crys.shape[0]
    pooled_o[...] = jnp.mean(crys.reshape(n // 50, 50, 96), axis=1)


def _node_last(em, atom, state, v1t, bv1, v2t, bv2, g2, bt2, ut, bu, g3, bt3):
    n = atom.shape[0]
    return pl.pallas_call(
        _node_last_body,
        out_shape=jax.ShapeDtypeStruct((n // 50, 96), F32),
    )(em, atom, state, v1t, bv1, v2t, bv2, g2, bt2, ut, bu, g3, bt3)


def _conv1_body(x_ref, w_ref, b_ref, o_ref):
    x = x_ref[...]
    bsz = x.shape[0]
    outs = []
    for o in range(3):
        acc = jnp.full((bsz, 27, 27), b_ref[o], dtype=F32)
        for dh in range(2):
            for dw in range(2):
                acc = acc + w_ref[o, 0, dh, dw] * x[:, dh:dh + 27, dw:dw + 27]
        m = jnp.maximum(
            jnp.maximum(acc[:, 0:26, 0:26], acc[:, 0:26, 1:27]),
            jnp.maximum(acc[:, 1:27, 0:26], acc[:, 1:27, 1:27]),
        )
        outs.append(jnp.maximum(m, 0.0))
    o_ref[...] = jnp.stack(outs, axis=0)


def _conv2_body(x_ref, w_ref, b_ref, o_ref):
    x = x_ref[...]
    bsz = x.shape[1]
    outs = []
    for o in range(6):
        acc = jnp.full((bsz, 12, 12), b_ref[o], dtype=F32)
        for ci in range(3):
            for dh in range(2):
                for dw in range(2):
                    acc = acc + w_ref[o, ci, dh, dw] * x[ci, :, dh:dh + 12, dw:dw + 12]
        m = jnp.maximum(
            jnp.maximum(acc[:, 0:11, 0:11], acc[:, 0:11, 1:12]),
            jnp.maximum(acc[:, 1:12, 0:11], acc[:, 1:12, 1:12]),
        )
        outs.append(jnp.maximum(m, 0.0))
    o_ref[...] = jnp.stack(outs, axis=0)


def _head_body(pooled_ref, sflat_ref, wf3t, bf3, wfc1t, bfc1, wfot, bfo, o_ref):
    s12 = jnp.tanh(_dot(sflat_ref[...], wf3t[...]) + bf3[...])
    x = jnp.concatenate([pooled_ref[...], s12], axis=1)
    h = jnp.tanh(_dot(x, wfc1t[...]) + bfc1[...])
    o_ref[...] = _dot(h, wfot[...]) + bfo[...]


def _split_e1(p):
    w = p["e1"]["w"]
    return (w[:, 64:96].T, w[:, 96:128].T, w[:, 128:160].T,
            w[:, 0:32].T, w[:, 32:64].T, p["e1"]["b"].reshape(1, 64))


def _blockdiag(wt, copies):
    i, o = wt.shape
    z = jnp.zeros((copies, i, copies, o), F32)
    ii = jnp.arange(copies)
    z = z.at[ii, :, ii, :].set(wt)
    return z.reshape(copies * i, copies * o)


def kernel(atom_fea, nbr_fea, nbr_fea_idx, state_fea, surface_fea,
           crystal_atom_idx, params):
    p = params
    blocks = p["blocks"]
    n, m = nbr_fea_idx.shape
    e_rows = n * m

    e1s = [_split_e1(bp) for bp in blocks]

    atom, state, pas, base = _prologue(
        atom_fea, state_fea,
        p["emb_a"]["w"].T, p["emb_a"]["b"].reshape(1, 32),
        p["emb_s"]["w"].T, p["emb_s"]["b"].reshape(1, 32),
        e1s[0][1], e1s[0][2], e1s[0][3], e1s[0][4], e1s[0][5])

    idx_flat = nbr_fea_idx.reshape(e_rows)
    pp = jnp.arange(_SC_EPAD, dtype=jnp.int32)
    half = jnp.where(pp < e_rows // 2, 0, 1)
    q = pp - half * (e_rows // 2)
    n_ = q >> 3
    jr = (q >> 1) & 3
    h = q & 1
    src = n_ * 16 + half * 4 + jr + h * 8
    src = jnp.where(pp < e_rows, src, 0)
    idx_pad = jnp.take(idx_flat, src)

    nbr_cur = nbr_fea
    for k in range(3):
        bp = blocks[k]
        wnbr_t, _, _, _, _, be1 = e1s[k]
        w1q = _blockdiag(wnbr_t, 4)
        w2d = _blockdiag(bp["e2"]["w"].T, 2)
        b2 = bp["e2"]["b"].reshape(1, 64)
        b2p = jnp.concatenate([b2, b2], axis=1)
        g3d = _sc_gather(pas, idx_pad)
        gp = g3d.reshape(_SC_EPAD * 64 // 128, 128)
        if k == 0:
            epa, epb, nbr_cur, ssum, ssq = _pass1(
                True, nbr_cur, gp, base,
                p["emb_n"]["w"].T, p["emb_n"]["b"].reshape(1, 32),
                w1q, w2d, b2p)
        else:
            epa, epb, ssum, ssq = _pass1(
                False, nbr_cur, gp, base, None, None, w1q, w2d, b2p)
        s128 = jnp.sum(ssum, axis=0)
        q128 = jnp.sum(ssq, axis=0)
        s = (s128[:64] + s128[64:]).reshape(1, 64)
        q = (q128[:64] + q128[64:]).reshape(1, 64)
        mean = s / e_rows
        var = q / e_rows - mean * mean
        scale = bp["g1"].reshape(1, 64) / jnp.sqrt(var + 1e-5)
        shift = bp["bt1"].reshape(1, 64) - mean * scale
        scalep = jnp.concatenate([scale, scale], axis=1)
        shiftp = jnp.concatenate([shift, shift], axis=1)
        nbr_cur, em = _pass2(epa, epb, nbr_cur, scalep, shiftp)

        nargs = (bp["v1"]["w"].T, bp["v1"]["b"].reshape(1, 64),
                 bp["v2"]["w"].T, bp["v2"]["b"].reshape(1, 64),
                 bp["g2"].reshape(1, 64), bp["bt2"].reshape(1, 64),
                 bp["u"]["w"].T, bp["u"]["b"].reshape(1, 32),
                 bp["g3"].reshape(1, 32), bp["bt3"].reshape(1, 32))
        if k < 2:
            nx = e1s[k + 1]
            atom, state, pas, base = _node(
                em, atom, state, *nargs, nx[1], nx[2], nx[3], nx[4], nx[5])
        else:
            pooled = _node_last(em, atom, state, *nargs)

    bsz = surface_fea.shape[0]
    xs = surface_fea[:, 0, :, :]
    smem = pl.BlockSpec(memory_space=pltpu.SMEM)
    c1 = pl.pallas_call(
        _conv1_body,
        in_specs=[pl.BlockSpec(), smem, smem],
        out_shape=jax.ShapeDtypeStruct((3, bsz, 26, 26), F32),
    )(xs, p["c1w"], p["c1b"])
    c1d = c1[:, :, ::2, ::2]
    c2 = pl.pallas_call(
        _conv2_body,
        in_specs=[pl.BlockSpec(), smem, smem],
        out_shape=jax.ShapeDtypeStruct((6, bsz, 11, 11), F32),
    )(c1d, p["c2w"], p["c2b"])
    c2d = c2[:, :, ::2, ::2]
    sflat = jnp.transpose(c2d, (1, 0, 2, 3)).reshape(bsz, 216)

    out = pl.pallas_call(
        _head_body,
        out_shape=jax.ShapeDtypeStruct((bsz, 1), F32),
    )(pooled, sflat,
      p["f3"]["w"].T, p["f3"]["b"].reshape(1, 12),
      p["fc1"]["w"].T, p["fc1"]["b"].reshape(1, 128),
      p["fo"]["w"].T, p["fo"]["b"].reshape(1, 1))
    return out

# --- scband reference (transcript-rebuilt; emitter-appended) ---
"""Pipeline reference for scband-cluster-model-55001351193013 (READ-ONLY COPY).

The authoritative reference and input builder live on the scoring server;
editing this copy changes nothing except your own understanding.
"""

import jax, jax.numpy as jnp
import numpy as np

N, M, B, APC = 10000, 16, 200, 50
AF, NF, SF = 92, 41, 41
D, MID = 32, 64

def _mk(k, shape):
    return jax.random.normal(k, shape, dtype=jnp.float32) * 0.1

def _lin_p(k, out, inn):
    k1, k2 = jax.random.split(k)
    return {"w": _mk(k1, (out, inn)), "b": _mk(k2, (out,))}

def _make_params(key):
    ks = iter([jax.random.fold_in(key, 100 + i) for i in range(100)])
    blocks = []
    for _ in range(3):
        blocks.append({
            "e1": _lin_p(next(ks), MID, 160), "e2": _lin_p(next(ks), 64, MID),
            "v1": _lin_p(next(ks), MID, 64), "v2": _lin_p(next(ks), 64, MID),
            "u": _lin_p(next(ks), 32, 32),
            "g1": jnp.ones(64, jnp.float32), "bt1": jnp.zeros(64, jnp.float32),
            "g2": jnp.ones(64, jnp.float32), "bt2": jnp.zeros(64, jnp.float32),
            "g3": jnp.ones(32, jnp.float32), "bt3": jnp.zeros(32, jnp.float32)})
    return {
        "emb_a": _lin_p(next(ks), 32, AF),
        "emb_s": _lin_p(next(ks), 32, SF),
        "emb_n": _lin_p(next(ks), 32, NF),
        "blocks": blocks,
        "c1w": _mk(next(ks), (3, 1, 2, 2)), "c1b": _mk(next(ks), (3,)),
        "c2w": _mk(next(ks), (6, 3, 2, 2)), "c2b": _mk(next(ks), (6,)),
        "f3": _lin_p(next(ks), 12, 216),
        "fc1": _lin_p(next(ks), 128, 32 + 32 + 32 + 12),
        "fo": _lin_p(next(ks), 1, 128)}

def setup_inputs(seed: int = 0):
    key = jax.random.key(seed)
    k = [jax.random.fold_in(key, i) for i in range(10)]
    return {
        "atom_fea": jax.random.normal(k[0], (N, AF), dtype=jnp.float32),
        "nbr_fea": jax.random.normal(k[1], (N, M, NF), dtype=jnp.float32),
        "nbr_fea_idx": jax.random.randint(k[2], (N, M), 0, N, dtype=jnp.int32),
        "state_fea": jax.random.normal(k[3], (N, SF), dtype=jnp.float32),
        "surface_fea": jax.random.normal(k[4], (B, 1, 28, 28), dtype=jnp.float32),
        "crystal_atom_idx": jnp.arange(B * APC, dtype=jnp.int32).reshape(B, APC),
        "params": _make_params(key)}

def _linear(x, p):
    return x @ p["w"].T + p["b"]

def _bn(x, g, b):
    m = x.mean(0)
    v = x.var(0)
    return (x - m) / jnp.sqrt(v + 1e-5) * g + b

def _block(p, atom, nbr, idx, state):
    n_, m_ = idx.shape
    an = atom[idx]
    sn = state[idx]
    ae = jnp.broadcast_to(atom[:, None, :], (n_, m_, atom.shape[1]))
    se = jnp.broadcast_to(state[:, None, :], (n_, m_, state.shape[1]))
    tef = jnp.concatenate([ae, se, nbr, an, sn], axis=2)
    e = _linear(jnp.tanh(_linear(tef, p["e1"])), p["e2"])
    e = _bn(e.reshape(-1, 64), p["g1"], p["bt1"]).reshape(n_, m_, 64)
    ef, ec = e[..., :32], e[..., 32:]
    edge_out = ef * ec + nbr
    em = edge_out.mean(axis=1)
    v = jnp.tanh(_linear(jnp.tanh(_linear(jnp.concatenate([em, atom], axis=1), p["v1"])), p["v2"]))
    v = _bn(v, p["g2"], p["bt2"])
    af, ac = v[:, :32], v[:, 32:]
    atom_out = af * ac + atom
    u = _bn(_linear(state, p["u"]), p["g3"], p["bt3"]) + state
    return edge_out, atom_out, u

def _conv(x, w, b):
    y = jax.lax.conv_general_dilated(x, w, (1, 1), 'VALID', dimension_numbers=('NCHW', 'OIHW', 'NCHW'))
    return y + b.reshape(1, -1, 1, 1)

def _maxpool(x):
    return jax.lax.reduce_window(x, -jnp.inf, jax.lax.max, (1, 1, 2, 2), (1, 1, 2, 2), 'VALID')

def _lenet(x, params):
    x = x[:, 0, :, :][:, None, :, :]
    x = jax.nn.relu(_maxpool(_conv(x, params["c1w"], params["c1b"])))
    x = jax.nn.relu(_maxpool(_conv(x, params["c2w"], params["c2b"])))
    x = x.reshape(x.shape[0], -1)
    return jnp.tanh(_linear(x, params["f3"]))

def reference(atom_fea, nbr_fea, nbr_fea_idx, state_fea, surface_fea, crystal_atom_idx, params):
    atom = _linear(atom_fea, params["emb_a"])
    state = _linear(state_fea, params["emb_s"])
    nbr = _linear(nbr_fea, params["emb_n"])
    for p in params["blocks"]:
        nbr, atom, state = _block(p, atom, nbr, nbr_fea_idx, state)
    nbr_s = nbr.sum(axis=1)
    crys = jnp.concatenate([nbr_s, atom, state], axis=1)
    pooled = crys[crystal_atom_idx].mean(axis=1)
    surf = _lenet(surface_fea, params)
    h = jnp.tanh(_linear(jnp.concatenate([pooled, surf], axis=1), params["fc1"]))
    return _linear(h, params["fo"])

if __name__ == "__main__":
    import jax
    _d = setup_inputs()
    print(jax.jit(kernel)(*tuple(_d.values())))

</pallas_src>

<mosaic_0001>
#map = affine_map<(d0, d1) -> (0, 0)>
#map1 = affine_map<(d0, d1) -> (0)>
#map2 = affine_map<(d0, d1) -> (0, 0, 0)>
module attributes {stable_mosaic.version = 14 : i64} {
  func.func @k(%arg0: i32, %arg1: i32, %arg2: memref<10000x64xf32, #tpu.memory_space<hbm>>, %arg3: memref<163840xi32, #tpu.memory_space<hbm>>, %arg4: memref<1280x128x64xf32, #tpu.memory_space<hbm>>, %arg5: memref<5120xi32, #tpu.memory_space<vmem>>, %arg6: memref<128x64xf32, #tpu.memory_space<vmem>>, %arg7: memref<128x64xf32, #tpu.memory_space<vmem>>, %arg8: memref<128x64xf32, #tpu.memory_space<vmem>>, %arg9: memref<128x64xf32, #tpu.memory_space<vmem>>, %arg10: memref<!tpu.dma_semaphore, #tpu.memory_space<semaphore_mem>>, %arg11: memref<!tpu.dma_semaphore, #tpu.memory_space<semaphore_mem>>, %arg12: memref<!tpu.dma_semaphore, #tpu.memory_space<semaphore_mem>>, %arg13: memref<!tpu.dma_semaphore, #tpu.memory_space<semaphore_mem>>, %arg14: memref<!tpu.dma_semaphore, #tpu.memory_space<semaphore_mem>>, %arg15: memref<!tpu.dma_semaphore, #tpu.memory_space<semaphore_mem>>, %arg16: memref<!tpu.dma_semaphore, #tpu.memory_space<semaphore_mem>>, %arg17: memref<!tpu.dma_semaphore, #tpu.memory_space<semaphore_mem>>) attributes {dimension_semantics = [#tpu.dimension_semantics<core_parallel>, #tpu.dimension_semantics<subcore_parallel>], iteration_bounds = array<i64: 2, 16>, scalar_prefetch = 0 : i64, scratch_operands = 13 : i64, tpu.core_type = #tpu.core_type<sc_vector_subcore>, window_params = [{transform_indices = #map}, {transform_indices = #map1}, {transform_indices = #map2}]} {
    %eq3A = arith.constant 0 : i32
    %eq3A_0 = arith.cmpi eq, %arg0, %eq3A : i32
    %convert_element_type3A = arith.extui %eq3A_0 : i1 to i32
    %cond3A = arith.constant 0 : i32
    %cond3A_1 = arith.cmpi ne, %convert_element_type3A, %cond3A : i32
    scf.if %cond3A_1 {
      %mul3A = arith.constant 40 : i32
      %mul3A_7 = arith.muli %arg1, %mul3A : i32
      %mul3A_8 = arith.constant 128 : i32
      %mul3A_9 = arith.muli %mul3A_7, %mul3A_8 : i32
      "tpu.region"() ({
        %run_scoped3A = tpu.sem_alloc : memref<!tpu.dma_semaphore, #tpu.memory_space<semaphore_mem>>
        %dma_start3A_81 = arith.constant 0 : i32
        %dma_start3A_82 = tpu.memref_slice %arg5[%dma_start3A_81] : memref<5120xi32, #tpu.memory_space<vmem>> -> memref<5120xi32, #tpu.memory_space<vmem>>
        %dma_start3A_83 = tpu.memref_slice %arg3[%mul3A_9] : memref<163840xi32, #tpu.memory_space<hbm>> -> memref<5120xi32, #tpu.memory_space<hbm>>
        %dma_start3A_84 = arith.constant 0 : i32
        %dma_start3A_85 = tpu.memref_slice %arg5[%dma_start3A_84] : memref<5120xi32, #tpu.memory_space<vmem>> -> memref<5120xi32, #tpu.memory_space<vmem>>
        %dma_start3A_86 = tpu.memref_slice %arg3[%mul3A_9] : memref<163840xi32, #tpu.memory_space<hbm>> -> memref<5120xi32, #tpu.memory_space<hbm>>
        tpu.enqueue_dma source(%dma_start3A_86 : memref<5120xi32, #tpu.memory_space<hbm>>) target(%dma_start3A_85 : memref<5120xi32, #tpu.memory_space<vmem>>) target_semaphore(%run_scoped3A : memref<!tpu.dma_semaphore, #tpu.memory_space<semaphore_mem>>)
        %dma_wait3A_87 = arith.constant 0 : i32
        %dma_wait3A_88 = tpu.memref_slice %arg5[%dma_wait3A_87] : memref<5120xi32, #tpu.memory_space<vmem>> -> memref<5120xi32, #tpu.memory_space<vmem>>
        %dma_wait3A_89 = tpu.memref_slice %arg3[%mul3A_9] : memref<163840xi32, #tpu.memory_space<hbm>> -> memref<5120xi32, #tpu.memory_space<hbm>>
        %dma_wait3A_90 = arith.constant 0 : i32
        %dma_wait3A_91 = tpu.memref_slice %arg5[%dma_wait3A_90] : memref<5120xi32, #tpu.memory_space<vmem>> -> memref<5120xi32, #tpu.memory_space<vmem>>
        %dma_wait3A_92 = tpu.memref_slice %arg3[%mul3A_9] : memref<163840xi32, #tpu.memory_space<hbm>> -> memref<5120xi32, #tpu.memory_space<hbm>>
        tpu.wait_dma2 semaphore(%run_scoped3A : memref<!tpu.dma_semaphore, #tpu.memory_space<semaphore_mem>>) src(%dma_wait3A_92 : memref<5120xi32, #tpu.memory_space<hbm>>) dst(%dma_wait3A_91 : memref<5120xi32, #tpu.memory_space<vmem>>)
        tpu.yield
      }) : () -> ()
      %dma_start3A = arith.constant 0 : i32
      %dma_start3A_10 = tpu.memref_slice %arg5[%dma_start3A] : memref<5120xi32, #tpu.memory_space<vmem>> -> memref<128xi32, #tpu.memory_space<vmem>>
      %dma_start3A_11 = arith.constant 0 : i32
      %dma_start3A_12 = arith.constant 0 : i32
      %dma_start3A_13 = tpu.memref_slice %arg2[%dma_start3A_11, %dma_start3A_12] : memref<10000x64xf32, #tpu.memory_space<hbm>> -> memref<10000x64xf32, #tpu.memory_space<hbm>>
      tpu.enqueue_indirect_dma source(%dma_start3A_13 : memref<10000x64xf32, #tpu.memory_space<hbm>>) target(%arg6 : memref<128x64xf32, #tpu.memory_space<vmem>>) offsets(%dma_start3A_10 : memref<128xi32, #tpu.memory_space<vmem>>) semaphore(%arg10 : memref<!tpu.dma_semaphore, #tpu.memory_space<semaphore_mem>>)
      %dma_start3A_14 = arith.constant 128 : i32
      %dma_start3A_15 = tpu.memref_slice %arg5[%dma_start3A_14] : memref<5120xi32, #tpu.memory_space<vmem>> -> memref<128xi32, #tpu.memory_space<vmem>>
      %dma_start3A_16 = arith.constant 0 : i32
      %dma_start3A_17 = arith.constant 0 : i32
      %dma_start3A_18 = tpu.memref_slice %arg2[%dma_start3A_16, %dma_start3A_17] : memref<10000x64xf32, #tpu.memory_space<hbm>> -> memref<10000x64xf32, #tpu.memory_space<hbm>>
      tpu.enqueue_indirect_dma source(%dma_start3A_18 : memref<10000x64xf32, #tpu.memory_space<hbm>>) target(%arg7 : memref<128x64xf32, #tpu.memory_space<vmem>>) offsets(%dma_start3A_15 : memref<128xi32, #tpu.memory_space<vmem>>) semaphore(%arg11 : memref<!tpu.dma_semaphore, #tpu.memory_space<semaphore_mem>>)
      %dma_start3A_19 = arith.constant 256 : i32
      %dma_start3A_20 = tpu.memref_slice %arg5[%dma_start3A_19] : memref<5120xi32, #tpu.memory_space<vmem>> -> memref<128xi32, #tpu.memory_space<vmem>>
      %dma_start3A_21 = arith.constant 0 : i32
      %dma_start3A_22 = arith.constant 0 : i32
      %dma_start3A_23 = tpu.memref_slice %arg2[%dma_start3A_21, %dma_start3A_22] : memref<10000x64xf32, #tpu.memory_space<hbm>> -> memref<10000x64xf32, #tpu.memory_space<hbm>>
      tpu.enqueue_indirect_dma source(%dma_start3A_23 : memref<10000x64xf32, #tpu.memory_space<hbm>>) target(%arg8 : memref<128x64xf32, #tpu.memory_space<vmem>>) offsets(%dma_start3A_20 : memref<128xi32, #tpu.memory_space<vmem>>) semaphore(%arg12 : memref<!tpu.dma_semaphore, #tpu.memory_space<semaphore_mem>>)
      %dma_start3A_24 = arith.constant 384 : i32
      %dma_start3A_25 = tpu.memref_slice %arg5[%dma_start3A_24] : memref<5120xi32, #tpu.memory_space<vmem>> -> memref<128xi32, #tpu.memory_space<vmem>>
      %dma_start3A_26 = arith.constant 0 : i32
      %dma_start3A_27 = arith.constant 0 : i32
      %dma_start3A_28 = tpu.memref_slice %arg2[%dma_start3A_26, %dma_start3A_27] : memref<10000x64xf32, #tpu.memory_space<hbm>> -> memref<10000x64xf32, #tpu.memory_space<hbm>>
      tpu.enqueue_indirect_dma source(%dma_start3A_28 : memref<10000x64xf32, #tpu.memory_space<hbm>>) target(%arg9 : memref<128x64xf32, #tpu.memory_space<vmem>>) offsets(%dma_start3A_25 : memref<128xi32, #tpu.memory_space<vmem>>) semaphore(%arg13 : memref<!tpu.dma_semaphore, #tpu.memory_space<semaphore_mem>>)
      %scan3A = arith.constant 0 : i32
      %scan3A_29 = arith.constant 0 : i32
      %scan3A_30 = arith.constant 10 : i32
      %scan3A_31 = arith.addi %scan3A_29, %scan3A_30 : i32
      %scan3A_32 = arith.constant 1 : i32
      %scan3A_33 = scf.for %scan3A_81 = %scan3A_29 to %scan3A_31 step %scan3A_32 iter_args(%scan3A_82 = %scan3A) -> (i32)  : i32 {
        %mul3A_83 = arith.constant 4 : i32
        %mul3A_84 = arith.muli %scan3A_81, %mul3A_83 : i32
        %dma_wait3A_85 = arith.constant 0 : i32
        %dma_wait3A_86 = tpu.memref_slice %arg5[%dma_wait3A_85] : memref<5120xi32, #tpu.memory_space<vmem>> -> memref<128xi32, #tpu.memory_space<vmem>>
        %dma_wait3A_87 = arith.constant 0 : i32
        %dma_wait3A_88 = arith.constant 0 : i32
        %dma_wait3A_89 = tpu.memref_slice %arg2[%dma_wait3A_87, %dma_wait3A_88] : memref<10000x64xf32, #tpu.memory_space<hbm>> -> memref<10000x64xf32, #tpu.memory_space<hbm>>
        tpu.wait_indirect_dma semaphore(%arg10 : memref<!tpu.dma_semaphore, #tpu.memory_space<semaphore_mem>>) src(%dma_wait3A_89 : memref<10000x64xf32, #tpu.memory_space<hbm>>) dst(%arg6 : memref<128x64xf32, #tpu.memory_space<vmem>>)
        %add3A_90 = arith.addi %mul3A_7, %mul3A_84 : i32
        %add3A_91 = arith.constant 0 : i32
        %add3A_92 = arith.addi %add3A_90, %add3A_91 : i32
        %dma_start3A_93 = arith.constant 0 : i32
        %dma_start3A_94 = arith.constant 0 : i32
        %dma_start3A_95 = tpu.memref_slice %arg4[%add3A_92, %dma_start3A_93, %dma_start3A_94] : memref<1280x128x64xf32, #tpu.memory_space<hbm>> -> memref<1x128x64xf32, #tpu.memory_space<hbm>>
        %dma_start3A_96 = tpu.memref_squeeze %dma_start3A_95 : memref<1x128x64xf32, #tpu.memory_space<hbm>> -> memref<128x64xf32, #tpu.memory_space<hbm>>
        %dma_start3A_97 = arith.constant 0 : i32
        %dma_start3A_98 = arith.constant 0 : i32
        %dma_start3A_99 = tpu.memref_slice %arg4[%add3A_92, %dma_start3A_97, %dma_start3A_98] : memref<1280x128x64xf32, #tpu.memory_space<hbm>> -> memref<1x128x64xf32, #tpu.memory_space<hbm>>
        %dma_start3A_100 = tpu.memref_squeeze %dma_start3A_99 : memref<1x128x64xf32, #tpu.memory_space<hbm>> -> memref<128x64xf32, #tpu.memory_space<hbm>>
        tpu.enqueue_dma source(%arg6 : memref<128x64xf32, #tpu.memory_space<vmem>>) target(%dma_start3A_100 : memref<128x64xf32, #tpu.memory_space<hbm>>) target_semaphore(%arg14 : memref<!tpu.dma_semaphore, #tpu.memory_space<semaphore_mem>>)
        %dma_wait3A_101 = arith.constant 0 : i32
        %dma_wait3A_102 = tpu.memref_slice %arg5[%dma_wait3A_101] : memref<5120xi32, #tpu.memory_space<vmem>> -> memref<128xi32, #tpu.memory_space<vmem>>
        %dma_wait3A_103 = arith.constant 0 : i32
        %dma_wait3A_104 = arith.constant 0 : i32
        %dma_wait3A_105 = tpu.memref_slice %arg2[%dma_wait3A_103, %dma_wait3A_104] : memref<10000x64xf32, #tpu.memory_space<hbm>> -> memref<10000x64xf32, #tpu.memory_space<hbm>>
        tpu.wait_indirect_dma semaphore(%arg11 : memref<!tpu.dma_semaphore, #tpu.memory_space<semaphore_mem>>) src(%dma_wait3A_105 : memref<10000x64xf32, #tpu.memory_space<hbm>>) dst(%arg7 : memref<128x64xf32, #tpu.memory_space<vmem>>)
        %add3A_106 = arith.addi %mul3A_7, %mul3A_84 : i32
        %add3A_107 = arith.constant 1 : i32
        %add3A_108 = arith.addi %add3A_106, %add3A_107 : i32
        %dma_start3A_109 = arith.constant 0 : i32
        %dma_start3A_110 = arith.constant 0 : i32
        %dma_start3A_111 = tpu.memref_slice %arg4[%add3A_108, %dma_start3A_109, %dma_start3A_110] : memref<1280x128x64xf32, #tpu.memory_space<hbm>> -> memref<1x128x64xf32, #tpu.memory_space<hbm>>
        %dma_start3A_112 = tpu.memref_squeeze %dma_start3A_111 : memref<1x128x64xf32, #tpu.memory_space<hbm>> -> memref<128x64xf32, #tpu.memory_space<hbm>>
        %dma_start3A_113 = arith.constant 0 : i32
        %dma_start3A_114 = arith.constant 0 : i32
        %dma_start3A_115 = tpu.memref_slice %arg4[%add3A_108, %dma_start3A_113, %dma_start3A_114] : memref<1280x128x64xf32, #tpu.memory_space<hbm>> -> memref<1x128x64xf32, #tpu.memory_space<hbm>>
        %dma_start3A_116 = tpu.memref_squeeze %dma_start3A_115 : memref<1x128x64xf32, #tpu.memory_space<hbm>> -> memref<128x64xf32, #tpu.memory_space<hbm>>
        tpu.enqueue_dma source(%arg7 : memref<128x64xf32, #tpu.memory_space<vmem>>) target(%dma_start3A_116 : memref<128x64xf32, #tpu.memory_space<hbm>>) target_semaphore(%arg15 : memref<!tpu.dma_semaphore, #tpu.memory_space<semaphore_mem>>)
        %dma_wait3A_117 = arith.constant 0 : i32
        %dma_wait3A_118 = tpu.memref_slice %arg5[%dma_wait3A_117] : memref<5120xi32, #tpu.memory_space<vmem>> -> memref<128xi32, #tpu.memory_space<vmem>>
        %dma_wait3A_119 = arith.constant 0 : i32
        %dma_wait3A_120 = arith.constant 0 : i32
        %dma_wait3A_121 = tpu.memref_slice %arg2[%dma_wait3A_119, %dma_wait3A_120] : memref<10000x64xf32, #tpu.memory_space<hbm>> -> memref<10000x64xf32, #tpu.memory_space<hbm>>
        tpu.wait_indirect_dma semaphore(%arg12 : memref<!tpu.dma_semaphore, #tpu.memory_space<semaphore_mem>>) src(%dma_wait3A_121 : memref<10000x64xf32, #tpu.memory_space<hbm>>) dst(%arg8 : memref<128x64xf32, #tpu.memory_space<vmem>>)
        %add3A_122 = arith.addi %mul3A_7, %mul3A_84 : i32
        %add3A_123 = arith.constant 2 : i32
        %add3A_124 = arith.addi %add3A_122, %add3A_123 : i32
        %dma_start3A_125 = arith.constant 0 : i32
        %dma_start3A_126 = arith.constant 0 : i32
        %dma_start3A_127 = tpu.memref_slice %arg4[%add3A_124, %dma_start3A_125, %dma_start3A_126] : memref<1280x128x64xf32, #tpu.memory_space<hbm>> -> memref<1x128x64xf32, #tpu.memory_space<hbm>>
        %dma_start3A_128 = tpu.memref_squeeze %dma_start3A_127 : memref<1x128x64xf32, #tpu.memory_space<hbm>> -> memref<128x64xf32, #tpu.memory_space<hbm>>
        %dma_start3A_129 = arith.constant 0 : i32
        %dma_start3A_130 = arith.constant 0 : i32
        %dma_start3A_131 = tpu.memref_slice %arg4[%add3A_124, %dma_start3A_129, %dma_start3A_130] : memref<1280x128x64xf32, #tpu.memory_space<hbm>> -> memref<1x128x64xf32, #tpu.memory_space<hbm>>
        %dma_start3A_132 = tpu.memref_squeeze %dma_start3A_131 : memref<1x128x64xf32, #tpu.memory_space<hbm>> -> memref<128x64xf32, #tpu.memory_space<hbm>>
        tpu.enqueue_dma source(%arg8 : memref<128x64xf32, #tpu.memory_space<vmem>>) target(%dma_start3A_132 : memref<128x64xf32, #tpu.memory_space<hbm>>) target_semaphore(%arg16 : memref<!tpu.dma_semaphore, #tpu.memory_space<semaphore_mem>>)
        %dma_wait3A_133 = arith.constant 0 : i32
        %dma_wait3A_134 = tpu.memref_slice %arg5[%dma_wait3A_133] : memref<5120xi32, #tpu.memory_space<vmem>> -> memref<128xi32, #tpu.memory_space<vmem>>
        %dma_wait3A_135 = arith.constant 0 : i32
        %dma_wait3A_136 = arith.constant 0 : i32
        %dma_wait3A_137 = tpu.memref_slice %arg2[%dma_wait3A_135, %dma_wait3A_136] : memref<10000x64xf32, #tpu.memory_space<hbm>> -> memref<10000x64xf32, #tpu.memory_space<hbm>>
        tpu.wait_indirect_dma semaphore(%arg13 : memref<!tpu.dma_semaphore, #tpu.memory_space<semaphore_mem>>) src(%dma_wait3A_137 : memref<10000x64xf32, #tpu.memory_space<hbm>>) dst(%arg9 : memref<128x64xf32, #tpu.memory_space<vmem>>)
        %add3A_138 = arith.addi %mul3A_7, %mul3A_84 : i32
        %add3A_139 = arith.constant 3 : i32
        %add3A_140 = arith.addi %add3A_138, %add3A_139 : i32
        %dma_start3A_141 = arith.constant 0 : i32
        %dma_start3A_142 = arith.constant 0 : i32
        %dma_start3A_143 = tpu.memref_slice %arg4[%add3A_140, %dma_start3A_141, %dma_start3A_142] : memref<1280x128x64xf32, #tpu.memory_space<hbm>> -> memref<1x128x64xf32, #tpu.memory_space<hbm>>
        %dma_start3A_144 = tpu.memref_squeeze %dma_start3A_143 : memref<1x128x64xf32, #tpu.memory_space<hbm>> -> memref<128x64xf32, #tpu.memory_space<hbm>>
        %dma_start3A_145 = arith.constant 0 : i32
        %dma_start3A_146 = arith.constant 0 : i32
        %dma_start3A_147 = tpu.memref_slice %arg4[%add3A_140, %dma_start3A_145, %dma_start3A_146] : memref<1280x128x64xf32, #tpu.memory_space<hbm>> -> memref<1x128x64xf32, #tpu.memory_space<hbm>>
        %dma_start3A_148 = tpu.memref_squeeze %dma_start3A_147 : memref<1x128x64xf32, #tpu.memory_space<hbm>> -> memref<128x64xf32, #tpu.memory_space<hbm>>
        tpu.enqueue_dma source(%arg9 : memref<128x64xf32, #tpu.memory_space<vmem>>) target(%dma_start3A_148 : memref<128x64xf32, #tpu.memory_space<hbm>>) target_semaphore(%arg17 : memref<!tpu.dma_semaphore, #tpu.memory_space<semaphore_mem>>)
        %lt3A = arith.constant 9 : i32
        %lt3A_149 = arith.cmpi slt, %scan3A_81, %lt3A : i32
        %convert_element_type3A_150 = arith.extui %lt3A_149 : i1 to i32
        %cond3A_151 = arith.constant 0 : i32
        %cond3A_152 = arith.cmpi ne, %convert_element_type3A_150, %cond3A_151 : i32
        scf.if %cond3A_152 {
          %add3A_169 = arith.addi %mul3A_7, %mul3A_84 : i32
          %add3A_170 = arith.constant 0 : i32
          %add3A_171 = arith.addi %add3A_169, %add3A_170 : i32
          %dma_wait3A_172 = arith.constant 0 : i32
          %dma_wait3A_173 = arith.constant 0 : i32
          %dma_wait3A_174 = tpu.memref_slice %arg4[%add3A_171, %dma_wait3A_172, %dma_wait3A_173] : memref<1280x128x64xf32, #tpu.memory_space<hbm>> -> memref<1x128x64xf32, #tpu.memory_space<hbm>>
          %dma_wait3A_175 = tpu.memref_squeeze %dma_wait3A_174 : memref<1x128x64xf32, #tpu.memory_space<hbm>> -> memref<128x64xf32, #tpu.memory_space<hbm>>
          %dma_wait3A_176 = arith.constant 0 : i32
          %dma_wait3A_177 = arith.constant 0 : i32
          %dma_wait3A_178 = tpu.memref_slice %arg4[%add3A_171, %dma_wait3A_176, %dma_wait3A_177] : memref<1280x128x64xf32, #tpu.memory_space<hbm>> -> memref<1x128x64xf32, #tpu.memory_space<hbm>>
          %dma_wait3A_179 = tpu.memref_squeeze %dma_wait3A_178 : memref<1x128x64xf32, #tpu.memory_space<hbm>> -> memref<128x64xf32, #tpu.memory_space<hbm>>
          tpu.wait_dma2 semaphore(%arg14 : memref<!tpu.dma_semaphore, #tpu.memory_space<semaphore_mem>>) src(%arg6 : memref<128x64xf32, #tpu.memory_space<vmem>>) dst(%dma_wait3A_179 : memref<128x64xf32, #tpu.memory_space<hbm>>)
          %add3A_180 = arith.constant 4 : i32
          %add3A_181 = arith.addi %mul3A_84, %add3A_180 : i32
          %add3A_182 = arith.constant 0 : i32
          %add3A_183 = arith.addi %add3A_181, %add3A_182 : i32
          %mul3A_184 = arith.constant 128 : i32
          %mul3A_185 = arith.muli %add3A_183, %mul3A_184 : i32
          %dma_start3A_186 = tpu.memref_slice %arg5[%mul3A_185] : memref<5120xi32, #tpu.memory_space<vmem>> -> memref<128xi32, #tpu.memory_space<vmem>>
          %dma_start3A_187 = arith.constant 0 : i32
          %dma_start3A_188 = arith.constant 0 : i32
          %dma_start3A_189 = tpu.memref_slice %arg2[%dma_start3A_187, %dma_start3A_188] : memref<10000x64xf32, #tpu.memory_space<hbm>> -> memref<10000x64xf32, #tpu.memory_space<hbm>>
          tpu.enqueue_indirect_dma source(%dma_start3A_189 : memref<10000x64xf32, #tpu.memory_space<hbm>>) target(%arg6 : memref<128x64xf32, #tpu.memory_space<vmem>>) offsets(%dma_start3A_186 : memref<128xi32, #tpu.memory_space<vmem>>) semaphore(%arg10 : memref<!tpu.dma_semaphore, #tpu.memory_space<semaphore_mem>>)
        } else {
        }
        %lt3A_153 = arith.constant 9 : i32
        %lt3A_154 = arith.cmpi slt, %scan3A_81, %lt3A_153 : i32
        %convert_element_type3A_155 = arith.extui %lt3A_154 : i1 to i32
        %cond3A_156 = arith.constant 0 : i32
        %cond3A_157 = arith.cmpi ne, %convert_element_type3A_155, %cond3A_156 : i32
        scf.if %cond3A_157 {
          %add3A_169 = arith.addi %mul3A_7, %mul3A_84 : i32
          %add3A_170 = arith.constant 1 : i32
          %add3A_171 = arith.addi %add3A_169, %add3A_170 : i32
          %dma_wait3A_172 = arith.constant 0 : i32
          %dma_wait3A_173 = arith.constant 0 : i32
          %dma_wait3A_174 = tpu.memref_slice %arg4[%add3A_171, %dma_wait3A_172, %dma_wait3A_173] : memref<1280x128x64xf32, #tpu.memory_space<hbm>> -> memref<1x128x64xf32, #tpu.memory_space<hbm>>
          %dma_wait3A_175 = tpu.memref_squeeze %dma_wait3A_174 : memref<1x128x64xf32, #tpu.memory_space<hbm>> -> memref<128x64xf32, #tpu.memory_space<hbm>>
          %dma_wait3A_176 = arith.constant 0 : i32
          %dma_wait3A_177 = arith.constant 0 : i32
          %dma_wait3A_178 = tpu.memref_slice %arg4[%add3A_171, %dma_wait3A_176, %dma_wait3A_177] : memref<1280x128x64xf32, #tpu.memory_space<hbm>> -> memref<1x128x64xf32, #tpu.memory_space<hbm>>
          %dma_wait3A_179 = tpu.memref_squeeze %dma_wait3A_178 : memref<1x128x64xf32, #tpu.memory_space<hbm>> -> memref<128x64xf32, #tpu.memory_space<hbm>>
          tpu.wait_dma2 semaphore(%arg15 : memref<!tpu.dma_semaphore, #tpu.memory_space<semaphore_mem>>) src(%arg7 : memref<128x64xf32, #tpu.memory_space<vmem>>) dst(%dma_wait3A_179 : memref<128x64xf32, #tpu.memory_space<hbm>>)
          %add3A_180 = arith.constant 4 : i32
          %add3A_181 = arith.addi %mul3A_84, %add3A_180 : i32
          %add3A_182 = arith.constant 1 : i32
          %add3A_183 = arith.addi %add3A_181, %add3A_182 : i32
          %mul3A_184 = arith.constant 128 : i32
          %mul3A_185 = arith.muli %add3A_183, %mul3A_184 : i32
          %dma_start3A_186 = tpu.memref_slice %arg5[%mul3A_185] : memref<5120xi32, #tpu.memory_space<vmem>> -> memref<128xi32, #tpu.memory_space<vmem>>
          %dma_start3A_187 = arith.constant 0 : i32
          %dma_start3A_188 = arith.constant 0 : i32
          %dma_start3A_189 = tpu.memref_slice %arg2[%dma_start3A_187, %dma_start3A_188] : memref<10000x64xf32, #tpu.memory_space<hbm>> -> memref<10000x64xf32, #tpu.memory_space<hbm>>
          tpu.enqueue_indirect_dma source(%dma_start3A_189 : memref<10000x64xf32, #tpu.memory_space<hbm>>) target(%arg7 : memref<128x64xf32, #tpu.memory_space<vmem>>) offsets(%dma_start3A_186 : memref<128xi32, #tpu.memory_space<vmem>>) semaphore(%arg11 : memref<!tpu.dma_semaphore, #tpu.memory_space<semaphore_mem>>)
        } else {
        }
        %lt3A_158 = arith.constant 9 : i32
        %lt3A_159 = arith.cmpi slt, %scan3A_81, %lt3A_158 : i32
        %convert_element_type3A_160 = arith.extui %lt3A_159 : i1 to i32
        %cond3A_161 = arith.constant 0 : i32
        %cond3A_162 = arith.cmpi ne, %convert_element_type3A_160, %cond3A_161 : i32
        scf.if %cond3A_162 {
          %add3A_169 = arith.addi %mul3A_7, %mul3A_84 : i32
          %add3A_170 = arith.constant 2 : i32
          %add3A_171 = arith.addi %add3A_169, %add3A_170 : i32
          %dma_wait3A_172 = arith.constant 0 : i32
          %dma_wait3A_173 = arith.constant 0 : i32
          %dma_wait3A_174 = tpu.memref_slice %arg4[%add3A_171, %dma_wait3A_172, %dma_wait3A_173] : memref<1280x128x64xf32, #tpu.memory_space<hbm>> -> memref<1x128x64xf32, #tpu.memory_space<hbm>>
          %dma_wait3A_175 = tpu.memref_squeeze %dma_wait3A_174 : memref<1x128x64xf32, #tpu.memory_space<hbm>> -> memref<128x64xf32, #tpu.memory_space<hbm>>
          %dma_wait3A_176 = arith.constant 0 : i32
          %dma_wait3A_177 = arith.constant 0 : i32
          %dma_wait3A_178 = tpu.memref_slice %arg4[%add3A_171, %dma_wait3A_176, %dma_wait3A_177] : memref<1280x128x64xf32, #tpu.memory_space<hbm>> -> memref<1x128x64xf32, #tpu.memory_space<hbm>>
          %dma_wait3A_179 = tpu.memref_squeeze %dma_wait3A_178 : memref<1x128x64xf32, #tpu.memory_space<hbm>> -> memref<128x64xf32, #tpu.memory_space<hbm>>
          tpu.wait_dma2 semaphore(%arg16 : memref<!tpu.dma_semaphore, #tpu.memory_space<semaphore_mem>>) src(%arg8 : memref<128x64xf32, #tpu.memory_space<vmem>>) dst(%dma_wait3A_179 : memref<128x64xf32, #tpu.memory_space<hbm>>)
          %add3A_180 = arith.constant 4 : i32
          %add3A_181 = arith.addi %mul3A_84, %add3A_180 : i32
          %add3A_182 = arith.constant 2 : i32
          %add3A_183 = arith.addi %add3A_181, %add3A_182 : i32
          %mul3A_184 = arith.constant 128 : i32
          %mul3A_185 = arith.muli %add3A_183, %mul3A_184 : i32
          %dma_start3A_186 = tpu.memref_slice %arg5[%mul3A_185] : memref<5120xi32, #tpu.memory_space<vmem>> -> memref<128xi32, #tpu.memory_space<vmem>>
          %dma_start3A_187 = arith.constant 0 : i32
          %dma_start3A_188 = arith.constant 0 : i32
          %dma_start3A_189 = tpu.memref_slice %arg2[%dma_start3A_187, %dma_start3A_188] : memref<10000x64xf32, #tpu.memory_space<hbm>> -> memref<10000x64xf32, #tpu.memory_space<hbm>>
          tpu.enqueue_indirect_dma source(%dma_start3A_189 : memref<10000x64xf32, #tpu.memory_space<hbm>>) target(%arg8 : memref<128x64xf32, #tpu.memory_space<vmem>>) offsets(%dma_start3A_186 : memref<128xi32, #tpu.memory_space<vmem>>) semaphore(%arg12 : memref<!tpu.dma_semaphore, #tpu.memory_space<semaphore_mem>>)
        } else {
        }
        %lt3A_163 = arith.constant 9 : i32
        %lt3A_164 = arith.cmpi slt, %scan3A_81, %lt3A_163 : i32
        %convert_element_type3A_165 = arith.extui %lt3A_164 : i1 to i32
        %cond3A_166 = arith.constant 0 : i32
        %cond3A_167 = arith.cmpi ne, %convert_element_type3A_165, %cond3A_166 : i32
        scf.if %cond3A_167 {
          %add3A_169 = arith.addi %mul3A_7, %mul3A_84 : i32
          %add3A_170 = arith.constant 3 : i32
          %add3A_171 = arith.addi %add3A_169, %add3A_170 : i32
          %dma_wait3A_172 = arith.constant 0 : i32
          %dma_wait3A_173 = arith.constant 0 : i32
          %dma_wait3A_174 = tpu.memref_slice %arg4[%add3A_171, %dma_wait3A_172, %dma_wait3A_173] : memref<1280x128x64xf32, #tpu.memory_space<hbm>> -> memref<1x128x64xf32, #tpu.memory_space<hbm>>
          %dma_wait3A_175 = tpu.memref_squeeze %dma_wait3A_174 : memref<1x128x64xf32, #tpu.memory_space<hbm>> -> memref<128x64xf32, #tpu.memory_space<hbm>>
          %dma_wait3A_176 = arith.constant 0 : i32
          %dma_wait3A_177 = arith.constant 0 : i32
          %dma_wait3A_178 = tpu.memref_slice %arg4[%add3A_171, %dma_wait3A_176, %dma_wait3A_177] : memref<1280x128x64xf32, #tpu.memory_space<hbm>> -> memref<1x128x64xf32, #tpu.memory_space<hbm>>
          %dma_wait3A_179 = tpu.memref_squeeze %dma_wait3A_178 : memref<1x128x64xf32, #tpu.memory_space<hbm>> -> memref<128x64xf32, #tpu.memory_space<hbm>>
          tpu.wait_dma2 semaphore(%arg17 : memref<!tpu.dma_semaphore, #tpu.memory_space<semaphore_mem>>) src(%arg9 : memref<128x64xf32, #tpu.memory_space<vmem>>) dst(%dma_wait3A_179 : memref<128x64xf32, #tpu.memory_space<hbm>>)
          %add3A_180 = arith.constant 4 : i32
          %add3A_181 = arith.addi %mul3A_84, %add3A_180 : i32
          %add3A_182 = arith.constant 3 : i32
          %add3A_183 = arith.addi %add3A_181, %add3A_182 : i32
          %mul3A_184 = arith.constant 128 : i32
          %mul3A_185 = arith.muli %add3A_183, %mul3A_184 : i32
          %dma_start3A_186 = tpu.memref_slice %arg5[%mul3A_185] : memref<5120xi32, #tpu.memory_space<vmem>> -> memref<128xi32, #tpu.memory_space<vmem>>
          %dma_start3A_187 = arith.constant 0 : i32
          %dma_start3A_188 = arith.constant 0 : i32
          %dma_start3A_189 = tpu.memref_slice %arg2[%dma_start3A_187, %dma_start3A_188] : memref<10000x64xf32, #tpu.memory_space<hbm>> -> memref<10000x64xf32, #tpu.memory_space<hbm>>
          tpu.enqueue_indirect_dma source(%dma_start3A_189 : memref<10000x64xf32, #tpu.memory_space<hbm>>) target(%arg9 : memref<128x64xf32, #tpu.memory_space<vmem>>) offsets(%dma_start3A_186 : memref<128xi32, #tpu.memory_space<vmem>>) semaphore(%arg13 : memref<!tpu.dma_semaphore, #tpu.memory_space<semaphore_mem>>)
        } else {
        }
        %scan3A_168 = arith.constant 0 : i32
        scf.yield %scan3A_168 : i32
      }
      %scan3A_34 = arith.constant 10 : i32
      %add3A = arith.constant 36 : i32
      %add3A_35 = arith.addi %mul3A_7, %add3A : i32
      %add3A_36 = arith.constant 0 : i32
      %add3A_37 = arith.addi %add3A_35, %add3A_36 : i32
      %dma_wait3A = arith.constant 0 : i32
      %dma_wait3A_38 = arith.constant 0 : i32
      %dma_wait3A_39 = tpu.memref_slice %arg4[%add3A_37, %dma_wait3A, %dma_wait3A_38] : memref<1280x128x64xf32, #tpu.memory_space<hbm>> -> memref<1x128x64xf32, #tpu.memory_space<hbm>>
      %dma_wait3A_40 = tpu.memref_squeeze %dma_wait3A_39 : memref<1x128x64xf32, #tpu.memory_space<hbm>> -> memref<128x64xf32, #tpu.memory_space<hbm>>
      %dma_wait3A_41 = arith.constant 0 : i32
      %dma_wait3A_42 = arith.constant 0 : i32
      %dma_wait3A_43 = tpu.memref_slice %arg4[%add3A_37, %dma_wait3A_41, %dma_wait3A_42] : memref<1280x128x64xf32, #tpu.memory_space<hbm>> -> memref<1x128x64xf32, #tpu.memory_space<hbm>>
      %dma_wait3A_44 = tpu.memref_squeeze %dma_wait3A_43 : memref<1x128x64xf32, #tpu.memory_space<hbm>> -> memref<128x64xf32, #tpu.memory_space<hbm>>
      tpu.wait_dma2 semaphore(%arg14 : memref<!tpu.dma_semaphore, #tpu.memory_space<semaphore_mem>>) src(%arg6 : memref<128x64xf32, #tpu.memory_space<vmem>>) dst(%dma_wait3A_44 : memref<128x64xf32, #tpu.memory_space<hbm>>)
      %add3A_45 = arith.constant 36 : i32
      %add3A_46 = arith.addi %mul3A_7, %add3A_45 : i32
      %add3A_47 = arith.constant 1 : i32
      %add3A_48 = arith.addi %add3A_46, %add3A_47 : i32
      %dma_wait3A_49 = arith.constant 0 : i32
      %dma_wait3A_50 = arith.constant 0 : i32
      %dma_wait3A_51 = tpu.memref_slice %arg4[%add3A_48, %dma_wait3A_49, %dma_wait3A_50] : memref<1280x128x64xf32, #tpu.memory_space<hbm>> -> memref<1x128x64xf32, #tpu.memory_space<hbm>>
      %dma_wait3A_52 = tpu.memref_squeeze %dma_wait3A_51 : memref<1x128x64xf32, #tpu.memory_space<hbm>> -> memref<128x64xf32, #tpu.memory_space<hbm>>
      %dma_wait3A_53 = arith.constant 0 : i32
      %dma_wait3A_54 = arith.constant 0 : i32
      %dma_wait3A_55 = tpu.memref_slice %arg4[%add3A_48, %dma_wait3A_53, %dma_wait3A_54] : memref<1280x128x64xf32, #tpu.memory_space<hbm>> -> memref<1x128x64xf32, #tpu.memory_space<hbm>>
      %dma_wait3A_56 = tpu.memref_squeeze %dma_wait3A_55 : memref<1x128x64xf32, #tpu.memory_space<hbm>> -> memref<128x64xf32, #tpu.memory_space<hbm>>
      tpu.wait_dma2 semaphore(%arg15 : memref<!tpu.dma_semaphore, #tpu.memory_space<semaphore_mem>>) src(%arg7 : memref<128x64xf32, #tpu.memory_space<vmem>>) dst(%dma_wait3A_56 : memref<128x64xf32, #tpu.memory_space<hbm>>)
      %add3A_57 = arith.constant 36 : i32
      %add3A_58 = arith.addi %mul3A_7, %add3A_57 : i32
      %add3A_59 = arith.constant 2 : i32
      %add3A_60 = arith.addi %add3A_58, %add3A_59 : i32
      %dma_wait3A_61 = arith.constant 0 : i32
      %dma_wait3A_62 = arith.constant 0 : i32
      %dma_wait3A_63 = tpu.memref_slice %arg4[%add3A_60, %dma_wait3A_61, %dma_wait3A_62] : memref<1280x128x64xf32, #tpu.memory_space<hbm>> -> memref<1x128x64xf32, #tpu.memory_space<hbm>>
      %dma_wait3A_64 = tpu.memref_squeeze %dma_wait3A_63 : memref<1x128x64xf32, #tpu.memory_space<hbm>> -> memref<128x64xf32, #tpu.memory_space<hbm>>
      %dma_wait3A_65 = arith.constant 0 : i32
      %dma_wait3A_66 = arith.constant 0 : i32
      %dma_wait3A_67 = tpu.memref_slice %arg4[%add3A_60, %dma_wait3A_65, %dma_wait3A_66] : memref<1280x128x64xf32, #tpu.memory_space<hbm>> -> memref<1x128x64xf32, #tpu.memory_space<hbm>>
      %dma_wait3A_68 = tpu.memref_squeeze %dma_wait3A_67 : memref<1x128x64xf32, #tpu.memory_space<hbm>> -> memref<128x64xf32, #tpu.memory_space<hbm>>
      tpu.wait_dma2 semaphore(%arg16 : memref<!tpu.dma_semaphore, #tpu.memory_space<semaphore_mem>>) src(%arg8 : memref<128x64xf32, #tpu.memory_space<vmem>>) dst(%dma_wait3A_68 : memref<128x64xf32, #tpu.memory_space<hbm>>)
      %add3A_69 = arith.constant 36 : i32
      %add3A_70 = arith.addi %mul3A_7, %add3A_69 : i32
      %add3A_71 = arith.constant 3 : i32
      %add3A_72 = arith.addi %add3A_70, %add3A_71 : i32
      %dma_wait3A_73 = arith.constant 0 : i32
      %dma_wait3A_74 = arith.constant 0 : i32
      %dma_wait3A_75 = tpu.memref_slice %arg4[%add3A_72, %dma_wait3A_73, %dma_wait3A_74] : memref<1280x128x64xf32, #tpu.memory_space<hbm>> -> memref<1x128x64xf32, #tpu.memory_space<hbm>>
      %dma_wait3A_76 = tpu.memref_squeeze %dma_wait3A_75 : memref<1x128x64xf32, #tpu.memory_space<hbm>> -> memref<128x64xf32, #tpu.memory_space<hbm>>
      %dma_wait3A_77 = arith.constant 0 : i32
      %dma_wait3A_78 = arith.constant 0 : i32
      %dma_wait3A_79 = tpu.memref_slice %arg4[%add3A_72, %dma_wait3A_77, %dma_wait3A_78] : memref<1280x128x64xf32, #tpu.memory_space<hbm>> -> memref<1x128x64xf32, #tpu.memory_space<hbm>>
      %dma_wait3A_80 = tpu.memref_squeeze %dma_wait3A_79 : memref<1x128x64xf32, #tpu.memory_space<hbm>> -> memref<128x64xf32, #tpu.memory_space<hbm>>
      tpu.wait_dma2 semaphore(%arg17 : memref<!tpu.dma_semaphore, #tpu.memory_space<semaphore_mem>>) src(%arg9 : memref<128x64xf32, #tpu.memory_space<vmem>>) dst(%dma_wait3A_80 : memref<128x64xf32, #tpu.memory_space<hbm>>)
    } else {
    }
    %eq3A_2 = arith.constant 1 : i32
    %eq3A_3 = arith.cmpi eq, %arg0, %eq3A_2 : i32
    %convert_element_type3A_4 = arith.extui %eq3A_3 : i1 to i32
    %cond3A_5 = arith.constant 0 : i32
    %cond3A_6 = arith.cmpi ne, %convert_element_type3A_4, %cond3A_5 : i32
    scf.if %cond3A_6 {
      %mul3A = arith.constant 40 : i32
      %mul3A_7 = arith.muli %arg1, %mul3A : i32
      %add3A = arith.constant 640 : i32
      %add3A_8 = arith.addi %add3A, %mul3A_7 : i32
      %mul3A_9 = arith.constant 128 : i32
      %mul3A_10 = arith.muli %add3A_8, %mul3A_9 : i32
      "tpu.region"() ({
        %run_scoped3A = tpu.sem_alloc : memref<!tpu.dma_semaphore, #tpu.memory_space<semaphore_mem>>
        %dma_start3A_83 = arith.constant 0 : i32
        %dma_start3A_84 = tpu.memref_slice %arg5[%dma_start3A_83] : memref<5120xi32, #tpu.memory_space<vmem>> -> memref<5120xi32, #tpu.memory_space<vmem>>
        %dma_start3A_85 = tpu.memref_slice %arg3[%mul3A_10] : memref<163840xi32, #tpu.memory_space<hbm>> -> memref<5120xi32, #tpu.memory_space<hbm>>
        %dma_start3A_86 = arith.constant 0 : i32
        %dma_start3A_87 = tpu.memref_slice %arg5[%dma_start3A_86] : memref<5120xi32, #tpu.memory_space<vmem>> -> memref<5120xi32, #tpu.memory_space<vmem>>
        %dma_start3A_88 = tpu.memref_slice %arg3[%mul3A_10] : memref<163840xi32, #tpu.memory_space<hbm>> -> memref<5120xi32, #tpu.memory_space<hbm>>
        tpu.enqueue_dma source(%dma_start3A_88 : memref<5120xi32, #tpu.memory_space<hbm>>) target(%dma_start3A_87 : memref<5120xi32, #tpu.memory_space<vmem>>) target_semaphore(%run_scoped3A : memref<!tpu.dma_semaphore, #tpu.memory_space<semaphore_mem>>)
        %dma_wait3A_89 = arith.constant 0 : i32
        %dma_wait3A_90 = tpu.memref_slice %arg5[%dma_wait3A_89] : memref<5120xi32, #tpu.memory_space<vmem>> -> memref<5120xi32, #tpu.memory_space<vmem>>
        %dma_wait3A_91 = tpu.memref_slice %arg3[%mul3A_10] : memref<163840xi32, #tpu.memory_space<hbm>> -> memref<5120xi32, #tpu.memory_space<hbm>>
        %dma_wait3A_92 = arith.constant 0 : i32
        %dma_wait3A_93 = tpu.memref_slice %arg5[%dma_wait3A_92] : memref<5120xi32, #tpu.memory_space<vmem>> -> memref<5120xi32, #tpu.memory_space<vmem>>
        %dma_wait3A_94 = tpu.memref_slice %arg3[%mul3A_10] : memref<163840xi32, #tpu.memory_space<hbm>> -> memref<5120xi32, #tpu.memory_space<hbm>>
        tpu.wait_dma2 semaphore(%run_scoped3A : memref<!tpu.dma_semaphore, #tpu.memory_space<semaphore_mem>>) src(%dma_wait3A_94 : memref<5120xi32, #tpu.memory_space<hbm>>) dst(%dma_wait3A_93 : memref<5120xi32, #tpu.memory_space<vmem>>)
        tpu.yield
      }) : () -> ()
      %dma_start3A = arith.constant 0 : i32
      %dma_start3A_11 = tpu.memref_slice %arg5[%dma_start3A] : memref<5120xi32, #tpu.memory_space<vmem>> -> memref<128xi32, #tpu.memory_space<vmem>>
      %dma_start3A_12 = arith.constant 0 : i32
      %dma_start3A_13 = arith.constant 0 : i32
      %dma_start3A_14 = tpu.memref_slice %arg2[%dma_start3A_12, %dma_start3A_13] : memref<10000x64xf32, #tpu.memory_space<hbm>> -> memref<10000x64xf32, #tpu.memory_space<hbm>>
      tpu.enqueue_indirect_dma source(%dma_start3A_14 : memref<10000x64xf32, #tpu.memory_space<hbm>>) target(%arg6 : memref<128x64xf32, #tpu.memory_space<vmem>>) offsets(%dma_start3A_11 : memref<128xi32, #tpu.memory_space<vmem>>) semaphore(%arg10 : memref<!tpu.dma_semaphore, #tpu.memory_space<semaphore_mem>>)
      %dma_start3A_15 = arith.constant 128 : i32
      %dma_start3A_16 = tpu.memref_slice %arg5[%dma_start3A_15] : memref<5120xi32, #tpu.memory_space<vmem>> -> memref<128xi32, #tpu.memory_space<vmem>>
      %dma_start3A_17 = arith.constant 0 : i32
      %dma_start3A_18 = arith.constant 0 : i32
      %dma_start3A_19 = tpu.memref_slice %arg2[%dma_start3A_17, %dma_start3A_18] : memref<10000x64xf32, #tpu.memory_space<hbm>> -> memref<10000x64xf32, #tpu.memory_space<hbm>>
      tpu.enqueue_indirect_dma source(%dma_start3A_19 : memref<10000x64xf32, #tpu.memory_space<hbm>>) target(%arg7 : memref<128x64xf32, #tpu.memory_space<vmem>>) offsets(%dma_start3A_16 : memref<128xi32, #tpu.memory_space<vmem>>) semaphore(%arg11 : memref<!tpu.dma_semaphore, #tpu.memory_space<semaphore_mem>>)
      %dma_start3A_20 = arith.constant 256 : i32
      %dma_start3A_21 = tpu.memref_slice %arg5[%dma_start3A_20] : memref<5120xi32, #tpu.memory_space<vmem>> -> memref<128xi32, #tpu.memory_space<vmem>>
      %dma_start3A_22 = arith.constant 0 : i32
      %dma_start3A_23 = arith.constant 0 : i32
      %dma_start3A_24 = tpu.memref_slice %arg2[%dma_start3A_22, %dma_start3A_23] : memref<10000x64xf32, #tpu.memory_space<hbm>> -> memref<10000x64xf32, #tpu.memory_space<hbm>>
      tpu.enqueue_indirect_dma source(%dma_start3A_24 : memref<10000x64xf32, #tpu.memory_space<hbm>>) target(%arg8 : memref<128x64xf32, #tpu.memory_space<vmem>>) offsets(%dma_start3A_21 : memref<128xi32, #tpu.memory_space<vmem>>) semaphore(%arg12 : memref<!tpu.dma_semaphore, #tpu.memory_space<semaphore_mem>>)
      %dma_start3A_25 = arith.constant 384 : i32
      %dma_start3A_26 = tpu.memref_slice %arg5[%dma_start3A_25] : memref<5120xi32, #tpu.memory_space<vmem>> -> memref<128xi32, #tpu.memory_space<vmem>>
      %dma_start3A_27 = arith.constant 0 : i32
      %dma_start3A_28 = arith.constant 0 : i32
      %dma_start3A_29 = tpu.memref_slice %arg2[%dma_start3A_27, %dma_start3A_28] : memref<10000x64xf32, #tpu.memory_space<hbm>> -> memref<10000x64xf32, #tpu.memory_space<hbm>>
      tpu.enqueue_indirect_dma source(%dma_start3A_29 : memref<10000x64xf32, #tpu.memory_space<hbm>>) target(%arg9 : memref<128x64xf32, #tpu.memory_space<vmem>>) offsets(%dma_start3A_26 : memref<128xi32, #tpu.memory_space<vmem>>) semaphore(%arg13 : memref<!tpu.dma_semaphore, #tpu.memory_space<semaphore_mem>>)
      %scan3A = arith.constant 0 : i32
      %scan3A_30 = arith.constant 0 : i32
      %scan3A_31 = arith.constant 10 : i32
      %scan3A_32 = arith.addi %scan3A_30, %scan3A_31 : i32
      %scan3A_33 = arith.constant 1 : i32
      %scan3A_34 = scf.for %scan3A_83 = %scan3A_30 to %scan3A_32 step %scan3A_33 iter_args(%scan3A_84 = %scan3A) -> (i32)  : i32 {
        %mul3A_85 = arith.constant 4 : i32
        %mul3A_86 = arith.muli %scan3A_83, %mul3A_85 : i32
        %dma_wait3A_87 = arith.constant 0 : i32
        %dma_wait3A_88 = tpu.memref_slice %arg5[%dma_wait3A_87] : memref<5120xi32, #tpu.memory_space<vmem>> -> memref<128xi32, #tpu.memory_space<vmem>>
        %dma_wait3A_89 = arith.constant 0 : i32
        %dma_wait3A_90 = arith.constant 0 : i32
        %dma_wait3A_91 = tpu.memref_slice %arg2[%dma_wait3A_89, %dma_wait3A_90] : memref<10000x64xf32, #tpu.memory_space<hbm>> -> memref<10000x64xf32, #tpu.memory_space<hbm>>
        tpu.wait_indirect_dma semaphore(%arg10 : memref<!tpu.dma_semaphore, #tpu.memory_space<semaphore_mem>>) src(%dma_wait3A_91 : memref<10000x64xf32, #tpu.memory_space<hbm>>) dst(%arg6 : memref<128x64xf32, #tpu.memory_space<vmem>>)
        %add3A_92 = arith.addi %add3A_8, %mul3A_86 : i32
        %add3A_93 = arith.constant 0 : i32
        %add3A_94 = arith.addi %add3A_92, %add3A_93 : i32
        %dma_start3A_95 = arith.constant 0 : i32
        %dma_start3A_96 = arith.constant 0 : i32
        %dma_start3A_97 = tpu.memref_slice %arg4[%add3A_94, %dma_start3A_95, %dma_start3A_96] : memref<1280x128x64xf32, #tpu.memory_space<hbm>> -> memref<1x128x64xf32, #tpu.memory_space<hbm>>
        %dma_start3A_98 = tpu.memref_squeeze %dma_start3A_97 : memref<1x128x64xf32, #tpu.memory_space<hbm>> -> memref<128x64xf32, #tpu.memory_space<hbm>>
        %dma_start3A_99 = arith.constant 0 : i32
        %dma_start3A_100 = arith.constant 0 : i32
        %dma_start3A_101 = tpu.memref_slice %arg4[%add3A_94, %dma_start3A_99, %dma_start3A_100] : memref<1280x128x64xf32, #tpu.memory_space<hbm>> -> memref<1x128x64xf32, #tpu.memory_space<hbm>>
        %dma_start3A_102 = tpu.memref_squeeze %dma_start3A_101 : memref<1x128x64xf32, #tpu.memory_space<hbm>> -> memref<128x64xf32, #tpu.memory_space<hbm>>
        tpu.enqueue_dma source(%arg6 : memref<128x64xf32, #tpu.memory_space<vmem>>) target(%dma_start3A_102 : memref<128x64xf32, #tpu.memory_space<hbm>>) target_semaphore(%arg14 : memref<!tpu.dma_semaphore, #tpu.memory_space<semaphore_mem>>)
        %dma_wait3A_103 = arith.constant 0 : i32
        %dma_wait3A_104 = tpu.memref_slice %arg5[%dma_wait3A_103] : memref<5120xi32, #tpu.memory_space<vmem>> -> memref<128xi32, #tpu.memory_space<vmem>>
        %dma_wait3A_105 = arith.constant 0 : i32
        %dma_wait3A_106 = arith.constant 0 : i32
        %dma_wait3A_107 = tpu.memref_slice %arg2[%dma_wait3A_105, %dma_wait3A_106] : memref<10000x64xf32, #tpu.memory_space<hbm>> -> memref<10000x64xf32, #tpu.memory_space<hbm>>
        tpu.wait_indirect_dma semaphore(%arg11 : memref<!tpu.dma_semaphore, #tpu.memory_space<semaphore_mem>>) src(%dma_wait3A_107 : memref<10000x64xf32, #tpu.memory_space<hbm>>) dst(%arg7 : memref<128x64xf32, #tpu.memory_space<vmem>>)
        %add3A_108 = arith.addi %add3A_8, %mul3A_86 : i32
        %add3A_109 = arith.constant 1 : i32
        %add3A_110 = arith.addi %add3A_108, %add3A_109 : i32
        %dma_start3A_111 = arith.constant 0 : i32
        %dma_start3A_112 = arith.constant 0 : i32
        %dma_start3A_113 = tpu.memref_slice %arg4[%add3A_110, %dma_start3A_111, %dma_start3A_112] : memref<1280x128x64xf32, #tpu.memory_space<hbm>> -> memref<1x128x64xf32, #tpu.memory_space<hbm>>
        %dma_start3A_114 = tpu.memref_squeeze %dma_start3A_113 : memref<1x128x64xf32, #tpu.memory_space<hbm>> -> memref<128x64xf32, #tpu.memory_space<hbm>>
        %dma_start3A_115 = arith.constant 0 : i32
        %dma_start3A_116 = arith.constant 0 : i32
        %dma_start3A_117 = tpu.memref_slice %arg4[%add3A_110, %dma_start3A_115, %dma_start3A_116] : memref<1280x128x64xf32, #tpu.memory_space<hbm>> -> memref<1x128x64xf32, #tpu.memory_space<hbm>>
        %dma_start3A_118 = tpu.memref_squeeze %dma_start3A_117 : memref<1x128x64xf32, #tpu.memory_space<hbm>> -> memref<128x64xf32, #tpu.memory_space<hbm>>
        tpu.enqueue_dma source(%arg7 : memref<128x64xf32, #tpu.memory_space<vmem>>) target(%dma_start3A_118 : memref<128x64xf32, #tpu.memory_space<hbm>>) target_semaphore(%arg15 : memref<!tpu.dma_semaphore, #tpu.memory_space<semaphore_mem>>)
        %dma_wait3A_119 = arith.constant 0 : i32
        %dma_wait3A_120 = tpu.memref_slice %arg5[%dma_wait3A_119] : memref<5120xi32, #tpu.memory_space<vmem>> -> memref<128xi32, #tpu.memory_space<vmem>>
        %dma_wait3A_121 = arith.constant 0 : i32
        %dma_wait3A_122 = arith.constant 0 : i32
        %dma_wait3A_123 = tpu.memref_slice %arg2[%dma_wait3A_121, %dma_wait3A_122] : memref<10000x64xf32, #tpu.memory_space<hbm>> -> memref<10000x64xf32, #tpu.memory_space<hbm>>
        tpu.wait_indirect_dma semaphore(%arg12 : memref<!tpu.dma_semaphore, #tpu.memory_space<semaphore_mem>>) src(%dma_wait3A_123 : memref<10000x64xf32, #tpu.memory_space<hbm>>) dst(%arg8 : memref<128x64xf32, #tpu.memory_space<vmem>>)
        %add3A_124 = arith.addi %add3A_8, %mul3A_86 : i32
        %add3A_125 = arith.constant 2 : i32
        %add3A_126 = arith.addi %add3A_124, %add3A_125 : i32
        %dma_start3A_127 = arith.constant 0 : i32
        %dma_start3A_128 = arith.constant 0 : i32
        %dma_start3A_129 = tpu.memref_slice %arg4[%add3A_126, %dma_start3A_127, %dma_start3A_128] : memref<1280x128x64xf32, #tpu.memory_space<hbm>> -> memref<1x128x64xf32, #tpu.memory_space<hbm>>
        %dma_start3A_130 = tpu.memref_squeeze %dma_start3A_129 : memref<1x128x64xf32, #tpu.memory_space<hbm>> -> memref<128x64xf32, #tpu.memory_space<hbm>>
        %dma_start3A_131 = arith.constant 0 : i32
        %dma_start3A_132 = arith.constant 0 : i32
        %dma_start3A_133 = tpu.memref_slice %arg4[%add3A_126, %dma_start3A_131, %dma_start3A_132] : memref<1280x128x64xf32, #tpu.memory_space<hbm>> -> memref<1x128x64xf32, #tpu.memory_space<hbm>>
        %dma_start3A_134 = tpu.memref_squeeze %dma_start3A_133 : memref<1x128x64xf32, #tpu.memory_space<hbm>> -> memref<128x64xf32, #tpu.memory_space<hbm>>
        tpu.enqueue_dma source(%arg8 : memref<128x64xf32, #tpu.memory_space<vmem>>) target(%dma_start3A_134 : memref<128x64xf32, #tpu.memory_space<hbm>>) target_semaphore(%arg16 : memref<!tpu.dma_semaphore, #tpu.memory_space<semaphore_mem>>)
        %dma_wait3A_135 = arith.constant 0 : i32
        %dma_wait3A_136 = tpu.memref_slice %arg5[%dma_wait3A_135] : memref<5120xi32, #tpu.memory_space<vmem>> -> memref<128xi32, #tpu.memory_space<vmem>>
        %dma_wait3A_137 = arith.constant 0 : i32
        %dma_wait3A_138 = arith.constant 0 : i32
        %dma_wait3A_139 = tpu.memref_slice %arg2[%dma_wait3A_137, %dma_wait3A_138] : memref<10000x64xf32, #tpu.memory_space<hbm>> -> memref<10000x64xf32, #tpu.memory_space<hbm>>
        tpu.wait_indirect_dma semaphore(%arg13 : memref<!tpu.dma_semaphore, #tpu.memory_space<semaphore_mem>>) src(%dma_wait3A_139 : memref<10000x64xf32, #tpu.memory_space<hbm>>) dst(%arg9 : memref<128x64xf32, #tpu.memory_space<vmem>>)
        %add3A_140 = arith.addi %add3A_8, %mul3A_86 : i32
        %add3A_141 = arith.constant 3 : i32
        %add3A_142 = arith.addi %add3A_140, %add3A_141 : i32
        %dma_start3A_143 = arith.constant 0 : i32
        %dma_start3A_144 = arith.constant 0 : i32
        %dma_start3A_145 = tpu.memref_slice %arg4[%add3A_142, %dma_start3A_143, %dma_start3A_144] : memref<1280x128x64xf32, #tpu.memory_space<hbm>> -> memref<1x128x64xf32, #tpu.memory_space<hbm>>
        %dma_start3A_146 = tpu.memref_squeeze %dma_start3A_145 : memref<1x128x64xf32, #tpu.memory_space<hbm>> -> memref<128x64xf32, #tpu.memory_space<hbm>>
        %dma_start3A_147 = arith.constant 0 : i32
        %dma_start3A_148 = arith.constant 0 : i32
        %dma_start3A_149 = tpu.memref_slice %arg4[%add3A_142, %dma_start3A_147, %dma_start3A_148] : memref<1280x128x64xf32, #tpu.memory_space<hbm>> -> memref<1x128x64xf32, #tpu.memory_space<hbm>>
        %dma_start3A_150 = tpu.memref_squeeze %dma_start3A_149 : memref<1x128x64xf32, #tpu.memory_space<hbm>> -> memref<128x64xf32, #tpu.memory_space<hbm>>
        tpu.enqueue_dma source(%arg9 : memref<128x64xf32, #tpu.memory_space<vmem>>) target(%dma_start3A_150 : memref<128x64xf32, #tpu.memory_space<hbm>>) target_semaphore(%arg17 : memref<!tpu.dma_semaphore, #tpu.memory_space<semaphore_mem>>)
        %lt3A = arith.constant 9 : i32
        %lt3A_151 = arith.cmpi slt, %scan3A_83, %lt3A : i32
        %convert_element_type3A_152 = arith.extui %lt3A_151 : i1 to i32
        %cond3A_153 = arith.constant 0 : i32
        %cond3A_154 = arith.cmpi ne, %convert_element_type3A_152, %cond3A_153 : i32
        scf.if %cond3A_154 {
          %add3A_171 = arith.addi %add3A_8, %mul3A_86 : i32
          %add3A_172 = arith.constant 0 : i32
          %add3A_173 = arith.addi %add3A_171, %add3A_172 : i32
          %dma_wait3A_174 = arith.constant 0 : i32
          %dma_wait3A_175 = arith.constant 0 : i32
          %dma_wait3A_176 = tpu.memref_slice %arg4[%add3A_173, %dma_wait3A_174, %dma_wait3A_175] : memref<1280x128x64xf32, #tpu.memory_space<hbm>> -> memref<1x128x64xf32, #tpu.memory_space<hbm>>
          %dma_wait3A_177 = tpu.memref_squeeze %dma_wait3A_176 : memref<1x128x64xf32, #tpu.memory_space<hbm>> -> memref<128x64xf32, #tpu.memory_space<hbm>>
          %dma_wait3A_178 = arith.constant 0 : i32
          %dma_wait3A_179 = arith.constant 0 : i32
          %dma_wait3A_180 = tpu.memref_slice %arg4[%add3A_173, %dma_wait3A_178, %dma_wait3A_179] : memref<1280x128x64xf32, #tpu.memory_space<hbm>> -> memref<1x128x64xf32, #tpu.memory_space<hbm>>
          %dma_wait3A_181 = tpu.memref_squeeze %dma_wait3A_180 : memref<1x128x64xf32, #tpu.memory_space<hbm>> -> memref<128x64xf32, #tpu.memory_space<hbm>>
          tpu.wait_dma2 semaphore(%arg14 : memref<!tpu.dma_semaphore, #tpu.memory_space<semaphore_mem>>) src(%arg6 : memref<128x64xf32, #tpu.memory_space<vmem>>) dst(%dma_wait3A_181 : memref<128x64xf32, #tpu.memory_space<hbm>>)
          %add3A_182 = arith.constant 4 : i32
          %add3A_183 = arith.addi %mul3A_86, %add3A_182 : i32
          %add3A_184 = arith.constant 0 : i32
          %add3A_185 = arith.addi %add3A_183, %add3A_184 : i32
          %mul3A_186 = arith.constant 128 : i32
          %mul3A_187 = arith.muli %add3A_185, %mul3A_186 : i32
          %dma_start3A_188 = tpu.memref_slice %arg5[%mul3A_187] : memref<5120xi32, #tpu.memory_space<vmem>> -> memref<128xi32, #tpu.memory_space<vmem>>
          %dma_start3A_189 = arith.constant 0 : i32
          %dma_start3A_190 = arith.constant 0 : i32
          %dma_start3A_191 = tpu.memref_slice %arg2[%dma_start3A_189, %dma_start3A_190] : memref<10000x64xf32, #tpu.memory_space<hbm>> -> memref<10000x64xf32, #tpu.memory_space<hbm>>
          tpu.enqueue_indirect_dma source(%dma_start3A_191 : memref<10000x64xf32, #tpu.memory_space<hbm>>) target(%arg6 : memref<128x64xf32, #tpu.memory_space<vmem>>) offsets(%dma_start3A_188 : memref<128xi32, #tpu.memory_space<vmem>>) semaphore(%arg10 : memref<!tpu.dma_semaphore, #tpu.memory_space<semaphore_mem>>)
        } else {
        }
        %lt3A_155 = arith.constant 9 : i32
        %lt3A_156 = arith.cmpi slt, %scan3A_83, %lt3A_155 : i32
        %convert_element_type3A_157 = arith.extui %lt3A_156 : i1 to i32
        %cond3A_158 = arith.constant 0 : i32
        %cond3A_159 = arith.cmpi ne, %convert_element_type3A_157, %cond3A_158 : i32
        scf.if %cond3A_159 {
          %add3A_171 = arith.addi %add3A_8, %mul3A_86 : i32
          %add3A_172 = arith.constant 1 : i32
          %add3A_173 = arith.addi %add3A_171, %add3A_172 : i32
          %dma_wait3A_174 = arith.constant 0 : i32
          %dma_wait3A_175 = arith.constant 0 : i32
          %dma_wait3A_176 = tpu.memref_slice %arg4[%add3A_173, %dma_wait3A_174, %dma_wait3A_175] : memref<1280x128x64xf32, #tpu.memory_space<hbm>> -> memref<1x128x64xf32, #tpu.memory_space<hbm>>
          %dma_wait3A_177 = tpu.memref_squeeze %dma_wait3A_176 : memref<1x128x64xf32, #tpu.memory_space<hbm>> -> memref<128x64xf32, #tpu.memory_space<hbm>>
          %dma_wait3A_178 = arith.constant 0 : i32
          %dma_wait3A_179 = arith.constant 0 : i32
          %dma_wait3A_180 = tpu.memref_slice %arg4[%add3A_173, %dma_wait3A_178, %dma_wait3A_179] : memref<1280x128x64xf32, #tpu.memory_space<hbm>> -> memref<1x128x64xf32, #tpu.memory_space<hbm>>
          %dma_wait3A_181 = tpu.memref_squeeze %dma_wait3A_180 : memref<1x128x64xf32, #tpu.memory_space<hbm>> -> memref<128x64xf32, #tpu.memory_space<hbm>>
          tpu.wait_dma2 semaphore(%arg15 : memref<!tpu.dma_semaphore, #tpu.memory_space<semaphore_mem>>) src(%arg7 : memref<128x64xf32, #tpu.memory_space<vmem>>) dst(%dma_wait3A_181 : memref<128x64xf32, #tpu.memory_space<hbm>>)
          %add3A_182 = arith.constant 4 : i32
          %add3A_183 = arith.addi %mul3A_86, %add3A_182 : i32
          %add3A_184 = arith.constant 1 : i32
          %add3A_185 = arith.addi %add3A_183, %add3A_184 : i32
          %mul3A_186 = arith.constant 128 : i32
          %mul3A_187 = arith.muli %add3A_185, %mul3A_186 : i32
          %dma_start3A_188 = tpu.memref_slice %arg5[%mul3A_187] : memref<5120xi32, #tpu.memory_space<vmem>> -> memref<128xi32, #tpu.memory_space<vmem>>
          %dma_start3A_189 = arith.constant 0 : i32
          %dma_start3A_190 = arith.constant 0 : i32
          %dma_start3A_191 = tpu.memref_slice %arg2[%dma_start3A_189, %dma_start3A_190] : memref<10000x64xf32, #tpu.memory_space<hbm>> -> memref<10000x64xf32, #tpu.memory_space<hbm>>
          tpu.enqueue_indirect_dma source(%dma_start3A_191 : memref<10000x64xf32, #tpu.memory_space<hbm>>) target(%arg7 : memref<128x64xf32, #tpu.memory_space<vmem>>) offsets(%dma_start3A_188 : memref<128xi32, #tpu.memory_space<vmem>>) semaphore(%arg11 : memref<!tpu.dma_semaphore, #tpu.memory_space<semaphore_mem>>)
        } else {
        }
        %lt3A_160 = arith.constant 9 : i32
        %lt3A_161 = arith.cmpi slt, %scan3A_83, %lt3A_160 : i32
        %convert_element_type3A_162 = arith.extui %lt3A_161 : i1 to i32
        %cond3A_163 = arith.constant 0 : i32
        %cond3A_164 = arith.cmpi ne, %convert_element_type3A_162, %cond3A_163 : i32
        scf.if %cond3A_164 {
          %add3A_171 = arith.addi %add3A_8, %mul3A_86 : i32
          %add3A_172 = arith.constant 2 : i32
          %add3A_173 = arith.addi %add3A_171, %add3A_172 : i32
          %dma_wait3A_174 = arith.constant 0 : i32
          %dma_wait3A_175 = arith.constant 0 : i32
          %dma_wait3A_176 = tpu.memref_slice %arg4[%add3A_173, %dma_wait3A_174, %dma_wait3A_175] : memref<1280x128x64xf32, #tpu.memory_space<hbm>> -> memref<1x128x64xf32, #tpu.memory_space<hbm>>
          %dma_wait3A_177 = tpu.memref_squeeze %dma_wait3A_176 : memref<1x128x64xf32, #tpu.memory_space<hbm>> -> memref<128x64xf32, #tpu.memory_space<hbm>>
          %dma_wait3A_178 = arith.constant 0 : i32
          %dma_wait3A_179 = arith.constant 0 : i32
          %dma_wait3A_180 = tpu.memref_slice %arg4[%add3A_173, %dma_wait3A_178, %dma_wait3A_179] : memref<1280x128x64xf32, #tpu.memory_space<hbm>> -> memref<1x128x64xf32, #tpu.memory_space<hbm>>
          %dma_wait3A_181 = tpu.memref_squeeze %dma_wait3A_180 : memref<1x128x64xf32, #tpu.memory_space<hbm>> -> memref<128x64xf32, #tpu.memory_space<hbm>>
          tpu.wait_dma2 semaphore(%arg16 : memref<!tpu.dma_semaphore, #tpu.memory_space<semaphore_mem>>) src(%arg8 : memref<128x64xf32, #tpu.memory_space<vmem>>) dst(%dma_wait3A_181 : memref<128x64xf32, #tpu.memory_space<hbm>>)
          %add3A_182 = arith.constant 4 : i32
          %add3A_183 = arith.addi %mul3A_86, %add3A_182 : i32
          %add3A_184 = arith.constant 2 : i32
          %add3A_185 = arith.addi %add3A_183, %add3A_184 : i32
          %mul3A_186 = arith.constant 128 : i32
          %mul3A_187 = arith.muli %add3A_185, %mul3A_186 : i32
          %dma_start3A_188 = tpu.memref_slice %arg5[%mul3A_187] : memref<5120xi32, #tpu.memory_space<vmem>> -> memref<128xi32, #tpu.memory_space<vmem>>
          %dma_start3A_189 = arith.constant 0 : i32
          %dma_start3A_190 = arith.constant 0 : i32
          %dma_start3A_191 = tpu.memref_slice %arg2[%dma_start3A_189, %dma_start3A_190] : memref<10000x64xf32, #tpu.memory_space<hbm>> -> memref<10000x64xf32, #tpu.memory_space<hbm>>
          tpu.enqueue_indirect_dma source(%dma_start3A_191 : memref<10000x64xf32, #tpu.memory_space<hbm>>) target(%arg8 : memref<128x64xf32, #tpu.memory_space<vmem>>) offsets(%dma_start3A_188 : memref<128xi32, #tpu.memory_space<vmem>>) semaphore(%arg12 : memref<!tpu.dma_semaphore, #tpu.memory_space<semaphore_mem>>)
        } else {
        }
        %lt3A_165 = arith.constant 9 : i32
        %lt3A_166 = arith.cmpi slt, %scan3A_83, %lt3A_165 : i32
        %convert_element_type3A_167 = arith.extui %lt3A_166 : i1 to i32
        %cond3A_168 = arith.constant 0 : i32
        %cond3A_169 = arith.cmpi ne, %convert_element_type3A_167, %cond3A_168 : i32
        scf.if %cond3A_169 {
          %add3A_171 = arith.addi %add3A_8, %mul3A_86 : i32
          %add3A_172 = arith.constant 3 : i32
          %add3A_173 = arith.addi %add3A_171, %add3A_172 : i32
          %dma_wait3A_174 = arith.constant 0 : i32
          %dma_wait3A_175 = arith.constant 0 : i32
          %dma_wait3A_176 = tpu.memref_slice %arg4[%add3A_173, %dma_wait3A_174, %dma_wait3A_175] : memref<1280x128x64xf32, #tpu.memory_space<hbm>> -> memref<1x128x64xf32, #tpu.memory_space<hbm>>
          %dma_wait3A_177 = tpu.memref_squeeze %dma_wait3A_176 : memref<1x128x64xf32, #tpu.memory_space<hbm>> -> memref<128x64xf32, #tpu.memory_space<hbm>>
          %dma_wait3A_178 = arith.constant 0 : i32
          %dma_wait3A_179 = arith.constant 0 : i32
          %dma_wait3A_180 = tpu.memref_slice %arg4[%add3A_173, %dma_wait3A_178, %dma_wait3A_179] : memref<1280x128x64xf32, #tpu.memory_space<hbm>> -> memref<1x128x64xf32, #tpu.memory_space<hbm>>
          %dma_wait3A_181 = tpu.memref_squeeze %dma_wait3A_180 : memref<1x128x64xf32, #tpu.memory_space<hbm>> -> memref<128x64xf32, #tpu.memory_space<hbm>>
          tpu.wait_dma2 semaphore(%arg17 : memref<!tpu.dma_semaphore, #tpu.memory_space<semaphore_mem>>) src(%arg9 : memref<128x64xf32, #tpu.memory_space<vmem>>) dst(%dma_wait3A_181 : memref<128x64xf32, #tpu.memory_space<hbm>>)
          %add3A_182 = arith.constant 4 : i32
          %add3A_183 = arith.addi %mul3A_86, %add3A_182 : i32
          %add3A_184 = arith.constant 3 : i32
          %add3A_185 = arith.addi %add3A_183, %add3A_184 : i32
          %mul3A_186 = arith.constant 128 : i32
          %mul3A_187 = arith.muli %add3A_185, %mul3A_186 : i32
          %dma_start3A_188 = tpu.memref_slice %arg5[%mul3A_187] : memref<5120xi32, #tpu.memory_space<vmem>> -> memref<128xi32, #tpu.memory_space<vmem>>
          %dma_start3A_189 = arith.constant 0 : i32
          %dma_start3A_190 = arith.constant 0 : i32
          %dma_start3A_191 = tpu.memref_slice %arg2[%dma_start3A_189, %dma_start3A_190] : memref<10000x64xf32, #tpu.memory_space<hbm>> -> memref<10000x64xf32, #tpu.memory_space<hbm>>
          tpu.enqueue_indirect_dma source(%dma_start3A_191 : memref<10000x64xf32, #tpu.memory_space<hbm>>) target(%arg9 : memref<128x64xf32, #tpu.memory_space<vmem>>) offsets(%dma_start3A_188 : memref<128xi32, #tpu.memory_space<vmem>>) semaphore(%arg13 : memref<!tpu.dma_semaphore, #tpu.memory_space<semaphore_mem>>)
        } else {
        }
        %scan3A_170 = arith.constant 0 : i32
        scf.yield %scan3A_170 : i32
      }
      %scan3A_35 = arith.constant 10 : i32
      %add3A_36 = arith.constant 36 : i32
      %add3A_37 = arith.addi %add3A_8, %add3A_36 : i32
      %add3A_38 = arith.constant 0 : i32
      %add3A_39 = arith.addi %add3A_37, %add3A_38 : i32
      %dma_wait3A = arith.constant 0 : i32
      %dma_wait3A_40 = arith.constant 0 : i32
      %dma_wait3A_41 = tpu.memref_slice %arg4[%add3A_39, %dma_wait3A, %dma_wait3A_40] : memref<1280x128x64xf32, #tpu.memory_space<hbm>> -> memref<1x128x64xf32, #tpu.memory_space<hbm>>
      %dma_wait3A_42 = tpu.memref_squeeze %dma_wait3A_41 : memref<1x128x64xf32, #tpu.memory_space<hbm>> -> memref<128x64xf32, #tpu.memory_space<hbm>>
      %dma_wait3A_43 = arith.constant 0 : i32
      %dma_wait3A_44 = arith.constant 0 : i32
      %dma_wait3A_45 = tpu.memref_slice %arg4[%add3A_39, %dma_wait3A_43, %dma_wait3A_44] : memref<1280x128x64xf32, #tpu.memory_space<hbm>> -> memref<1x128x64xf32, #tpu.memory_space<hbm>>
      %dma_wait3A_46 = tpu.memref_squeeze %dma_wait3A_45 : memref<1x128x64xf32, #tpu.memory_space<hbm>> -> memref<128x64xf32, #tpu.memory_space<hbm>>
      tpu.wait_dma2 semaphore(%arg14 : memref<!tpu.dma_semaphore, #tpu.memory_space<semaphore_mem>>) src(%arg6 : memref<128x64xf32, #tpu.memory_space<vmem>>) dst(%dma_wait3A_46 : memref<128x64xf32, #tpu.memory_space<hbm>>)
      %add3A_47 = arith.constant 36 : i32
      %add3A_48 = arith.addi %add3A_8, %add3A_47 : i32
      %add3A_49 = arith.constant 1 : i32
      %add3A_50 = arith.addi %add3A_48, %add3A_49 : i32
      %dma_wait3A_51 = arith.constant 0 : i32
      %dma_wait3A_52 = arith.constant 0 : i32
      %dma_wait3A_53 = tpu.memref_slice %arg4[%add3A_50, %dma_wait3A_51, %dma_wait3A_52] : memref<1280x128x64xf32, #tpu.memory_space<hbm>> -> memref<1x128x64xf32, #tpu.memory_space<hbm>>
      %dma_wait3A_54 = tpu.memref_squeeze %dma_wait3A_53 : memref<1x128x64xf32, #tpu.memory_space<hbm>> -> memref<128x64xf32, #tpu.memory_space<hbm>>
      %dma_wait3A_55 = arith.constant 0 : i32
      %dma_wait3A_56 = arith.constant 0 : i32
      %dma_wait3A_57 = tpu.memref_slice %arg4[%add3A_50, %dma_wait3A_55, %dma_wait3A_56] : memref<1280x128x64xf32, #tpu.memory_space<hbm>> -> memref<1x128x64xf32, #tpu.memory_space<hbm>>
      %dma_wait3A_58 = tpu.memref_squeeze %dma_wait3A_57 : memref<1x128x64xf32, #tpu.memory_space<hbm>> -> memref<128x64xf32, #tpu.memory_space<hbm>>
      tpu.wait_dma2 semaphore(%arg15 : memref<!tpu.dma_semaphore, #tpu.memory_space<semaphore_mem>>) src(%arg7 : memref<128x64xf32, #tpu.memory_space<vmem>>) dst(%dma_wait3A_58 : memref<128x64xf32, #tpu.memory_space<hbm>>)
      %add3A_59 = arith.constant 36 : i32
      %add3A_60 = arith.addi %add3A_8, %add3A_59 : i32
      %add3A_61 = arith.constant 2 : i32
      %add3A_62 = arith.addi %add3A_60, %add3A_61 : i32
      %dma_wait3A_63 = arith.constant 0 : i32
      %dma_wait3A_64 = arith.constant 0 : i32
      %dma_wait3A_65 = tpu.memref_slice %arg4[%add3A_62, %dma_wait3A_63, %dma_wait3A_64] : memref<1280x128x64xf32, #tpu.memory_space<hbm>> -> memref<1x128x64xf32, #tpu.memory_space<hbm>>
      %dma_wait3A_66 = tpu.memref_squeeze %dma_wait3A_65 : memref<1x128x64xf32, #tpu.memory_space<hbm>> -> memref<128x64xf32, #tpu.memory_space<hbm>>
      %dma_wait3A_67 = arith.constant 0 : i32
      %dma_wait3A_68 = arith.constant 0 : i32
      %dma_wait3A_69 = tpu.memref_slice %arg4[%add3A_62, %dma_wait3A_67, %dma_wait3A_68] : memref<1280x128x64xf32, #tpu.memory_space<hbm>> -> memref<1x128x64xf32, #tpu.memory_space<hbm>>
      %dma_wait3A_70 = tpu.memref_squeeze %dma_wait3A_69 : memref<1x128x64xf32, #tpu.memory_space<hbm>> -> memref<128x64xf32, #tpu.memory_space<hbm>>
      tpu.wait_dma2 semaphore(%arg16 : memref<!tpu.dma_semaphore, #tpu.memory_space<semaphore_mem>>) src(%arg8 : memref<128x64xf32, #tpu.memory_space<vmem>>) dst(%dma_wait3A_70 : memref<128x64xf32, #tpu.memory_space<hbm>>)
      %add3A_71 = arith.constant 36 : i32
      %add3A_72 = arith.addi %add3A_8, %add3A_71 : i32
      %add3A_73 = arith.constant 3 : i32
      %add3A_74 = arith.addi %add3A_72, %add3A_73 : i32
      %dma_wait3A_75 = arith.constant 0 : i32
      %dma_wait3A_76 = arith.constant 0 : i32
      %dma_wait3A_77 = tpu.memref_slice %arg4[%add3A_74, %dma_wait3A_75, %dma_wait3A_76] : memref<1280x128x64xf32, #tpu.memory_space<hbm>> -> memref<1x128x64xf32, #tpu.memory_space<hbm>>
      %dma_wait3A_78 = tpu.memref_squeeze %dma_wait3A_77 : memref<1x128x64xf32, #tpu.memory_space<hbm>> -> memref<128x64xf32, #tpu.memory_space<hbm>>
      %dma_wait3A_79 = arith.constant 0 : i32
      %dma_wait3A_80 = arith.constant 0 : i32
      %dma_wait3A_81 = tpu.memref_slice %arg4[%add3A_74, %dma_wait3A_79, %dma_wait3A_80] : memref<1280x128x64xf32, #tpu.memory_space<hbm>> -> memref<1x128x64xf32, #tpu.memory_space<hbm>>
      %dma_wait3A_82 = tpu.memref_squeeze %dma_wait3A_81 : memref<1x128x64xf32, #tpu.memory_space<hbm>> -> memref<128x64xf32, #tpu.memory_space<hbm>>
      tpu.wait_dma2 semaphore(%arg17 : memref<!tpu.dma_semaphore, #tpu.memory_space<semaphore_mem>>) src(%arg9 : memref<128x64xf32, #tpu.memory_space<vmem>>) dst(%dma_wait3A_82 : memref<128x64xf32, #tpu.memory_space<hbm>>)
    } else {
    }
    return
  }
}

#map = affine_map<(d0, d1) -> (0, 0)>
#map1 = affine_map<(d0, d1) -> (0)>
#map2 = affine_map<(d0, d1) -> (0, 0, 0)>
module attributes {stable_mosaic.version = 14 : i64} {
  func.func @k(%arg0: i32, %arg1: i32, %arg2: memref<10000x64xf32, #tpu.memory_space<hbm>>, %arg3: memref<163840xi32, #tpu.memory_space<hbm>>, %arg4: memref<1280x128x64xf32, #tpu.memory_space<hbm>>, %arg5: memref<5120xi32, #tpu.memory_space<vmem>>, %arg6: memref<128x64xf32, #tpu.memory_space<vmem>>, %arg7: memref<128x64xf32, #tpu.memory_space<vmem>>, %arg8: memref<128x64xf32, #tpu.memory_space<vmem>>, %arg9: memref<128x64xf32, #tpu.memory_space<vmem>>, %arg10: memref<!tpu.dma_semaphore, #tpu.memory_space<semaphore_mem>>, %arg11: memref<!tpu.dma_semaphore, #tpu.memory_space<semaphore_mem>>, %arg12: memref<!tpu.dma_semaphore, #tpu.memory_space<semaphore_mem>>, %arg13: memref<!tpu.dma_semaphore, #tpu.memory_space<semaphore_mem>>, %arg14: memref<!tpu.dma_semaphore, #tpu.memory_space<semaphore_mem>>, %arg15: memref<!tpu.dma_semaphore, #tpu.memory_space<semaphore_mem>>, %arg16: memref<!tpu.dma_semaphore, #tpu.memory_space<semaphore_mem>>, %arg17: memref<!tpu.dma_semaphore, #tpu.memory_space<semaphore_mem>>) attributes {dimension_semantics = [#tpu.dimension_semantics<core_parallel>, #tpu.dimension_semantics<subcore_parallel>], iteration_bounds = array<i64: 2, 16>, scalar_prefetch = 0 : i64, scratch_operands = 13 : i64, tpu.core_type = #tpu.core_type<sc_vector_subcore>, window_params = [{transform_indices = #map}, {transform_indices = #map1}, {transform_indices = #map2}]} {
    %eq3A = arith.constant 0 : i32
    %eq3A_0 = arith.cmpi eq, %arg0, %eq3A : i32
    %convert_element_type3A = arith.extui %eq3A_0 : i1 to i32
    %cond3A = arith.constant 0 : i32
    %cond3A_1 = arith.cmpi ne, %convert_element_type3A, %cond3A : i32
    scf.if %cond3A_1 {
      %mul3A = arith.constant 40 : i32
      %mul3A_7 = arith.muli %arg1, %mul3A : i32
      %mul3A_8 = arith.constant 128 : i32
      %mul3A_9 = arith.muli %mul3A_7, %mul3A_8 : i32
      "tpu.region"() ({
        %run_scoped3A = tpu.sem_alloc : memref<!tpu.dma_semaphore, #tpu.memory_space<semaphore_mem>>
        %dma_start3A_81 = arith.constant 0 : i32
        %dma_start3A_82 = tpu.memref_slice %arg5[%dma_start3A_81] : memref<5120xi32, #tpu.memory_space<vmem>> -> memref<5120xi32, #tpu.memory_space<vmem>>
        %dma_start3A_83 = tpu.memref_slice %arg3[%mul3A_9] : memref<163840xi32, #tpu.memory_space<hbm>> -> memref<5120xi32, #tpu.memory_space<hbm>>
        %dma_start3A_84 = arith.constant 0 : i32
        %dma_start3A_85 = tpu.memref_slice %arg5[%dma_start3A_84] : memref<5120xi32, #tpu.memory_space<vmem>> -> memref<5120xi32, #tpu.memory_space<vmem>>
        %dma_start3A_86 = tpu.memref_slice %arg3[%mul3A_9] : memref<163840xi32, #tpu.memory_space<hbm>> -> memref<5120xi32, #tpu.memory_space<hbm>>
        tpu.enqueue_dma source(%dma_start3A_86 : memref<5120xi32, #tpu.memory_space<hbm>>) target(%dma_start3A_85 : memref<5120xi32, #tpu.memory_space<vmem>>) target_semaphore(%run_scoped3A : memref<!tpu.dma_semaphore, #tpu.memory_space<semaphore_mem>>)
        %dma_wait3A_87 = arith.constant 0 : i32
        %dma_wait3A_88 = tpu.memref_slice %arg5[%dma_wait3A_87] : memref<5120xi32, #tpu.memory_space<vmem>> -> memref<5120xi32, #tpu.memory_space<vmem>>
        %dma_wait3A_89 = tpu.memref_slice %arg3[%mul3A_9] : memref<163840xi32, #tpu.memory_space<hbm>> -> memref<5120xi32, #tpu.memory_space<hbm>>
        %dma_wait3A_90 = arith.constant 0 : i32
        %dma_wait3A_91 = tpu.memref_slice %arg5[%dma_wait3A_90] : memref<5120xi32, #tpu.memory_space<vmem>> -> memref<5120xi32, #tpu.memory_space<vmem>>
        %dma_wait3A_92 = tpu.memref_slice %arg3[%mul3A_9] : memref<163840xi32, #tpu.memory_space<hbm>> -> memref<5120xi32, #tpu.memory_space<hbm>>
        tpu.wait_dma2 semaphore(%run_scoped3A : memref<!tpu.dma_semaphore, #tpu.memory_space<semaphore_mem>>) src(%dma_wait3A_92 : memref<5120xi32, #tpu.memory_space<hbm>>) dst(%dma_wait3A_91 : memref<5120xi32, #tpu.memory_space<vmem>>)
        tpu.yield
      }) : () -> ()
      %dma_start3A = arith.constant 0 : i32
      %dma_start3A_10 = tpu.memref_slice %arg5[%dma_start3A] : memref<5120xi32, #tpu.memory_space<vmem>> -> memref<128xi32, #tpu.memory_space<vmem>>
      %dma_start3A_11 = arith.constant 0 : i32
      %dma_start3A_12 = arith.constant 0 : i32
      %dma_start3A_13 = tpu.memref_slice %arg2[%dma_start3A_11, %dma_start3A_12] : memref<10000x64xf32, #tpu.memory_space<hbm>> -> memref<10000x64xf32, #tpu.memory_space<hbm>>
      tpu.enqueue_indirect_dma source(%dma_start3A_13 : memref<10000x64xf32, #tpu.memory_space<hbm>>) target(%arg6 : memref<128x64xf32, #tpu.memory_space<vmem>>) offsets(%dma_start3A_10 : memref<128xi32, #tpu.memory_space<vmem>>) semaphore(%arg10 : memref<!tpu.dma_semaphore, #tpu.memory_space<semaphore_mem>>)
      %dma_start3A_14 = arith.constant 128 : i32
      %dma_start3A_15 = tpu.memref_slice %arg5[%dma_start3A_14] : memref<5120xi32, #tpu.memory_space<vmem>> -> memref<128xi32, #tpu.memory_space<vmem>>
      %dma_start3A_16 = arith.constant 0 : i32
      %dma_start3A_17 = arith.constant 0 : i32
      %dma_start3A_18 = tpu.memref_slice %arg2[%dma_start3A_16, %dma_start3A_17] : memref<10000x64xf32, #tpu.memory_space<hbm>> -> memref<10000x64xf32, #tpu.memory_space<hbm>>
      tpu.enqueue_indirect_dma source(%dma_start3A_18 : memref<10000x64xf32, #tpu.memory_space<hbm>>) target(%arg7 : memref<128x64xf32, #tpu.memory_space<vmem>>) offsets(%dma_start3A_15 : memref<128xi32, #tpu.memory_space<vmem>>) semaphore(%arg11 : memref<!tpu.dma_semaphore, #tpu.memory_space<semaphore_mem>>)
      %dma_start3A_19 = arith.constant 256 : i32
      %dma_start3A_20 = tpu.memref_slice %arg5[%dma_start3A_19] : memref<5120xi32, #tpu.memory_space<vmem>> -> memref<128xi32, #tpu.memory_space<vmem>>
      %dma_start3A_21 = arith.constant 0 : i32
      %dma_start3A_22 = arith.constant 0 : i32
      %dma_start3A_23 = tpu.memref_slice %arg2[%dma_start3A_21, %dma_start3A_22] : memref<10000x64xf32, #tpu.memory_space<hbm>> -> memref<10000x64xf32, #tpu.memory_space<hbm>>
      tpu.enqueue_indirect_dma source(%dma_start3A_23 : memref<10000x64xf32, #tpu.memory_space<hbm>>) target(%arg8 : memref<128x64xf32, #tpu.memory_space<vmem>>) offsets(%dma_start3A_20 : memref<128xi32, #tpu.memory_space<vmem>>) semaphore(%arg12 : memref<!tpu.dma_semaphore, #tpu.memory_space<semaphore_mem>>)
      %dma_start3A_24 = arith.constant 384 : i32
      %dma_start3A_25 = tpu.memref_slice %arg5[%dma_start3A_24] : memref<5120xi32, #tpu.memory_space<vmem>> -> memref<128xi32, #tpu.memory_space<vmem>>
      %dma_start3A_26 = arith.constant 0 : i32
      %dma_start3A_27 = arith.constant 0 : i32
      %dma_start3A_28 = tpu.memref_slice %arg2[%dma_start3A_26, %dma_start3A_27] : memref<10000x64xf32, #tpu.memory_space<hbm>> -> memref<10000x64xf32, #tpu.memory_space<hbm>>
      tpu.enqueue_indirect_dma source(%dma_start3A_28 : memref<10000x64xf32, #tpu.memory_space<hbm>>) target(%arg9 : memref<128x64xf32, #tpu.memory_space<vmem>>) offsets(%dma_start3A_25 : memref<128xi32, #tpu.memory_space<vmem>>) semaphore(%arg13 : memref<!tpu.dma_semaphore, #tpu.memory_space<semaphore_mem>>)
      %scan3A = arith.constant 0 : i32
      %scan3A_29 = arith.constant 0 : i32
      %scan3A_30 = arith.constant 10 : i32
      %scan3A_31 = arith.addi %scan3A_29, %scan3A_30 : i32
      %scan3A_32 = arith.constant 1 : i32
      %scan3A_33 = scf.for %scan3A_81 = %scan3A_29 to %scan3A_31 step %scan3A_32 iter_args(%scan3A_82 = %scan3A) -> (i32)  : i32 {
        %mul3A_83 = arith.constant 4 : i32
        %mul3A_84 = arith.muli %scan3A_81, %mul3A_83 : i32
        %dma_wait3A_85 = arith.constant 0 : i32
        %dma_wait3A_86 = tpu.memref_slice %arg5[%dma_wait3A_85] : memref<5120xi32, #tpu.memory_space<vmem>> -> memref<128xi32, #tpu.memory_space<vmem>>
        %dma_wait3A_87 = arith.constant 0 : i32
        %dma_wait3A_88 = arith.constant 0 : i32
        %dma_wait3A_89 = tpu.memref_slice %arg2[%dma_wait3A_87, %dma_wait3A_88] : memref<10000x64xf32, #tpu.memory_space<hbm>> -> memref<10000x64xf32, #tpu.memory_space<hbm>>
        tpu.wait_indirect_dma semaphore(%arg10 : memref<!tpu.dma_semaphore, #tpu.memory_space<semaphore_mem>>) src(%dma_wait3A_89 : memref<10000x64xf32, #tpu.memory_space<hbm>>) dst(%arg6 : memref<128x64xf32, #tpu.memory_space<vmem>>)
        %add3A_90 = arith.addi %mul3A_7, %mul3A_84 : i32
        %add3A_91 = arith.constant 0 : i32
        %add3A_92 = arith.addi %add3A_90, %add3A_91 : i32
        %dma_start3A_93 = arith.constant 0 : i32
        %dma_start3A_94 = arith.constant 0 : i32
        %dma_start3A_95 = tpu.memref_slice %arg4[%add3A_92, %dma_start3A_93, %dma_start3A_94] : memref<1280x128x64xf32, #tpu.memory_space<hbm>> -> memref<1x128x64xf32, #tpu.memory_space<hbm>>
        %dma_start3A_96 = tpu.memref_squeeze %dma_start3A_95 : memref<1x128x64xf32, #tpu.memory_space<hbm>> -> memref<128x64xf32, #tpu.memory_space<hbm>>
        %dma_start3A_97 = arith.constant 0 : i32
        %dma_start3A_98 = arith.constant 0 : i32
        %dma_start3A_99 = tpu.memref_slice %arg4[%add3A_92, %dma_start3A_97, %dma_start3A_98] : memref<1280x128x64xf32, #tpu.memory_space<hbm>> -> memref<1x128x64xf32, #tpu.memory_space<hbm>>
        %dma_start3A_100 = tpu.memref_squeeze %dma_start3A_99 : memref<1x128x64xf32, #tpu.memory_space<hbm>> -> memref<128x64xf32, #tpu.memory_space<hbm>>
        tpu.enqueue_dma source(%arg6 : memref<128x64xf32, #tpu.memory_space<vmem>>) target(%dma_start3A_100 : memref<128x64xf32, #tpu.memory_space<hbm>>) target_semaphore(%arg14 : memref<!tpu.dma_semaphore, #tpu.memory_space<semaphore_mem>>)
        %dma_wait3A_101 = arith.constant 0 : i32
        %dma_wait3A_102 = tpu.memref_slice %arg5[%dma_wait3A_101] : memref<5120xi32, #tpu.memory_space<vmem>> -> memref<128xi32, #tpu.memory_space<vmem>>
        %dma_wait3A_103 = arith.constant 0 : i32
        %dma_wait3A_104 = arith.constant 0 : i32
        %dma_wait3A_105 = tpu.memref_slice %arg2[%dma_wait3A_103, %dma_wait3A_104] : memref<10000x64xf32, #tpu.memory_space<hbm>> -> memref<10000x64xf32, #tpu.memory_space<hbm>>
        tpu.wait_indirect_dma semaphore(%arg11 : memref<!tpu.dma_semaphore, #tpu.memory_space<semaphore_mem>>) src(%dma_wait3A_105 : memref<10000x64xf32, #tpu.memory_space<hbm>>) dst(%arg7 : memref<128x64xf32, #tpu.memory_space<vmem>>)
        %add3A_106 = arith.addi %mul3A_7, %mul3A_84 : i32
        %add3A_107 = arith.constant 1 : i32
        %add3A_108 = arith.addi %add3A_106, %add3A_107 : i32
        %dma_start3A_109 = arith.constant 0 : i32
        %dma_start3A_110 = arith.constant 0 : i32
        %dma_start3A_111 = tpu.memref_slice %arg4[%add3A_108, %dma_start3A_109, %dma_start3A_110] : memref<1280x128x64xf32, #tpu.memory_space<hbm>> -> memref<1x128x64xf32, #tpu.memory_space<hbm>>
        %dma_start3A_112 = tpu.memref_squeeze %dma_start3A_111 : memref<1x128x64xf32, #tpu.memory_space<hbm>> -> memref<128x64xf32, #tpu.memory_space<hbm>>
        %dma_start3A_113 = arith.constant 0 : i32
        %dma_start3A_114 = arith.constant 0 : i32
        %dma_start3A_115 = tpu.memref_slice %arg4[%add3A_108, %dma_start3A_113, %dma_start3A_114] : memref<1280x128x64xf32, #tpu.memory_space<hbm>> -> memref<1x128x64xf32, #tpu.memory_space<hbm>>
        %dma_start3A_116 = tpu.memref_squeeze %dma_start3A_115 : memref<1x128x64xf32, #tpu.memory_space<hbm>> -> memref<128x64xf32, #tpu.memory_space<hbm>>
        tpu.enqueue_dma source(%arg7 : memref<128x64xf32, #tpu.memory_space<vmem>>) target(%dma_start3A_116 : memref<128x64xf32, #tpu.memory_space<hbm>>) target_semaphore(%arg15 : memref<!tpu.dma_semaphore, #tpu.memory_space<semaphore_mem>>)
        %dma_wait3A_117 = arith.constant 0 : i32
        %dma_wait3A_118 = tpu.memref_slice %arg5[%dma_wait3A_117] : memref<5120xi32, #tpu.memory_space<vmem>> -> memref<128xi32, #tpu.memory_space<vmem>>
        %dma_wait3A_119 = arith.constant 0 : i32
        %dma_wait3A_120 = arith.constant 0 : i32
        %dma_wait3A_121 = tpu.memref_slice %arg2[%dma_wait3A_119, %dma_wait3A_120] : memref<10000x64xf32, #tpu.memory_space<hbm>> -> memref<10000x64xf32, #tpu.memory_space<hbm>>
        tpu.wait_indirect_dma semaphore(%arg12 : memref<!tpu.dma_semaphore, #tpu.memory_space<semaphore_mem>>) src(%dma_wait3A_121 : memref<10000x64xf32, #tpu.memory_space<hbm>>) dst(%arg8 : memref<128x64xf32, #tpu.memory_space<vmem>>)
        %add3A_122 = arith.addi %mul3A_7, %mul3A_84 : i32
        %add3A_123 = arith.constant 2 : i32
        %add3A_124 = arith.addi %add3A_122, %add3A_123 : i32
        %dma_start3A_125 = arith.constant 0 : i32
        %dma_start3A_126 = arith.constant 0 : i32
        %dma_start3A_127 = tpu.memref_slice %arg4[%add3A_124, %dma_start3A_125, %dma_start3A_126] : memref<1280x128x64xf32, #tpu.memory_space<hbm>> -> memref<1x128x64xf32, #tpu.memory_space<hbm>>
        %dma_start3A_128 = tpu.memref_squeeze %dma_start3A_127 : memref<1x128x64xf32, #tpu.memory_space<hbm>> -> memref<128x64xf32, #tpu.memory_space<hbm>>
        %dma_start3A_129 = arith.constant 0 : i32
        %dma_start3A_130 = arith.constant 0 : i32
        %dma_start3A_131 = tpu.memref_slice %arg4[%add3A_124, %dma_start3A_129, %dma_start3A_130] : memref<1280x128x64xf32, #tpu.memory_space<hbm>> -> memref<1x128x64xf32, #tpu.memory_space<hbm>>
        %dma_start3A_132 = tpu.memref_squeeze %dma_start3A_131 : memref<1x128x64xf32, #tpu.memory_space<hbm>> -> memref<128x64xf32, #tpu.memory_space<hbm>>
        tpu.enqueue_dma source(%arg8 : memref<128x64xf32, #tpu.memory_space<vmem>>) target(%dma_start3A_132 : memref<128x64xf32, #tpu.memory_space<hbm>>) target_semaphore(%arg16 : memref<!tpu.dma_semaphore, #tpu.memory_space<semaphore_mem>>)
        %dma_wait3A_133 = arith.constant 0 : i32
        %dma_wait3A_134 = tpu.memref_slice %arg5[%dma_wait3A_133] : memref<5120xi32, #tpu.memory_space<vmem>> -> memref<128xi32, #tpu.memory_space<vmem>>
        %dma_wait3A_135 = arith.constant 0 : i32
        %dma_wait3A_136 = arith.constant 0 : i32
        %dma_wait3A_137 = tpu.memref_slice %arg2[%dma_wait3A_135, %dma_wait3A_136] : memref<10000x64xf32, #tpu.memory_space<hbm>> -> memref<10000x64xf32, #tpu.memory_space<hbm>>
        tpu.wait_indirect_dma semaphore(%arg13 : memref<!tpu.dma_semaphore, #tpu.memory_space<semaphore_mem>>) src(%dma_wait3A_137 : memref<10000x64xf32, #tpu.memory_space<hbm>>) dst(%arg9 : memref<128x64xf32, #tpu.memory_space<vmem>>)
        %add3A_138 = arith.addi %mul3A_7, %mul3A_84 : i32
        %add3A_139 = arith.constant 3 : i32
        %add3A_140 = arith.addi %add3A_138, %add3A_139 : i32
        %dma_start3A_141 = arith.constant 0 : i32
        %dma_start3A_142 = arith.constant 0 : i32
        %dma_start3A_143 = tpu.memref_slice %arg4[%add3A_140, %dma_start3A_141, %dma_start3A_142] : memref<1280x128x64xf32, #tpu.memory_space<hbm>> -> memref<1x128x64xf32, #tpu.memory_space<hbm>>
        %dma_start3A_144 = tpu.memref_squeeze %dma_start3A_143 : memref<1x128x64xf32, #tpu.memory_space<hbm>> -> memref<128x64xf32, #tpu.memory_space<hbm>>
        %dma_start3A_145 = arith.constant 0 : i32
        %dma_start3A_146 = arith.constant 0 : i32
        %dma_start3A_147 = tpu.memref_slice %arg4[%add3A_140, %dma_start3A_145, %dma_start3A_146] : memref<1280x128x64xf32, #tpu.memory_space<hbm>> -> memref<1x128x64xf32, #tpu.memory_space<hbm>>
        %dma_start3A_148 = tpu.memref_squeeze %dma_start3A_147 : memref<1x128x64xf32, #tpu.memory_space<hbm>> -> memref<128x64xf32, #tpu.memory_space<hbm>>
        tpu.enqueue_dma source(%arg9 : memref<128x64xf32, #tpu.memory_space<vmem>>) target(%dma_start3A_148 : memref<128x64xf32, #tpu.memory_space<hbm>>) target_semaphore(%arg17 : memref<!tpu.dma_semaphore, #tpu.memory_space<semaphore_mem>>)
        %lt3A = arith.constant 9 : i32
        %lt3A_149 = arith.cmpi slt, %scan3A_81, %lt3A : i32
        %convert_element_type3A_150 = arith.extui %lt3A_149 : i1 to i32
        %cond3A_151 = arith.constant 0 : i32
        %cond3A_152 = arith.cmpi ne, %convert_element_type3A_150, %cond3A_151 : i32
        scf.if %cond3A_152 {
          %add3A_169 = arith.addi %mul3A_7, %mul3A_84 : i32
          %add3A_170 = arith.constant 0 : i32
          %add3A_171 = arith.addi %add3A_169, %add3A_170 : i32
          %dma_wait3A_172 = arith.constant 0 : i32
          %dma_wait3A_173 = arith.constant 0 : i32
          %dma_wait3A_174 = tpu.memref_slice %arg4[%add3A_171, %dma_wait3A_172, %dma_wait3A_173] : memref<1280x128x64xf32, #tpu.memory_space<hbm>> -> memref<1x128x64xf32, #tpu.memory_space<hbm>>
          %dma_wait3A_175 = tpu.memref_squeeze %dma_wait3A_174 : memref<1x128x64xf32, #tpu.memory_space<hbm>> -> memref<128x64xf32, #tpu.memory_space<hbm>>
          %dma_wait3A_176 = arith.constant 0 : i32
          %dma_wait3A_177 = arith.constant 0 : i32
          %dma_wait3A_178 = tpu.memref_slice %arg4[%add3A_171, %dma_wait3A_176, %dma_wait3A_177] : memref<1280x128x64xf32, #tpu.memory_space<hbm>> -> memref<1x128x64xf32, #tpu.memory_space<hbm>>
          %dma_wait3A_179 = tpu.memref_squeeze %dma_wait3A_178 : memref<1x128x64xf32, #tpu.memory_space<hbm>> -> memref<128x64xf32, #tpu.memory_space<hbm>>
          tpu.wait_dma2 semaphore(%arg14 : memref<!tpu.dma_semaphore, #tpu.memory_space<semaphore_mem>>) src(%arg6 : memref<128x64xf32, #tpu.memory_space<vmem>>) dst(%dma_wait3A_179 : memref<128x64xf32, #tpu.memory_space<hbm>>)
          %add3A_180 = arith.constant 4 : i32
          %add3A_181 = arith.addi %mul3A_84, %add3A_180 : i32
          %add3A_182 = arith.constant 0 : i32
          %add3A_183 = arith.addi %add3A_181, %add3A_182 : i32
          %mul3A_184 = arith.constant 128 : i32
          %mul3A_185 = arith.muli %add3A_183, %mul3A_184 : i32
          %dma_start3A_186 = tpu.memref_slice %arg5[%mul3A_185] : memref<5120xi32, #tpu.memory_space<vmem>> -> memref<128xi32, #tpu.memory_space<vmem>>
          %dma_start3A_187 = arith.constant 0 : i32
          %dma_start3A_188 = arith.constant 0 : i32
          %dma_start3A_189 = tpu.memref_slice %arg2[%dma_start3A_187, %dma_start3A_188] : memref<10000x64xf32, #tpu.memory_space<hbm>> -> memref<10000x64xf32, #tpu.memory_space<hbm>>
          tpu.enqueue_indirect_dma source(%dma_start3A_189 : memref<10000x64xf32, #tpu.memory_space<hbm>>) target(%arg6 : memref<128x64xf32, #tpu.memory_space<vmem>>) offsets(%dma_start3A_186 : memref<128xi32, #tpu.memory_space<vmem>>) semaphore(%arg10 : memref<!tpu.dma_semaphore, #tpu.memory_space<semaphore_mem>>)
        } else {
        }
        %lt3A_153 = arith.constant 9 : i32
        %lt3A_154 = arith.cmpi slt, %scan3A_81, %lt3A_153 : i32
        %convert_element_type3A_155 = arith.extui %lt3A_154 : i1 to i32
        %cond3A_156 = arith.constant 0 : i32
        %cond3A_157 = arith.cmpi ne, %convert_element_type3A_155, %cond3A_156 : i32
        scf.if %cond3A_157 {
          %add3A_169 = arith.addi %mul3A_7, %mul3A_84 : i32
          %add3A_170 = arith.constant 1 : i32
          %add3A_171 = arith.addi %add3A_169, %add3A_170 : i32
          %dma_wait3A_172 = arith.constant 0 : i32
          %dma_wait3A_173 = arith.constant 0 : i32
          %dma_wait3A_174 = tpu.memref_slice %arg4[%add3A_171, %dma_wait3A_172, %dma_wait3A_173] : memref<1280x128x64xf32, #tpu.memory_space<hbm>> -> memref<1x128x64xf32, #tpu.memory_space<hbm>>
          %dma_wait3A_175 = tpu.memref_squeeze %dma_wait3A_174 : memref<1x128x64xf32, #tpu.memory_space<hbm>> -> memref<128x64xf32, #tpu.memory_space<hbm>>
          %dma_wait3A_176 = arith.constant 0 : i32
          %dma_wait3A_177 = arith.constant 0 : i32
          %dma_wait3A_178 = tpu.memref_slice %arg4[%add3A_171, %dma_wait3A_176, %dma_wait3A_177] : memref<1280x128x64xf32, #tpu.memory_space<hbm>> -> memref<1x128x64xf32, #tpu.memory_space<hbm>>
          %dma_wait3A_179 = tpu.memref_squeeze %dma_wait3A_178 : memref<1x128x64xf32, #tpu.memory_space<hbm>> -> memref<128x64xf32, #tpu.memory_space<hbm>>
          tpu.wait_dma2 semaphore(%arg15 : memref<!tpu.dma_semaphore, #tpu.memory_space<semaphore_mem>>) src(%arg7 : memref<128x64xf32, #tpu.memory_space<vmem>>) dst(%dma_wait3A_179 : memref<128x64xf32, #tpu.memory_space<hbm>>)
          %add3A_180 = arith.constant 4 : i32
          %add3A_181 = arith.addi %mul3A_84, %add3A_180 : i32
          %add3A_182 = arith.constant 1 : i32
          %add3A_183 = arith.addi %add3A_181, %add3A_182 : i32
          %mul3A_184 = arith.constant 128 : i32
          %mul3A_185 = arith.muli %add3A_183, %mul3A_184 : i32
          %dma_start3A_186 = tpu.memref_slice %arg5[%mul3A_185] : memref<5120xi32, #tpu.memory_space<vmem>> -> memref<128xi32, #tpu.memory_space<vmem>>
          %dma_start3A_187 = arith.constant 0 : i32
          %dma_start3A_188 = arith.constant 0 : i32
          %dma_start3A_189 = tpu.memref_slice %arg2[%dma_start3A_187, %dma_start3A_188] : memref<10000x64xf32, #tpu.memory_space<hbm>> -> memref<10000x64xf32, #tpu.memory_space<hbm>>
          tpu.enqueue_indirect_dma source(%dma_start3A_189 : memref<10000x64xf32, #tpu.memory_space<hbm>>) target(%arg7 : memref<128x64xf32, #tpu.memory_space<vmem>>) offsets(%dma_start3A_186 : memref<128xi32, #tpu.memory_space<vmem>>) semaphore(%arg11 : memref<!tpu.dma_semaphore, #tpu.memory_space<semaphore_mem>>)
        } else {
        }
        %lt3A_158 = arith.constant 9 : i32
        %lt3A_159 = arith.cmpi slt, %scan3A_81, %lt3A_158 : i32
        %convert_element_type3A_160 = arith.extui %lt3A_159 : i1 to i32
        %cond3A_161 = arith.constant 0 : i32
        %cond3A_162 = arith.cmpi ne, %convert_element_type3A_160, %cond3A_161 : i32
        scf.if %cond3A_162 {
          %add3A_169 = arith.addi %mul3A_7, %mul3A_84 : i32
          %add3A_170 = arith.constant 2 : i32
          %add3A_171 = arith.addi %add3A_169, %add3A_170 : i32
          %dma_wait3A_172 = arith.constant 0 : i32
          %dma_wait3A_173 = arith.constant 0 : i32
          %dma_wait3A_174 = tpu.memref_slice %arg4[%add3A_171, %dma_wait3A_172, %dma_wait3A_173] : memref<1280x128x64xf32, #tpu.memory_space<hbm>> -> memref<1x128x64xf32, #tpu.memory_space<hbm>>
          %dma_wait3A_175 = tpu.memref_squeeze %dma_wait3A_174 : memref<1x128x64xf32, #tpu.memory_space<hbm>> -> memref<128x64xf32, #tpu.memory_space<hbm>>
          %dma_wait3A_176 = arith.constant 0 : i32
          %dma_wait3A_177 = arith.constant 0 : i32
          %dma_wait3A_178 = tpu.memref_slice %arg4[%add3A_171, %dma_wait3A_176, %dma_wait3A_177] : memref<1280x128x64xf32, #tpu.memory_space<hbm>> -> memref<1x128x64xf32, #tpu.memory_space<hbm>>
          %dma_wait3A_179 = tpu.memref_squeeze %dma_wait3A_178 : memref<1x128x64xf32, #tpu.memory_space<hbm>> -> memref<128x64xf32, #tpu.memory_space<hbm>>
          tpu.wait_dma2 semaphore(%arg16 : memref<!tpu.dma_semaphore, #tpu.memory_space<semaphore_mem>>) src(%arg8 : memref<128x64xf32, #tpu.memory_space<vmem>>) dst(%dma_wait3A_179 : memref<128x64xf32, #tpu.memory_space<hbm>>)
          %add3A_180 = arith.constant 4 : i32
          %add3A_181 = arith.addi %mul3A_84, %add3A_180 : i32
          %add3A_182 = arith.constant 2 : i32
          %add3A_183 = arith.addi %add3A_181, %add3A_182 : i32
          %mul3A_184 = arith.constant 128 : i32
          %mul3A_185 = arith.muli %add3A_183, %mul3A_184 : i32
          %dma_start3A_186 = tpu.memref_slice %arg5[%mul3A_185] : memref<5120xi32, #tpu.memory_space<vmem>> -> memref<128xi32, #tpu.memory_space<vmem>>
          %dma_start3A_187 = arith.constant 0 : i32
          %dma_start3A_188 = arith.constant 0 : i32
          %dma_start3A_189 = tpu.memref_slice %arg2[%dma_start3A_187, %dma_start3A_188] : memref<10000x64xf32, #tpu.memory_space<hbm>> -> memref<10000x64xf32, #tpu.memory_space<hbm>>
          tpu.enqueue_indirect_dma source(%dma_start3A_189 : memref<10000x64xf32, #tpu.memory_space<hbm>>) target(%arg8 : memref<128x64xf32, #tpu.memory_space<vmem>>) offsets(%dma_start3A_186 : memref<128xi32, #tpu.memory_space<vmem>>) semaphore(%arg12 : memref<!tpu.dma_semaphore, #tpu.memory_space<semaphore_mem>>)
        } else {
        }
        %lt3A_163 = arith.constant 9 : i32
        %lt3A_164 = arith.cmpi slt, %scan3A_81, %lt3A_163 : i32
        %convert_element_type3A_165 = arith.extui %lt3A_164 : i1 to i32
        %cond3A_166 = arith.constant 0 : i32
        %cond3A_167 = arith.cmpi ne, %convert_element_type3A_165, %cond3A_166 : i32
        scf.if %cond3A_167 {
          %add3A_169 = arith.addi %mul3A_7, %mul3A_84 : i32
          %add3A_170 = arith.constant 3 : i32
          %add3A_171 = arith.addi %add3A_169, %add3A_170 : i32
          %dma_wait3A_172 = arith.constant 0 : i32
          %dma_wait3A_173 = arith.constant 0 : i32
          %dma_wait3A_174 = tpu.memref_slice %arg4[%add3A_171, %dma_wait3A_172, %dma_wait3A_173] : memref<1280x128x64xf32, #tpu.memory_space<hbm>> -> memref<1x128x64xf32, #tpu.memory_space<hbm>>
          %dma_wait3A_175 = tpu.memref_squeeze %dma_wait3A_174 : memref<1x128x64xf32, #tpu.memory_space<hbm>> -> memref<128x64xf32, #tpu.memory_space<hbm>>
          %dma_wait3A_176 = arith.constant 0 : i32
          %dma_wait3A_177 = arith.constant 0 : i32
          %dma_wait3A_178 = tpu.memref_slice %arg4[%add3A_171, %dma_wait3A_176, %dma_wait3A_177] : memref<1280x128x64xf32, #tpu.memory_space<hbm>> -> memref<1x128x64xf32, #tpu.memory_space<hbm>>
          %dma_wait3A_179 = tpu.memref_squeeze %dma_wait3A_178 : memref<1x128x64xf32, #tpu.memory_space<hbm>> -> memref<128x64xf32, #tpu.memory_space<hbm>>
          tpu.wait_dma2 semaphore(%arg17 : memref<!tpu.dma_semaphore, #tpu.memory_space<semaphore_mem>>) src(%arg9 : memref<128x64xf32, #tpu.memory_space<vmem>>) dst(%dma_wait3A_179 : memref<128x64xf32, #tpu.memory_space<hbm>>)
          %add3A_180 = arith.constant 4 : i32
          %add3A_181 = arith.addi %mul3A_84, %add3A_180 : i32
          %add3A_182 = arith.constant 3 : i32
          %add3A_183 = arith.addi %add3A_181, %add3A_182 : i32
          %mul3A_184 = arith.constant 128 : i32
          %mul3A_185 = arith.muli %add3A_183, %mul3A_184 : i32
          %dma_start3A_186 = tpu.memref_slice %arg5[%mul3A_185] : memref<5120xi32, #tpu.memory_space<vmem>> -> memref<128xi32, #tpu.memory_space<vmem>>
          %dma_start3A_187 = arith.constant 0 : i32
          %dma_start3A_188 = arith.constant 0 : i32
          %dma_start3A_189 = tpu.memref_slice %arg2[%dma_start3A_187, %dma_start3A_188] : memref<10000x64xf32, #tpu.memory_space<hbm>> -> memref<10000x64xf32, #tpu.memory_space<hbm>>
          tpu.enqueue_indirect_dma source(%dma_start3A_189 : memref<10000x64xf32, #tpu.memory_space<hbm>>) target(%arg9 : memref<128x64xf32, #tpu.memory_space<vmem>>) offsets(%dma_start3A_186 : memref<128xi32, #tpu.memory_space<vmem>>) semaphore(%arg13 : memref<!tpu.dma_semaphore, #tpu.memory_space<semaphore_mem>>)
        } else {
        }
        %scan3A_168 = arith.constant 0 : i32
        scf.yield %scan3A_168 : i32
      }
      %scan3A_34 = arith.constant 10 : i32
      %add3A = arith.constant 36 : i32
      %add3A_35 = arith.addi %mul3A_7, %add3A : i32
      %add3A_36 = arith.constant 0 : i32
      %add3A_37 = arith.addi %add3A_35, %add3A_36 : i32
      %dma_wait3A = arith.constant 0 : i32
      %dma_wait3A_38 = arith.constant 0 : i32
      %dma_wait3A_39 = tpu.memref_slice %arg4[%add3A_37, %dma_wait3A, %dma_wait3A_38] : memref<1280x128x64xf32, #tpu.memory_space<hbm>> -> memref<1x128x64xf32, #tpu.memory_space<hbm>>
      %dma_wait3A_40 = tpu.memref_squeeze %dma_wait3A_39 : memref<1x128x64xf32, #tpu.memory_space<hbm>> -> memref<128x64xf32, #tpu.memory_space<hbm>>
      %dma_wait3A_41 = arith.constant 0 : i32
      %dma_wait3A_42 = arith.constant 0 : i32
      %dma_wait3A_43 = tpu.memref_slice %arg4[%add3A_37, %dma_wait3A_41, %dma_wait3A_42] : memref<1280x128x64xf32, #tpu.memory_space<hbm>> -> memref<1x128x64xf32, #tpu.memory_space<hbm>>
      %dma_wait3A_44 = tpu.memref_squeeze %dma_wait3A_43 : memref<1x128x64xf32, #tpu.memory_space<hbm>> -> memref<128x64xf32, #tpu.memory_space<hbm>>
      tpu.wait_dma2 semaphore(%arg14 : memref<!tpu.dma_semaphore, #tpu.memory_space<semaphore_mem>>) src(%arg6 : memref<128x64xf32, #tpu.memory_space<vmem>>) dst(%dma_wait3A_44 : memref<128x64xf32, #tpu.memory_space<hbm>>)
      %add3A_45 = arith.constant 36 : i32
      %add3A_46 = arith.addi %mul3A_7, %add3A_45 : i32
      %add3A_47 = arith.constant 1 : i32
      %add3A_48 = arith.addi %add3A_46, %add3A_47 : i32
      %dma_wait3A_49 = arith.constant 0 : i32
      %dma_wait3A_50 = arith.constant 0 : i32
      %dma_wait3A_51 = tpu.memref_slice %arg4[%add3A_48, %dma_wait3A_49, %dma_wait3A_50] : memref<1280x128x64xf32, #tpu.memory_space<hbm>> -> memref<1x128x64xf32, #tpu.memory_space<hbm>>
      %dma_wait3A_52 = tpu.memref_squeeze %dma_wait3A_51 : memref<1x128x64xf32, #tpu.memory_space<hbm>> -> memref<128x64xf32, #tpu.memory_space<hbm>>
      %dma_wait3A_53 = arith.constant 0 : i32
      %dma_wait3A_54 = arith.constant 0 : i32
      %dma_wait3A_55 = tpu.memref_slice %arg4[%add3A_48, %dma_wait3A_53, %dma_wait3A_54] : memref<1280x128x64xf32, #tpu.memory_space<hbm>> -> memref<1x128x64xf32, #tpu.memory_space<hbm>>
      %dma_wait3A_56 = tpu.memref_squeeze %dma_wait3A_55 : memref<1x128x64xf32, #tpu.memory_space<hbm>> -> memref<128x64xf32, #tpu.memory_space<hbm>>
      tpu.wait_dma2 semaphore(%arg15 : memref<!tpu.dma_semaphore, #tpu.memory_space<semaphore_mem>>) src(%arg7 : memref<128x64xf32, #tpu.memory_space<vmem>>) dst(%dma_wait3A_56 : memref<128x64xf32, #tpu.memory_space<hbm>>)
      %add3A_57 = arith.constant 36 : i32
      %add3A_58 = arith.addi %mul3A_7, %add3A_57 : i32
      %add3A_59 = arith.constant 2 : i32
      %add3A_60 = arith.addi %add3A_58, %add3A_59 : i32
      %dma_wait3A_61 = arith.constant 0 : i32
      %dma_wait3A_62 = arith.constant 0 : i32
      %dma_wait3A_63 = tpu.memref_slice %arg4[%add3A_60, %dma_wait3A_61, %dma_wait3A_62] : memref<1280x128x64xf32, #tpu.memory_space<hbm>> -> memref<1x128x64xf32, #tpu.memory_space<hbm>>
      %dma_wait3A_64 = tpu.memref_squeeze %dma_wait3A_63 : memref<1x128x64xf32, #tpu.memory_space<hbm>> -> memref<128x64xf32, #tpu.memory_space<hbm>>
      %dma_wait3A_65 = arith.constant 0 : i32
      %dma_wait3A_66 = arith.constant 0 : i32
      %dma_wait3A_67 = tpu.memref_slice %arg4[%add3A_60, %dma_wait3A_65, %dma_wait3A_66] : memref<1280x128x64xf32, #tpu.memory_space<hbm>> -> memref<1x128x64xf32, #tpu.memory_space<hbm>>
      %dma_wait3A_68 = tpu.memref_squeeze %dma_wait3A_67 : memref<1x128x64xf32, #tpu.memory_space<hbm>> -> memref<128x64xf32, #tpu.memory_space<hbm>>
      tpu.wait_dma2 semaphore(%arg16 : memref<!tpu.dma_semaphore, #tpu.memory_space<semaphore_mem>>) src(%arg8 : memref<128x64xf32, #tpu.memory_space<vmem>>) dst(%dma_wait3A_68 : memref<128x64xf32, #tpu.memory_space<hbm>>)
      %add3A_69 = arith.constant 36 : i32
      %add3A_70 = arith.addi %mul3A_7, %add3A_69 : i32
      %add3A_71 = arith.constant 3 : i32
      %add3A_72 = arith.addi %add3A_70, %add3A_71 : i32
      %dma_wait3A_73 = arith.constant 0 : i32
      %dma_wait3A_74 = arith.constant 0 : i32
      %dma_wait3A_75 = tpu.memref_slice %arg4[%add3A_72, %dma_wait3A_73, %dma_wait3A_74] : memref<1280x128x64xf32, #tpu.memory_space<hbm>> -> memref<1x128x64xf32, #tpu.memory_space<hbm>>
      %dma_wait3A_76 = tpu.memref_squeeze %dma_wait3A_75 : memref<1x128x64xf32, #tpu.memory_space<hbm>> -> memref<128x64xf32, #tpu.memory_space<hbm>>
      %dma_wait3A_77 = arith.constant 0 : i32
      %dma_wait3A_78 = arith.constant 0 : i32
      %dma_wait3A_79 = tpu.memref_slice %arg4[%add3A_72, %dma_wait3A_77, %dma_wait3A_78] : memref<1280x128x64xf32, #tpu.memory_space<hbm>> -> memref<1x128x64xf32, #tpu.memory_space<hbm>>
      %dma_wait3A_80 = tpu.memref_squeeze %dma_wait3A_79 : memref<1x128x64xf32, #tpu.memory_space<hbm>> -> memref<128x64xf32, #tpu.memory_space<hbm>>
      tpu.wait_dma2 semaphore(%arg17 : memref<!tpu.dma_semaphore, #tpu.memory_space<semaphore_mem>>) src(%arg9 : memref<128x64xf32, #tpu.memory_space<vmem>>) dst(%dma_wait3A_80 : memref<128x64xf32, #tpu.memory_space<hbm>>)
    } else {
    }
    %eq3A_2 = arith.constant 1 : i32
    %eq3A_3 = arith.cmpi eq, %arg0, %eq3A_2 : i32
    %convert_element_type3A_4 = arith.extui %eq3A_3 : i1 to i32
    %cond3A_5 = arith.constant 0 : i32
    %cond3A_6 = arith.cmpi ne, %convert_element_type3A_4, %cond3A_5 : i32
    scf.if %cond3A_6 {
      %mul3A = arith.constant 40 : i32
      %mul3A_7 = arith.muli %arg1, %mul3A : i32
      %add3A = arith.constant 640 : i32
      %add3A_8 = arith.addi %add3A, %mul3A_7 : i32
      %mul3A_9 = arith.constant 128 : i32
      %mul3A_10 = arith.muli %add3A_8, %mul3A_9 : i32
      "tpu.region"() ({
        %run_scoped3A = tpu.sem_alloc : memref<!tpu.dma_semaphore, #tpu.memory_space<semaphore_mem>>
        %dma_start3A_83 = arith.constant 0 : i32
        %dma_start3A_84 = tpu.memref_slice %arg5[%dma_start3A_83] : memref<5120xi32, #tpu.memory_space<vmem>> -> memref<5120xi32, #tpu.memory_space<vmem>>
        %dma_start3A_85 = tpu.memref_slice %arg3[%mul3A_10] : memref<163840xi32, #tpu.memory_space<hbm>> -> memref<5120xi32, #tpu.memory_space<hbm>>
        %dma_start3A_86 = arith.constant 0 : i32
        %dma_start3A_87 = tpu.memref_slice %arg5[%dma_start3A_86] : memref<5120xi32, #tpu.memory_space<vmem>> -> memref<5120xi32, #tpu.memory_space<vmem>>
        %dma_start3A_88 = tpu.memref_slice %arg3[%mul3A_10] : memref<163840xi32, #tpu.memory_space<hbm>> -> memref<5120xi32, #tpu.memory_space<hbm>>
        tpu.enqueue_dma source(%dma_start3A_88 : memref<5120xi32, #tpu.memory_space<hbm>>) target(%dma_start3A_87 : memref<5120xi32, #tpu.memory_space<vmem>>) target_semaphore(%run_scoped3A : memref<!tpu.dma_semaphore, #tpu.memory_space<semaphore_mem>>)
        %dma_wait3A_89 = arith.constant 0 : i32
        %dma_wait3A_90 = tpu.memref_slice %arg5[%dma_wait3A_89] : memref<5120xi32, #tpu.memory_space<vmem>> -> memref<5120xi32, #tpu.memory_space<vmem>>
        %dma_wait3A_91 = tpu.memref_slice %arg3[%mul3A_10] : memref<163840xi32, #tpu.memory_space<hbm>> -> memref<5120xi32, #tpu.memory_space<hbm>>
        %dma_wait3A_92 = arith.constant 0 : i32
        %dma_wait3A_93 = tpu.memref_slice %arg5[%dma_wait3A_92] : memref<5120xi32, #tpu.memory_space<vmem>> -> memref<5120xi32, #tpu.memory_space<vmem>>
        %dma_wait3A_94 = tpu.memref_slice %arg3[%mul3A_10] : memref<163840xi32, #tpu.memory_space<hbm>> -> memref<5120xi32, #tpu.memory_space<hbm>>
        tpu.wait_dma2 semaphore(%run_scoped3A : memref<!tpu.dma_semaphore, #tpu.memory_space<semaphore_mem>>) src(%dma_wait3A_94 : memref<5120xi32, #tpu.memory_space<hbm>>) dst(%dma_wait3A_93 : memref<5120xi32, #tpu.memory_space<vmem>>)
        tpu.yield
      }) : () -> ()
      %dma_start3A = arith.constant 0 : i32
      %dma_start3A_11 = tpu.memref_slice %arg5[%dma_start3A] : memref<5120xi32, #tpu.memory_space<vmem>> -> memref<128xi32, #tpu.memory_space<vmem>>
      %dma_start3A_12 = arith.constant 0 : i32
      %dma_start3A_13 = arith.constant 0 : i32
      %dma_start3A_14 = tpu.memref_slice %arg2[%dma_start3A_12, %dma_start3A_13] : memref<10000x64xf32, #tpu.memory_space<hbm>> -> memref<10000x64xf32, #tpu.memory_space<hbm>>
      tpu.enqueue_indirect_dma source(%dma_start3A_14 : memref<10000x64xf32, #tpu.memory_space<hbm>>) target(%arg6 : memref<128x64xf32, #tpu.memory_space<vmem>>) offsets(%dma_start3A_11 : memref<128xi32, #tpu.memory_space<vmem>>) semaphore(%arg10 : memref<!tpu.dma_semaphore, #tpu.memory_space<semaphore_mem>>)
      %dma_start3A_15 = arith.constant 128 : i32
      %dma_start3A_16 = tpu.memref_slice %arg5[%dma_start3A_15] : memref<5120xi32, #tpu.memory_space<vmem>> -> memref<128xi32, #tpu.memory_space<vmem>>
      %dma_start3A_17 = arith.constant 0 : i32
      %dma_start3A_18 = arith.constant 0 : i32
      %dma_start3A_19 = tpu.memref_slice %arg2[%dma_start3A_17, %dma_start3A_18] : memref<10000x64xf32, #tpu.memory_space<hbm>> -> memref<10000x64xf32, #tpu.memory_space<hbm>>
      tpu.enqueue_indirect_dma source(%dma_start3A_19 : memref<10000x64xf32, #tpu.memory_space<hbm>>) target(%arg7 : memref<128x64xf32, #tpu.memory_space<vmem>>) offsets(%dma_start3A_16 : memref<128xi32, #tpu.memory_space<vmem>>) semaphore(%arg11 : memref<!tpu.dma_semaphore, #tpu.memory_space<semaphore_mem>>)
      %dma_start3A_20 = arith.constant 256 : i32
      %dma_start3A_21 = tpu.memref_slice %arg5[%dma_start3A_20] : memref<5120xi32, #tpu.memory_space<vmem>> -> memref<128xi32, #tpu.memory_space<vmem>>
      %dma_start3A_22 = arith.constant 0 : i32
      %dma_start3A_23 = arith.constant 0 : i32
      %dma_start3A_24 = tpu.memref_slice %arg2[%dma_start3A_22, %dma_start3A_23] : memref<10000x64xf32, #tpu.memory_space<hbm>> -> memref<10000x64xf32, #tpu.memory_space<hbm>>
      tpu.enqueue_indirect_dma source(%dma_start3A_24 : memref<10000x64xf32, #tpu.memory_space<hbm>>) target(%arg8 : memref<128x64xf32, #tpu.memory_space<vmem>>) offsets(%dma_start3A_21 : memref<128xi32, #tpu.memory_space<vmem>>) semaphore(%arg12 : memref<!tpu.dma_semaphore, #tpu.memory_space<semaphore_mem>>)
      %dma_start3A_25 = arith.constant 384 : i32
      %dma_start3A_26 = tpu.memref_slice %arg5[%dma_start3A_25] : memref<5120xi32, #tpu.memory_space<vmem>> -> memref<128xi32, #tpu.memory_space<vmem>>
      %dma_start3A_27 = arith.constant 0 : i32
      %dma_start3A_28 = arith.constant 0 : i32
      %dma_start3A_29 = tpu.memref_slice %arg2[%dma_start3A_27, %dma_start3A_28] : memref<10000x64xf32, #tpu.memory_space<hbm>> -> memref<10000x64xf32, #tpu.memory_space<hbm>>
      tpu.enqueue_indirect_dma source(%dma_start3A_29 : memref<10000x64xf32, #tpu.memory_space<hbm>>) target(%arg9 : memref<128x64xf32, #tpu.memory_space<vmem>>) offsets(%dma_start3A_26 : memref<128xi32, #tpu.memory_space<vmem>>) semaphore(%arg13 : memref<!tpu.dma_semaphore, #tpu.memory_space<semaphore_mem>>)
      %scan3A = arith.constant 0 : i32
      %scan3A_30 = arith.constant 0 : i32
      %scan3A_31 = arith.constant 10 : i32
      %scan3A_32 = arith.addi %scan3A_30, %scan3A_31 : i32
      %scan3A_33 = arith.constant 1 : i32
      %scan3A_34 = scf.for %scan3A_83 = %scan3A_30 to %scan3A_32 step %scan3A_33 iter_args(%scan3A_84 = %scan3A) -> (i32)  : i32 {
        %mul3A_85 = arith.constant 4 : i32
        %mul3A_86 = arith.muli %scan3A_83, %mul3A_85 : i32
        %dma_wait3A_87 = arith.constant 0 : i32
        %dma_wait3A_88 = tpu.memref_slice %arg5[%dma_wait3A_87] : memref<5120xi32, #tpu.memory_space<vmem>> -> memref<128xi32, #tpu.memory_space<vmem>>
        %dma_wait3A_89 = arith.constant 0 : i32
        %dma_wait3A_90 = arith.constant 0 : i32
        %dma_wait3A_91 = tpu.memref_slice %arg2[%dma_wait3A_89, %dma_wait3A_90] : memref<10000x64xf32, #tpu.memory_space<hbm>> -> memref<10000x64xf32, #tpu.memory_space<hbm>>
        tpu.wait_indirect_dma semaphore(%arg10 : memref<!tpu.dma_semaphore, #tpu.memory_space<semaphore_mem>>) src(%dma_wait3A_91 : memref<10000x64xf32, #tpu.memory_space<hbm>>) dst(%arg6 : memref<128x64xf32, #tpu.memory_space<vmem>>)
        %add3A_92 = arith.addi %add3A_8, %mul3A_86 : i32
        %add3A_93 = arith.constant 0 : i32
        %add3A_94 = arith.addi %add3A_92, %add3A_93 : i32
        %dma_start3A_95 = arith.constant 0 : i32
        %dma_start3A_96 = arith.constant 0 : i32
        %dma_start3A_97 = tpu.memref_slice %arg4[%add3A_94, %dma_start3A_95, %dma_start3A_96] : memref<1280x128x64xf32, #tpu.memory_space<hbm>> -> memref<1x128x64xf32, #tpu.memory_space<hbm>>
        %dma_start3A_98 = tpu.memref_squeeze %dma_start3A_97 : memref<1x128x64xf32, #tpu.memory_space<hbm>> -> memref<128x64xf32, #tpu.memory_space<hbm>>
        %dma_start3A_99 = arith.constant 0 : i32
        %dma_start3A_100 = arith.constant 0 : i32
        %dma_start3A_101 = tpu.memref_slice %arg4[%add3A_94, %dma_start3A_99, %dma_start3A_100] : memref<1280x128x64xf32, #tpu.memory_space<hbm>> -> memref<1x128x64xf32, #tpu.memory_space<hbm>>
        %dma_start3A_102 = tpu.memref_squeeze %dma_start3A_101 : memref<1x128x64xf32, #tpu.memory_space<hbm>> -> memref<128x64xf32, #tpu.memory_space<hbm>>
        tpu.enqueue_dma source(%arg6 : memref<128x64xf32, #tpu.memory_space<vmem>>) target(%dma_start3A_102 : memref<128x64xf32, #tpu.memory_space<hbm>>) target_semaphore(%arg14 : memref<!tpu.dma_semaphore, #tpu.memory_space<semaphore_mem>>)
        %dma_wait3A_103 = arith.constant 0 : i32
        %dma_wait3A_104 = tpu.memref_slice %arg5[%dma_wait3A_103] : memref<5120xi32, #tpu.memory_space<vmem>> -> memref<128xi32, #tpu.memory_space<vmem>>
        %dma_wait3A_105 = arith.constant 0 : i32
        %dma_wait3A_106 = arith.constant 0 : i32
        %dma_wait3A_107 = tpu.memref_slice %arg2[%dma_wait3A_105, %dma_wait3A_106] : memref<10000x64xf32, #tpu.memory_space<hbm>> -> memref<10000x64xf32, #tpu.memory_space<hbm>>
        tpu.wait_indirect_dma semaphore(%arg11 : memref<!tpu.dma_semaphore, #tpu.memory_space<semaphore_mem>>) src(%dma_wait3A_107 : memref<10000x64xf32, #tpu.memory_space<hbm>>) dst(%arg7 : memref<128x64xf32, #tpu.memory_space<vmem>>)
        %add3A_108 = arith.addi %add3A_8, %mul3A_86 : i32
        %add3A_109 = arith.constant 1 : i32
        %add3A_110 = arith.addi %add3A_108, %add3A_109 : i32
        %dma_start3A_111 = arith.constant 0 : i32
        %dma_start3A_112 = arith.constant 0 : i32
        %dma_start3A_113 = tpu.memref_slice %arg4[%add3A_110, %dma_start3A_111, %dma_start3A_112] : memref<1280x128x64xf32, #tpu.memory_space<hbm>> -> memref<1x128x64xf32, #tpu.memory_space<hbm>>
        %dma_start3A_114 = tpu.memref_squeeze %dma_start3A_113 : memref<1x128x64xf32, #tpu.memory_space<hbm>> -> memref<128x64xf32, #tpu.memory_space<hbm>>
        %dma_start3A_115 = arith.constant 0 : i32
        %dma_start3A_116 = arith.constant 0 : i32
        %dma_start3A_117 = tpu.memref_slice %arg4[%add3A_110, %dma_start3A_115, %dma_start3A_116] : memref<1280x128x64xf32, #tpu.memory_space<hbm>> -> memref<1x128x64xf32, #tpu.memory_space<hbm>>
        %dma_start3A_118 = tpu.memref_squeeze %dma_start3A_117 : memref<1x128x64xf32, #tpu.memory_space<hbm>> -> memref<128x64xf32, #tpu.memory_space<hbm>>
        tpu.enqueue_dma source(%arg7 : memref<128x64xf32, #tpu.memory_space<vmem>>) target(%dma_start3A_118 : memref<128x64xf32, #tpu.memory_space<hbm>>) target_semaphore(%arg15 : memref<!tpu.dma_semaphore, #tpu.memory_space<semaphore_mem>>)
        %dma_wait3A_119 = arith.constant 0 : i32
        %dma_wait3A_120 = tpu.memref_slice %arg5[%dma_wait3A_119] : memref<5120xi32, #tpu.memory_space<vmem>> -> memref<128xi32, #tpu.memory_space<vmem>>
        %dma_wait3A_121 = arith.constant 0 : i32
        %dma_wait3A_122 = arith.constant 0 : i32
        %dma_wait3A_123 = tpu.memref_slice %arg2[%dma_wait3A_121, %dma_wait3A_122] : memref<10000x64xf32, #tpu.memory_space<hbm>> -> memref<10000x64xf32, #tpu.memory_space<hbm>>
        tpu.wait_indirect_dma semaphore(%arg12 : memref<!tpu.dma_semaphore, #tpu.memory_space<semaphore_mem>>) src(%dma_wait3A_123 : memref<10000x64xf32, #tpu.memory_space<hbm>>) dst(%arg8 : memref<128x64xf32, #tpu.memory_space<vmem>>)
        %add3A_124 = arith.addi %add3A_8, %mul3A_86 : i32
        %add3A_125 = arith.constant 2 : i32
        %add3A_126 = arith.addi %add3A_124, %add3A_125 : i32
        %dma_start3A_127 = arith.constant 0 : i32
        %dma_start3A_128 = arith.constant 0 : i32
        %dma_start3A_129 = tpu.memref_slice %arg4[%add3A_126, %dma_start3A_127, %dma_start3A_128] : memref<1280x128x64xf32, #tpu.memory_space<hbm>> -> memref<1x128x64xf32, #tpu.memory_space<hbm>>
        %dma_start3A_130 = tpu.memref_squeeze %dma_start3A_129 : memref<1x128x64xf32, #tpu.memory_space<hbm>> -> memref<128x64xf32, #tpu.memory_space<hbm>>
        %dma_start3A_131 = arith.constant 0 : i32
        %dma_start3A_132 = arith.constant 0 : i32
        %dma_start3A_133 = tpu.memref_slice %arg4[%add3A_126, %dma_start3A_131, %dma_start3A_132] : memref<1280x128x64xf32, #tpu.memory_space<hbm>> -> memref<1x128x64xf32, #tpu.memory_space<hbm>>
        %dma_start3A_134 = tpu.memref_squeeze %dma_start3A_133 : memref<1x128x64xf32, #tpu.memory_space<hbm>> -> memref<128x64xf32, #tpu.memory_space<hbm>>
        tpu.enqueue_dma source(%arg8 : memref<128x64xf32, #tpu.memory_space<vmem>>) target(%dma_start3A_134 : memref<128x64xf32, #tpu.memory_space<hbm>>) target_semaphore(%arg16 : memref<!tpu.dma_semaphore, #tpu.memory_space<semaphore_mem>>)
        %dma_wait3A_135 = arith.constant 0 : i32
        %dma_wait3A_136 = tpu.memref_slice %arg5[%dma_wait3A_135] : memref<5120xi32, #tpu.memory_space<vmem>> -> memref<128xi32, #tpu.memory_space<vmem>>
        %dma_wait3A_137 = arith.constant 0 : i32
        %dma_wait3A_138 = arith.constant 0 : i32
        %dma_wait3A_139 = tpu.memref_slice %arg2[%dma_wait3A_137, %dma_wait3A_138] : memref<10000x64xf32, #tpu.memory_space<hbm>> -> memref<10000x64xf32, #tpu.memory_space<hbm>>
        tpu.wait_indirect_dma semaphore(%arg13 : memref<!tpu.dma_semaphore, #tpu.memory_space<semaphore_mem>>) src(%dma_wait3A_139 : memref<10000x64xf32, #tpu.memory_space<hbm>>) dst(%arg9 : memref<128x64xf32, #tpu.memory_space<vmem>>)
        %add3A_140 = arith.addi %add3A_8, %mul3A_86 : i32
        %add3A_141 = arith.constant 3 : i32
        %add3A_142 = arith.addi %add3A_140, %add3A_141 : i32
        %dma_start3A_143 = arith.constant 0 : i32
        %dma_start3A_144 = arith.constant 0 : i32
        %dma_start3A_145 = tpu.memref_slice %arg4[%add3A_142, %dma_start3A_143, %dma_start3A_144] : memref<1280x128x64xf32, #tpu.memory_space<hbm>> -> memref<1x128x64xf32, #tpu.memory_space<hbm>>
        %dma_start3A_146 = tpu.memref_squeeze %dma_start3A_145 : memref<1x128x64xf32, #tpu.memory_space<hbm>> -> memref<128x64xf32, #tpu.memory_space<hbm>>
        %dma_start3A_147 = arith.constant 0 : i32
        %dma_start3A_148 = arith.constant 0 : i32
        %dma_start3A_149 = tpu.memref_slice %arg4[%add3A_142, %dma_start3A_147, %dma_start3A_148] : memref<1280x128x64xf32, #tpu.memory_space<hbm>> -> memref<1x128x64xf32, #tpu.memory_space<hbm>>
        %dma_start3A_150 = tpu.memref_squeeze %dma_start3A_149 : memref<1x128x64xf32, #tpu.memory_space<hbm>> -> memref<128x64xf32, #tpu.memory_space<hbm>>
        tpu.enqueue_dma source(%arg9 : memref<128x64xf32, #tpu.memory_space<vmem>>) target(%dma_start3A_150 : memref<128x64xf32, #tpu.memory_space<hbm>>) target_semaphore(%arg17 : memref<!tpu.dma_semaphore, #tpu.memory_space<semaphore_mem>>)
        %lt3A = arith.constant 9 : i32
        %lt3A_151 = arith.cmpi slt, %scan3A_83, %lt3A : i32
        %convert_element_type3A_152 = arith.extui %lt3A_151 : i1 to i32
        %cond3A_153 = arith.constant 0 : i32
        %cond3A_154 = arith.cmpi ne, %convert_element_type3A_152, %cond3A_153 : i32
        scf.if %cond3A_154 {
          %add3A_171 = arith.addi %add3A_8, %mul3A_86 : i32
          %add3A_172 = arith.constant 0 : i32
          %add3A_173 = arith.addi %add3A_171, %add3A_172 : i32
          %dma_wait3A_174 = arith.constant 0 : i32
          %dma_wait3A_175 = arith.constant 0 : i32
          %dma_wait3A_176 = tpu.memref_slice %arg4[%add3A_173, %dma_wait3A_174, %dma_wait3A_175] : memref<1280x128x64xf32, #tpu.memory_space<hbm>> -> memref<1x128x64xf32, #tpu.memory_space<hbm>>
          %dma_wait3A_177 = tpu.memref_squeeze %dma_wait3A_176 : memref<1x128x64xf32, #tpu.memory_space<hbm>> -> memref<128x64xf32, #tpu.memory_space<hbm>>
          %dma_wait3A_178 = arith.constant 0 : i32
          %dma_wait3A_179 = arith.constant 0 : i32
          %dma_wait3A_180 = tpu.memref_slice %arg4[%add3A_173, %dma_wait3A_178, %dma_wait3A_179] : memref<1280x128x64xf32, #tpu.memory_space<hbm>> -> memref<1x128x64xf32, #tpu.memory_space<hbm>>
          %dma_wait3A_181 = tpu.memref_squeeze %dma_wait3A_180 : memref<1x128x64xf32, #tpu.memory_space<hbm>> -> memref<128x64xf32, #tpu.memory_space<hbm>>
          tpu.wait_dma2 semaphore(%arg14 : memref<!tpu.dma_semaphore, #tpu.memory_space<semaphore_mem>>) src(%arg6 : memref<128x64xf32, #tpu.memory_space<vmem>>) dst(%dma_wait3A_181 : memref<128x64xf32, #tpu.memory_space<hbm>>)
          %add3A_182 = arith.constant 4 : i32
          %add3A_183 = arith.addi %mul3A_86, %add3A_182 : i32
          %add3A_184 = arith.constant 0 : i32
          %add3A_185 = arith.addi %add3A_183, %add3A_184 : i32
          %mul3A_186 = arith.constant 128 : i32
          %mul3A_187 = arith.muli %add3A_185, %mul3A_186 : i32
          %dma_start3A_188 = tpu.memref_slice %arg5[%mul3A_187] : memref<5120xi32, #tpu.memory_space<vmem>> -> memref<128xi32, #tpu.memory_space<vmem>>
          %dma_start3A_189 = arith.constant 0 : i32
          %dma_start3A_190 = arith.constant 0 : i32
          %dma_start3A_191 = tpu.memref_slice %arg2[%dma_start3A_189, %dma_start3A_190] : memref<10000x64xf32, #tpu.memory_space<hbm>> -> memref<10000x64xf32, #tpu.memory_space<hbm>>
          tpu.enqueue_indirect_dma source(%dma_start3A_191 : memref<10000x64xf32, #tpu.memory_space<hbm>>) target(%arg6 : memref<128x64xf32, #tpu.memory_space<vmem>>) offsets(%dma_start3A_188 : memref<128xi32, #tpu.memory_space<vmem>>) semaphore(%arg10 : memref<!tpu.dma_semaphore, #tpu.memory_space<semaphore_mem>>)
        } else {
        }
        %lt3A_155 = arith.constant 9 : i32
        %lt3A_156 = arith.cmpi slt, %scan3A_83, %lt3A_155 : i32
        %convert_element_type3A_157 = arith.extui %lt3A_156 : i1 to i32
        %cond3A_158 = arith.constant 0 : i32
        %cond3A_159 = arith.cmpi ne, %convert_element_type3A_157, %cond3A_158 : i32
        scf.if %cond3A_159 {
          %add3A_171 = arith.addi %add3A_8, %mul3A_86 : i32
          %add3A_172 = arith.constant 1 : i32
          %add3A_173 = arith.addi %add3A_171, %add3A_172 : i32
          %dma_wait3A_174 = arith.constant 0 : i32
          %dma_wait3A_175 = arith.constant 0 : i32
          %dma_wait3A_176 = tpu.memref_slice %arg4[%add3A_173, %dma_wait3A_174, %dma_wait3A_175] : memref<1280x128x64xf32, #tpu.memory_space<hbm>> -> memref<1x128x64xf32, #tpu.memory_space<hbm>>
          %dma_wait3A_177 = tpu.memref_squeeze %dma_wait3A_176 : memref<1x128x64xf32, #tpu.memory_space<hbm>> -> memref<128x64xf32, #tpu.memory_space<hbm>>
          %dma_wait3A_178 = arith.constant 0 : i32
          %dma_wait3A_179 = arith.constant 0 : i32
          %dma_wait3A_180 = tpu.memref_slice %arg4[%add3A_173, %dma_wait3A_178, %dma_wait3A_179] : memref<1280x128x64xf32, #tpu.memory_space<hbm>> -> memref<1x128x64xf32, #tpu.memory_space<hbm>>
          %dma_wait3A_181 = tpu.memref_squeeze %dma_wait3A_180 : memref<1x128x64xf32, #tpu.memory_space<hbm>> -> memref<128x64xf32, #tpu.memory_space<hbm>>
          tpu.wait_dma2 semaphore(%arg15 : memref<!tpu.dma_semaphore, #tpu.memory_space<semaphore_mem>>) src(%arg7 : memref<128x64xf32, #tpu.memory_space<vmem>>) dst(%dma_wait3A_181 : memref<128x64xf32, #tpu.memory_space<hbm>>)
          %add3A_182 = arith.constant 4 : i32
          %add3A_183 = arith.addi %mul3A_86, %add3A_182 : i32
          %add3A_184 = arith.constant 1 : i32
          %add3A_185 = arith.addi %add3A_183, %add3A_184 : i32
          %mul3A_186 = arith.constant 128 : i32
          %mul3A_187 = arith.muli %add3A_185, %mul3A_186 : i32
          %dma_start3A_188 = tpu.memref_slice %arg5[%mul3A_187] : memref<5120xi32, #tpu.memory_space<vmem>> -> memref<128xi32, #tpu.memory_space<vmem>>
          %dma_start3A_189 = arith.constant 0 : i32
          %dma_start3A_190 = arith.constant 0 : i32
          %dma_start3A_191 = tpu.memref_slice %arg2[%dma_start3A_189, %dma_start3A_190] : memref<10000x64xf32, #tpu.memory_space<hbm>> -> memref<10000x64xf32, #tpu.memory_space<hbm>>
          tpu.enqueue_indirect_dma source(%dma_start3A_191 : memref<10000x64xf32, #tpu.memory_space<hbm>>) target(%arg7 : memref<128x64xf32, #tpu.memory_space<vmem>>) offsets(%dma_start3A_188 : memref<128xi32, #tpu.memory_space<vmem>>) semaphore(%arg11 : memref<!tpu.dma_semaphore, #tpu.memory_space<semaphore_mem>>)
        } else {
        }
        %lt3A_160 = arith.constant 9 : i32
        %lt3A_161 = arith.cmpi slt, %scan3A_83, %lt3A_160 : i32
        %convert_element_type3A_162 = arith.extui %lt3A_161 : i1 to i32
        %cond3A_163 = arith.constant 0 : i32
        %cond3A_164 = arith.cmpi ne, %convert_element_type3A_162, %cond3A_163 : i32
        scf.if %cond3A_164 {
          %add3A_171 = arith.addi %add3A_8, %mul3A_86 : i32
          %add3A_172 = arith.constant 2 : i32
          %add3A_173 = arith.addi %add3A_171, %add3A_172 : i32
          %dma_wait3A_174 = arith.constant 0 : i32
          %dma_wait3A_175 = arith.constant 0 : i32
          %dma_wait3A_176 = tpu.memref_slice %arg4[%add3A_173, %dma_wait3A_174, %dma_wait3A_175] : memref<1280x128x64xf32, #tpu.memory_space<hbm>> -> memref<1x128x64xf32, #tpu.memory_space<hbm>>
          %dma_wait3A_177 = tpu.memref_squeeze %dma_wait3A_176 : memref<1x128x64xf32, #tpu.memory_space<hbm>> -> memref<128x64xf32, #tpu.memory_space<hbm>>
          %dma_wait3A_178 = arith.constant 0 : i32
          %dma_wait3A_179 = arith.constant 0 : i32
          %dma_wait3A_180 = tpu.memref_slice %arg4[%add3A_173, %dma_wait3A_178, %dma_wait3A_179] : memref<1280x128x64xf32, #tpu.memory_space<hbm>> -> memref<1x128x64xf32, #tpu.memory_space<hbm>>
          %dma_wait3A_181 = tpu.memref_squeeze %dma_wait3A_180 : memref<1x128x64xf32, #tpu.memory_space<hbm>> -> memref<128x64xf32, #tpu.memory_space<hbm>>
          tpu.wait_dma2 semaphore(%arg16 : memref<!tpu.dma_semaphore, #tpu.memory_space<semaphore_mem>>) src(%arg8 : memref<128x64xf32, #tpu.memory_space<vmem>>) dst(%dma_wait3A_181 : memref<128x64xf32, #tpu.memory_space<hbm>>)
          %add3A_182 = arith.constant 4 : i32
          %add3A_183 = arith.addi %mul3A_86, %add3A_182 : i32
          %add3A_184 = arith.constant 2 : i32
          %add3A_185 = arith.addi %add3A_183, %add3A_184 : i32
          %mul3A_186 = arith.constant 128 : i32
          %mul3A_187 = arith.muli %add3A_185, %mul3A_186 : i32
          %dma_start3A_188 = tpu.memref_slice %arg5[%mul3A_187] : memref<5120xi32, #tpu.memory_space<vmem>> -> memref<128xi32, #tpu.memory_space<vmem>>
          %dma_start3A_189 = arith.constant 0 : i32
          %dma_start3A_190 = arith.constant 0 : i32
          %dma_start3A_191 = tpu.memref_slice %arg2[%dma_start3A_189, %dma_start3A_190] : memref<10000x64xf32, #tpu.memory_space<hbm>> -> memref<10000x64xf32, #tpu.memory_space<hbm>>
          tpu.enqueue_indirect_dma source(%dma_start3A_191 : memref<10000x64xf32, #tpu.memory_space<hbm>>) target(%arg8 : memref<128x64xf32, #tpu.memory_space<vmem>>) offsets(%dma_start3A_188 : memref<128xi32, #tpu.memory_space<vmem>>) semaphore(%arg12 : memref<!tpu.dma_semaphore, #tpu.memory_space<semaphore_mem>>)
        } else {
        }
        %lt3A_165 = arith.constant 9 : i32
        %lt3A_166 = arith.cmpi slt, %scan3A_83, %lt3A_165 : i32
        %convert_element_type3A_167 = arith.extui %lt3A_166 : i1 to i32
        %cond3A_168 = arith.constant 0 : i32
        %cond3A_169 = arith.cmpi ne, %convert_element_type3A_167, %cond3A_168 : i32
        scf.if %cond3A_169 {
          %add3A_171 = arith.addi %add3A_8, %mul3A_86 : i32
          %add3A_172 = arith.constant 3 : i32
          %add3A_173 = arith.addi %add3A_171, %add3A_172 : i32
          %dma_wait3A_174 = arith.constant 0 : i32
          %dma_wait3A_175 = arith.constant 0 : i32
          %dma_wait3A_176 = tpu.memref_slice %arg4[%add3A_173, %dma_wait3A_174, %dma_wait3A_175] : memref<1280x128x64xf32, #tpu.memory_space<hbm>> -> memref<1x128x64xf32, #tpu.memory_space<hbm>>
          %dma_wait3A_177 = tpu.memref_squeeze %dma_wait3A_176 : memref<1x128x64xf32, #tpu.memory_space<hbm>> -> memref<128x64xf32, #tpu.memory_space<hbm>>
          %dma_wait3A_178 = arith.constant 0 : i32
          %dma_wait3A_179 = arith.constant 0 : i32
          %dma_wait3A_180 = tpu.memref_slice %arg4[%add3A_173, %dma_wait3A_178, %dma_wait3A_179] : memref<1280x128x64xf32, #tpu.memory_space<hbm>> -> memref<1x128x64xf32, #tpu.memory_space<hbm>>
          %dma_wait3A_181 = tpu.memref_squeeze %dma_wait3A_180 : memref<1x128x64xf32, #tpu.memory_space<hbm>> -> memref<128x64xf32, #tpu.memory_space<hbm>>
          tpu.wait_dma2 semaphore(%arg17 : memref<!tpu.dma_semaphore, #tpu.memory_space<semaphore_mem>>) src(%arg9 : memref<128x64xf32, #tpu.memory_space<vmem>>) dst(%dma_wait3A_181 : memref<128x64xf32, #tpu.memory_space<hbm>>)
          %add3A_182 = arith.constant 4 : i32
          %add3A_183 = arith.addi %mul3A_86, %add3A_182 : i32
          %add3A_184 = arith.constant 3 : i32
          %add3A_185 = arith.addi %add3A_183, %add3A_184 : i32
          %mul3A_186 = arith.constant 128 : i32
          %mul3A_187 = arith.muli %add3A_185, %mul3A_186 : i32
          %dma_start3A_188 = tpu.memref_slice %arg5[%mul3A_187] : memref<5120xi32, #tpu.memory_space<vmem>> -> memref<128xi32, #tpu.memory_space<vmem>>
          %dma_start3A_189 = arith.constant 0 : i32
          %dma_start3A_190 = arith.constant 0 : i32
          %dma_start3A_191 = tpu.memref_slice %arg2[%dma_start3A_189, %dma_start3A_190] : memref<10000x64xf32, #tpu.memory_space<hbm>> -> memref<10000x64xf32, #tpu.memory_space<hbm>>
          tpu.enqueue_indirect_dma source(%dma_start3A_191 : memref<10000x64xf32, #tpu.memory_space<hbm>>) target(%arg9 : memref<128x64xf32, #tpu.memory_space<vmem>>) offsets(%dma_start3A_188 : memref<128xi32, #tpu.memory_space<vmem>>) semaphore(%arg13 : memref<!tpu.dma_semaphore, #tpu.memory_space<semaphore_mem>>)
        } else {
        }
        %scan3A_170 = arith.constant 0 : i32
        scf.yield %scan3A_170 : i32
      }
      %scan3A_35 = arith.constant 10 : i32
      %add3A_36 = arith.constant 36 : i32
      %add3A_37 = arith.addi %add3A_8, %add3A_36 : i32
      %add3A_38 = arith.constant 0 : i32
      %add3A_39 = arith.addi %add3A_37, %add3A_38 : i32
      %dma_wait3A = arith.constant 0 : i32
      %dma_wait3A_40 = arith.constant 0 : i32
      %dma_wait3A_41 = tpu.memref_slice %arg4[%add3A_39, %dma_wait3A, %dma_wait3A_40] : memref<1280x128x64xf32, #tpu.memory_space<hbm>> -> memref<1x128x64xf32, #tpu.memory_space<hbm>>
      %dma_wait3A_42 = tpu.memref_squeeze %dma_wait3A_41 : memref<1x128x64xf32, #tpu.memory_space<hbm>> -> memref<128x64xf32, #tpu.memory_space<hbm>>
      %dma_wait3A_43 = arith.constant 0 : i32
      %dma_wait3A_44 = arith.constant 0 : i32
      %dma_wait3A_45 = tpu.memref_slice %arg4[%add3A_39, %dma_wait3A_43, %dma_wait3A_44] : memref<1280x128x64xf32, #tpu.memory_space<hbm>> -> memref<1x128x64xf32, #tpu.memory_space<hbm>>
      %dma_wait3A_46 = tpu.memref_squeeze %dma_wait3A_45 : memref<1x128x64xf32, #tpu.memory_space<hbm>> -> memref<128x64xf32, #tpu.memory_space<hbm>>
      tpu.wait_dma2 semaphore(%arg14 : memref<!tpu.dma_semaphore, #tpu.memory_space<semaphore_mem>>) src(%arg6 : memref<128x64xf32, #tpu.memory_space<vmem>>) dst(%dma_wait3A_46 : memref<128x64xf32, #tpu.memory_space<hbm>>)
      %add3A_47 = arith.constant 36 : i32
      %add3A_48 = arith.addi %add3A_8, %add3A_47 : i32
      %add3A_49 = arith.constant 1 : i32
      %add3A_50 = arith.addi %add3A_48, %add3A_49 : i32
      %dma_wait3A_51 = arith.constant 0 : i32
      %dma_wait3A_52 = arith.constant 0 : i32
      %dma_wait3A_53 = tpu.memref_slice %arg4[%add3A_50, %dma_wait3A_51, %dma_wait3A_52] : memref<1280x128x64xf32, #tpu.memory_space<hbm>> -> memref<1x128x64xf32, #tpu.memory_space<hbm>>
      %dma_wait3A_54 = tpu.memref_squeeze %dma_wait3A_53 : memref<1x128x64xf32, #tpu.memory_space<hbm>> -> memref<128x64xf32, #tpu.memory_space<hbm>>
      %dma_wait3A_55 = arith.constant 0 : i32
      %dma_wait3A_56 = arith.constant 0 : i32
      %dma_wait3A_57 = tpu.memref_slice %arg4[%add3A_50, %dma_wait3A_55, %dma_wait3A_56] : memref<1280x128x64xf32, #tpu.memory_space<hbm>> -> memref<1x128x64xf32, #tpu.memory_space<hbm>>
      %dma_wait3A_58 = tpu.memref_squeeze %dma_wait3A_57 : memref<1x128x64xf32, #tpu.memory_space<hbm>> -> memref<128x64xf32, #tpu.memory_space<hbm>>
      tpu.wait_dma2 semaphore(%arg15 : memref<!tpu.dma_semaphore, #tpu.memory_space<semaphore_mem>>) src(%arg7 : memref<128x64xf32, #tpu.memory_space<vmem>>) dst(%dma_wait3A_58 : memref<128x64xf32, #tpu.memory_space<hbm>>)
      %add3A_59 = arith.constant 36 : i32
      %add3A_60 = arith.addi %add3A_8, %add3A_59 : i32
      %add3A_61 = arith.constant 2 : i32
      %add3A_62 = arith.addi %add3A_60, %add3A_61 : i32
      %dma_wait3A_63 = arith.constant 0 : i32
      %dma_wait3A_64 = arith.constant 0 : i32
      %dma_wait3A_65 = tpu.memref_slice %arg4[%add3A_62, %dma_wait3A_63, %dma_wait3A_64] : memref<1280x128x64xf32, #tpu.memory_space<hbm>> -> memref<1x128x64xf32, #tpu.memory_space<hbm>>
      %dma_wait3A_66 = tpu.memref_squeeze %dma_wait3A_65 : memref<1x128x64xf32, #tpu.memory_space<hbm>> -> memref<128x64xf32, #tpu.memory_space<hbm>>
      %dma_wait3A_67 = arith.constant 0 : i32
      %dma_wait3A_68 = arith.constant 0 : i32
      %dma_wait3A_69 = tpu.memref_slice %arg4[%add3A_62, %dma_wait3A_67, %dma_wait3A_68] : memref<1280x128x64xf32, #tpu.memory_space<hbm>> -> memref<1x128x64xf32, #tpu.memory_space<hbm>>
      %dma_wait3A_70 = tpu.memref_squeeze %dma_wait3A_69 : memref<1x128x64xf32, #tpu.memory_space<hbm>> -> memref<128x64xf32, #tpu.memory_space<hbm>>
      tpu.wait_dma2 semaphore(%arg16 : memref<!tpu.dma_semaphore, #tpu.memory_space<semaphore_mem>>) src(%arg8 : memref<128x64xf32, #tpu.memory_space<vmem>>) dst(%dma_wait3A_70 : memref<128x64xf32, #tpu.memory_space<hbm>>)
      %add3A_71 = arith.constant 36 : i32
      %add3A_72 = arith.addi %add3A_8, %add3A_71 : i32
      %add3A_73 = arith.constant 3 : i32
      %add3A_74 = arith.addi %add3A_72, %add3A_73 : i32
      %dma_wait3A_75 = arith.constant 0 : i32
      %dma_wait3A_76 = arith.constant 0 : i32
      %dma_wait3A_77 = tpu.memref_slice %arg4[%add3A_74, %dma_wait3A_75, %dma_wait3A_76] : memref<1280x128x64xf32, #tpu.memory_space<hbm>> -> memref<1x128x64xf32, #tpu.memory_space<hbm>>
      %dma_wait3A_78 = tpu.memref_squeeze %dma_wait3A_77 : memref<1x128x64xf32, #tpu.memory_space<hbm>> -> memref<128x64xf32, #tpu.memory_space<hbm>>
      %dma_wait3A_79 = arith.constant 0 : i32
      %dma_wait3A_80 = arith.constant 0 : i32
      %dma_wait3A_81 = tpu.memref_slice %arg4[%add3A_74, %dma_wait3A_79, %dma_wait3A_80] : memref<1280x128x64xf32, #tpu.memory_space<hbm>> -> memref<1x128x64xf32, #tpu.memory_space<hbm>>
      %dma_wait3A_82 = tpu.memref_squeeze %dma_wait3A_81 : memref<1x128x64xf32, #tpu.memory_space<hbm>> -> memref<128x64xf32, #tpu.memory_space<hbm>>
      tpu.wait_dma2 semaphore(%arg17 : memref<!tpu.dma_semaphore, #tpu.memory_space<semaphore_mem>>) src(%arg9 : memref<128x64xf32, #tpu.memory_space<vmem>>) dst(%dma_wait3A_82 : memref<128x64xf32, #tpu.memory_space<hbm>>)
    } else {
    }
    return
  }
}

#map = affine_map<(d0, d1) -> (0, 0)>
#map1 = affine_map<(d0, d1) -> (0)>
#map2 = affine_map<(d0, d1) -> (0, 0, 0)>
module attributes {stable_mosaic.version = 14 : i64} {
  func.func @k(%arg0: i32, %arg1: i32, %arg2: memref<10000x64xf32, #tpu.memory_space<hbm>>, %arg3: memref<163840xi32, #tpu.memory_space<hbm>>, %arg4: memref<1280x128x64xf32, #tpu.memory_space<hbm>>, %arg5: memref<5120xi32, #tpu.memory_space<vmem>>, %arg6: memref<128x64xf32, #tpu.memory_space<vmem>>, %arg7: memref<128x64xf32, #tpu.memory_space<vmem>>, %arg8: memref<128x64xf32, #tpu.memory_space<vmem>>, %arg9: memref<128x64xf32, #tpu.memory_space<vmem>>, %arg10: memref<!tpu.dma_semaphore, #tpu.memory_space<semaphore_mem>>, %arg11: memref<!tpu.dma_semaphore, #tpu.memory_space<semaphore_mem>>, %arg12: memref<!tpu.dma_semaphore, #tpu.memory_space<semaphore_mem>>, %arg13: memref<!tpu.dma_semaphore, #tpu.memory_space<semaphore_mem>>, %arg14: memref<!tpu.dma_semaphore, #tpu.memory_space<semaphore_mem>>, %arg15: memref<!tpu.dma_semaphore, #tpu.memory_space<semaphore_mem>>, %arg16: memref<!tpu.dma_semaphore, #tpu.memory_space<semaphore_mem>>, %arg17: memref<!tpu.dma_semaphore, #tpu.memory_space<semaphore_mem>>) attributes {dimension_semantics = [#tpu.dimension_semantics<core_parallel>, #tpu.dimension_semantics<subcore_parallel>], iteration_bounds = array<i64: 2, 16>, scalar_prefetch = 0 : i64, scratch_operands = 13 : i64, tpu.core_type = #tpu.core_type<sc_vector_subcore>, window_params = [{transform_indices = #map}, {transform_indices = #map1}, {transform_indices = #map2}]} {
    %eq3A = arith.constant 0 : i32
    %eq3A_0 = arith.cmpi eq, %arg0, %eq3A : i32
    %convert_element_type3A = arith.extui %eq3A_0 : i1 to i32
    %cond3A = arith.constant 0 : i32
    %cond3A_1 = arith.cmpi ne, %convert_element_type3A, %cond3A : i32
    scf.if %cond3A_1 {
      %mul3A = arith.constant 40 : i32
      %mul3A_7 = arith.muli %arg1, %mul3A : i32
      %mul3A_8 = arith.constant 128 : i32
      %mul3A_9 = arith.muli %mul3A_7, %mul3A_8 : i32
      "tpu.region"() ({
        %run_scoped3A = tpu.sem_alloc : memref<!tpu.dma_semaphore, #tpu.memory_space<semaphore_mem>>
        %dma_start3A_81 = arith.constant 0 : i32
        %dma_start3A_82 = tpu.memref_slice %arg5[%dma_start3A_81] : memref<5120xi32, #tpu.memory_space<vmem>> -> memref<5120xi32, #tpu.memory_space<vmem>>
        %dma_start3A_83 = tpu.memref_slice %arg3[%mul3A_9] : memref<163840xi32, #tpu.memory_space<hbm>> -> memref<5120xi32, #tpu.memory_space<hbm>>
        %dma_start3A_84 = arith.constant 0 : i32
        %dma_start3A_85 = tpu.memref_slice %arg5[%dma_start3A_84] : memref<5120xi32, #tpu.memory_space<vmem>> -> memref<5120xi32, #tpu.memory_space<vmem>>
        %dma_start3A_86 = tpu.memref_slice %arg3[%mul3A_9] : memref<163840xi32, #tpu.memory_space<hbm>> -> memref<5120xi32, #tpu.memory_space<hbm>>
        tpu.enqueue_dma source(%dma_start3A_86 : memref<5120xi32, #tpu.memory_space<hbm>>) target(%dma_start3A_85 : memref<5120xi32, #tpu.memory_space<vmem>>) target_semaphore(%run_scoped3A : memref<!tpu.dma_semaphore, #tpu.memory_space<semaphore_mem>>)
        %dma_wait3A_87 = arith.constant 0 : i32
        %dma_wait3A_88 = tpu.memref_slice %arg5[%dma_wait3A_87] : memref<5120xi32, #tpu.memory_space<vmem>> -> memref<5120xi32, #tpu.memory_space<vmem>>
        %dma_wait3A_89 = tpu.memref_slice %arg3[%mul3A_9] : memref<163840xi32, #tpu.memory_space<hbm>> -> memref<5120xi32, #tpu.memory_space<hbm>>
        %dma_wait3A_90 = arith.constant 0 : i32
        %dma_wait3A_91 = tpu.memref_slice %arg5[%dma_wait3A_90] : memref<5120xi32, #tpu.memory_space<vmem>> -> memref<5120xi32, #tpu.memory_space<vmem>>
        %dma_wait3A_92 = tpu.memref_slice %arg3[%mul3A_9] : memref<163840xi32, #tpu.memory_space<hbm>> -> memref<5120xi32, #tpu.memory_space<hbm>>
        tpu.wait_dma2 semaphore(%run_scoped3A : memref<!tpu.dma_semaphore, #tpu.memory_space<semaphore_mem>>) src(%dma_wait3A_92 : memref<5120xi32, #tpu.memory_space<hbm>>) dst(%dma_wait3A_91 : memref<5120xi32, #tpu.memory_space<vmem>>)
        tpu.yield
      }) : () -> ()
      %dma_start3A = arith.constant 0 : i32
      %dma_start3A_10 = tpu.memref_slice %arg5[%dma_start3A] : memref<5120xi32, #tpu.memory_space<vmem>> -> memref<128xi32, #tpu.memory_space<vmem>>
      %dma_start3A_11 = arith.constant 0 : i32
      %dma_start3A_12 = arith.constant 0 : i32
      %dma_start3A_13 = tpu.memref_slice %arg2[%dma_start3A_11, %dma_start3A_12] : memref<10000x64xf32, #tpu.memory_space<hbm>> -> memref<10000x64xf32, #tpu.memory_space<hbm>>
      tpu.enqueue_indirect_dma source(%dma_start3A_13 : memref<10000x64xf32, #tpu.memory_space<hbm>>) target(%arg6 : memref<128x64xf32, #tpu.memory_space<vmem>>) offsets(%dma_start3A_10 : memref<128xi32, #tpu.memory_space<vmem>>) semaphore(%arg10 : memref<!tpu.dma_semaphore, #tpu.memory_space<semaphore_mem>>)
      %dma_start3A_14 = arith.constant 128 : i32
      %dma_start3A_15 = tpu.memref_slice %arg5[%dma_start3A_14] : memref<5120xi32, #tpu.memory_space<vmem>> -> memref<128xi32, #tpu.memory_space<vmem>>
      %dma_start3A_16 = arith.constant 0 : i32
      %dma_start3A_17 = arith.constant 0 : i32
      %dma_start3A_18 = tpu.memref_slice %arg2[%dma_start3A_16, %dma_start3A_17] : memref<10000x64xf32, #tpu.memory_space<hbm>> -> memref<10000x64xf32, #tpu.memory_space<hbm>>
      tpu.enqueue_indirect_dma source(%dma_start3A_18 : memref<10000x64xf32, #tpu.memory_space<hbm>>) target(%arg7 : memref<128x64xf32, #tpu.memory_space<vmem>>) offsets(%dma_start3A_15 : memref<128xi32, #tpu.memory_space<vmem>>) semaphore(%arg11 : memref<!tpu.dma_semaphore, #tpu.memory_space<semaphore_mem>>)
      %dma_start3A_19 = arith.constant 256 : i32
      %dma_start3A_20 = tpu.memref_slice %arg5[%dma_start3A_19] : memref<5120xi32, #tpu.memory_space<vmem>> -> memref<128xi32, #tpu.memory_space<vmem>>
      %dma_start3A_21 = arith.constant 0 : i32
      %dma_start3A_22 = arith.constant 0 : i32
      %dma_start3A_23 = tpu.memref_slice %arg2[%dma_start3A_21, %dma_start3A_22] : memref<10000x64xf32, #tpu.memory_space<hbm>> -> memref<10000x64xf32, #tpu.memory_space<hbm>>
      tpu.enqueue_indirect_dma source(%dma_start3A_23 : memref<10000x64xf32, #tpu.memory_space<hbm>>) target(%arg8 : memref<128x64xf32, #tpu.memory_space<vmem>>) offsets(%dma_start3A_20 : memref<128xi32, #tpu.memory_space<vmem>>) semaphore(%arg12 : memref<!tpu.dma_semaphore, #tpu.memory_space<semaphore_mem>>)
      %dma_start3A_24 = arith.constant 384 : i32
      %dma_start3A_25 = tpu.memref_slice %arg5[%dma_start3A_24] : memref<5120xi32, #tpu.memory_space<vmem>> -> memref<128xi32, #tpu.memory_space<vmem>>
      %dma_start3A_26 = arith.constant 0 : i32
      %dma_start3A_27 = arith.constant 0 : i32
      %dma_start3A_28 = tpu.memref_slice %arg2[%dma_start3A_26, %dma_start3A_27] : memref<10000x64xf32, #tpu.memory_space<hbm>> -> memref<10000x64xf32, #tpu.memory_space<hbm>>
      tpu.enqueue_indirect_dma source(%dma_start3A_28 : memref<10000x64xf32, #tpu.memory_space<hbm>>) target(%arg9 : memref<128x64xf32, #tpu.memory_space<vmem>>) offsets(%dma_start3A_25 : memref<128xi32, #tpu.memory_space<vmem>>) semaphore(%arg13 : memref<!tpu.dma_semaphore, #tpu.memory_space<semaphore_mem>>)
      %scan3A = arith.constant 0 : i32
      %scan3A_29 = arith.constant 0 : i32
      %scan3A_30 = arith.constant 10 : i32
      %scan3A_31 = arith.addi %scan3A_29, %scan3A_30 : i32
      %scan3A_32 = arith.constant 1 : i32
      %scan3A_33 = scf.for %scan3A_81 = %scan3A_29 to %scan3A_31 step %scan3A_32 iter_args(%scan3A_82 = %scan3A) -> (i32)  : i32 {
        %mul3A_83 = arith.constant 4 : i32
        %mul3A_84 = arith.muli %scan3A_81, %mul3A_83 : i32
        %dma_wait3A_85 = arith.constant 0 : i32
        %dma_wait3A_86 = tpu.memref_slice %arg5[%dma_wait3A_85] : memref<5120xi32, #tpu.memory_space<vmem>> -> memref<128xi32, #tpu.memory_space<vmem>>
        %dma_wait3A_87 = arith.constant 0 : i32
        %dma_wait3A_88 = arith.constant 0 : i32
        %dma_wait3A_89 = tpu.memref_slice %arg2[%dma_wait3A_87, %dma_wait3A_88] : memref<10000x64xf32, #tpu.memory_space<hbm>> -> memref<10000x64xf32, #tpu.memory_space<hbm>>
        tpu.wait_indirect_dma semaphore(%arg10 : memref<!tpu.dma_semaphore, #tpu.memory_space<semaphore_mem>>) src(%dma_wait3A_89 : memref<10000x64xf32, #tpu.memory_space<hbm>>) dst(%arg6 : memref<128x64xf32, #tpu.memory_space<vmem>>)
        %add3A_90 = arith.addi %mul3A_7, %mul3A_84 : i32
        %add3A_91 = arith.constant 0 : i32
        %add3A_92 = arith.addi %add3A_90, %add3A_91 : i32
        %dma_start3A_93 = arith.constant 0 : i32
        %dma_start3A_94 = arith.constant 0 : i32
        %dma_start3A_95 = tpu.memref_slice %arg4[%add3A_92, %dma_start3A_93, %dma_start3A_94] : memref<1280x128x64xf32, #tpu.memory_space<hbm>> -> memref<1x128x64xf32, #tpu.memory_space<hbm>>
        %dma_start3A_96 = tpu.memref_squeeze %dma_start3A_95 : memref<1x128x64xf32, #tpu.memory_space<hbm>> -> memref<128x64xf32, #tpu.memory_space<hbm>>
        %dma_start3A_97 = arith.constant 0 : i32
        %dma_start3A_98 = arith.constant 0 : i32
        %dma_start3A_99 = tpu.memref_slice %arg4[%add3A_92, %dma_start3A_97, %dma_start3A_98] : memref<1280x128x64xf32, #tpu.memory_space<hbm>> -> memref<1x128x64xf32, #tpu.memory_space<hbm>>
        %dma_start3A_100 = tpu.memref_squeeze %dma_start3A_99 : memref<1x128x64xf32, #tpu.memory_space<hbm>> -> memref<128x64xf32, #tpu.memory_space<hbm>>
        tpu.enqueue_dma source(%arg6 : memref<128x64xf32, #tpu.memory_space<vmem>>) target(%dma_start3A_100 : memref<128x64xf32, #tpu.memory_space<hbm>>) target_semaphore(%arg14 : memref<!tpu.dma_semaphore, #tpu.memory_space<semaphore_mem>>)
        %dma_wait3A_101 = arith.constant 0 : i32
        %dma_wait3A_102 = tpu.memref_slice %arg5[%dma_wait3A_101] : memref<5120xi32, #tpu.memory_space<vmem>> -> memref<128xi32, #tpu.memory_space<vmem>>
        %dma_wait3A_103 = arith.constant 0 : i32
        %dma_wait3A_104 = arith.constant 0 : i32
        %dma_wait3A_105 = tpu.memref_slice %arg2[%dma_wait3A_103, %dma_wait3A_104] : memref<10000x64xf32, #tpu.memory_space<hbm>> -> memref<10000x64xf32, #tpu.memory_space<hbm>>
        tpu.wait_indirect_dma semaphore(%arg11 : memref<!tpu.dma_semaphore, #tpu.memory_space<semaphore_mem>>) src(%dma_wait3A_105 : memref<10000x64xf32, #tpu.memory_space<hbm>>) dst(%arg7 : memref<128x64xf32, #tpu.memory_space<vmem>>)
        %add3A_106 = arith.addi %mul3A_7, %mul3A_84 : i32
        %add3A_107 = arith.constant 1 : i32
        %add3A_108 = arith.addi %add3A_106, %add3A_107 : i32
        %dma_start3A_109 = arith.constant 0 : i32
        %dma_start3A_110 = arith.constant 0 : i32
        %dma_start3A_111 = tpu.memref_slice %arg4[%add3A_108, %dma_start3A_109, %dma_start3A_110] : memref<1280x128x64xf32, #tpu.memory_space<hbm>> -> memref<1x128x64xf32, #tpu.memory_space<hbm>>
        %dma_start3A_112 = tpu.memref_squeeze %dma_start3A_111 : memref<1x128x64xf32, #tpu.memory_space<hbm>> -> memref<128x64xf32, #tpu.memory_space<hbm>>
        %dma_start3A_113 = arith.constant 0 : i32
        %dma_start3A_114 = arith.constant 0 : i32
        %dma_start3A_115 = tpu.memref_slice %arg4[%add3A_108, %dma_start3A_113, %dma_start3A_114] : memref<1280x128x64xf32, #tpu.memory_space<hbm>> -> memref<1x128x64xf32, #tpu.memory_space<hbm>>
        %dma_start3A_116 = tpu.memref_squeeze %dma_start3A_115 : memref<1x128x64xf32, #tpu.memory_space<hbm>> -> memref<128x64xf32, #tpu.memory_space<hbm>>
        tpu.enqueue_dma source(%arg7 : memref<128x64xf32, #tpu.memory_space<vmem>>) target(%dma_start3A_116 : memref<128x64xf32, #tpu.memory_space<hbm>>) target_semaphore(%arg15 : memref<!tpu.dma_semaphore, #tpu.memory_space<semaphore_mem>>)
        %dma_wait3A_117 = arith.constant 0 : i32
        %dma_wait3A_118 = tpu.memref_slice %arg5[%dma_wait3A_117] : memref<5120xi32, #tpu.memory_space<vmem>> -> memref<128xi32, #tpu.memory_space<vmem>>
        %dma_wait3A_119 = arith.constant 0 : i32
        %dma_wait3A_120 = arith.constant 0 : i32
        %dma_wait3A_121 = tpu.memref_slice %arg2[%dma_wait3A_119, %dma_wait3A_120] : memref<10000x64xf32, #tpu.memory_space<hbm>> -> memref<10000x64xf32, #tpu.memory_space<hbm>>
        tpu.wait_indirect_dma semaphore(%arg12 : memref<!tpu.dma_semaphore, #tpu.memory_space<semaphore_mem>>) src(%dma_wait3A_121 : memref<10000x64xf32, #tpu.memory_space<hbm>>) dst(%arg8 : memref<128x64xf32, #tpu.memory_space<vmem>>)
        %add3A_122 = arith.addi %mul3A_7, %mul3A_84 : i32
        %add3A_123 = arith.constant 2 : i32
        %add3A_124 = arith.addi %add3A_122, %add3A_123 : i32
        %dma_start3A_125 = arith.constant 0 : i32
        %dma_start3A_126 = arith.constant 0 : i32
        %dma_start3A_127 = tpu.memref_slice %arg4[%add3A_124, %dma_start3A_125, %dma_start3A_126] : memref<1280x128x64xf32, #tpu.memory_space<hbm>> -> memref<1x128x64xf32, #tpu.memory_space<hbm>>
        %dma_start3A_128 = tpu.memref_squeeze %dma_start3A_127 : memref<1x128x64xf32, #tpu.memory_space<hbm>> -> memref<128x64xf32, #tpu.memory_space<hbm>>
        %dma_start3A_129 = arith.constant 0 : i32
        %dma_start3A_130 = arith.constant 0 : i32
        %dma_start3A_131 = tpu.memref_slice %arg4[%add3A_124, %dma_start3A_129, %dma_start3A_130] : memref<1280x128x64xf32, #tpu.memory_space<hbm>> -> memref<1x128x64xf32, #tpu.memory_space<hbm>>
        %dma_start3A_132 = tpu.memref_squeeze %dma_start3A_131 : memref<1x128x64xf32, #tpu.memory_space<hbm>> -> memref<128x64xf32, #tpu.memory_space<hbm>>
        tpu.enqueue_dma source(%arg8 : memref<128x64xf32, #tpu.memory_space<vmem>>) target(%dma_start3A_132 : memref<128x64xf32, #tpu.memory_space<hbm>>) target_semaphore(%arg16 : memref<!tpu.dma_semaphore, #tpu.memory_space<semaphore_mem>>)
        %dma_wait3A_133 = arith.constant 0 : i32
        %dma_wait3A_134 = tpu.memref_slice %arg5[%dma_wait3A_133] : memref<5120xi32, #tpu.memory_space<vmem>> -> memref<128xi32, #tpu.memory_space<vmem>>
        %dma_wait3A_135 = arith.constant 0 : i32
        %dma_wait3A_136 = arith.constant 0 : i32
        %dma_wait3A_137 = tpu.memref_slice %arg2[%dma_wait3A_135, %dma_wait3A_136] : memref<10000x64xf32, #tpu.memory_space<hbm>> -> memref<10000x64xf32, #tpu.memory_space<hbm>>
        tpu.wait_indirect_dma semaphore(%arg13 : memref<!tpu.dma_semaphore, #tpu.memory_space<semaphore_mem>>) src(%dma_wait3A_137 : memref<10000x64xf32, #tpu.memory_space<hbm>>) dst(%arg9 : memref<128x64xf32, #tpu.memory_space<vmem>>)
        %add3A_138 = arith.addi %mul3A_7, %mul3A_84 : i32
        %add3A_139 = arith.constant 3 : i32
        %add3A_140 = arith.addi %add3A_138, %add3A_139 : i32
        %dma_start3A_141 = arith.constant 0 : i32
        %dma_start3A_142 = arith.constant 0 : i32
        %dma_start3A_143 = tpu.memref_slice %arg4[%add3A_140, %dma_start3A_141, %dma_start3A_142] : memref<1280x128x64xf32, #tpu.memory_space<hbm>> -> memref<1x128x64xf32, #tpu.memory_space<hbm>>
        %dma_start3A_144 = tpu.memref_squeeze %dma_start3A_143 : memref<1x128x64xf32, #tpu.memory_space<hbm>> -> memref<128x64xf32, #tpu.memory_space<hbm>>
        %dma_start3A_145 = arith.constant 0 : i32
        %dma_start3A_146 = arith.constant 0 : i32
        %dma_start3A_147 = tpu.memref_slice %arg4[%add3A_140, %dma_start3A_145, %dma_start3A_146] : memref<1280x128x64xf32, #tpu.memory_space<hbm>> -> memref<1x128x64xf32, #tpu.memory_space<hbm>>
        %dma_start3A_148 = tpu.memref_squeeze %dma_start3A_147 : memref<1x128x64xf32, #tpu.memory_space<hbm>> -> memref<128x64xf32, #tpu.memory_space<hbm>>
        tpu.enqueue_dma source(%arg9 : memref<128x64xf32, #tpu.memory_space<vmem>>) target(%dma_start3A_148 : memref<128x64xf32, #tpu.memory_space<hbm>>) target_semaphore(%arg17 : memref<!tpu.dma_semaphore, #tpu.memory_space<semaphore_mem>>)
        %lt3A = arith.constant 9 : i32
        %lt3A_149 = arith.cmpi slt, %scan3A_81, %lt3A : i32
        %convert_element_type3A_150 = arith.extui %lt3A_149 : i1 to i32
        %cond3A_151 = arith.constant 0 : i32
        %cond3A_152 = arith.cmpi ne, %convert_element_type3A_150, %cond3A_151 : i32
        scf.if %cond3A_152 {
          %add3A_169 = arith.addi %mul3A_7, %mul3A_84 : i32
          %add3A_170 = arith.constant 0 : i32
          %add3A_171 = arith.addi %add3A_169, %add3A_170 : i32
          %dma_wait3A_172 = arith.constant 0 : i32
          %dma_wait3A_173 = arith.constant 0 : i32
          %dma_wait3A_174 = tpu.memref_slice %arg4[%add3A_171, %dma_wait3A_172, %dma_wait3A_173] : memref<1280x128x64xf32, #tpu.memory_space<hbm>> -> memref<1x128x64xf32, #tpu.memory_space<hbm>>
          %dma_wait3A_175 = tpu.memref_squeeze %dma_wait3A_174 : memref<1x128x64xf32, #tpu.memory_space<hbm>> -> memref<128x64xf32, #tpu.memory_space<hbm>>
          %dma_wait3A_176 = arith.constant 0 : i32
          %dma_wait3A_177 = arith.constant 0 : i32
          %dma_wait3A_178 = tpu.memref_slice %arg4[%add3A_171, %dma_wait3A_176, %dma_wait3A_177] : memref<1280x128x64xf32, #tpu.memory_space<hbm>> -> memref<1x128x64xf32, #tpu.memory_space<hbm>>
          %dma_wait3A_179 = tpu.memref_squeeze %dma_wait3A_178 : memref<1x128x64xf32, #tpu.memory_space<hbm>> -> memref<128x64xf32, #tpu.memory_space<hbm>>
          tpu.wait_dma2 semaphore(%arg14 : memref<!tpu.dma_semaphore, #tpu.memory_space<semaphore_mem>>) src(%arg6 : memref<128x64xf32, #tpu.memory_space<vmem>>) dst(%dma_wait3A_179 : memref<128x64xf32, #tpu.memory_space<hbm>>)
          %add3A_180 = arith.constant 4 : i32
          %add3A_181 = arith.addi %mul3A_84, %add3A_180 : i32
          %add3A_182 = arith.constant 0 : i32
          %add3A_183 = arith.addi %add3A_181, %add3A_182 : i32
          %mul3A_184 = arith.constant 128 : i32
          %mul3A_185 = arith.muli %add3A_183, %mul3A_184 : i32
          %dma_start3A_186 = tpu.memref_slice %arg5[%mul3A_185] : memref<5120xi32, #tpu.memory_space<vmem>> -> memref<128xi32, #tpu.memory_space<vmem>>
          %dma_start3A_187 = arith.constant 0 : i32
          %dma_start3A_188 = arith.constant 0 : i32
          %dma_start3A_189 = tpu.memref_slice %arg2[%dma_start3A_187, %dma_start3A_188] : memref<10000x64xf32, #tpu.memory_space<hbm>> -> memref<10000x64xf32, #tpu.memory_space<hbm>>
          tpu.enqueue_indirect_dma source(%dma_start3A_189 : memref<10000x64xf32, #tpu.memory_space<hbm>>) target(%arg6 : memref<128x64xf32, #tpu.memory_space<vmem>>) offsets(%dma_start3A_186 : memref<128xi32, #tpu.memory_space<vmem>>) semaphore(%arg10 : memref<!tpu.dma_semaphore, #tpu.memory_space<semaphore_mem>>)
        } else {
        }
        %lt3A_153 = arith.constant 9 : i32
        %lt3A_154 = arith.cmpi slt, %scan3A_81, %lt3A_153 : i32
        %convert_element_type3A_155 = arith.extui %lt3A_154 : i1 to i32
        %cond3A_156 = arith.constant 0 : i32
        %cond3A_157 = arith.cmpi ne, %convert_element_type3A_155, %cond3A_156 : i32
        scf.if %cond3A_157 {
          %add3A_169 = arith.addi %mul3A_7, %mul3A_84 : i32
          %add3A_170 = arith.constant 1 : i32
          %add3A_171 = arith.addi %add3A_169, %add3A_170 : i32
          %dma_wait3A_172 = arith.constant 0 : i32
          %dma_wait3A_173 = arith.constant 0 : i32
          %dma_wait3A_174 = tpu.memref_slice %arg4[%add3A_171, %dma_wait3A_172, %dma_wait3A_173] : memref<1280x128x64xf32, #tpu.memory_space<hbm>> -> memref<1x128x64xf32, #tpu.memory_space<hbm>>
          %dma_wait3A_175 = tpu.memref_squeeze %dma_wait3A_174 : memref<1x128x64xf32, #tpu.memory_space<hbm>> -> memref<128x64xf32, #tpu.memory_space<hbm>>
          %dma_wait3A_176 = arith.constant 0 : i32
          %dma_wait3A_177 = arith.constant 0 : i32
          %dma_wait3A_178 = tpu.memref_slice %arg4[%add3A_171, %dma_wait3A_176, %dma_wait3A_177] : memref<1280x128x64xf32, #tpu.memory_space<hbm>> -> memref<1x128x64xf32, #tpu.memory_space<hbm>>
          %dma_wait3A_179 = tpu.memref_squeeze %dma_wait3A_178 : memref<1x128x64xf32, #tpu.memory_space<hbm>> -> memref<128x64xf32, #tpu.memory_space<hbm>>
          tpu.wait_dma2 semaphore(%arg15 : memref<!tpu.dma_semaphore, #tpu.memory_space<semaphore_mem>>) src(%arg7 : memref<128x64xf32, #tpu.memory_space<vmem>>) dst(%dma_wait3A_179 : memref<128x64xf32, #tpu.memory_space<hbm>>)
          %add3A_180 = arith.constant 4 : i32
          %add3A_181 = arith.addi %mul3A_84, %add3A_180 : i32
          %add3A_182 = arith.constant 1 : i32
          %add3A_183 = arith.addi %add3A_181, %add3A_182 : i32
          %mul3A_184 = arith.constant 128 : i32
          %mul3A_185 = arith.muli %add3A_183, %mul3A_184 : i32
          %dma_start3A_186 = tpu.memref_slice %arg5[%mul3A_185] : memref<5120xi32, #tpu.memory_space<vmem>> -> memref<128xi32, #tpu.memory_space<vmem>>
          %dma_start3A_187 = arith.constant 0 : i32
          %dma_start3A_188 = arith.constant 0 : i32
          %dma_start3A_189 = tpu.memref_slice %arg2[%dma_start3A_187, %dma_start3A_188] : memref<10000x64xf32, #tpu.memory_space<hbm>> -> memref<10000x64xf32, #tpu.memory_space<hbm>>
          tpu.enqueue_indirect_dma source(%dma_start3A_189 : memref<10000x64xf32, #tpu.memory_space<hbm>>) target(%arg7 : memref<128x64xf32, #tpu.memory_space<vmem>>) offsets(%dma_start3A_186 : memref<128xi32, #tpu.memory_space<vmem>>) semaphore(%arg11 : memref<!tpu.dma_semaphore, #tpu.memory_space<semaphore_mem>>)
        } else {
        }
        %lt3A_158 = arith.constant 9 : i32
        %lt3A_159 = arith.cmpi slt, %scan3A_81, %lt3A_158 : i32
        %convert_element_type3A_160 = arith.extui %lt3A_159 : i1 to i32
        %cond3A_161 = arith.constant 0 : i32
        %cond3A_162 = arith.cmpi ne, %convert_element_type3A_160, %cond3A_161 : i32
        scf.if %cond3A_162 {
          %add3A_169 = arith.addi %mul3A_7, %mul3A_84 : i32
          %add3A_170 = arith.constant 2 : i32
          %add3A_171 = arith.addi %add3A_169, %add3A_170 : i32
          %dma_wait3A_172 = arith.constant 0 : i32
          %dma_wait3A_173 = arith.constant 0 : i32
          %dma_wait3A_174 = tpu.memref_slice %arg4[%add3A_171, %dma_wait3A_172, %dma_wait3A_173] : memref<1280x128x64xf32, #tpu.memory_space<hbm>> -> memref<1x128x64xf32, #tpu.memory_space<hbm>>
          %dma_wait3A_175 = tpu.memref_squeeze %dma_wait3A_174 : memref<1x128x64xf32, #tpu.memory_space<hbm>> -> memref<128x64xf32, #tpu.memory_space<hbm>>
          %dma_wait3A_176 = arith.constant 0 : i32
          %dma_wait3A_177 = arith.constant 0 : i32
          %dma_wait3A_178 = tpu.memref_slice %arg4[%add3A_171, %dma_wait3A_176, %dma_wait3A_177] : memref<1280x128x64xf32, #tpu.memory_space<hbm>> -> memref<1x128x64xf32, #tpu.memory_space<hbm>>
          %dma_wait3A_179 = tpu.memref_squeeze %dma_wait3A_178 : memref<1x128x64xf32, #tpu.memory_space<hbm>> -> memref<128x64xf32, #tpu.memory_space<hbm>>
          tpu.wait_dma2 semaphore(%arg16 : memref<!tpu.dma_semaphore, #tpu.memory_space<semaphore_mem>>) src(%arg8 : memref<128x64xf32, #tpu.memory_space<vmem>>) dst(%dma_wait3A_179 : memref<128x64xf32, #tpu.memory_space<hbm>>)
          %add3A_180 = arith.constant 4 : i32
          %add3A_181 = arith.addi %mul3A_84, %add3A_180 : i32
          %add3A_182 = arith.constant 2 : i32
          %add3A_183 = arith.addi %add3A_181, %add3A_182 : i32
          %mul3A_184 = arith.constant 128 : i32
          %mul3A_185 = arith.muli %add3A_183, %mul3A_184 : i32
          %dma_start3A_186 = tpu.memref_slice %arg5[%mul3A_185] : memref<5120xi32, #tpu.memory_space<vmem>> -> memref<128xi32, #tpu.memory_space<vmem>>
          %dma_start3A_187 = arith.constant 0 : i32
          %dma_start3A_188 = arith.constant 0 : i32
          %dma_start3A_189 = tpu.memref_slice %arg2[%dma_start3A_187, %dma_start3A_188] : memref<10000x64xf32, #tpu.memory_space<hbm>> -> memref<10000x64xf32, #tpu.memory_space<hbm>>
          tpu.enqueue_indirect_dma source(%dma_start3A_189 : memref<10000x64xf32, #tpu.memory_space<hbm>>) target(%arg8 : memref<128x64xf32, #tpu.memory_space<vmem>>) offsets(%dma_start3A_186 : memref<128xi32, #tpu.memory_space<vmem>>) semaphore(%arg12 : memref<!tpu.dma_semaphore, #tpu.memory_space<semaphore_mem>>)
        } else {
        }
        %lt3A_163 = arith.constant 9 : i32
        %lt3A_164 = arith.cmpi slt, %scan3A_81, %lt3A_163 : i32
        %convert_element_type3A_165 = arith.extui %lt3A_164 : i1 to i32
        %cond3A_166 = arith.constant 0 : i32
        %cond3A_167 = arith.cmpi ne, %convert_element_type3A_165, %cond3A_166 : i32
        scf.if %cond3A_167 {
          %add3A_169 = arith.addi %mul3A_7, %mul3A_84 : i32
          %add3A_170 = arith.constant 3 : i32
          %add3A_171 = arith.addi %add3A_169, %add3A_170 : i32
          %dma_wait3A_172 = arith.constant 0 : i32
          %dma_wait3A_173 = arith.constant 0 : i32
          %dma_wait3A_174 = tpu.memref_slice %arg4[%add3A_171, %dma_wait3A_172, %dma_wait3A_173] : memref<1280x128x64xf32, #tpu.memory_space<hbm>> -> memref<1x128x64xf32, #tpu.memory_space<hbm>>
          %dma_wait3A_175 = tpu.memref_squeeze %dma_wait3A_174 : memref<1x128x64xf32, #tpu.memory_space<hbm>> -> memref<128x64xf32, #tpu.memory_space<hbm>>
          %dma_wait3A_176 = arith.constant 0 : i32
          %dma_wait3A_177 = arith.constant 0 : i32
          %dma_wait3A_178 = tpu.memref_slice %arg4[%add3A_171, %dma_wait3A_176, %dma_wait3A_177] : memref<1280x128x64xf32, #tpu.memory_space<hbm>> -> memref<1x128x64xf32, #tpu.memory_space<hbm>>
          %dma_wait3A_179 = tpu.memref_squeeze %dma_wait3A_178 : memref<1x128x64xf32, #tpu.memory_space<hbm>> -> memref<128x64xf32, #tpu.memory_space<hbm>>
          tpu.wait_dma2 semaphore(%arg17 : memref<!tpu.dma_semaphore, #tpu.memory_space<semaphore_mem>>) src(%arg9 : memref<128x64xf32, #tpu.memory_space<vmem>>) dst(%dma_wait3A_179 : memref<128x64xf32, #tpu.memory_space<hbm>>)
          %add3A_180 = arith.constant 4 : i32
          %add3A_181 = arith.addi %mul3A_84, %add3A_180 : i32
          %add3A_182 = arith.constant 3 : i32
          %add3A_183 = arith.addi %add3A_181, %add3A_182 : i32
          %mul3A_184 = arith.constant 128 : i32
          %mul3A_185 = arith.muli %add3A_183, %mul3A_184 : i32
          %dma_start3A_186 = tpu.memref_slice %arg5[%mul3A_185] : memref<5120xi32, #tpu.memory_space<vmem>> -> memref<128xi32, #tpu.memory_space<vmem>>
          %dma_start3A_187 = arith.constant 0 : i32
          %dma_start3A_188 = arith.constant 0 : i32
          %dma_start3A_189 = tpu.memref_slice %arg2[%dma_start3A_187, %dma_start3A_188] : memref<10000x64xf32, #tpu.memory_space<hbm>> -> memref<10000x64xf32, #tpu.memory_space<hbm>>
          tpu.enqueue_indirect_dma source(%dma_start3A_189 : memref<10000x64xf32, #tpu.memory_space<hbm>>) target(%arg9 : memref<128x64xf32, #tpu.memory_space<vmem>>) offsets(%dma_start3A_186 : memref<128xi32, #tpu.memory_space<vmem>>) semaphore(%arg13 : memref<!tpu.dma_semaphore, #tpu.memory_space<semaphore_mem>>)
        } else {
        }
        %scan3A_168 = arith.constant 0 : i32
        scf.yield %scan3A_168 : i32
      }
      %scan3A_34 = arith.constant 10 : i32
      %add3A = arith.constant 36 : i32
      %add3A_35 = arith.addi %mul3A_7, %add3A : i32
      %add3A_36 = arith.constant 0 : i32
      %add3A_37 = arith.addi %add3A_35, %add3A_36 : i32
      %dma_wait3A = arith.constant 0 : i32
      %dma_wait3A_38 = arith.constant 0 : i32
      %dma_wait3A_39 = tpu.memref_slice %arg4[%add3A_37, %dma_wait3A, %dma_wait3A_38] : memref<1280x128x64xf32, #tpu.memory_space<hbm>> -> memref<1x128x64xf32, #tpu.memory_space<hbm>>
      %dma_wait3A_40 = tpu.memref_squeeze %dma_wait3A_39 : memref<1x128x64xf32, #tpu.memory_space<hbm>> -> memref<128x64xf32, #tpu.memory_space<hbm>>
      %dma_wait3A_41 = arith.constant 0 : i32
      %dma_wait3A_42 = arith.constant 0 : i32
      %dma_wait3A_43 = tpu.memref_slice %arg4[%add3A_37, %dma_wait3A_41, %dma_wait3A_42] : memref<1280x128x64xf32, #tpu.memory_space<hbm>> -> memref<1x128x64xf32, #tpu.memory_space<hbm>>
      %dma_wait3A_44 = tpu.memref_squeeze %dma_wait3A_43 : memref<1x128x64xf32, #tpu.memory_space<hbm>> -> memref<128x64xf32, #tpu.memory_space<hbm>>
      tpu.wait_dma2 semaphore(%arg14 : memref<!tpu.dma_semaphore, #tpu.memory_space<semaphore_mem>>) src(%arg6 : memref<128x64xf32, #tpu.memory_space<vmem>>) dst(%dma_wait3A_44 : memref<128x64xf32, #tpu.memory_space<hbm>>)
      %add3A_45 = arith.constant 36 : i32
      %add3A_46 = arith.addi %mul3A_7, %add3A_45 : i32
      %add3A_47 = arith.constant 1 : i32
      %add3A_48 = arith.addi %add3A_46, %add3A_47 : i32
      %dma_wait3A_49 = arith.constant 0 : i32
      %dma_wait3A_50 = arith.constant 0 : i32
      %dma_wait3A_51 = tpu.memref_slice %arg4[%add3A_48, %dma_wait3A_49, %dma_wait3A_50] : memref<1280x128x64xf32, #tpu.memory_space<hbm>> -> memref<1x128x64xf32, #tpu.memory_space<hbm>>
      %dma_wait3A_52 = tpu.memref_squeeze %dma_wait3A_51 : memref<1x128x64xf32, #tpu.memory_space<hbm>> -> memref<128x64xf32, #tpu.memory_space<hbm>>
      %dma_wait3A_53 = arith.constant 0 : i32
      %dma_wait3A_54 = arith.constant 0 : i32
      %dma_wait3A_55 = tpu.memref_slice %arg4[%add3A_48, %dma_wait3A_53, %dma_wait3A_54] : memref<1280x128x64xf32, #tpu.memory_space<hbm>> -> memref<1x128x64xf32, #tpu.memory_space<hbm>>
      %dma_wait3A_56 = tpu.memref_squeeze %dma_wait3A_55 : memref<1x128x64xf32, #tpu.memory_space<hbm>> -> memref<128x64xf32, #tpu.memory_space<hbm>>
      tpu.wait_dma2 semaphore(%arg15 : memref<!tpu.dma_semaphore, #tpu.memory_space<semaphore_mem>>) src(%arg7 : memref<128x64xf32, #tpu.memory_space<vmem>>) dst(%dma_wait3A_56 : memref<128x64xf32, #tpu.memory_space<hbm>>)
      %add3A_57 = arith.constant 36 : i32
      %add3A_58 = arith.addi %mul3A_7, %add3A_57 : i32
      %add3A_59 = arith.constant 2 : i32
      %add3A_60 = arith.addi %add3A_58, %add3A_59 : i32
      %dma_wait3A_61 = arith.constant 0 : i32
      %dma_wait3A_62 = arith.constant 0 : i32
      %dma_wait3A_63 = tpu.memref_slice %arg4[%add3A_60, %dma_wait3A_61, %dma_wait3A_62] : memref<1280x128x64xf32, #tpu.memory_space<hbm>> -> memref<1x128x64xf32, #tpu.memory_space<hbm>>
      %dma_wait3A_64 = tpu.memref_squeeze %dma_wait3A_63 : memref<1x128x64xf32, #tpu.memory_space<hbm>> -> memref<128x64xf32, #tpu.memory_space<hbm>>
      %dma_wait3A_65 = arith.constant 0 : i32
      %dma_wait3A_66 = arith.constant 0 : i32
      %dma_wait3A_67 = tpu.memref_slice %arg4[%add3A_60, %dma_wait3A_65, %dma_wait3A_66] : memref<1280x128x64xf32, #tpu.memory_space<hbm>> -> memref<1x128x64xf32, #tpu.memory_space<hbm>>
      %dma_wait3A_68 = tpu.memref_squeeze %dma_wait3A_67 : memref<1x128x64xf32, #tpu.memory_space<hbm>> -> memref<128x64xf32, #tpu.memory_space<hbm>>
      tpu.wait_dma2 semaphore(%arg16 : memref<!tpu.dma_semaphore, #tpu.memory_space<semaphore_mem>>) src(%arg8 : memref<128x64xf32, #tpu.memory_space<vmem>>) dst(%dma_wait3A_68 : memref<128x64xf32, #tpu.memory_space<hbm>>)
      %add3A_69 = arith.constant 36 : i32
      %add3A_70 = arith.addi %mul3A_7, %add3A_69 : i32
      %add3A_71 = arith.constant 3 : i32
      %add3A_72 = arith.addi %add3A_70, %add3A_71 : i32
      %dma_wait3A_73 = arith.constant 0 : i32
      %dma_wait3A_74 = arith.constant 0 : i32
      %dma_wait3A_75 = tpu.memref_slice %arg4[%add3A_72, %dma_wait3A_73, %dma_wait3A_74] : memref<1280x128x64xf32, #tpu.memory_space<hbm>> -> memref<1x128x64xf32, #tpu.memory_space<hbm>>
      %dma_wait3A_76 = tpu.memref_squeeze %dma_wait3A_75 : memref<1x128x64xf32, #tpu.memory_space<hbm>> -> memref<128x64xf32, #tpu.memory_space<hbm>>
      %dma_wait3A_77 = arith.constant 0 : i32
      %dma_wait3A_78 = arith.constant 0 : i32
      %dma_wait3A_79 = tpu.memref_slice %arg4[%add3A_72, %dma_wait3A_77, %dma_wait3A_78] : memref<1280x128x64xf32, #tpu.memory_space<hbm>> -> memref<1x128x64xf32, #tpu.memory_space<hbm>>
      %dma_wait3A_80 = tpu.memref_squeeze %dma_wait3A_79 : memref<1x128x64xf32, #tpu.memory_space<hbm>> -> memref<128x64xf32, #tpu.memory_space<hbm>>
      tpu.wait_dma2 semaphore(%arg17 : memref<!tpu.dma_semaphore, #tpu.memory_space<semaphore_mem>>) src(%arg9 : memref<128x64xf32, #tpu.memory_space<vmem>>) dst(%dma_wait3A_80 : memref<128x64xf32, #tpu.memory_space<hbm>>)
    } else {
    }
    %eq3A_2 = arith.constant 1 : i32
    %eq3A_3 = arith.cmpi eq, %arg0, %eq3A_2 : i32
    %convert_element_type3A_4 = arith.extui %eq3A_3 : i1 to i32
    %cond3A_5 = arith.constant 0 : i32
    %cond3A_6 = arith.cmpi ne, %convert_element_type3A_4, %cond3A_5 : i32
    scf.if %cond3A_6 {
      %mul3A = arith.constant 40 : i32
      %mul3A_7 = arith.muli %arg1, %mul3A : i32
      %add3A = arith.constant 640 : i32
      %add3A_8 = arith.addi %add3A, %mul3A_7 : i32
      %mul3A_9 = arith.constant 128 : i32
      %mul3A_10 = arith.muli %add3A_8, %mul3A_9 : i32
      "tpu.region"() ({
        %run_scoped3A = tpu.sem_alloc : memref<!tpu.dma_semaphore, #tpu.memory_space<semaphore_mem>>
        %dma_start3A_83 = arith.constant 0 : i32
        %dma_start3A_84 = tpu.memref_slice %arg5[%dma_start3A_83] : memref<5120xi32, #tpu.memory_space<vmem>> -> memref<5120xi32, #tpu.memory_space<vmem>>
        %dma_start3A_85 = tpu.memref_slice %arg3[%mul3A_10] : memref<163840xi32, #tpu.memory_space<hbm>> -> memref<5120xi32, #tpu.memory_space<hbm>>
        %dma_start3A_86 = arith.constant 0 : i32
        %dma_start3A_87 = tpu.memref_slice %arg5[%dma_start3A_86] : memref<5120xi32, #tpu.memory_space<vmem>> -> memref<5120xi32, #tpu.memory_space<vmem>>
        %dma_start3A_88 = tpu.memref_slice %arg3[%mul3A_10] : memref<163840xi32, #tpu.memory_space<hbm>> -> memref<5120xi32, #tpu.memory_space<hbm>>
        tpu.enqueue_dma source(%dma_start3A_88 : memref<5120xi32, #tpu.memory_space<hbm>>) target(%dma_start3A_87 : memref<5120xi32, #tpu.memory_space<vmem>>) target_semaphore(%run_scoped3A : memref<!tpu.dma_semaphore, #tpu.memory_space<semaphore_mem>>)
        %dma_wait3A_89 = arith.constant 0 : i32
        %dma_wait3A_90 = tpu.memref_slice %arg5[%dma_wait3A_89] : memref<5120xi32, #tpu.memory_space<vmem>> -> memref<5120xi32, #tpu.memory_space<vmem>>
        %dma_wait3A_91 = tpu.memref_slice %arg3[%mul3A_10] : memref<163840xi32, #tpu.memory_space<hbm>> -> memref<5120xi32, #tpu.memory_space<hbm>>
        %dma_wait3A_92 = arith.constant 0 : i32
        %dma_wait3A_93 = tpu.memref_slice %arg5[%dma_wait3A_92] : memref<5120xi32, #tpu.memory_space<vmem>> -> memref<5120xi32, #tpu.memory_space<vmem>>
        %dma_wait3A_94 = tpu.memref_slice %arg3[%mul3A_10] : memref<163840xi32, #tpu.memory_space<hbm>> -> memref<5120xi32, #tpu.memory_space<hbm>>
        tpu.wait_dma2 semaphore(%run_scoped3A : memref<!tpu.dma_semaphore, #tpu.memory_space<semaphore_mem>>) src(%dma_wait3A_94 : memref<5120xi32, #tpu.memory_space<hbm>>) dst(%dma_wait3A_93 : memref<5120xi32, #tpu.memory_space<vmem>>)
        tpu.yield
      }) : () -> ()
      %dma_start3A = arith.constant 0 : i32
      %dma_start3A_11 = tpu.memref_slice %arg5[%dma_start3A] : memref<5120xi32, #tpu.memory_space<vmem>> -> memref<128xi32, #tpu.memory_space<vmem>>
      %dma_start3A_12 = arith.constant 0 : i32
      %dma_start3A_13 = arith.constant 0 : i32
      %dma_start3A_14 = tpu.memref_slice %arg2[%dma_start3A_12, %dma_start3A_13] : memref<10000x64xf32, #tpu.memory_space<hbm>> -> memref<10000x64xf32, #tpu.memory_space<hbm>>
      tpu.enqueue_indirect_dma source(%dma_start3A_14 : memref<10000x64xf32, #tpu.memory_space<hbm>>) target(%arg6 : memref<128x64xf32, #tpu.memory_space<vmem>>) offsets(%dma_start3A_11 : memref<128xi32, #tpu.memory_space<vmem>>) semaphore(%arg10 : memref<!tpu.dma_semaphore, #tpu.memory_space<semaphore_mem>>)
      %dma_start3A_15 = arith.constant 128 : i32
      %dma_start3A_16 = tpu.memref_slice %arg5[%dma_start3A_15] : memref<5120xi32, #tpu.memory_space<vmem>> -> memref<128xi32, #tpu.memory_space<vmem>>
      %dma_start3A_17 = arith.constant 0 : i32
      %dma_start3A_18 = arith.constant 0 : i32
      %dma_start3A_19 = tpu.memref_slice %arg2[%dma_start3A_17, %dma_start3A_18] : memref<10000x64xf32, #tpu.memory_space<hbm>> -> memref<10000x64xf32, #tpu.memory_space<hbm>>
      tpu.enqueue_indirect_dma source(%dma_start3A_19 : memref<10000x64xf32, #tpu.memory_space<hbm>>) target(%arg7 : memref<128x64xf32, #tpu.memory_space<vmem>>) offsets(%dma_start3A_16 : memref<128xi32, #tpu.memory_space<vmem>>) semaphore(%arg11 : memref<!tpu.dma_semaphore, #tpu.memory_space<semaphore_mem>>)
      %dma_start3A_20 = arith.constant 256 : i32
      %dma_start3A_21 = tpu.memref_slice %arg5[%dma_start3A_20] : memref<5120xi32, #tpu.memory_space<vmem>> -> memref<128xi32, #tpu.memory_space<vmem>>
      %dma_start3A_22 = arith.constant 0 : i32
      %dma_start3A_23 = arith.constant 0 : i32
      %dma_start3A_24 = tpu.memref_slice %arg2[%dma_start3A_22, %dma_start3A_23] : memref<10000x64xf32, #tpu.memory_space<hbm>> -> memref<10000x64xf32, #tpu.memory_space<hbm>>
      tpu.enqueue_indirect_dma source(%dma_start3A_24 : memref<10000x64xf32, #tpu.memory_space<hbm>>) target(%arg8 : memref<128x64xf32, #tpu.memory_space<vmem>>) offsets(%dma_start3A_21 : memref<128xi32, #tpu.memory_space<vmem>>) semaphore(%arg12 : memref<!tpu.dma_semaphore, #tpu.memory_space<semaphore_mem>>)
      %dma_start3A_25 = arith.constant 384 : i32
      %dma_start3A_26 = tpu.memref_slice %arg5[%dma_start3A_25] : memref<5120xi32, #tpu.memory_space<vmem>> -> memref<128xi32, #tpu.memory_space<vmem>>
      %dma_start3A_27 = arith.constant 0 : i32
      %dma_start3A_28 = arith.constant 0 : i32
      %dma_start3A_29 = tpu.memref_slice %arg2[%dma_start3A_27, %dma_start3A_28] : memref<10000x64xf32, #tpu.memory_space<hbm>> -> memref<10000x64xf32, #tpu.memory_space<hbm>>
      tpu.enqueue_indirect_dma source(%dma_start3A_29 : memref<10000x64xf32, #tpu.memory_space<hbm>>) target(%arg9 : memref<128x64xf32, #tpu.memory_space<vmem>>) offsets(%dma_start3A_26 : memref<128xi32, #tpu.memory_space<vmem>>) semaphore(%arg13 : memref<!tpu.dma_semaphore, #tpu.memory_space<semaphore_mem>>)
      %scan3A = arith.constant 0 : i32
      %scan3A_30 = arith.constant 0 : i32
      %scan3A_31 = arith.constant 10 : i32
      %scan3A_32 = arith.addi %scan3A_30, %scan3A_31 : i32
      %scan3A_33 = arith.constant 1 : i32
      %scan3A_34 = scf.for %scan3A_83 = %scan3A_30 to %scan3A_32 step %scan3A_33 iter_args(%scan3A_84 = %scan3A) -> (i32)  : i32 {
        %mul3A_85 = arith.constant 4 : i32
        %mul3A_86 = arith.muli %scan3A_83, %mul3A_85 : i32
        %dma_wait3A_87 = arith.constant 0 : i32
        %dma_wait3A_88 = tpu.memref_slice %arg5[%dma_wait3A_87] : memref<5120xi32, #tpu.memory_space<vmem>> -> memref<128xi32, #tpu.memory_space<vmem>>
        %dma_wait3A_89 = arith.constant 0 : i32
        %dma_wait3A_90 = arith.constant 0 : i32
        %dma_wait3A_91 = tpu.memref_slice %arg2[%dma_wait3A_89, %dma_wait3A_90] : memref<10000x64xf32, #tpu.memory_space<hbm>> -> memref<10000x64xf32, #tpu.memory_space<hbm>>
        tpu.wait_indirect_dma semaphore(%arg10 : memref<!tpu.dma_semaphore, #tpu.memory_space<semaphore_mem>>) src(%dma_wait3A_91 : memref<10000x64xf32, #tpu.memory_space<hbm>>) dst(%arg6 : memref<128x64xf32, #tpu.memory_space<vmem>>)
        %add3A_92 = arith.addi %add3A_8, %mul3A_86 : i32
        %add3A_93 = arith.constant 0 : i32
        %add3A_94 = arith.addi %add3A_92, %add3A_93 : i32
        %dma_start3A_95 = arith.constant 0 : i32
        %dma_start3A_96 = arith.constant 0 : i32
        %dma_start3A_97 = tpu.memref_slice %arg4[%add3A_94, %dma_start3A_95, %dma_start3A_96] : memref<1280x128x64xf32, #tpu.memory_space<hbm>> -> memref<1x128x64xf32, #tpu.memory_space<hbm>>
        %dma_start3A_98 = tpu.memref_squeeze %dma_start3A_97 : memref<1x128x64xf32, #tpu.memory_space<hbm>> -> memref<128x64xf32, #tpu.memory_space<hbm>>
        %dma_start3A_99 = arith.constant 0 : i32
        %dma_start3A_100 = arith.constant 0 : i32
        %dma_start3A_101 = tpu.memref_slice %arg4[%add3A_94, %dma_start3A_99, %dma_start3A_100] : memref<1280x128x64xf32, #tpu.memory_space<hbm>> -> memref<1x128x64xf32, #tpu.memory_space<hbm>>
        %dma_start3A_102 = tpu.memref_squeeze %dma_start3A_101 : memref<1x128x64xf32, #tpu.memory_space<hbm>> -> memref<128x64xf32, #tpu.memory_space<hbm>>
        tpu.enqueue_dma source(%arg6 : memref<128x64xf32, #tpu.memory_space<vmem>>) target(%dma_start3A_102 : memref<128x64xf32, #tpu.memory_space<hbm>>) target_semaphore(%arg14 : memref<!tpu.dma_semaphore, #tpu.memory_space<semaphore_mem>>)
        %dma_wait3A_103 = arith.constant 0 : i32
        %dma_wait3A_104 = tpu.memref_slice %arg5[%dma_wait3A_103] : memref<5120xi32, #tpu.memory_space<vmem>> -> memref<128xi32, #tpu.memory_space<vmem>>
        %dma_wait3A_105 = arith.constant 0 : i32
        %dma_wait3A_106 = arith.constant 0 : i32
        %dma_wait3A_107 = tpu.memref_slice %arg2[%dma_wait3A_105, %dma_wait3A_106] : memref<10000x64xf32, #tpu.memory_space<hbm>> -> memref<10000x64xf32, #tpu.memory_space<hbm>>
        tpu.wait_indirect_dma semaphore(%arg11 : memref<!tpu.dma_semaphore, #tpu.memory_space<semaphore_mem>>) src(%dma_wait3A_107 : memref<10000x64xf32, #tpu.memory_space<hbm>>) dst(%arg7 : memref<128x64xf32, #tpu.memory_space<vmem>>)
        %add3A_108 = arith.addi %add3A_8, %mul3A_86 : i32
        %add3A_109 = arith.constant 1 : i32
        %add3A_110 = arith.addi %add3A_108, %add3A_109 : i32
        %dma_start3A_111 = arith.constant 0 : i32
        %dma_start3A_112 = arith.constant 0 : i32
        %dma_start3A_113 = tpu.memref_slice %arg4[%add3A_110, %dma_start3A_111, %dma_start3A_112] : memref<1280x128x64xf32, #tpu.memory_space<hbm>> -> memref<1x128x64xf32, #tpu.memory_space<hbm>>
        %dma_start3A_114 = tpu.memref_squeeze %dma_start3A_113 : memref<1x128x64xf32, #tpu.memory_space<hbm>> -> memref<128x64xf32, #tpu.memory_space<hbm>>
        %dma_start3A_115 = arith.constant 0 : i32
        %dma_start3A_116 = arith.constant 0 : i32
        %dma_start3A_117 = tpu.memref_slice %arg4[%add3A_110, %dma_start3A_115, %dma_start3A_116] : memref<1280x128x64xf32, #tpu.memory_space<hbm>> -> memref<1x128x64xf32, #tpu.memory_space<hbm>>
        %dma_start3A_118 = tpu.memref_squeeze %dma_start3A_117 : memref<1x128x64xf32, #tpu.memory_space<hbm>> -> memref<128x64xf32, #tpu.memory_space<hbm>>
        tpu.enqueue_dma source(%arg7 : memref<128x64xf32, #tpu.memory_space<vmem>>) target(%dma_start3A_118 : memref<128x64xf32, #tpu.memory_space<hbm>>) target_semaphore(%arg15 : memref<!tpu.dma_semaphore, #tpu.memory_space<semaphore_mem>>)
        %dma_wait3A_119 = arith.constant 0 : i32
        %dma_wait3A_120 = tpu.memref_slice %arg5[%dma_wait3A_119] : memref<5120xi32, #tpu.memory_space<vmem>> -> memref<128xi32, #tpu.memory_space<vmem>>
        %dma_wait3A_121 = arith.constant 0 : i32
        %dma_wait3A_122 = arith.constant 0 : i32
        %dma_wait3A_123 = tpu.memref_slice %arg2[%dma_wait3A_121, %dma_wait3A_122] : memref<10000x64xf32, #tpu.memory_space<hbm>> -> memref<10000x64xf32, #tpu.memory_space<hbm>>
        tpu.wait_indirect_dma semaphore(%arg12 : memref<!tpu.dma_semaphore, #tpu.memory_space<semaphore_mem>>) src(%dma_wait3A_123 : memref<10000x64xf32, #tpu.memory_space<hbm>>) dst(%arg8 : memref<128x64xf32, #tpu.memory_space<vmem>>)
        %add3A_124 = arith.addi %add3A_8, %mul3A_86 : i32
        %add3A_125 = arith.constant 2 : i32
        %add3A_126 = arith.addi %add3A_124, %add3A_125 : i32
        %dma_start3A_127 = arith.constant 0 : i32
        %dma_start3A_128 = arith.constant 0 : i32
        %dma_start3A_129 = tpu.memref_slice %arg4[%add3A_126, %dma_start3A_127, %dma_start3A_128] : memref<1280x128x64xf32, #tpu.memory_space<hbm>> -> memref<1x128x64xf32, #tpu.memory_space<hbm>>
        %dma_start3A_130 = tpu.memref_squeeze %dma_start3A_129 : memref<1x128x64xf32, #tpu.memory_space<hbm>> -> memref<128x64xf32, #tpu.memory_space<hbm>>
        %dma_start3A_131 = arith.constant 0 : i32
        %dma_start3A_132 = arith.constant 0 : i32
        %dma_start3A_133 = tpu.memref_slice %arg4[%add3A_126, %dma_start3A_131, %dma_start3A_132] : memref<1280x128x64xf32, #tpu.memory_space<hbm>> -> memref<1x128x64xf32, #tpu.memory_space<hbm>>
        %dma_start3A_134 = tpu.memref_squeeze %dma_start3A_133 : memref<1x128x64xf32, #tpu.memory_space<hbm>> -> memref<128x64xf32, #tpu.memory_space<hbm>>
        tpu.enqueue_dma source(%arg8 : memref<128x64xf32, #tpu.memory_space<vmem>>) target(%dma_start3A_134 : memref<128x64xf32, #tpu.memory_space<hbm>>) target_semaphore(%arg16 : memref<!tpu.dma_semaphore, #tpu.memory_space<semaphore_mem>>)
        %dma_wait3A_135 = arith.constant 0 : i32
        %dma_wait3A_136 = tpu.memref_slice %arg5[%dma_wait3A_135] : memref<5120xi32, #tpu.memory_space<vmem>> -> memref<128xi32, #tpu.memory_space<vmem>>
        %dma_wait3A_137 = arith.constant 0 : i32
        %dma_wait3A_138 = arith.constant 0 : i32
        %dma_wait3A_139 = tpu.memref_slice %arg2[%dma_wait3A_137, %dma_wait3A_138] : memref<10000x64xf32, #tpu.memory_space<hbm>> -> memref<10000x64xf32, #tpu.memory_space<hbm>>
        tpu.wait_indirect_dma semaphore(%arg13 : memref<!tpu.dma_semaphore, #tpu.memory_space<semaphore_mem>>) src(%dma_wait3A_139 : memref<10000x64xf32, #tpu.memory_space<hbm>>) dst(%arg9 : memref<128x64xf32, #tpu.memory_space<vmem>>)
        %add3A_140 = arith.addi %add3A_8, %mul3A_86 : i32
        %add3A_141 = arith.constant 3 : i32
        %add3A_142 = arith.addi %add3A_140, %add3A_141 : i32
        %dma_start3A_143 = arith.constant 0 : i32
        %dma_start3A_144 = arith.constant 0 : i32
        %dma_start3A_145 = tpu.memref_slice %arg4[%add3A_142, %dma_start3A_143, %dma_start3A_144] : memref<1280x128x64xf32, #tpu.memory_space<hbm>> -> memref<1x128x64xf32, #tpu.memory_space<hbm>>
        %dma_start3A_146 = tpu.memref_squeeze %dma_start3A_145 : memref<1x128x64xf32, #tpu.memory_space<hbm>> -> memref<128x64xf32, #tpu.memory_space<hbm>>
        %dma_start3A_147 = arith.constant 0 : i32
        %dma_start3A_148 = arith.constant 0 : i32
        %dma_start3A_149 = tpu.memref_slice %arg4[%add3A_142, %dma_start3A_147, %dma_start3A_148] : memref<1280x128x64xf32, #tpu.memory_space<hbm>> -> memref<1x128x64xf32, #tpu.memory_space<hbm>>
        %dma_start3A_150 = tpu.memref_squeeze %dma_start3A_149 : memref<1x128x64xf32, #tpu.memory_space<hbm>> -> memref<128x64xf32, #tpu.memory_space<hbm>>
        tpu.enqueue_dma source(%arg9 : memref<128x64xf32, #tpu.memory_space<vmem>>) target(%dma_start3A_150 : memref<128x64xf32, #tpu.memory_space<hbm>>) target_semaphore(%arg17 : memref<!tpu.dma_semaphore, #tpu.memory_space<semaphore_mem>>)
        %lt3A = arith.constant 9 : i32
        %lt3A_151 = arith.cmpi slt, %scan3A_83, %lt3A : i32
        %convert_element_type3A_152 = arith.extui %lt3A_151 : i1 to i32
        %cond3A_153 = arith.constant 0 : i32
        %cond3A_154 = arith.cmpi ne, %convert_element_type3A_152, %cond3A_153 : i32
        scf.if %cond3A_154 {
          %add3A_171 = arith.addi %add3A_8, %mul3A_86 : i32
          %add3A_172 = arith.constant 0 : i32
          %add3A_173 = arith.addi %add3A_171, %add3A_172 : i32
          %dma_wait3A_174 = arith.constant 0 : i32
          %dma_wait3A_175 = arith.constant 0 : i32
          %dma_wait3A_176 = tpu.memref_slice %arg4[%add3A_173, %dma_wait3A_174, %dma_wait3A_175] : memref<1280x128x64xf32, #tpu.memory_space<hbm>> -> memref<1x128x64xf32, #tpu.memory_space<hbm>>
          %dma_wait3A_177 = tpu.memref_squeeze %dma_wait3A_176 : memref<1x128x64xf32, #tpu.memory_space<hbm>> -> memref<128x64xf32, #tpu.memory_space<hbm>>
          %dma_wait3A_178 = arith.constant 0 : i32
          %dma_wait3A_179 = arith.constant 0 : i32
          %dma_wait3A_180 = tpu.memref_slice %arg4[%add3A_173, %dma_wait3A_178, %dma_wait3A_179] : memref<1280x128x64xf32, #tpu.memory_space<hbm>> -> memref<1x128x64xf32, #tpu.memory_space<hbm>>
          %dma_wait3A_181 = tpu.memref_squeeze %dma_wait3A_180 : memref<1x128x64xf32, #tpu.memory_space<hbm>> -> memref<128x64xf32, #tpu.memory_space<hbm>>
          tpu.wait_dma2 semaphore(%arg14 : memref<!tpu.dma_semaphore, #tpu.memory_space<semaphore_mem>>) src(%arg6 : memref<128x64xf32, #tpu.memory_space<vmem>>) dst(%dma_wait3A_181 : memref<128x64xf32, #tpu.memory_space<hbm>>)
          %add3A_182 = arith.constant 4 : i32
          %add3A_183 = arith.addi %mul3A_86, %add3A_182 : i32
          %add3A_184 = arith.constant 0 : i32
          %add3A_185 = arith.addi %add3A_183, %add3A_184 : i32
          %mul3A_186 = arith.constant 128 : i32
          %mul3A_187 = arith.muli %add3A_185, %mul3A_186 : i32
          %dma_start3A_188 = tpu.memref_slice %arg5[%mul3A_187] : memref<5120xi32, #tpu.memory_space<vmem>> -> memref<128xi32, #tpu.memory_space<vmem>>
          %dma_start3A_189 = arith.constant 0 : i32
          %dma_start3A_190 = arith.constant 0 : i32
          %dma_start3A_191 = tpu.memref_slice %arg2[%dma_start3A_189, %dma_start3A_190] : memref<10000x64xf32, #tpu.memory_space<hbm>> -> memref<10000x64xf32, #tpu.memory_space<hbm>>
          tpu.enqueue_indirect_dma source(%dma_start3A_191 : memref<10000x64xf32, #tpu.memory_space<hbm>>) target(%arg6 : memref<128x64xf32, #tpu.memory_space<vmem>>) offsets(%dma_start3A_188 : memref<128xi32, #tpu.memory_space<vmem>>) semaphore(%arg10 : memref<!tpu.dma_semaphore, #tpu.memory_space<semaphore_mem>>)
        } else {
        }
        %lt3A_155 = arith.constant 9 : i32
        %lt3A_156 = arith.cmpi slt, %scan3A_83, %lt3A_155 : i32
        %convert_element_type3A_157 = arith.extui %lt3A_156 : i1 to i32
        %cond3A_158 = arith.constant 0 : i32
        %cond3A_159 = arith.cmpi ne, %convert_element_type3A_157, %cond3A_158 : i32
        scf.if %cond3A_159 {
          %add3A_171 = arith.addi %add3A_8, %mul3A_86 : i32
          %add3A_172 = arith.constant 1 : i32
          %add3A_173 = arith.addi %add3A_171, %add3A_172 : i32
          %dma_wait3A_174 = arith.constant 0 : i32
          %dma_wait3A_175 = arith.constant 0 : i32
          %dma_wait3A_176 = tpu.memref_slice %arg4[%add3A_173, %dma_wait3A_174, %dma_wait3A_175] : memref<1280x128x64xf32, #tpu.memory_space<hbm>> -> memref<1x128x64xf32, #tpu.memory_space<hbm>>
          %dma_wait3A_177 = tpu.memref_squeeze %dma_wait3A_176 : memref<1x128x64xf32, #tpu.memory_space<hbm>> -> memref<128x64xf32, #tpu.memory_space<hbm>>
          %dma_wait3A_178 = arith.constant 0 : i32
          %dma_wait3A_179 = arith.constant 0 : i32
          %dma_wait3A_180 = tpu.memref_slice %arg4[%add3A_173, %dma_wait3A_178, %dma_wait3A_179] : memref<1280x128x64xf32, #tpu.memory_space<hbm>> -> memref<1x128x64xf32, #tpu.memory_space<hbm>>
          %dma_wait3A_181 = tpu.memref_squeeze %dma_wait3A_180 : memref<1x128x64xf32, #tpu.memory_space<hbm>> -> memref<128x64xf32, #tpu.memory_space<hbm>>
          tpu.wait_dma2 semaphore(%arg15 : memref<!tpu.dma_semaphore, #tpu.memory_space<semaphore_mem>>) src(%arg7 : memref<128x64xf32, #tpu.memory_space<vmem>>) dst(%dma_wait3A_181 : memref<128x64xf32, #tpu.memory_space<hbm>>)
          %add3A_182 = arith.constant 4 : i32
          %add3A_183 = arith.addi %mul3A_86, %add3A_182 : i32
          %add3A_184 = arith.constant 1 : i32
          %add3A_185 = arith.addi %add3A_183, %add3A_184 : i32
          %mul3A_186 = arith.constant 128 : i32
          %mul3A_187 = arith.muli %add3A_185, %mul3A_186 : i32
          %dma_start3A_188 = tpu.memref_slice %arg5[%mul3A_187] : memref<5120xi32, #tpu.memory_space<vmem>> -> memref<128xi32, #tpu.memory_space<vmem>>
          %dma_start3A_189 = arith.constant 0 : i32
          %dma_start3A_190 = arith.constant 0 : i32
          %dma_start3A_191 = tpu.memref_slice %arg2[%dma_start3A_189, %dma_start3A_190] : memref<10000x64xf32, #tpu.memory_space<hbm>> -> memref<10000x64xf32, #tpu.memory_space<hbm>>
          tpu.enqueue_indirect_dma source(%dma_start3A_191 : memref<10000x64xf32, #tpu.memory_space<hbm>>) target(%arg7 : memref<128x64xf32, #tpu.memory_space<vmem>>) offsets(%dma_start3A_188 : memref<128xi32, #tpu.memory_space<vmem>>) semaphore(%arg11 : memref<!tpu.dma_semaphore, #tpu.memory_space<semaphore_mem>>)
        } else {
        }
        %lt3A_160 = arith.constant 9 : i32
        %lt3A_161 = arith.cmpi slt, %scan3A_83, %lt3A_160 : i32
        %convert_element_type3A_162 = arith.extui %lt3A_161 : i1 to i32
        %cond3A_163 = arith.constant 0 : i32
        %cond3A_164 = arith.cmpi ne, %convert_element_type3A_162, %cond3A_163 : i32
        scf.if %cond3A_164 {
          %add3A_171 = arith.addi %add3A_8, %mul3A_86 : i32
          %add3A_172 = arith.constant 2 : i32
          %add3A_173 = arith.addi %add3A_171, %add3A_172 : i32
          %dma_wait3A_174 = arith.constant 0 : i32
          %dma_wait3A_175 = arith.constant 0 : i32
          %dma_wait3A_176 = tpu.memref_slice %arg4[%add3A_173, %dma_wait3A_174, %dma_wait3A_175] : memref<1280x128x64xf32, #tpu.memory_space<hbm>> -> memref<1x128x64xf32, #tpu.memory_space<hbm>>
          %dma_wait3A_177 = tpu.memref_squeeze %dma_wait3A_176 : memref<1x128x64xf32, #tpu.memory_space<hbm>> -> memref<128x64xf32, #tpu.memory_space<hbm>>
          %dma_wait3A_178 = arith.constant 0 : i32
          %dma_wait3A_179 = arith.constant 0 : i32
          %dma_wait3A_180 = tpu.memref_slice %arg4[%add3A_173, %dma_wait3A_178, %dma_wait3A_179] : memref<1280x128x64xf32, #tpu.memory_space<hbm>> -> memref<1x128x64xf32, #tpu.memory_space<hbm>>
          %dma_wait3A_181 = tpu.memref_squeeze %dma_wait3A_180 : memref<1x128x64xf32, #tpu.memory_space<hbm>> -> memref<128x64xf32, #tpu.memory_space<hbm>>
          tpu.wait_dma2 semaphore(%arg16 : memref<!tpu.dma_semaphore, #tpu.memory_space<semaphore_mem>>) src(%arg8 : memref<128x64xf32, #tpu.memory_space<vmem>>) dst(%dma_wait3A_181 : memref<128x64xf32, #tpu.memory_space<hbm>>)
          %add3A_182 = arith.constant 4 : i32
          %add3A_183 = arith.addi %mul3A_86, %add3A_182 : i32
          %add3A_184 = arith.constant 2 : i32
          %add3A_185 = arith.addi %add3A_183, %add3A_184 : i32
          %mul3A_186 = arith.constant 128 : i32
          %mul3A_187 = arith.muli %add3A_185, %mul3A_186 : i32
          %dma_start3A_188 = tpu.memref_slice %arg5[%mul3A_187] : memref<5120xi32, #tpu.memory_space<vmem>> -> memref<128xi32, #tpu.memory_space<vmem>>
          %dma_start3A_189 = arith.constant 0 : i32
          %dma_start3A_190 = arith.constant 0 : i32
          %dma_start3A_191 = tpu.memref_slice %arg2[%dma_start3A_189, %dma_start3A_190] : memref<10000x64xf32, #tpu.memory_space<hbm>> -> memref<10000x64xf32, #tpu.memory_space<hbm>>
          tpu.enqueue_indirect_dma source(%dma_start3A_191 : memref<10000x64xf32, #tpu.memory_space<hbm>>) target(%arg8 : memref<128x64xf32, #tpu.memory_space<vmem>>) offsets(%dma_start3A_188 : memref<128xi32, #tpu.memory_space<vmem>>) semaphore(%arg12 : memref<!tpu.dma_semaphore, #tpu.memory_space<semaphore_mem>>)
        } else {
        }
        %lt3A_165 = arith.constant 9 : i32
        %lt3A_166 = arith.cmpi slt, %scan3A_83, %lt3A_165 : i32
        %convert_element_type3A_167 = arith.extui %lt3A_166 : i1 to i32
        %cond3A_168 = arith.constant 0 : i32
        %cond3A_169 = arith.cmpi ne, %convert_element_type3A_167, %cond3A_168 : i32
        scf.if %cond3A_169 {
          %add3A_171 = arith.addi %add3A_8, %mul3A_86 : i32
          %add3A_172 = arith.constant 3 : i32
          %add3A_173 = arith.addi %add3A_171, %add3A_172 : i32
          %dma_wait3A_174 = arith.constant 0 : i32
          %dma_wait3A_175 = arith.constant 0 : i32
          %dma_wait3A_176 = tpu.memref_slice %arg4[%add3A_173, %dma_wait3A_174, %dma_wait3A_175] : memref<1280x128x64xf32, #tpu.memory_space<hbm>> -> memref<1x128x64xf32, #tpu.memory_space<hbm>>
          %dma_wait3A_177 = tpu.memref_squeeze %dma_wait3A_176 : memref<1x128x64xf32, #tpu.memory_space<hbm>> -> memref<128x64xf32, #tpu.memory_space<hbm>>
          %dma_wait3A_178 = arith.constant 0 : i32
          %dma_wait3A_179 = arith.constant 0 : i32
          %dma_wait3A_180 = tpu.memref_slice %arg4[%add3A_173, %dma_wait3A_178, %dma_wait3A_179] : memref<1280x128x64xf32, #tpu.memory_space<hbm>> -> memref<1x128x64xf32, #tpu.memory_space<hbm>>
          %dma_wait3A_181 = tpu.memref_squeeze %dma_wait3A_180 : memref<1x128x64xf32, #tpu.memory_space<hbm>> -> memref<128x64xf32, #tpu.memory_space<hbm>>
          tpu.wait_dma2 semaphore(%arg17 : memref<!tpu.dma_semaphore, #tpu.memory_space<semaphore_mem>>) src(%arg9 : memref<128x64xf32, #tpu.memory_space<vmem>>) dst(%dma_wait3A_181 : memref<128x64xf32, #tpu.memory_space<hbm>>)
          %add3A_182 = arith.constant 4 : i32
          %add3A_183 = arith.addi %mul3A_86, %add3A_182 : i32
          %add3A_184 = arith.constant 3 : i32
          %add3A_185 = arith.addi %add3A_183, %add3A_184 : i32
          %mul3A_186 = arith.constant 128 : i32
          %mul3A_187 = arith.muli %add3A_185, %mul3A_186 : i32
          %dma_start3A_188 = tpu.memref_slice %arg5[%mul3A_187] : memref<5120xi32, #tpu.memory_space<vmem>> -> memref<128xi32, #tpu.memory_space<vmem>>
          %dma_start3A_189 = arith.constant 0 : i32
          %dma_start3A_190 = arith.constant 0 : i32
          %dma_start3A_191 = tpu.memref_slice %arg2[%dma_start3A_189, %dma_start3A_190] : memref<10000x64xf32, #tpu.memory_space<hbm>> -> memref<10000x64xf32, #tpu.memory_space<hbm>>
          tpu.enqueue_indirect_dma source(%dma_start3A_191 : memref<10000x64xf32, #tpu.memory_space<hbm>>) target(%arg9 : memref<128x64xf32, #tpu.memory_space<vmem>>) offsets(%dma_start3A_188 : memref<128xi32, #tpu.memory_space<vmem>>) semaphore(%arg13 : memref<!tpu.dma_semaphore, #tpu.memory_space<semaphore_mem>>)
        } else {
        }
        %scan3A_170 = arith.constant 0 : i32
        scf.yield %scan3A_170 : i32
      }
      %scan3A_35 = arith.constant 10 : i32
      %add3A_36 = arith.constant 36 : i32
      %add3A_37 = arith.addi %add3A_8, %add3A_36 : i32
      %add3A_38 = arith.constant 0 : i32
      %add3A_39 = arith.addi %add3A_37, %add3A_38 : i32
      %dma_wait3A = arith.constant 0 : i32
      %dma_wait3A_40 = arith.constant 0 : i32
      %dma_wait3A_41 = tpu.memref_slice %arg4[%add3A_39, %dma_wait3A, %dma_wait3A_40] : memref<1280x128x64xf32, #tpu.memory_space<hbm>> -> memref<1x128x64xf32, #tpu.memory_space<hbm>>
      %dma_wait3A_42 = tpu.memref_squeeze %dma_wait3A_41 : memref<1x128x64xf32, #tpu.memory_space<hbm>> -> memref<128x64xf32, #tpu.memory_space<hbm>>
      %dma_wait3A_43 = arith.constant 0 : i32
      %dma_wait3A_44 = arith.constant 0 : i32
      %dma_wait3A_45 = tpu.memref_slice %arg4[%add3A_39, %dma_wait3A_43, %dma_wait3A_44] : memref<1280x128x64xf32, #tpu.memory_space<hbm>> -> memref<1x128x64xf32, #tpu.memory_space<hbm>>
      %dma_wait3A_46 = tpu.memref_squeeze %dma_wait3A_45 : memref<1x128x64xf32, #tpu.memory_space<hbm>> -> memref<128x64xf32, #tpu.memory_space<hbm>>
      tpu.wait_dma2 semaphore(%arg14 : memref<!tpu.dma_semaphore, #tpu.memory_space<semaphore_mem>>) src(%arg6 : memref<128x64xf32, #tpu.memory_space<vmem>>) dst(%dma_wait3A_46 : memref<128x64xf32, #tpu.memory_space<hbm>>)
      %add3A_47 = arith.constant 36 : i32
      %add3A_48 = arith.addi %add3A_8, %add3A_47 : i32
      %add3A_49 = arith.constant 1 : i32
      %add3A_50 = arith.addi %add3A_48, %add3A_49 : i32
      %dma_wait3A_51 = arith.constant 0 : i32
      %dma_wait3A_52 = arith.constant 0 : i32
      %dma_wait3A_53 = tpu.memref_slice %arg4[%add3A_50, %dma_wait3A_51, %dma_wait3A_52] : memref<1280x128x64xf32, #tpu.memory_space<hbm>> -> memref<1x128x64xf32, #tpu.memory_space<hbm>>
      %dma_wait3A_54 = tpu.memref_squeeze %dma_wait3A_53 : memref<1x128x64xf32, #tpu.memory_space<hbm>> -> memref<128x64xf32, #tpu.memory_space<hbm>>
      %dma_wait3A_55 = arith.constant 0 : i32
      %dma_wait3A_56 = arith.constant 0 : i32
      %dma_wait3A_57 = tpu.memref_slice %arg4[%add3A_50, %dma_wait3A_55, %dma_wait3A_56] : memref<1280x128x64xf32, #tpu.memory_space<hbm>> -> memref<1x128x64xf32, #tpu.memory_space<hbm>>
      %dma_wait3A_58 = tpu.memref_squeeze %dma_wait3A_57 : memref<1x128x64xf32, #tpu.memory_space<hbm>> -> memref<128x64xf32, #tpu.memory_space<hbm>>
      tpu.wait_dma2 semaphore(%arg15 : memref<!tpu.dma_semaphore, #tpu.memory_space<semaphore_mem>>) src(%arg7 : memref<128x64xf32, #tpu.memory_space<vmem>>) dst(%dma_wait3A_58 : memref<128x64xf32, #tpu.memory_space<hbm>>)
      %add3A_59 = arith.constant 36 : i32
      %add3A_60 = arith.addi %add3A_8, %add3A_59 : i32
      %add3A_61 = arith.constant 2 : i32
      %add3A_62 = arith.addi %add3A_60, %add3A_61 : i32
      %dma_wait3A_63 = arith.constant 0 : i32
      %dma_wait3A_64 = arith.constant 0 : i32
      %dma_wait3A_65 = tpu.memref_slice %arg4[%add3A_62, %dma_wait3A_63, %dma_wait3A_64] : memref<1280x128x64xf32, #tpu.memory_space<hbm>> -> memref<1x128x64xf32, #tpu.memory_space<hbm>>
      %dma_wait3A_66 = tpu.memref_squeeze %dma_wait3A_65 : memref<1x128x64xf32, #tpu.memory_space<hbm>> -> memref<128x64xf32, #tpu.memory_space<hbm>>
      %dma_wait3A_67 = arith.constant 0 : i32
      %dma_wait3A_68 = arith.constant 0 : i32
      %dma_wait3A_69 = tpu.memref_slice %arg4[%add3A_62, %dma_wait3A_67, %dma_wait3A_68] : memref<1280x128x64xf32, #tpu.memory_space<hbm>> -> memref<1x128x64xf32, #tpu.memory_space<hbm>>
      %dma_wait3A_70 = tpu.memref_squeeze %dma_wait3A_69 : memref<1x128x64xf32, #tpu.memory_space<hbm>> -> memref<128x64xf32, #tpu.memory_space<hbm>>
      tpu.wait_dma2 semaphore(%arg16 : memref<!tpu.dma_semaphore, #tpu.memory_space<semaphore_mem>>) src(%arg8 : memref<128x64xf32, #tpu.memory_space<vmem>>) dst(%dma_wait3A_70 : memref<128x64xf32, #tpu.memory_space<hbm>>)
      %add3A_71 = arith.constant 36 : i32
      %add3A_72 = arith.addi %add3A_8, %add3A_71 : i32
      %add3A_73 = arith.constant 3 : i32
      %add3A_74 = arith.addi %add3A_72, %add3A_73 : i32
      %dma_wait3A_75 = arith.constant 0 : i32
      %dma_wait3A_76 = arith.constant 0 : i32
      %dma_wait3A_77 = tpu.memref_slice %arg4[%add3A_74, %dma_wait3A_75, %dma_wait3A_76] : memref<1280x128x64xf32, #tpu.memory_space<hbm>> -> memref<1x128x64xf32, #tpu.memory_space<hbm>>
      %dma_wait3A_78 = tpu.memref_squeeze %dma_wait3A_77 : memref<1x128x64xf32, #tpu.memory_space<hbm>> -> memref<128x64xf32, #tpu.memory_space<hbm>>
      %dma_wait3A_79 = arith.constant 0 : i32
      %dma_wait3A_80 = arith.constant 0 : i32
      %dma_wait3A_81 = tpu.memref_slice %arg4[%add3A_74, %dma_wait3A_79, %dma_wait3A_80] : memref<1280x128x64xf32, #tpu.memory_space<hbm>> -> memref<1x128x64xf32, #tpu.memory_space<hbm>>
      %dma_wait3A_82 = tpu.memref_squeeze %dma_wait3A_81 : memref<1x128x64xf32, #tpu.memory_space<hbm>> -> memref<128x64xf32, #tpu.memory_space<hbm>>
      tpu.wait_dma2 semaphore(%arg17 : memref<!tpu.dma_semaphore, #tpu.memory_space<semaphore_mem>>) src(%arg9 : memref<128x64xf32, #tpu.memory_space<vmem>>) dst(%dma_wait3A_82 : memref<128x64xf32, #tpu.memory_space<hbm>>)
    } else {
    }
    return
  }
}

module attributes {stable_mosaic.version = 14 : i64} {
  func.func @_prologue_body(%arg0: memref<10000x92xf32, #tpu.memory_space<vmem>>, %arg1: memref<10000x41xf32, #tpu.memory_space<vmem>>, %arg2: memref<92x32xf32, #tpu.memory_space<vmem>>, %arg3: memref<1x32xf32, #tpu.memory_space<vmem>>, %arg4: memref<41x32xf32, #tpu.memory_space<vmem>>, %arg5: memref<1x32xf32, #tpu.memory_space<vmem>>, %arg6: memref<32x64xf32, #tpu.memory_space<vmem>>, %arg7: memref<32x64xf32, #tpu.memory_space<vmem>>, %arg8: memref<32x64xf32, #tpu.memory_space<vmem>>, %arg9: memref<32x64xf32, #tpu.memory_space<vmem>>, %arg10: memref<1x64xf32, #tpu.memory_space<vmem>>, %arg11: memref<10000x32xf32, #tpu.memory_space<vmem>>, %arg12: memref<10000x32xf32, #tpu.memory_space<vmem>>, %arg13: memref<10000x64xf32, #tpu.memory_space<vmem>>, %arg14: memref<10000x64xf32, #tpu.memory_space<vmem>>) attributes {dimension_semantics = [], scalar_prefetch = 0 : i64, scratch_operands = 0 : i64, tpu.core_type = #tpu.core_type<tc>} {
    %get3A = arith.constant 0 : index
    %get3A_0 = arith.constant 0 : index
    %get3A_1 = vector.load %arg0[%get3A, %get3A_0] : memref<10000x92xf32, #tpu.memory_space<vmem>>, vector<10000x92xf32>
    %get3A_2 = arith.constant 0 : index
    %get3A_3 = arith.constant 0 : index
    %get3A_4 = vector.load %arg2[%get3A_2, %get3A_3] : memref<92x32xf32, #tpu.memory_space<vmem>>, vector<92x32xf32>
    %dot_general3A = arith.constant dense<0.000000e+00> : vector<10000x32xf32>
    %dot_general3A_5 = tpu.matmul %get3A_1, %get3A_4, %dot_general3A {dimension_numbers = #tpu.dot_dimension_numbers<[1], [0], [0], [1], [0, 0, 1, 1], [], []>, transpose_lhs_hint = false} : vector<10000x92xf32>, vector<92x32xf32>, vector<10000x32xf32> -> vector<10000x32xf32>
    %get3A_6 = arith.constant 0 : index
    %get3A_7 = arith.constant 0 : index
    %get3A_8 = vector.load %arg3[%get3A_6, %get3A_7] : memref<1x32xf32, #tpu.memory_space<vmem>>, vector<1x32xf32>
    %add3A = vector.broadcast %get3A_8 : vector<1x32xf32> to vector<10000x32xf32>
    %add3A_9 = arith.addf %dot_general3A_5, %add3A : vector<10000x32xf32>
    %get3A_10 = arith.constant 0 : index
    %get3A_11 = arith.constant 0 : index
    %get3A_12 = vector.load %arg1[%get3A_10, %get3A_11] : memref<10000x41xf32, #tpu.memory_space<vmem>>, vector<10000x41xf32>
    %get3A_13 = arith.constant 0 : index
    %get3A_14 = arith.constant 0 : index
    %get3A_15 = vector.load %arg4[%get3A_13, %get3A_14] : memref<41x32xf32, #tpu.memory_space<vmem>>, vector<41x32xf32>
    %dot_general3A_16 = arith.constant dense<0.000000e+00> : vector<10000x32xf32>
    %dot_general3A_17 = tpu.matmul %get3A_12, %get3A_15, %dot_general3A_16 {dimension_numbers = #tpu.dot_dimension_numbers<[1], [0], [0], [1], [0, 0, 1, 1], [], []>, transpose_lhs_hint = false} : vector<10000x41xf32>, vector<41x32xf32>, vector<10000x32xf32> -> vector<10000x32xf32>
    %get3A_18 = arith.constant 0 : index
    %get3A_19 = arith.constant 0 : index
    %get3A_20 = vector.load %arg5[%get3A_18, %get3A_19] : memref<1x32xf32, #tpu.memory_space<vmem>>, vector<1x32xf32>
    %add3A_21 = vector.broadcast %get3A_20 : vector<1x32xf32> to vector<10000x32xf32>
    %add3A_22 = arith.addf %dot_general3A_17, %add3A_21 : vector<10000x32xf32>
    %swap3A = arith.constant 0 : index
    %swap3A_23 = arith.constant 0 : index
    %swap3A_24 = vector.load %arg11[%swap3A, %swap3A_23] : memref<10000x32xf32, #tpu.memory_space<vmem>>, vector<10000x32xf32>
    tpu.vector_store %arg11[%swap3A, %swap3A_23], %add3A_9 {strides = array<i32>} : memref<10000x32xf32, #tpu.memory_space<vmem>>, vector<10000x32xf32>,
    %swap3A_25 = arith.constant 0 : index
    %swap3A_26 = arith.constant 0 : index
    %swap3A_27 = vector.load %arg12[%swap3A_25, %swap3A_26] : memref<10000x32xf32, #tpu.memory_space<vmem>>, vector<10000x32xf32>
    tpu.vector_store %arg12[%swap3A_25, %swap3A_26], %add3A_22 {strides = array<i32>} : memref<10000x32xf32, #tpu.memory_space<vmem>>, vector<10000x32xf32>,
    %get3A_28 = arith.constant 0 : index
    %get3A_29 = arith.constant 0 : index
    %get3A_30 = vector.load %arg6[%get3A_28, %get3A_29] : memref<32x64xf32, #tpu.memory_space<vmem>>, vector<32x64xf32>
    %dot_general3A_31 = arith.constant dense<0.000000e+00> : vector<10000x64xf32>
    %dot_general3A_32 = tpu.matmul %add3A_9, %get3A_30, %dot_general3A_31 {dimension_numbers = #tpu.dot_dimension_numbers<[1], [0], [0], [1], [0, 0, 1, 1], [], []>, transpose_lhs_hint = false} : vector<10000x32xf32>, vector<32x64xf32>, vector<10000x64xf32> -> vector<10000x64xf32>
    %get3A_33 = arith.constant 0 : index
    %get3A_34 = arith.constant 0 : index
    %get3A_35 = vector.load %arg7[%get3A_33, %get3A_34] : memref<32x64xf32, #tpu.memory_space<vmem>>, vector<32x64xf32>
    %dot_general3A_36 = arith.constant dense<0.000000e+00> : vector<10000x64xf32>
    %dot_general3A_37 = tpu.matmul %add3A_22, %get3A_35, %dot_general3A_36 {dimension_numbers = #tpu.dot_dimension_numbers<[1], [0], [0], [1], [0, 0, 1, 1], [], []>, transpose_lhs_hint = false} : vector<10000x32xf32>, vector<32x64xf32>, vector<10000x64xf32> -> vector<10000x64xf32>
    %add3A_38 = arith.addf %dot_general3A_32, %dot_general3A_37 : vector<10000x64xf32>
    %swap3A_39 = arith.constant 0 : index
    %swap3A_40 = arith.constant 0 : index
    %swap3A_41 = vector.load %arg13[%swap3A_39, %swap3A_40] : memref<10000x64xf32, #tpu.memory_space<vmem>>, vector<10000x64xf32>
    tpu.vector_store %arg13[%swap3A_39, %swap3A_40], %add3A_38 {strides = array<i32>} : memref<10000x64xf32, #tpu.memory_space<vmem>>, vector<10000x64xf32>,
    %get3A_42 = arith.constant 0 : index
    %get3A_43 = arith.constant 0 : index
    %get3A_44 = vector.load %arg8[%get3A_42, %get3A_43] : memref<32x64xf32, #tpu.memory_space<vmem>>, vector<32x64xf32>
    %dot_general3A_45 = arith.constant dense<0.000000e+00> : vector<10000x64xf32>
    %dot_general3A_46 = tpu.matmul %add3A_9, %get3A_44, %dot_general3A_45 {dimension_numbers = #tpu.dot_dimension_numbers<[1], [0], [0], [1], [0, 0, 1, 1], [], []>, transpose_lhs_hint = false} : vector<10000x32xf32>, vector<32x64xf32>, vector<10000x64xf32> -> vector<10000x64xf32>
    %get3A_47 = arith.constant 0 : index
    %get3A_48 = arith.constant 0 : index
    %get3A_49 = vector.load %arg9[%get3A_47, %get3A_48] : memref<32x64xf32, #tpu.memory_space<vmem>>, vector<32x64xf32>
    %dot_general3A_50 = arith.constant dense<0.000000e+00> : vector<10000x64xf32>
    %dot_general3A_51 = tpu.matmul %add3A_22, %get3A_49, %dot_general3A_50 {dimension_numbers = #tpu.dot_dimension_numbers<[1], [0], [0], [1], [0, 0, 1, 1], [], []>, transpose_lhs_hint = false} : vector<10000x32xf32>, vector<32x64xf32>, vector<10000x64xf32> -> vector<10000x64xf32>
    %add3A_52 = arith.addf %dot_general3A_46, %dot_general3A_51 : vector<10000x64xf32>
    %get3A_53 = arith.constant 0 : index
    %get3A_54 = arith.constant 0 : index
    %get3A_55 = vector.load %arg10[%get3A_53, %get3A_54] : memref<1x64xf32, #tpu.memory_space<vmem>>, vector<1x64xf32>
    %add3A_56 = vector.broadcast %get3A_55 : vector<1x64xf32> to vector<10000x64xf32>
    %add3A_57 = arith.addf %add3A_52, %add3A_56 : vector<10000x64xf32>
    %swap3A_58 = arith.constant 0 : index
    %swap3A_59 = arith.constant 0 : index
    %swap3A_60 = vector.load %arg14[%swap3A_58, %swap3A_59] : memref<10000x64xf32, #tpu.memory_space<vmem>>, vector<10000x64xf32>
    tpu.vector_store %arg14[%swap3A_58, %swap3A_59], %add3A_57 {strides = array<i32>} : memref<10000x64xf32, #tpu.memory_space<vmem>>, vector<10000x64xf32>,
    return
  }
}

module attributes {stable_mosaic.version = 14 : i64} {
  func.func @_pass1_body(%arg0: i32, %arg1: memref<400x16x41xf32, #tpu.memory_space<vmem>>, %arg2: memref<1600x128xf32, #tpu.memory_space<vmem>>, %arg3: memref<1600x128xf32, #tpu.memory_space<vmem>>, %arg4: memref<400x64xf32, #tpu.memory_space<vmem>>, %arg5: memref<41x32xf32, #tpu.memory_space<vmem>>, %arg6: memref<1x32xf32, #tpu.memory_space<vmem>>, %arg7: memref<128x256xf32, #tpu.memory_space<vmem>>, %arg8: memref<128x128xf32, #tpu.memory_space<vmem>>, %arg9: memref<1x128xf32, #tpu.memory_space<vmem>>, %arg10: memref<1600x128xf32, #tpu.memory_space<vmem>>, %arg11: memref<1600x128xf32, #tpu.memory_space<vmem>>, %arg12: memref<1600x128xf32, #tpu.memory_space<vmem>>, %arg13: memref<8x128xf32, #tpu.memory_space<vmem>>, %arg14: memref<8x128xf32, #tpu.memory_space<vmem>>) attributes {dimension_semantics = [#tpu.dimension_semantics<arbitrary>], iteration_bounds = array<i64: 25>, scalar_prefetch = 0 : i64, scratch_operands = 0 : i64, tpu.core_type = #tpu.core_type<tc>, window_params = [{transform_indices = @transform_0, window_bounds = array<i64: 400, 16, 41>}, {transform_indices = @transform_1, window_bounds = array<i64: 1600, 128>}, {transform_indices = @transform_2, window_bounds = array<i64: 1600, 128>}, {transform_indices = @transform_3, window_bounds = array<i64: 400, 64>}, {pipeline_mode = #tpu.pipeline_mode<synchronous>, transform_indices = @transform_4, window_bounds = array<i64: 41, 32>}, {pipeline_mode = #tpu.pipeline_mode<synchronous>, transform_indices = @transform_5, window_bounds = array<i64: 1, 32>}, {pipeline_mode = #tpu.pipeline_mode<synchronous>, transform_indices = @transform_6, window_bounds = array<i64: 128, 256>}, {pipeline_mode = #tpu.pipeline_mode<synchronous>, transform_indices = @transform_7, window_bounds = array<i64: 128, 128>}, {pipeline_mode = #tpu.pipeline_mode<synchronous>, transform_indices = @transform_8, window_bounds = array<i64: 1, 128>}, {transform_indices = @transform_9, window_bounds = array<i64: 1600, 128>}, {transform_indices = @transform_10, window_bounds = array<i64: 1600, 128>}, {transform_indices = @transform_11, window_bounds = array<i64: 1600, 128>}, {pipeline_mode = #tpu.pipeline_mode<synchronous>, transform_indices = @transform_12, window_bounds = array<i64: 8, 128>}, {pipeline_mode = #tpu.pipeline_mode<synchronous>, transform_indices = @transform_13, window_bounds = array<i64: 8, 128>}]} {
    %get3A = arith.constant 0 : index
    %get3A_0 = arith.constant 0 : index
    %get3A_1 = arith.constant 0 : index
    %get3A_2 = vector.load %arg1[%get3A, %get3A_0, %get3A_1] : memref<400x16x41xf32, #tpu.memory_space<vmem>>, vector<400x16x41xf32>
    %slice3A = vector.extract_strided_slice %get3A_2 {offsets = [0, 0, 0], sizes = [400, 4, 41], strides = [1, 1, 1]} : vector<400x16x41xf32> to vector<400x4x41xf32>
    %reshape3A = vector.shape_cast %slice3A : vector<400x4x41xf32> to vector<1600x41xf32>
    %get3A_3 = arith.constant 0 : index
    %get3A_4 = arith.constant 0 : index
    %get3A_5 = vector.load %arg5[%get3A_3, %get3A_4] : memref<41x32xf32, #tpu.memory_space<vmem>>, vector<41x32xf32>
    %dot_general3A = arith.constant dense<0.000000e+00> : vector<1600x32xf32>
    %dot_general3A_6 = tpu.matmul %reshape3A, %get3A_5, %dot_general3A {dimension_numbers = #tpu.dot_dimension_numbers<[1], [0], [0], [1], [0, 0, 1, 1], [], []>, transpose_lhs_hint = false} : vector<1600x41xf32>, vector<41x32xf32>, vector<1600x32xf32> -> vector<1600x32xf32>
    %get3A_7 = arith.constant 0 : index
    %get3A_8 = arith.constant 0 : index
    %get3A_9 = vector.load %arg6[%get3A_7, %get3A_8] : memref<1x32xf32, #tpu.memory_space<vmem>>, vector<1x32xf32>
    %add3A = vector.broadcast %get3A_9 : vector<1x32xf32> to vector<1600x32xf32>
    %add3A_10 = arith.addf %dot_general3A_6, %add3A : vector<1600x32xf32>
    %slice3A_11 = vector.extract_strided_slice %get3A_2 {offsets = [0, 4, 0], sizes = [400, 4, 41], strides = [1, 1, 1]} : vector<400x16x41xf32> to vector<400x4x41xf32>
    %reshape3A_12 = vector.shape_cast %slice3A_11 : vector<400x4x41xf32> to vector<1600x41xf32>
    %get3A_13 = arith.constant 0 : index
    %get3A_14 = arith.constant 0 : index
    %get3A_15 = vector.load %arg5[%get3A_13, %get3A_14] : memref<41x32xf32, #tpu.memory_space<vmem>>, vector<41x32xf32>
    %dot_general3A_16 = arith.constant dense<0.000000e+00> : vector<1600x32xf32>
    %dot_general3A_17 = tpu.matmul %reshape3A_12, %get3A_15, %dot_general3A_16 {dimension_numbers = #tpu.dot_dimension_numbers<[1], [0], [0], [1], [0, 0, 1, 1], [], []>, transpose_lhs_hint = false} : vector<1600x41xf32>, vector<41x32xf32>, vector<1600x32xf32> -> vector<1600x32xf32>
    %get3A_18 = arith.constant 0 : index
    %get3A_19 = arith.constant 0 : index
    %get3A_20 = vector.load %arg6[%get3A_18, %get3A_19] : memref<1x32xf32, #tpu.memory_space<vmem>>, vector<1x32xf32>
    %add3A_21 = vector.broadcast %get3A_20 : vector<1x32xf32> to vector<1600x32xf32>
    %add3A_22 = arith.addf %dot_general3A_17, %add3A_21 : vector<1600x32xf32>
    %slice3A_23 = vector.extract_strided_slice %get3A_2 {offsets = [0, 8, 0], sizes = [400, 4, 41], strides = [1, 1, 1]} : vector<400x16x41xf32> to vector<400x4x41xf32>
    %reshape3A_24 = vector.shape_cast %slice3A_23 : vector<400x4x41xf32> to vector<1600x41xf32>
    %get3A_25 = arith.constant 0 : index
    %get3A_26 = arith.constant 0 : index
    %get3A_27 = vector.load %arg5[%get3A_25, %get3A_26] : memref<41x32xf32, #tpu.memory_space<vmem>>, vector<41x32xf32>
    %dot_general3A_28 = arith.constant dense<0.000000e+00> : vector<1600x32xf32>
    %dot_general3A_29 = tpu.matmul %reshape3A_24, %get3A_27, %dot_general3A_28 {dimension_numbers = #tpu.dot_dimension_numbers<[1], [0], [0], [1], [0, 0, 1, 1], [], []>, transpose_lhs_hint = false} : vector<1600x41xf32>, vector<41x32xf32>, vector<1600x32xf32> -> vector<1600x32xf32>
    %get3A_30 = arith.constant 0 : index
    %get3A_31 = arith.constant 0 : index
    %get3A_32 = vector.load %arg6[%get3A_30, %get3A_31] : memref<1x32xf32, #tpu.memory_space<vmem>>, vector<1x32xf32>
    %add3A_33 = vector.broadcast %get3A_32 : vector<1x32xf32> to vector<1600x32xf32>
    %add3A_34 = arith.addf %dot_general3A_29, %add3A_33 : vector<1600x32xf32>
    %slice3A_35 = vector.extract_strided_slice %get3A_2 {offsets = [0, 12, 0], sizes = [400, 4, 41], strides = [1, 1, 1]} : vector<400x16x41xf32> to vector<400x4x41xf32>
    %reshape3A_36 = vector.shape_cast %slice3A_35 : vector<400x4x41xf32> to vector<1600x41xf32>
    %get3A_37 = arith.constant 0 : index
    %get3A_38 = arith.constant 0 : index
    %get3A_39 = vector.load %arg5[%get3A_37, %get3A_38] : memref<41x32xf32, #tpu.memory_space<vmem>>, vector<41x32xf32>
    %dot_general3A_40 = arith.constant dense<0.000000e+00> : vector<1600x32xf32>
    %dot_general3A_41 = tpu.matmul %reshape3A_36, %get3A_39, %dot_general3A_40 {dimension_numbers = #tpu.dot_dimension_numbers<[1], [0], [0], [1], [0, 0, 1, 1], [], []>, transpose_lhs_hint = false} : vector<1600x41xf32>, vector<41x32xf32>, vector<1600x32xf32> -> vector<1600x32xf32>
    %get3A_42 = arith.constant 0 : index
    %get3A_43 = arith.constant 0 : index
    %get3A_44 = vector.load %arg6[%get3A_42, %get3A_43] : memref<1x32xf32, #tpu.memory_space<vmem>>, vector<1x32xf32>
    %add3A_45 = vector.broadcast %get3A_44 : vector<1x32xf32> to vector<1600x32xf32>
    %add3A_46 = arith.addf %dot_general3A_41, %add3A_45 : vector<1600x32xf32>
    %concatenate3A = tpu.concatenate %add3A_10, %add3A_22, %add3A_34, %add3A_46 in 1 : vector<1600x32xf32>, vector<1600x32xf32>, vector<1600x32xf32>, vector<1600x32xf32> -> vector<1600x128xf32>
    %swap3A = arith.constant 0 : index
    %swap3A_47 = arith.constant 0 : index
    %swap3A_48 = vector.load %arg12[%swap3A, %swap3A_47] : memref<1600x128xf32, #tpu.memory_space<vmem>>, vector<1600x128xf32>
    tpu.vector_store %arg12[%swap3A, %swap3A_47], %concatenate3A {strides = array<i32>} : memref<1600x128xf32, #tpu.memory_space<vmem>>, vector<1600x128xf32>,
    %get3A_49 = arith.constant 0 : index
    %get3A_50 = arith.constant 0 : index
    %get3A_51 = vector.load %arg7[%get3A_49, %get3A_50] : memref<128x256xf32, #tpu.memory_space<vmem>>, vector<128x256xf32>
    %dot_general3A_52 = arith.constant dense<0.000000e+00> : vector<1600x256xf32>
    %dot_general3A_53 = tpu.matmul %concatenate3A, %get3A_51, %dot_general3A_52 {dimension_numbers = #tpu.dot_dimension_numbers<[1], [0], [0], [1], [0, 0, 1, 1], [], []>, transpose_lhs_hint = false} : vector<1600x128xf32>, vector<128x256xf32>, vector<1600x256xf32> -> vector<1600x256xf32>
    %get3A_54 = arith.constant 0 : index
    %get3A_55 = arith.constant 0 : index
    %get3A_56 = vector.load %arg4[%get3A_54, %get3A_55] : memref<400x64xf32, #tpu.memory_space<vmem>>, vector<400x64xf32>
    %broadcast_in_dim3A = vector.shape_cast %get3A_56 : vector<400x64xf32> to vector<400x1x64xf32>
    %broadcast_in_dim3A_57 = vector.shape_cast %broadcast_in_dim3A : vector<400x1x64xf32> to vector<400x1x64xf32>
    %broadcast_in_dim3A_58 = vector.broadcast %broadcast_in_dim3A_57 : vector<400x1x64xf32> to vector<400x4x64xf32>
    %reshape3A_59 = vector.shape_cast %broadcast_in_dim3A_58 : vector<400x4x64xf32> to vector<1600x64xf32>
    %concatenate3A_60 = tpu.concatenate %reshape3A_59, %reshape3A_59 in 1 : vector<1600x64xf32>, vector<1600x64xf32> -> vector<1600x128xf32>
    %slice3A_61 = vector.extract_strided_slice %dot_general3A_53 {offsets = [0, 0], sizes = [1600, 64], strides = [1, 1]} : vector<1600x256xf32> to vector<1600x64xf32>
    %slice3A_62 = vector.extract_strided_slice %dot_general3A_53 {offsets = [0, 128], sizes = [1600, 64], strides = [1, 1]} : vector<1600x256xf32> to vector<1600x64xf32>
    %concatenate3A_63 = tpu.concatenate %slice3A_61, %slice3A_62 in 1 : vector<1600x64xf32>, vector<1600x64xf32> -> vector<1600x128xf32>
    %get3A_64 = arith.constant 0 : index
    %get3A_65 = arith.constant 0 : index
    %get3A_66 = vector.load %arg2[%get3A_64, %get3A_65] : memref<1600x128xf32, #tpu.memory_space<vmem>>, vector<1600x128xf32>
    %add3A_67 = arith.addf %concatenate3A_63, %get3A_66 : vector<1600x128xf32>
    %add3A_68 = arith.addf %add3A_67, %concatenate3A_60 : vector<1600x128xf32>
    %slice3A_69 = vector.extract_strided_slice %dot_general3A_53 {offsets = [0, 64], sizes = [1600, 64], strides = [1, 1]} : vector<1600x256xf32> to vector<1600x64xf32>
    %slice3A_70 = vector.extract_strided_slice %dot_general3A_53 {offsets = [0, 192], sizes = [1600, 64], strides = [1, 1]} : vector<1600x256xf32> to vector<1600x64xf32>
    %concatenate3A_71 = tpu.concatenate %slice3A_69, %slice3A_70 in 1 : vector<1600x64xf32>, vector<1600x64xf32> -> vector<1600x128xf32>
    %get3A_72 = arith.constant 0 : index
    %get3A_73 = arith.constant 0 : index
    %get3A_74 = vector.load %arg3[%get3A_72, %get3A_73] : memref<1600x128xf32, #tpu.memory_space<vmem>>, vector<1600x128xf32>
    %add3A_75 = arith.addf %concatenate3A_71, %get3A_74 : vector<1600x128xf32>
    %add3A_76 = arith.addf %add3A_75, %concatenate3A_60 : vector<1600x128xf32>
    %tanh3A = math.tanh %add3A_68 : vector<1600x128xf32>
    %get3A_77 = arith.constant 0 : index
    %get3A_78 = arith.constant 0 : index
    %get3A_79 = vector.load %arg8[%get3A_77, %get3A_78] : memref<128x128xf32, #tpu.memory_space<vmem>>, vector<128x128xf32>
    %dot_general3A_80 = arith.constant dense<0.000000e+00> : vector<1600x128xf32>
    %dot_general3A_81 = tpu.matmul %tanh3A, %get3A_79, %dot_general3A_80 {dimension_numbers = #tpu.dot_dimension_numbers<[1], [0], [0], [1], [0, 0, 1, 1], [], []>, transpose_lhs_hint = false} : vector<1600x128xf32>, vector<128x128xf32>, vector<1600x128xf32> -> vector<1600x128xf32>
    %get3A_82 = arith.constant 0 : index
    %get3A_83 = arith.constant 0 : index
    %get3A_84 = vector.load %arg9[%get3A_82, %get3A_83] : memref<1x128xf32, #tpu.memory_space<vmem>>, vector<1x128xf32>
    %add3A_85 = vector.broadcast %get3A_84 : vector<1x128xf32> to vector<1600x128xf32>
    %add3A_86 = arith.addf %dot_general3A_81, %add3A_85 : vector<1600x128xf32>
    %tanh3A_87 = math.tanh %add3A_76 : vector<1600x128xf32>
    %get3A_88 = arith.constant 0 : index
    %get3A_89 = arith.constant 0 : index
    %get3A_90 = vector.load %arg8[%get3A_88, %get3A_89] : memref<128x128xf32, #tpu.memory_space<vmem>>, vector<128x128xf32>
    %dot_general3A_91 = arith.constant dense<0.000000e+00> : vector<1600x128xf32>
    %dot_general3A_92 = tpu.matmul %tanh3A_87, %get3A_90, %dot_general3A_91 {dimension_numbers = #tpu.dot_dimension_numbers<[1], [0], [0], [1], [0, 0, 1, 1], [], []>, transpose_lhs_hint = false} : vector<1600x128xf32>, vector<128x128xf32>, vector<1600x128xf32> -> vector<1600x128xf32>
    %get3A_93 = arith.constant 0 : index
    %get3A_94 = arith.constant 0 : index
    %get3A_95 = vector.load %arg9[%get3A_93, %get3A_94] : memref<1x128xf32, #tpu.memory_space<vmem>>, vector<1x128xf32>
    %add3A_96 = vector.broadcast %get3A_95 : vector<1x128xf32> to vector<1600x128xf32>
    %add3A_97 = arith.addf %dot_general3A_92, %add3A_96 : vector<1600x128xf32>
    %swap3A_98 = arith.constant 0 : index
    %swap3A_99 = arith.constant 0 : index
    %swap3A_100 = vector.load %arg10[%swap3A_98, %swap3A_99] : memref<1600x128xf32, #tpu.memory_space<vmem>>, vector<1600x128xf32>
    tpu.vector_store %arg10[%swap3A_98, %swap3A_99], %add3A_86 {strides = array<i32>} : memref<1600x128xf32, #tpu.memory_space<vmem>>, vector<1600x128xf32>,
    %swap3A_101 = arith.constant 0 : index
    %swap3A_102 = arith.constant 0 : index
    %swap3A_103 = vector.load %arg11[%swap3A_101, %swap3A_102] : memref<1600x128xf32, #tpu.memory_space<vmem>>, vector<1600x128xf32>
    tpu.vector_store %arg11[%swap3A_101, %swap3A_102], %add3A_97 {strides = array<i32>} : memref<1600x128xf32, #tpu.memory_space<vmem>>, vector<1600x128xf32>,
    %reshape3A_104 = vector.shape_cast %add3A_86 : vector<1600x128xf32> to vector<200x8x128xf32>
    %reduce_sum3A = arith.constant dense<0.000000e+00> : vector<8x128xf32>
    %reduce_sum3A_105 = vector.multi_reduction <add>, %reshape3A_104, %reduce_sum3A [0] : vector<200x8x128xf32> to vector<8x128xf32>
    %reshape3A_106 = vector.shape_cast %add3A_97 : vector<1600x128xf32> to vector<200x8x128xf32>
    %reduce_sum3A_107 = arith.constant dense<0.000000e+00> : vector<8x128xf32>
    %reduce_sum3A_108 = vector.multi_reduction <add>, %reshape3A_106, %reduce_sum3A_107 [0] : vector<200x8x128xf32> to vector<8x128xf32>
    %add3A_109 = arith.addf %reduce_sum3A_105, %reduce_sum3A_108 : vector<8x128xf32>
    %mul3A = arith.mulf %add3A_86, %add3A_86 : vector<1600x128xf32>
    %reshape3A_110 = vector.shape_cast %mul3A : vector<1600x128xf32> to vector<200x8x128xf32>
    %reduce_sum3A_111 = arith.constant dense<0.000000e+00> : vector<8x128xf32>
    %reduce_sum3A_112 = vector.multi_reduction <add>, %reshape3A_110, %reduce_sum3A_111 [0] : vector<200x8x128xf32> to vector<8x128xf32>
    %mul3A_113 = arith.mulf %add3A_97, %add3A_97 : vector<1600x128xf32>
    %reshape3A_114 = vector.shape_cast %mul3A_113 : vector<1600x128xf32> to vector<200x8x128xf32>
    %reduce_sum3A_115 = arith.constant dense<0.000000e+00> : vector<8x128xf32>
    %reduce_sum3A_116 = vector.multi_reduction <add>, %reshape3A_114, %reduce_sum3A_115 [0] : vector<200x8x128xf32> to vector<8x128xf32>
    %add3A_117 = arith.addf %reduce_sum3A_112, %reduce_sum3A_116 : vector<8x128xf32>
    %eq3A = arith.constant 0 : i32
    %eq3A_118 = arith.cmpi eq, %arg0, %eq3A : i32
    %convert_element_type3A = arith.extui %eq3A_118 : i1 to i32
    %cond3A = arith.constant 0 : i32
    %cond3A_119 = arith.cmpi ne, %convert_element_type3A, %cond3A : i32
    scf.if %cond3A_119 {
      %swap3A_124 = arith.constant 0 : index
      %swap3A_125 = arith.constant 0 : index
      %swap3A_126 = vector.load %arg13[%swap3A_124, %swap3A_125] : memref<8x128xf32, #tpu.memory_space<vmem>>, vector<8x128xf32>
      tpu.vector_store %arg13[%swap3A_124, %swap3A_125], %add3A_109 {strides = array<i32>} : memref<8x128xf32, #tpu.memory_space<vmem>>, vector<8x128xf32>,
      %swap3A_127 = arith.constant 0 : index
      %swap3A_128 = arith.constant 0 : index
      %swap3A_129 = vector.load %arg14[%swap3A_127, %swap3A_128] : memref<8x128xf32, #tpu.memory_space<vmem>>, vector<8x128xf32>
      tpu.vector_store %arg14[%swap3A_127, %swap3A_128], %add3A_117 {strides = array<i32>} : memref<8x128xf32, #tpu.memory_space<vmem>>, vector<8x128xf32>,
    } else {
    }
    %ne3A = arith.constant 0 : i32
    %ne3A_120 = arith.cmpi ne, %arg0, %ne3A : i32
    %convert_element_type3A_121 = arith.extui %ne3A_120 : i1 to i32
    %cond3A_122 = arith.constant 0 : i32
    %cond3A_123 = arith.cmpi ne, %convert_element_type3A_121, %cond3A_122 : i32
    scf.if %cond3A_123 {
      %get3A_124 = arith.constant 0 : index
      %get3A_125 = arith.constant 0 : index
      %get3A_126 = vector.load %arg13[%get3A_124, %get3A_125] : memref<8x128xf32, #tpu.memory_space<vmem>>, vector<8x128xf32>
      %add3A_127 = arith.addf %get3A_126, %add3A_109 : vector<8x128xf32>
      %swap3A_128 = arith.constant 0 : index
      %swap3A_129 = arith.constant 0 : index
      %swap3A_130 = vector.load %arg13[%swap3A_128, %swap3A_129] : memref<8x128xf32, #tpu.memory_space<vmem>>, vector<8x128xf32>
      tpu.vector_store %arg13[%swap3A_128, %swap3A_129], %add3A_127 {strides = array<i32>} : memref<8x128xf32, #tpu.memory_space<vmem>>, vector<8x128xf32>,
      %get3A_131 = arith.constant 0 : index
      %get3A_132 = arith.constant 0 : index
      %get3A_133 = vector.load %arg14[%get3A_131, %get3A_132] : memref<8x128xf32, #tpu.memory_space<vmem>>, vector<8x128xf32>
      %add3A_134 = arith.addf %get3A_133, %add3A_117 : vector<8x128xf32>
      %swap3A_135 = arith.constant 0 : index
      %swap3A_136 = arith.constant 0 : index
      %swap3A_137 = vector.load %arg14[%swap3A_135, %swap3A_136] : memref<8x128xf32, #tpu.memory_space<vmem>>, vector<8x128xf32>
      tpu.vector_store %arg14[%swap3A_135, %swap3A_136], %add3A_134 {strides = array<i32>} : memref<8x128xf32, #tpu.memory_space<vmem>>, vector<8x128xf32>,
    } else {
    }
    return
  }
  func.func @transform_0(%arg0: i32) -> (i32, i32, i32) {
    %c0_i32 = arith.constant 0 : i32
    %c0_i32_0 = arith.constant 0 : i32
    %c0_i32_1 = arith.constant 0 : i32
    return %arg0, %c0_i32, %c0_i32_0 : i32, i32, i32
  }
  func.func @transform_1(%arg0: i32) -> (i32, i32) {
    %c0_i32 = arith.constant 0 : i32
    %c0_i32_0 = arith.constant 0 : i32
    return %arg0, %c0_i32 : i32, i32
  }
  func.func @transform_2(%arg0: i32) -> (i32, i32) {
    %add3A = arith.constant 25 : i32
    %add3A_0 = arith.addi %arg0, %add3A : i32
    %c0_i32 = arith.constant 0 : i32
    %c0_i32_1 = arith.constant 0 : i32
    return %add3A_0, %c0_i32 : i32, i32
  }
  func.func @transform_3(%arg0: i32) -> (i32, i32) {
    %c0_i32 = arith.constant 0 : i32
    %c0_i32_0 = arith.constant 0 : i32
    return %arg0, %c0_i32 : i32, i32
  }
  func.func @transform_4(%arg0: i32) -> (i32, i32) {
    %c0_i32 = arith.constant 0 : i32
    %c0_i32_0 = arith.constant 0 : i32
    %c0_i32_1 = arith.constant 0 : i32
    return %c0_i32, %c0_i32_0 : i32, i32
  }
  func.func @transform_5(%arg0: i32) -> (i32, i32) {
    %c0_i32 = arith.constant 0 : i32
    %c0_i32_0 = arith.constant 0 : i32
    %c0_i32_1 = arith.constant 0 : i32
    return %c0_i32, %c0_i32_0 : i32, i32
  }
  func.func @transform_6(%arg0: i32) -> (i32, i32) {
    %c0_i32 = arith.constant 0 : i32
    %c0_i32_0 = arith.constant 0 : i32
    %c0_i32_1 = arith.constant 0 : i32
    return %c0_i32, %c0_i32_0 : i32, i32
  }
  func.func @transform_7(%arg0: i32) -> (i32, i32) {
    %c0_i32 = arith.constant 0 : i32
    %c0_i32_0 = arith.constant 0 : i32
    %c0_i32_1 = arith.constant 0 : i32
    return %c0_i32, %c0_i32_0 : i32, i32
  }
  func.func @transform_8(%arg0: i32) -> (i32, i32) {
    %c0_i32 = arith.constant 0 : i32
    %c0_i32_0 = arith.constant 0 : i32
    %c0_i32_1 = arith.constant 0 : i32
    return %c0_i32, %c0_i32_0 : i32, i32
  }
  func.func @transform_9(%arg0: i32) -> (i32, i32) {
    %c0_i32 = arith.constant 0 : i32
    %c0_i32_0 = arith.constant 0 : i32
    return %arg0, %c0_i32 : i32, i32
  }
  func.func @transform_10(%arg0: i32) -> (i32, i32) {
    %c0_i32 = arith.constant 0 : i32
    %c0_i32_0 = arith.constant 0 : i32
    return %arg0, %c0_i32 : i32, i32
  }
  func.func @transform_11(%arg0: i32) -> (i32, i32) {
    %c0_i32 = arith.constant 0 : i32
    %c0_i32_0 = arith.constant 0 : i32
    return %arg0, %c0_i32 : i32, i32
  }
  func.func @transform_12(%arg0: i32) -> (i32, i32) {
    %c0_i32 = arith.constant 0 : i32
    %c0_i32_0 = arith.constant 0 : i32
    %c0_i32_1 = arith.constant 0 : i32
    return %c0_i32, %c0_i32_0 : i32, i32
  }
  func.func @transform_13(%arg0: i32) -> (i32, i32) {
    %c0_i32 = arith.constant 0 : i32
    %c0_i32_0 = arith.constant 0 : i32
    %c0_i32_1 = arith.constant 0 : i32
    return %c0_i32, %c0_i32_0 : i32, i32
  }
}

module attributes {stable_mosaic.version = 14 : i64} {
  func.func @_pass2_body(%arg0: i32, %arg1: memref<1600x128xf32, #tpu.memory_space<vmem>>, %arg2: memref<1600x128xf32, #tpu.memory_space<vmem>>, %arg3: memref<1600x128xf32, #tpu.memory_space<vmem>>, %arg4: memref<1x128xf32, #tpu.memory_space<vmem>>, %arg5: memref<1x128xf32, #tpu.memory_space<vmem>>, %arg6: memref<1600x128xf32, #tpu.memory_space<vmem>>, %arg7: memref<400x32xf32, #tpu.memory_space<vmem>>) attributes {dimension_semantics = [#tpu.dimension_semantics<arbitrary>], iteration_bounds = array<i64: 25>, scalar_prefetch = 0 : i64, scratch_operands = 0 : i64, tpu.core_type = #tpu.core_type<tc>, window_params = [{transform_indices = @transform_0, window_bounds = array<i64: 1600, 128>}, {transform_indices = @transform_1, window_bounds = array<i64: 1600, 128>}, {transform_indices = @transform_2, window_bounds = array<i64: 1600, 128>}, {pipeline_mode = #tpu.pipeline_mode<synchronous>, transform_indices = @transform_3, window_bounds = array<i64: 1, 128>}, {pipeline_mode = #tpu.pipeline_mode<synchronous>, transform_indices = @transform_4, window_bounds = array<i64: 1, 128>}, {transform_indices = @transform_5, window_bounds = array<i64: 1600, 128>}, {transform_indices = @transform_6, window_bounds = array<i64: 400, 32>}]} {
    %get3A = arith.constant 0 : index
    %get3A_0 = arith.constant 0 : index
    %get3A_1 = vector.load %arg1[%get3A, %get3A_0] : memref<1600x128xf32, #tpu.memory_space<vmem>>, vector<1600x128xf32>
    %get3A_2 = arith.constant 0 : index
    %get3A_3 = arith.constant 0 : index
    %get3A_4 = vector.load %arg4[%get3A_2, %get3A_3] : memref<1x128xf32, #tpu.memory_space<vmem>>, vector<1x128xf32>
    %mul3A = vector.broadcast %get3A_4 : vector<1x128xf32> to vector<1600x128xf32>
    %mul3A_5 = arith.mulf %get3A_1, %mul3A : vector<1600x128xf32>
    %get3A_6 = arith.constant 0 : index
    %get3A_7 = arith.constant 0 : index
    %get3A_8 = vector.load %arg5[%get3A_6, %get3A_7] : memref<1x128xf32, #tpu.memory_space<vmem>>, vector<1x128xf32>
    %add3A = vector.broadcast %get3A_8 : vector<1x128xf32> to vector<1600x128xf32>
    %add3A_9 = arith.addf %mul3A_5, %add3A : vector<1600x128xf32>
    %get3A_10 = arith.constant 0 : index
    %get3A_11 = arith.constant 0 : index
    %get3A_12 = vector.load %arg2[%get3A_10, %get3A_11] : memref<1600x128xf32, #tpu.memory_space<vmem>>, vector<1600x128xf32>
    %get3A_13 = arith.constant 0 : index
    %get3A_14 = arith.constant 0 : index
    %get3A_15 = vector.load %arg4[%get3A_13, %get3A_14] : memref<1x128xf32, #tpu.memory_space<vmem>>, vector<1x128xf32>
    %mul3A_16 = vector.broadcast %get3A_15 : vector<1x128xf32> to vector<1600x128xf32>
    %mul3A_17 = arith.mulf %get3A_12, %mul3A_16 : vector<1600x128xf32>
    %get3A_18 = arith.constant 0 : index
    %get3A_19 = arith.constant 0 : index
    %get3A_20 = vector.load %arg5[%get3A_18, %get3A_19] : memref<1x128xf32, #tpu.memory_space<vmem>>, vector<1x128xf32>
    %add3A_21 = vector.broadcast %get3A_20 : vector<1x128xf32> to vector<1600x128xf32>
    %add3A_22 = arith.addf %mul3A_17, %add3A_21 : vector<1600x128xf32>
    %slice3A = vector.extract_strided_slice %add3A_9 {offsets = [0, 0], sizes = [1600, 32], strides = [1, 1]} : vector<1600x128xf32> to vector<1600x32xf32>
    %slice3A_23 = vector.extract_strided_slice %add3A_9 {offsets = [0, 32], sizes = [1600, 32], strides = [1, 1]} : vector<1600x128xf32> to vector<1600x32xf32>
    %mul3A_24 = arith.mulf %slice3A, %slice3A_23 : vector<1600x32xf32>
    %slice3A_25 = vector.extract_strided_slice %add3A_9 {offsets = [0, 64], sizes = [1600, 32], strides = [1, 1]} : vector<1600x128xf32> to vector<1600x32xf32>
    %slice3A_26 = vector.extract_strided_slice %add3A_9 {offsets = [0, 96], sizes = [1600, 32], strides = [1, 1]} : vector<1600x128xf32> to vector<1600x32xf32>
    %mul3A_27 = arith.mulf %slice3A_25, %slice3A_26 : vector<1600x32xf32>
    %slice3A_28 = vector.extract_strided_slice %add3A_22 {offsets = [0, 0], sizes = [1600, 32], strides = [1, 1]} : vector<1600x128xf32> to vector<1600x32xf32>
    %slice3A_29 = vector.extract_strided_slice %add3A_22 {offsets = [0, 32], sizes = [1600, 32], strides = [1, 1]} : vector<1600x128xf32> to vector<1600x32xf32>
    %mul3A_30 = arith.mulf %slice3A_28, %slice3A_29 : vector<1600x32xf32>
    %slice3A_31 = vector.extract_strided_slice %add3A_22 {offsets = [0, 64], sizes = [1600, 32], strides = [1, 1]} : vector<1600x128xf32> to vector<1600x32xf32>
    %slice3A_32 = vector.extract_strided_slice %add3A_22 {offsets = [0, 96], sizes = [1600, 32], strides = [1, 1]} : vector<1600x128xf32> to vector<1600x32xf32>
    %mul3A_33 = arith.mulf %slice3A_31, %slice3A_32 : vector<1600x32xf32>
    %concatenate3A = tpu.concatenate %mul3A_24, %mul3A_30, %mul3A_27, %mul3A_33 in 1 : vector<1600x32xf32>, vector<1600x32xf32>, vector<1600x32xf32>, vector<1600x32xf32> -> vector<1600x128xf32>
    %get3A_34 = arith.constant 0 : index
    %get3A_35 = arith.constant 0 : index
    %get3A_36 = vector.load %arg3[%get3A_34, %get3A_35] : memref<1600x128xf32, #tpu.memory_space<vmem>>, vector<1600x128xf32>
    %add3A_37 = arith.addf %concatenate3A, %get3A_36 : vector<1600x128xf32>
    %swap3A = arith.constant 0 : index
    %swap3A_38 = arith.constant 0 : index
    %swap3A_39 = vector.load %arg6[%swap3A, %swap3A_38] : memref<1600x128xf32, #tpu.memory_space<vmem>>, vector<1600x128xf32>
    tpu.vector_store %arg6[%swap3A, %swap3A_38], %add3A_37 {strides = array<i32>} : memref<1600x128xf32, #tpu.memory_space<vmem>>, vector<1600x128xf32>,
    %reshape3A = vector.shape_cast %add3A_37 : vector<1600x128xf32> to vector<400x4x128xf32>
    %reduce_sum3A = arith.constant dense<0.000000e+00> : vector<400x128xf32>
    %reduce_sum3A_40 = vector.multi_reduction <add>, %reshape3A, %reduce_sum3A [1] : vector<400x4x128xf32> to vector<400x128xf32>
    %slice3A_41 = vector.extract_strided_slice %reduce_sum3A_40 {offsets = [0, 0], sizes = [400, 32], strides = [1, 1]} : vector<400x128xf32> to vector<400x32xf32>
    %slice3A_42 = vector.extract_strided_slice %reduce_sum3A_40 {offsets = [0, 32], sizes = [400, 32], strides = [1, 1]} : vector<400x128xf32> to vector<400x32xf32>
    %add3A_43 = arith.addf %slice3A_41, %slice3A_42 : vector<400x32xf32>
    %slice3A_44 = vector.extract_strided_slice %reduce_sum3A_40 {offsets = [0, 64], sizes = [400, 32], strides = [1, 1]} : vector<400x128xf32> to vector<400x32xf32>
    %add3A_45 = arith.addf %add3A_43, %slice3A_44 : vector<400x32xf32>
    %slice3A_46 = vector.extract_strided_slice %reduce_sum3A_40 {offsets = [0, 96], sizes = [400, 32], strides = [1, 1]} : vector<400x128xf32> to vector<400x32xf32>
    %add3A_47 = arith.addf %add3A_45, %slice3A_46 : vector<400x32xf32>
    %mul3A_48 = arith.constant 6.250000e-02 : f32
    %mul3A_49 = vector.broadcast %mul3A_48 : f32 to vector<400x32xf32>
    %mul3A_50 = arith.mulf %add3A_47, %mul3A_49 : vector<400x32xf32>
    %swap3A_51 = arith.constant 0 : index
    %swap3A_52 = arith.constant 0 : index
    %swap3A_53 = vector.load %arg7[%swap3A_51, %swap3A_52] : memref<400x32xf32, #tpu.memory_space<vmem>>, vector<400x32xf32>
    tpu.vector_store %arg7[%swap3A_51, %swap3A_52], %mul3A_50 {strides = array<i32>} : memref<400x32xf32, #tpu.memory_space<vmem>>, vector<400x32xf32>,
    return
  }
  func.func @transform_0(%arg0: i32) -> (i32, i32) {
    %c0_i32 = arith.constant 0 : i32
    %c0_i32_0 = arith.constant 0 : i32
    return %arg0, %c0_i32 : i32, i32
  }
  func.func @transform_1(%arg0: i32) -> (i32, i32) {
    %c0_i32 = arith.constant 0 : i32
    %c0_i32_0 = arith.constant 0 : i32
    return %arg0, %c0_i32 : i32, i32
  }
  func.func @transform_2(%arg0: i32) -> (i32, i32) {
    %c0_i32 = arith.constant 0 : i32
    %c0_i32_0 = arith.constant 0 : i32
    return %arg0, %c0_i32 : i32, i32
  }
  func.func @transform_3(%arg0: i32) -> (i32, i32) {
    %c0_i32 = arith.constant 0 : i32
    %c0_i32_0 = arith.constant 0 : i32
    %c0_i32_1 = arith.constant 0 : i32
    return %c0_i32, %c0_i32_0 : i32, i32
  }
  func.func @transform_4(%arg0: i32) -> (i32, i32) {
    %c0_i32 = arith.constant 0 : i32
    %c0_i32_0 = arith.constant 0 : i32
    %c0_i32_1 = arith.constant 0 : i32
    return %c0_i32, %c0_i32_0 : i32, i32
  }
  func.func @transform_5(%arg0: i32) -> (i32, i32) {
    %c0_i32 = arith.constant 0 : i32
    %c0_i32_0 = arith.constant 0 : i32
    return %arg0, %c0_i32 : i32, i32
  }
  func.func @transform_6(%arg0: i32) -> (i32, i32) {
    %c0_i32 = arith.constant 0 : i32
    %c0_i32_0 = arith.constant 0 : i32
    return %arg0, %c0_i32 : i32, i32
  }
}

module attributes {stable_mosaic.version = 14 : i64} {
  func.func @_node_body(%arg0: memref<10000x32xf32, #tpu.memory_space<vmem>>, %arg1: memref<10000x32xf32, #tpu.memory_space<vmem>>, %arg2: memref<10000x32xf32, #tpu.memory_space<vmem>>, %arg3: memref<64x64xf32, #tpu.memory_space<vmem>>, %arg4: memref<1x64xf32, #tpu.memory_space<vmem>>, %arg5: memref<64x64xf32, #tpu.memory_space<vmem>>, %arg6: memref<1x64xf32, #tpu.memory_space<vmem>>, %arg7: memref<1x64xf32, #tpu.memory_space<vmem>>, %arg8: memref<1x64xf32, #tpu.memory_space<vmem>>, %arg9: memref<32x32xf32, #tpu.memory_space<vmem>>, %arg10: memref<1x32xf32, #tpu.memory_space<vmem>>, %arg11: memref<1x32xf32, #tpu.memory_space<vmem>>, %arg12: memref<1x32xf32, #tpu.memory_space<vmem>>, %arg13: memref<32x64xf32, #tpu.memory_space<vmem>>, %arg14: memref<32x64xf32, #tpu.memory_space<vmem>>, %arg15: memref<32x64xf32, #tpu.memory_space<vmem>>, %arg16: memref<32x64xf32, #tpu.memory_space<vmem>>, %arg17: memref<1x64xf32, #tpu.memory_space<vmem>>, %arg18: memref<10000x32xf32, #tpu.memory_space<vmem>>, %arg19: memref<10000x32xf32, #tpu.memory_space<vmem>>, %arg20: memref<10000x64xf32, #tpu.memory_space<vmem>>, %arg21: memref<10000x64xf32, #tpu.memory_space<vmem>>) attributes {dimension_semantics = [], scalar_prefetch = 0 : i64, scratch_operands = 0 : i64, tpu.core_type = #tpu.core_type<tc>} {
    %get3A = arith.constant 0 : index
    %get3A_0 = arith.constant 0 : index
    %get3A_1 = vector.load %arg0[%get3A, %get3A_0] : memref<10000x32xf32, #tpu.memory_space<vmem>>, vector<10000x32xf32>
    %get3A_2 = arith.constant 0 : index
    %get3A_3 = arith.constant 0 : index
    %get3A_4 = vector.load %arg1[%get3A_2, %get3A_3] : memref<10000x32xf32, #tpu.memory_space<vmem>>, vector<10000x32xf32>
    %concatenate3A = tpu.concatenate %get3A_1, %get3A_4 in 1 : vector<10000x32xf32>, vector<10000x32xf32> -> vector<10000x64xf32>
    %get3A_5 = arith.constant 0 : index
    %get3A_6 = arith.constant 0 : index
    %get3A_7 = vector.load %arg3[%get3A_5, %get3A_6] : memref<64x64xf32, #tpu.memory_space<vmem>>, vector<64x64xf32>
    %dot_general3A = arith.constant dense<0.000000e+00> : vector<10000x64xf32>
    %dot_general3A_8 = tpu.matmul %concatenate3A, %get3A_7, %dot_general3A {dimension_numbers = #tpu.dot_dimension_numbers<[1], [0], [0], [1], [0, 0, 1, 1], [], []>, transpose_lhs_hint = false} : vector<10000x64xf32>, vector<64x64xf32>, vector<10000x64xf32> -> vector<10000x64xf32>
    %get3A_9 = arith.constant 0 : index
    %get3A_10 = arith.constant 0 : index
    %get3A_11 = vector.load %arg4[%get3A_9, %get3A_10] : memref<1x64xf32, #tpu.memory_space<vmem>>, vector<1x64xf32>
    %add3A = vector.broadcast %get3A_11 : vector<1x64xf32> to vector<10000x64xf32>
    %add3A_12 = arith.addf %dot_general3A_8, %add3A : vector<10000x64xf32>
    %tanh3A = math.tanh %add3A_12 : vector<10000x64xf32>
    %get3A_13 = arith.constant 0 : index
    %get3A_14 = arith.constant 0 : index
    %get3A_15 = vector.load %arg5[%get3A_13, %get3A_14] : memref<64x64xf32, #tpu.memory_space<vmem>>, vector<64x64xf32>
    %dot_general3A_16 = arith.constant dense<0.000000e+00> : vector<10000x64xf32>
    %dot_general3A_17 = tpu.matmul %tanh3A, %get3A_15, %dot_general3A_16 {dimension_numbers = #tpu.dot_dimension_numbers<[1], [0], [0], [1], [0, 0, 1, 1], [], []>, transpose_lhs_hint = false} : vector<10000x64xf32>, vector<64x64xf32>, vector<10000x64xf32> -> vector<10000x64xf32>
    %get3A_18 = arith.constant 0 : index
    %get3A_19 = arith.constant 0 : index
    %get3A_20 = vector.load %arg6[%get3A_18, %get3A_19] : memref<1x64xf32, #tpu.memory_space<vmem>>, vector<1x64xf32>
    %add3A_21 = vector.broadcast %get3A_20 : vector<1x64xf32> to vector<10000x64xf32>
    %add3A_22 = arith.addf %dot_general3A_17, %add3A_21 : vector<10000x64xf32>
    %tanh3A_23 = math.tanh %add3A_22 : vector<10000x64xf32>
    %get3A_24 = arith.constant 0 : index
    %get3A_25 = arith.constant 0 : index
    %get3A_26 = vector.load %arg7[%get3A_24, %get3A_25] : memref<1x64xf32, #tpu.memory_space<vmem>>, vector<1x64xf32>
    %get3A_27 = arith.constant 0 : index
    %get3A_28 = arith.constant 0 : index
    %get3A_29 = vector.load %arg8[%get3A_27, %get3A_28] : memref<1x64xf32, #tpu.memory_space<vmem>>, vector<1x64xf32>
    %reduce_sum3A = arith.constant dense<0.000000e+00> : vector<64xf32>
    %reduce_sum3A_30 = vector.multi_reduction <add>, %tanh3A_23, %reduce_sum3A [0] : vector<10000x64xf32> to vector<64xf32>
    %broadcast_in_dim3A = vector.shape_cast %reduce_sum3A_30 : vector<64xf32> to vector<1x64xf32>
    %div3A = arith.constant 1.000000e+04 : f32
    %div3A_31 = vector.broadcast %div3A : f32 to vector<1x64xf32>
    %div3A_32 = arith.divf %broadcast_in_dim3A, %div3A_31 : vector<1x64xf32>
    %mul3A = arith.mulf %tanh3A_23, %tanh3A_23 : vector<10000x64xf32>
    %reduce_sum3A_33 = arith.constant dense<0.000000e+00> : vector<64xf32>
    %reduce_sum3A_34 = vector.multi_reduction <add>, %mul3A, %reduce_sum3A_33 [0] : vector<10000x64xf32> to vector<64xf32>
    %broadcast_in_dim3A_35 = vector.shape_cast %reduce_sum3A_34 : vector<64xf32> to vector<1x64xf32>
    %div3A_36 = arith.constant 1.000000e+04 : f32
    %div3A_37 = vector.broadcast %div3A_36 : f32 to vector<1x64xf32>
    %div3A_38 = arith.divf %broadcast_in_dim3A_35, %div3A_37 : vector<1x64xf32>
    %mul3A_39 = arith.mulf %div3A_32, %div3A_32 : vector<1x64xf32>
    %sub3A = arith.subf %div3A_38, %mul3A_39 : vector<1x64xf32>
    %sub3A_40 = vector.broadcast %div3A_32 : vector<1x64xf32> to vector<10000x64xf32>
    %sub3A_41 = arith.subf %tanh3A_23, %sub3A_40 : vector<10000x64xf32>
    %add3A_42 = arith.constant 9.99999974E-6 : f32
    %add3A_43 = vector.broadcast %add3A_42 : f32 to vector<1x64xf32>
    %add3A_44 = arith.addf %sub3A, %add3A_43 : vector<1x64xf32>
    %sqrt3A = math.sqrt %add3A_44 : vector<1x64xf32>
    %div3A_45 = arith.divf %get3A_26, %sqrt3A : vector<1x64xf32>
    %mul3A_46 = vector.broadcast %div3A_45 : vector<1x64xf32> to vector<10000x64xf32>
    %mul3A_47 = arith.mulf %sub3A_41, %mul3A_46 : vector<10000x64xf32>
    %add3A_48 = vector.broadcast %get3A_29 : vector<1x64xf32> to vector<10000x64xf32>
    %add3A_49 = arith.addf %mul3A_47, %add3A_48 : vector<10000x64xf32>
    %slice3A = vector.extract_strided_slice %add3A_49 {offsets = [0, 0], sizes = [10000, 32], strides = [1, 1]} : vector<10000x64xf32> to vector<10000x32xf32>
    %slice3A_50 = vector.extract_strided_slice %add3A_49 {offsets = [0, 32], sizes = [10000, 32], strides = [1, 1]} : vector<10000x64xf32> to vector<10000x32xf32>
    %mul3A_51 = arith.mulf %slice3A, %slice3A_50 : vector<10000x32xf32>
    %get3A_52 = arith.constant 0 : index
    %get3A_53 = arith.constant 0 : index
    %get3A_54 = vector.load %arg1[%get3A_52, %get3A_53] : memref<10000x32xf32, #tpu.memory_space<vmem>>, vector<10000x32xf32>
    %add3A_55 = arith.addf %mul3A_51, %get3A_54 : vector<10000x32xf32>
    %get3A_56 = arith.constant 0 : index
    %get3A_57 = arith.constant 0 : index
    %get3A_58 = vector.load %arg2[%get3A_56, %get3A_57] : memref<10000x32xf32, #tpu.memory_space<vmem>>, vector<10000x32xf32>
    %get3A_59 = arith.constant 0 : index
    %get3A_60 = arith.constant 0 : index
    %get3A_61 = vector.load %arg9[%get3A_59, %get3A_60] : memref<32x32xf32, #tpu.memory_space<vmem>>, vector<32x32xf32>
    %dot_general3A_62 = arith.constant dense<0.000000e+00> : vector<10000x32xf32>
    %dot_general3A_63 = tpu.matmul %get3A_58, %get3A_61, %dot_general3A_62 {dimension_numbers = #tpu.dot_dimension_numbers<[1], [0], [0], [1], [0, 0, 1, 1], [], []>, transpose_lhs_hint = false} : vector<10000x32xf32>, vector<32x32xf32>, vector<10000x32xf32> -> vector<10000x32xf32>
    %get3A_64 = arith.constant 0 : index
    %get3A_65 = arith.constant 0 : index
    %get3A_66 = vector.load %arg10[%get3A_64, %get3A_65] : memref<1x32xf32, #tpu.memory_space<vmem>>, vector<1x32xf32>
    %add3A_67 = vector.broadcast %get3A_66 : vector<1x32xf32> to vector<10000x32xf32>
    %add3A_68 = arith.addf %dot_general3A_63, %add3A_67 : vector<10000x32xf32>
    %get3A_69 = arith.constant 0 : index
    %get3A_70 = arith.constant 0 : index
    %get3A_71 = vector.load %arg11[%get3A_69, %get3A_70] : memref<1x32xf32, #tpu.memory_space<vmem>>, vector<1x32xf32>
    %get3A_72 = arith.constant 0 : index
    %get3A_73 = arith.constant 0 : index
    %get3A_74 = vector.load %arg12[%get3A_72, %get3A_73] : memref<1x32xf32, #tpu.memory_space<vmem>>, vector<1x32xf32>
    %reduce_sum3A_75 = arith.constant dense<0.000000e+00> : vector<32xf32>
    %reduce_sum3A_76 = vector.multi_reduction <add>, %add3A_68, %reduce_sum3A_75 [0] : vector<10000x32xf32> to vector<32xf32>
    %broadcast_in_dim3A_77 = vector.shape_cast %reduce_sum3A_76 : vector<32xf32> to vector<1x32xf32>
    %div3A_78 = arith.constant 1.000000e+04 : f32
    %div3A_79 = vector.broadcast %div3A_78 : f32 to vector<1x32xf32>
    %div3A_80 = arith.divf %broadcast_in_dim3A_77, %div3A_79 : vector<1x32xf32>
    %mul3A_81 = arith.mulf %add3A_68, %add3A_68 : vector<10000x32xf32>
    %reduce_sum3A_82 = arith.constant dense<0.000000e+00> : vector<32xf32>
    %reduce_sum3A_83 = vector.multi_reduction <add>, %mul3A_81, %reduce_sum3A_82 [0] : vector<10000x32xf32> to vector<32xf32>
    %broadcast_in_dim3A_84 = vector.shape_cast %reduce_sum3A_83 : vector<32xf32> to vector<1x32xf32>
    %div3A_85 = arith.constant 1.000000e+04 : f32
    %div3A_86 = vector.broadcast %div3A_85 : f32 to vector<1x32xf32>
    %div3A_87 = arith.divf %broadcast_in_dim3A_84, %div3A_86 : vector<1x32xf32>
    %mul3A_88 = arith.mulf %div3A_80, %div3A_80 : vector<1x32xf32>
    %sub3A_89 = arith.subf %div3A_87, %mul3A_88 : vector<1x32xf32>
    %sub3A_90 = vector.broadcast %div3A_80 : vector<1x32xf32> to vector<10000x32xf32>
    %sub3A_91 = arith.subf %add3A_68, %sub3A_90 : vector<10000x32xf32>
    %add3A_92 = arith.constant 9.99999974E-6 : f32
    %add3A_93 = vector.broadcast %add3A_92 : f32 to vector<1x32xf32>
    %add3A_94 = arith.addf %sub3A_89, %add3A_93 : vector<1x32xf32>
    %sqrt3A_95 = math.sqrt %add3A_94 : vector<1x32xf32>
    %div3A_96 = arith.divf %get3A_71, %sqrt3A_95 : vector<1x32xf32>
    %mul3A_97 = vector.broadcast %div3A_96 : vector<1x32xf32> to vector<10000x32xf32>
    %mul3A_98 = arith.mulf %sub3A_91, %mul3A_97 : vector<10000x32xf32>
    %add3A_99 = vector.broadcast %get3A_74 : vector<1x32xf32> to vector<10000x32xf32>
    %add3A_100 = arith.addf %mul3A_98, %add3A_99 : vector<10000x32xf32>
    %get3A_101 = arith.constant 0 : index
    %get3A_102 = arith.constant 0 : index
    %get3A_103 = vector.load %arg2[%get3A_101, %get3A_102] : memref<10000x32xf32, #tpu.memory_space<vmem>>, vector<10000x32xf32>
    %add3A_104 = arith.addf %add3A_100, %get3A_103 : vector<10000x32xf32>
    %swap3A = arith.constant 0 : index
    %swap3A_105 = arith.constant 0 : index
    %swap3A_106 = vector.load %arg18[%swap3A, %swap3A_105] : memref<10000x32xf32, #tpu.memory_space<vmem>>, vector<10000x32xf32>
    tpu.vector_store %arg18[%swap3A, %swap3A_105], %add3A_55 {strides = array<i32>} : memref<10000x32xf32, #tpu.memory_space<vmem>>, vector<10000x32xf32>,
    %swap3A_107 = arith.constant 0 : index
    %swap3A_108 = arith.constant 0 : index
    %swap3A_109 = vector.load %arg19[%swap3A_107, %swap3A_108] : memref<10000x32xf32, #tpu.memory_space<vmem>>, vector<10000x32xf32>
    tpu.vector_store %arg19[%swap3A_107, %swap3A_108], %add3A_104 {strides = array<i32>} : memref<10000x32xf32, #tpu.memory_space<vmem>>, vector<10000x32xf32>,
    %get3A_110 = arith.constant 0 : index
    %get3A_111 = arith.constant 0 : index
    %get3A_112 = vector.load %arg13[%get3A_110, %get3A_111] : memref<32x64xf32, #tpu.memory_space<vmem>>, vector<32x64xf32>
    %dot_general3A_113 = arith.constant dense<0.000000e+00> : vector<10000x64xf32>
    %dot_general3A_114 = tpu.matmul %add3A_55, %get3A_112, %dot_general3A_113 {dimension_numbers = #tpu.dot_dimension_numbers<[1], [0], [0], [1], [0, 0, 1, 1], [], []>, transpose_lhs_hint = false} : vector<10000x32xf32>, vector<32x64xf32>, vector<10000x64xf32> -> vector<10000x64xf32>
    %get3A_115 = arith.constant 0 : index
    %get3A_116 = arith.constant 0 : index
    %get3A_117 = vector.load %arg14[%get3A_115, %get3A_116] : memref<32x64xf32, #tpu.memory_space<vmem>>, vector<32x64xf32>
    %dot_general3A_118 = arith.constant dense<0.000000e+00> : vector<10000x64xf32>
    %dot_general3A_119 = tpu.matmul %add3A_104, %get3A_117, %dot_general3A_118 {dimension_numbers = #tpu.dot_dimension_numbers<[1], [0], [0], [1], [0, 0, 1, 1], [], []>, transpose_lhs_hint = false} : vector<10000x32xf32>, vector<32x64xf32>, vector<10000x64xf32> -> vector<10000x64xf32>
    %add3A_120 = arith.addf %dot_general3A_114, %dot_general3A_119 : vector<10000x64xf32>
    %swap3A_121 = arith.constant 0 : index
    %swap3A_122 = arith.constant 0 : index
    %swap3A_123 = vector.load %arg20[%swap3A_121, %swap3A_122] : memref<10000x64xf32, #tpu.memory_space<vmem>>, vector<10000x64xf32>
    tpu.vector_store %arg20[%swap3A_121, %swap3A_122], %add3A_120 {strides = array<i32>} : memref<10000x64xf32, #tpu.memory_space<vmem>>, vector<10000x64xf32>,
    %get3A_124 = arith.constant 0 : index
    %get3A_125 = arith.constant 0 : index
    %get3A_126 = vector.load %arg15[%get3A_124, %get3A_125] : memref<32x64xf32, #tpu.memory_space<vmem>>, vector<32x64xf32>
    %dot_general3A_127 = arith.constant dense<0.000000e+00> : vector<10000x64xf32>
    %dot_general3A_128 = tpu.matmul %add3A_55, %get3A_126, %dot_general3A_127 {dimension_numbers = #tpu.dot_dimension_numbers<[1], [0], [0], [1], [0, 0, 1, 1], [], []>, transpose_lhs_hint = false} : vector<10000x32xf32>, vector<32x64xf32>, vector<10000x64xf32> -> vector<10000x64xf32>
    %get3A_129 = arith.constant 0 : index
    %get3A_130 = arith.constant 0 : index
    %get3A_131 = vector.load %arg16[%get3A_129, %get3A_130] : memref<32x64xf32, #tpu.memory_space<vmem>>, vector<32x64xf32>
    %dot_general3A_132 = arith.constant dense<0.000000e+00> : vector<10000x64xf32>
    %dot_general3A_133 = tpu.matmul %add3A_104, %get3A_131, %dot_general3A_132 {dimension_numbers = #tpu.dot_dimension_numbers<[1], [0], [0], [1], [0, 0, 1, 1], [], []>, transpose_lhs_hint = false} : vector<10000x32xf32>, vector<32x64xf32>, vector<10000x64xf32> -> vector<10000x64xf32>
    %add3A_134 = arith.addf %dot_general3A_128, %dot_general3A_133 : vector<10000x64xf32>
    %get3A_135 = arith.constant 0 : index
    %get3A_136 = arith.constant 0 : index
    %get3A_137 = vector.load %arg17[%get3A_135, %get3A_136] : memref<1x64xf32, #tpu.memory_space<vmem>>, vector<1x64xf32>
    %add3A_138 = vector.broadcast %get3A_137 : vector<1x64xf32> to vector<10000x64xf32>
    %add3A_139 = arith.addf %add3A_134, %add3A_138 : vector<10000x64xf32>
    %swap3A_140 = arith.constant 0 : index
    %swap3A_141 = arith.constant 0 : index
    %swap3A_142 = vector.load %arg21[%swap3A_140, %swap3A_141] : memref<10000x64xf32, #tpu.memory_space<vmem>>, vector<10000x64xf32>
    tpu.vector_store %arg21[%swap3A_140, %swap3A_141], %add3A_139 {strides = array<i32>} : memref<10000x64xf32, #tpu.memory_space<vmem>>, vector<10000x64xf32>,
    return
  }
}

module attributes {stable_mosaic.version = 14 : i64} {
  func.func @_pass1_body(%arg0: i32, %arg1: memref<1600x128xf32, #tpu.memory_space<vmem>>, %arg2: memref<1600x128xf32, #tpu.memory_space<vmem>>, %arg3: memref<1600x128xf32, #tpu.memory_space<vmem>>, %arg4: memref<400x64xf32, #tpu.memory_space<vmem>>, %arg5: memref<128x256xf32, #tpu.memory_space<vmem>>, %arg6: memref<128x128xf32, #tpu.memory_space<vmem>>, %arg7: memref<1x128xf32, #tpu.memory_space<vmem>>, %arg8: memref<1600x128xf32, #tpu.memory_space<vmem>>, %arg9: memref<1600x128xf32, #tpu.memory_space<vmem>>, %arg10: memref<8x128xf32, #tpu.memory_space<vmem>>, %arg11: memref<8x128xf32, #tpu.memory_space<vmem>>) attributes {dimension_semantics = [#tpu.dimension_semantics<arbitrary>], iteration_bounds = array<i64: 25>, scalar_prefetch = 0 : i64, scratch_operands = 0 : i64, tpu.core_type = #tpu.core_type<tc>, window_params = [{transform_indices = @transform_0, window_bounds = array<i64: 1600, 128>}, {transform_indices = @transform_1, window_bounds = array<i64: 1600, 128>}, {transform_indices = @transform_2, window_bounds = array<i64: 1600, 128>}, {transform_indices = @transform_3, window_bounds = array<i64: 400, 64>}, {pipeline_mode = #tpu.pipeline_mode<synchronous>, transform_indices = @transform_4, window_bounds = array<i64: 128, 256>}, {pipeline_mode = #tpu.pipeline_mode<synchronous>, transform_indices = @transform_5, window_bounds = array<i64: 128, 128>}, {pipeline_mode = #tpu.pipeline_mode<synchronous>, transform_indices = @transform_6, window_bounds = array<i64: 1, 128>}, {transform_indices = @transform_7, window_bounds = array<i64: 1600, 128>}, {transform_indices = @transform_8, window_bounds = array<i64: 1600, 128>}, {pipeline_mode = #tpu.pipeline_mode<synchronous>, transform_indices = @transform_9, window_bounds = array<i64: 8, 128>}, {pipeline_mode = #tpu.pipeline_mode<synchronous>, transform_indices = @transform_10, window_bounds = array<i64: 8, 128>}]} {
    %get3A = arith.constant 0 : index
    %get3A_0 = arith.constant 0 : index
    %get3A_1 = vector.load %arg1[%get3A, %get3A_0] : memref<1600x128xf32, #tpu.memory_space<vmem>>, vector<1600x128xf32>
    %get3A_2 = arith.constant 0 : index
    %get3A_3 = arith.constant 0 : index
    %get3A_4 = vector.load %arg5[%get3A_2, %get3A_3] : memref<128x256xf32, #tpu.memory_space<vmem>>, vector<128x256xf32>
    %dot_general3A = arith.constant dense<0.000000e+00> : vector<1600x256xf32>
    %dot_general3A_5 = tpu.matmul %get3A_1, %get3A_4, %dot_general3A {dimension_numbers = #tpu.dot_dimension_numbers<[1], [0], [0], [1], [0, 0, 1, 1], [], []>, transpose_lhs_hint = false} : vector<1600x128xf32>, vector<128x256xf32>, vector<1600x256xf32> -> vector<1600x256xf32>
    %get3A_6 = arith.constant 0 : index
    %get3A_7 = arith.constant 0 : index
    %get3A_8 = vector.load %arg4[%get3A_6, %get3A_7] : memref<400x64xf32, #tpu.memory_space<vmem>>, vector<400x64xf32>
    %broadcast_in_dim3A = vector.shape_cast %get3A_8 : vector<400x64xf32> to vector<400x1x64xf32>
    %broadcast_in_dim3A_9 = vector.shape_cast %broadcast_in_dim3A : vector<400x1x64xf32> to vector<400x1x64xf32>
    %broadcast_in_dim3A_10 = vector.broadcast %broadcast_in_dim3A_9 : vector<400x1x64xf32> to vector<400x4x64xf32>
    %reshape3A = vector.shape_cast %broadcast_in_dim3A_10 : vector<400x4x64xf32> to vector<1600x64xf32>
    %concatenate3A = tpu.concatenate %reshape3A, %reshape3A in 1 : vector<1600x64xf32>, vector<1600x64xf32> -> vector<1600x128xf32>
    %slice3A = vector.extract_strided_slice %dot_general3A_5 {offsets = [0, 0], sizes = [1600, 64], strides = [1, 1]} : vector<1600x256xf32> to vector<1600x64xf32>
    %slice3A_11 = vector.extract_strided_slice %dot_general3A_5 {offsets = [0, 128], sizes = [1600, 64], strides = [1, 1]} : vector<1600x256xf32> to vector<1600x64xf32>
    %concatenate3A_12 = tpu.concatenate %slice3A, %slice3A_11 in 1 : vector<1600x64xf32>, vector<1600x64xf32> -> vector<1600x128xf32>
    %get3A_13 = arith.constant 0 : index
    %get3A_14 = arith.constant 0 : index
    %get3A_15 = vector.load %arg2[%get3A_13, %get3A_14] : memref<1600x128xf32, #tpu.memory_space<vmem>>, vector<1600x128xf32>
    %add3A = arith.addf %concatenate3A_12, %get3A_15 : vector<1600x128xf32>
    %add3A_16 = arith.addf %add3A, %concatenate3A : vector<1600x128xf32>
    %slice3A_17 = vector.extract_strided_slice %dot_general3A_5 {offsets = [0, 64], sizes = [1600, 64], strides = [1, 1]} : vector<1600x256xf32> to vector<1600x64xf32>
    %slice3A_18 = vector.extract_strided_slice %dot_general3A_5 {offsets = [0, 192], sizes = [1600, 64], strides = [1, 1]} : vector<1600x256xf32> to vector<1600x64xf32>
    %concatenate3A_19 = tpu.concatenate %slice3A_17, %slice3A_18 in 1 : vector<1600x64xf32>, vector<1600x64xf32> -> vector<1600x128xf32>
    %get3A_20 = arith.constant 0 : index
    %get3A_21 = arith.constant 0 : index
    %get3A_22 = vector.load %arg3[%get3A_20, %get3A_21] : memref<1600x128xf32, #tpu.memory_space<vmem>>, vector<1600x128xf32>
    %add3A_23 = arith.addf %concatenate3A_19, %get3A_22 : vector<1600x128xf32>
    %add3A_24 = arith.addf %add3A_23, %concatenate3A : vector<1600x128xf32>
    %tanh3A = math.tanh %add3A_16 : vector<1600x128xf32>
    %get3A_25 = arith.constant 0 : index
    %get3A_26 = arith.constant 0 : index
    %get3A_27 = vector.load %arg6[%get3A_25, %get3A_26] : memref<128x128xf32, #tpu.memory_space<vmem>>, vector<128x128xf32>
    %dot_general3A_28 = arith.constant dense<0.000000e+00> : vector<1600x128xf32>
    %dot_general3A_29 = tpu.matmul %tanh3A, %get3A_27, %dot_general3A_28 {dimension_numbers = #tpu.dot_dimension_numbers<[1], [0], [0], [1], [0, 0, 1, 1], [], []>, transpose_lhs_hint = false} : vector<1600x128xf32>, vector<128x128xf32>, vector<1600x128xf32> -> vector<1600x128xf32>
    %get3A_30 = arith.constant 0 : index
    %get3A_31 = arith.constant 0 : index
    %get3A_32 = vector.load %arg7[%get3A_30, %get3A_31] : memref<1x128xf32, #tpu.memory_space<vmem>>, vector<1x128xf32>
    %add3A_33 = vector.broadcast %get3A_32 : vector<1x128xf32> to vector<1600x128xf32>
    %add3A_34 = arith.addf %dot_general3A_29, %add3A_33 : vector<1600x128xf32>
    %tanh3A_35 = math.tanh %add3A_24 : vector<1600x128xf32>
    %get3A_36 = arith.constant 0 : index
    %get3A_37 = arith.constant 0 : index
    %get3A_38 = vector.load %arg6[%get3A_36, %get3A_37] : memref<128x128xf32, #tpu.memory_space<vmem>>, vector<128x128xf32>
    %dot_general3A_39 = arith.constant dense<0.000000e+00> : vector<1600x128xf32>
    %dot_general3A_40 = tpu.matmul %tanh3A_35, %get3A_38, %dot_general3A_39 {dimension_numbers = #tpu.dot_dimension_numbers<[1], [0], [0], [1], [0, 0, 1, 1], [], []>, transpose_lhs_hint = false} : vector<1600x128xf32>, vector<128x128xf32>, vector<1600x128xf32> -> vector<1600x128xf32>
    %get3A_41 = arith.constant 0 : index
    %get3A_42 = arith.constant 0 : index
    %get3A_43 = vector.load %arg7[%get3A_41, %get3A_42] : memref<1x128xf32, #tpu.memory_space<vmem>>, vector<1x128xf32>
    %add3A_44 = vector.broadcast %get3A_43 : vector<1x128xf32> to vector<1600x128xf32>
    %add3A_45 = arith.addf %dot_general3A_40, %add3A_44 : vector<1600x128xf32>
    %swap3A = arith.constant 0 : index
    %swap3A_46 = arith.constant 0 : index
    %swap3A_47 = vector.load %arg8[%swap3A, %swap3A_46] : memref<1600x128xf32, #tpu.memory_space<vmem>>, vector<1600x128xf32>
    tpu.vector_store %arg8[%swap3A, %swap3A_46], %add3A_34 {strides = array<i32>} : memref<1600x128xf32, #tpu.memory_space<vmem>>, vector<1600x128xf32>,
    %swap3A_48 = arith.constant 0 : index
    %swap3A_49 = arith.constant 0 : index
    %swap3A_50 = vector.load %arg9[%swap3A_48, %swap3A_49] : memref<1600x128xf32, #tpu.memory_space<vmem>>, vector<1600x128xf32>
    tpu.vector_store %arg9[%swap3A_48, %swap3A_49], %add3A_45 {strides = array<i32>} : memref<1600x128xf32, #tpu.memory_space<vmem>>, vector<1600x128xf32>,
    %reshape3A_51 = vector.shape_cast %add3A_34 : vector<1600x128xf32> to vector<200x8x128xf32>
    %reduce_sum3A = arith.constant dense<0.000000e+00> : vector<8x128xf32>
    %reduce_sum3A_52 = vector.multi_reduction <add>, %reshape3A_51, %reduce_sum3A [0] : vector<200x8x128xf32> to vector<8x128xf32>
    %reshape3A_53 = vector.shape_cast %add3A_45 : vector<1600x128xf32> to vector<200x8x128xf32>
    %reduce_sum3A_54 = arith.constant dense<0.000000e+00> : vector<8x128xf32>
    %reduce_sum3A_55 = vector.multi_reduction <add>, %reshape3A_53, %reduce_sum3A_54 [0] : vector<200x8x128xf32> to vector<8x128xf32>
    %add3A_56 = arith.addf %reduce_sum3A_52, %reduce_sum3A_55 : vector<8x128xf32>
    %mul3A = arith.mulf %add3A_34, %add3A_34 : vector<1600x128xf32>
    %reshape3A_57 = vector.shape_cast %mul3A : vector<1600x128xf32> to vector<200x8x128xf32>
    %reduce_sum3A_58 = arith.constant dense<0.000000e+00> : vector<8x128xf32>
    %reduce_sum3A_59 = vector.multi_reduction <add>, %reshape3A_57, %reduce_sum3A_58 [0] : vector<200x8x128xf32> to vector<8x128xf32>
    %mul3A_60 = arith.mulf %add3A_45, %add3A_45 : vector<1600x128xf32>
    %reshape3A_61 = vector.shape_cast %mul3A_60 : vector<1600x128xf32> to vector<200x8x128xf32>
    %reduce_sum3A_62 = arith.constant dense<0.000000e+00> : vector<8x128xf32>
    %reduce_sum3A_63 = vector.multi_reduction <add>, %reshape3A_61, %reduce_sum3A_62 [0] : vector<200x8x128xf32> to vector<8x128xf32>
    %add3A_64 = arith.addf %reduce_sum3A_59, %reduce_sum3A_63 : vector<8x128xf32>
    %eq3A = arith.constant 0 : i32
    %eq3A_65 = arith.cmpi eq, %arg0, %eq3A : i32
    %convert_element_type3A = arith.extui %eq3A_65 : i1 to i32
    %cond3A = arith.constant 0 : i32
    %cond3A_66 = arith.cmpi ne, %convert_element_type3A, %cond3A : i32
    scf.if %cond3A_66 {
      %swap3A_71 = arith.constant 0 : index
      %swap3A_72 = arith.constant 0 : index
      %swap3A_73 = vector.load %arg10[%swap3A_71, %swap3A_72] : memref<8x128xf32, #tpu.memory_space<vmem>>, vector<8x128xf32>
      tpu.vector_store %arg10[%swap3A_71, %swap3A_72], %add3A_56 {strides = array<i32>} : memref<8x128xf32, #tpu.memory_space<vmem>>, vector<8x128xf32>,
      %swap3A_74 = arith.constant 0 : index
      %swap3A_75 = arith.constant 0 : index
      %swap3A_76 = vector.load %arg11[%swap3A_74, %swap3A_75] : memref<8x128xf32, #tpu.memory_space<vmem>>, vector<8x128xf32>
      tpu.vector_store %arg11[%swap3A_74, %swap3A_75], %add3A_64 {strides = array<i32>} : memref<8x128xf32, #tpu.memory_space<vmem>>, vector<8x128xf32>,
    } else {
    }
    %ne3A = arith.constant 0 : i32
    %ne3A_67 = arith.cmpi ne, %arg0, %ne3A : i32
    %convert_element_type3A_68 = arith.extui %ne3A_67 : i1 to i32
    %cond3A_69 = arith.constant 0 : i32
    %cond3A_70 = arith.cmpi ne, %convert_element_type3A_68, %cond3A_69 : i32
    scf.if %cond3A_70 {
      %get3A_71 = arith.constant 0 : index
      %get3A_72 = arith.constant 0 : index
      %get3A_73 = vector.load %arg10[%get3A_71, %get3A_72] : memref<8x128xf32, #tpu.memory_space<vmem>>, vector<8x128xf32>
      %add3A_74 = arith.addf %get3A_73, %add3A_56 : vector<8x128xf32>
      %swap3A_75 = arith.constant 0 : index
      %swap3A_76 = arith.constant 0 : index
      %swap3A_77 = vector.load %arg10[%swap3A_75, %swap3A_76] : memref<8x128xf32, #tpu.memory_space<vmem>>, vector<8x128xf32>
      tpu.vector_store %arg10[%swap3A_75, %swap3A_76], %add3A_74 {strides = array<i32>} : memref<8x128xf32, #tpu.memory_space<vmem>>, vector<8x128xf32>,
      %get3A_78 = arith.constant 0 : index
      %get3A_79 = arith.constant 0 : index
      %get3A_80 = vector.load %arg11[%get3A_78, %get3A_79] : memref<8x128xf32, #tpu.memory_space<vmem>>, vector<8x128xf32>
      %add3A_81 = arith.addf %get3A_80, %add3A_64 : vector<8x128xf32>
      %swap3A_82 = arith.constant 0 : index
      %swap3A_83 = arith.constant 0 : index
      %swap3A_84 = vector.load %arg11[%swap3A_82, %swap3A_83] : memref<8x128xf32, #tpu.memory_space<vmem>>, vector<8x128xf32>
      tpu.vector_store %arg11[%swap3A_82, %swap3A_83], %add3A_81 {strides = array<i32>} : memref<8x128xf32, #tpu.memory_space<vmem>>, vector<8x128xf32>,
    } else {
    }
    return
  }
  func.func @transform_0(%arg0: i32) -> (i32, i32) {
    %c0_i32 = arith.constant 0 : i32
    %c0_i32_0 = arith.constant 0 : i32
    return %arg0, %c0_i32 : i32, i32
  }
  func.func @transform_1(%arg0: i32) -> (i32, i32) {
    %c0_i32 = arith.constant 0 : i32
    %c0_i32_0 = arith.constant 0 : i32
    return %arg0, %c0_i32 : i32, i32
  }
  func.func @transform_2(%arg0: i32) -> (i32, i32) {
    %add3A = arith.constant 25 : i32
    %add3A_0 = arith.addi %arg0, %add3A : i32
    %c0_i32 = arith.constant 0 : i32
    %c0_i32_1 = arith.constant 0 : i32
    return %add3A_0, %c0_i32 : i32, i32
  }
  func.func @transform_3(%arg0: i32) -> (i32, i32) {
    %c0_i32 = arith.constant 0 : i32
    %c0_i32_0 = arith.constant 0 : i32
    return %arg0, %c0_i32 : i32, i32
  }
  func.func @transform_4(%arg0: i32) -> (i32, i32) {
    %c0_i32 = arith.constant 0 : i32
    %c0_i32_0 = arith.constant 0 : i32
    %c0_i32_1 = arith.constant 0 : i32
    return %c0_i32, %c0_i32_0 : i32, i32
  }
  func.func @transform_5(%arg0: i32) -> (i32, i32) {
    %c0_i32 = arith.constant 0 : i32
    %c0_i32_0 = arith.constant 0 : i32
    %c0_i32_1 = arith.constant 0 : i32
    return %c0_i32, %c0_i32_0 : i32, i32
  }
  func.func @transform_6(%arg0: i32) -> (i32, i32) {
    %c0_i32 = arith.constant 0 : i32
    %c0_i32_0 = arith.constant 0 : i32
    %c0_i32_1 = arith.constant 0 : i32
    return %c0_i32, %c0_i32_0 : i32, i32
  }
  func.func @transform_7(%arg0: i32) -> (i32, i32) {
    %c0_i32 = arith.constant 0 : i32
    %c0_i32_0 = arith.constant 0 : i32
    return %arg0, %c0_i32 : i32, i32
  }
  func.func @transform_8(%arg0: i32) -> (i32, i32) {
    %c0_i32 = arith.constant 0 : i32
    %c0_i32_0 = arith.constant 0 : i32
    return %arg0, %c0_i32 : i32, i32
  }
  func.func @transform_9(%arg0: i32) -> (i32, i32) {
    %c0_i32 = arith.constant 0 : i32
    %c0_i32_0 = arith.constant 0 : i32
    %c0_i32_1 = arith.constant 0 : i32
    return %c0_i32, %c0_i32_0 : i32, i32
  }
  func.func @transform_10(%arg0: i32) -> (i32, i32) {
    %c0_i32 = arith.constant 0 : i32
    %c0_i32_0 = arith.constant 0 : i32
    %c0_i32_1 = arith.constant 0 : i32
    return %c0_i32, %c0_i32_0 : i32, i32
  }
}

module attributes {stable_mosaic.version = 14 : i64} {
  func.func @_conv1_body(%arg0: memref<200x28x28xf32, #tpu.memory_space<vmem>>, %arg1: memref<3x1x2x2xf32, #tpu.memory_space<smem>>, %arg2: memref<3xf32, #tpu.memory_space<smem>>, %arg3: memref<3x200x26x26xf32, #tpu.memory_space<vmem>>) attributes {dimension_semantics = [], scalar_prefetch = 0 : i64, scratch_operands = 0 : i64, tpu.core_type = #tpu.core_type<tc>} {
    %get3A = arith.constant 0 : index
    %get3A_0 = arith.constant 0 : index
    %get3A_1 = arith.constant 0 : index
    %get3A_2 = vector.load %arg0[%get3A, %get3A_0, %get3A_1] : memref<200x28x28xf32, #tpu.memory_space<vmem>>, vector<200x28x28xf32>
    %get3A_3 = arith.constant 0 : index
    %get3A_4 = memref.load %arg2[%get3A_3] : memref<3xf32, #tpu.memory_space<smem>>
    %broadcast_in_dim3A = vector.broadcast %get3A_4 : f32 to vector<200x27x27xf32>
    %get3A_5 = arith.constant 0 : index
    %get3A_6 = arith.constant 0 : index
    %get3A_7 = arith.constant 0 : index
    %get3A_8 = arith.constant 0 : index
    %get3A_9 = memref.load %arg1[%get3A_5, %get3A_6, %get3A_7, %get3A_8] : memref<3x1x2x2xf32, #tpu.memory_space<smem>>
    %slice3A = vector.extract_strided_slice %get3A_2 {offsets = [0, 0, 0], sizes = [200, 27, 27], strides = [1, 1, 1]} : vector<200x28x28xf32> to vector<200x27x27xf32>
    %mul3A = vector.broadcast %get3A_9 : f32 to vector<200x27x27xf32>
    %mul3A_10 = arith.mulf %mul3A, %slice3A : vector<200x27x27xf32>
    %add3A = arith.addf %broadcast_in_dim3A, %mul3A_10 : vector<200x27x27xf32>
    %get3A_11 = arith.constant 0 : index
    %get3A_12 = arith.constant 0 : index
    %get3A_13 = arith.constant 0 : index
    %get3A_14 = arith.constant 1 : index
    %get3A_15 = memref.load %arg1[%get3A_11, %get3A_12, %get3A_13, %get3A_14] : memref<3x1x2x2xf32, #tpu.memory_space<smem>>
    %slice3A_16 = vector.extract_strided_slice %get3A_2 {offsets = [0, 0, 1], sizes = [200, 27, 27], strides = [1, 1, 1]} : vector<200x28x28xf32> to vector<200x27x27xf32>
    %mul3A_17 = vector.broadcast %get3A_15 : f32 to vector<200x27x27xf32>
    %mul3A_18 = arith.mulf %mul3A_17, %slice3A_16 : vector<200x27x27xf32>
    %add3A_19 = arith.addf %add3A, %mul3A_18 : vector<200x27x27xf32>
    %get3A_20 = arith.constant 0 : index
    %get3A_21 = arith.constant 0 : index
    %get3A_22 = arith.constant 1 : index
    %get3A_23 = arith.constant 0 : index
    %get3A_24 = memref.load %arg1[%get3A_20, %get3A_21, %get3A_22, %get3A_23] : memref<3x1x2x2xf32, #tpu.memory_space<smem>>
    %slice3A_25 = vector.extract_strided_slice %get3A_2 {offsets = [0, 1, 0], sizes = [200, 27, 27], strides = [1, 1, 1]} : vector<200x28x28xf32> to vector<200x27x27xf32>
    %mul3A_26 = vector.broadcast %get3A_24 : f32 to vector<200x27x27xf32>
    %mul3A_27 = arith.mulf %mul3A_26, %slice3A_25 : vector<200x27x27xf32>
    %add3A_28 = arith.addf %add3A_19, %mul3A_27 : vector<200x27x27xf32>
    %get3A_29 = arith.constant 0 : index
    %get3A_30 = arith.constant 0 : index
    %get3A_31 = arith.constant 1 : index
    %get3A_32 = arith.constant 1 : index
    %get3A_33 = memref.load %arg1[%get3A_29, %get3A_30, %get3A_31, %get3A_32] : memref<3x1x2x2xf32, #tpu.memory_space<smem>>
    %slice3A_34 = vector.extract_strided_slice %get3A_2 {offsets = [0, 1, 1], sizes = [200, 27, 27], strides = [1, 1, 1]} : vector<200x28x28xf32> to vector<200x27x27xf32>
    %mul3A_35 = vector.broadcast %get3A_33 : f32 to vector<200x27x27xf32>
    %mul3A_36 = arith.mulf %mul3A_35, %slice3A_34 : vector<200x27x27xf32>
    %add3A_37 = arith.addf %add3A_28, %mul3A_36 : vector<200x27x27xf32>
    %slice3A_38 = vector.extract_strided_slice %add3A_37 {offsets = [0, 0, 0], sizes = [200, 26, 26], strides = [1, 1, 1]} : vector<200x27x27xf32> to vector<200x26x26xf32>
    %slice3A_39 = vector.extract_strided_slice %add3A_37 {offsets = [0, 0, 1], sizes = [200, 26, 26], strides = [1, 1, 1]} : vector<200x27x27xf32> to vector<200x26x26xf32>
    %max3A = arith.maximumf %slice3A_38, %slice3A_39 : vector<200x26x26xf32>
    %slice3A_40 = vector.extract_strided_slice %add3A_37 {offsets = [0, 1, 0], sizes = [200, 26, 26], strides = [1, 1, 1]} : vector<200x27x27xf32> to vector<200x26x26xf32>
    %slice3A_41 = vector.extract_strided_slice %add3A_37 {offsets = [0, 1, 1], sizes = [200, 26, 26], strides = [1, 1, 1]} : vector<200x27x27xf32> to vector<200x26x26xf32>
    %max3A_42 = arith.maximumf %slice3A_40, %slice3A_41 : vector<200x26x26xf32>
    %max3A_43 = arith.maximumf %max3A, %max3A_42 : vector<200x26x26xf32>
    %max3A_44 = arith.constant 0.000000e+00 : f32
    %max3A_45 = vector.broadcast %max3A_44 : f32 to vector<200x26x26xf32>
    %max3A_46 = arith.maximumf %max3A_43, %max3A_45 : vector<200x26x26xf32>
    %get3A_47 = arith.constant 1 : index
    %get3A_48 = memref.load %arg2[%get3A_47] : memref<3xf32, #tpu.memory_space<smem>>
    %broadcast_in_dim3A_49 = vector.broadcast %get3A_48 : f32 to vector<200x27x27xf32>
    %get3A_50 = arith.constant 1 : index
    %get3A_51 = arith.constant 0 : index
    %get3A_52 = arith.constant 0 : index
    %get3A_53 = arith.constant 0 : index
    %get3A_54 = memref.load %arg1[%get3A_50, %get3A_51, %get3A_52, %get3A_53] : memref<3x1x2x2xf32, #tpu.memory_space<smem>>
    %slice3A_55 = vector.extract_strided_slice %get3A_2 {offsets = [0, 0, 0], sizes = [200, 27, 27], strides = [1, 1, 1]} : vector<200x28x28xf32> to vector<200x27x27xf32>
    %mul3A_56 = vector.broadcast %get3A_54 : f32 to vector<200x27x27xf32>
    %mul3A_57 = arith.mulf %mul3A_56, %slice3A_55 : vector<200x27x27xf32>
    %add3A_58 = arith.addf %broadcast_in_dim3A_49, %mul3A_57 : vector<200x27x27xf32>
    %get3A_59 = arith.constant 1 : index
    %get3A_60 = arith.constant 0 : index
    %get3A_61 = arith.constant 0 : index
    %get3A_62 = arith.constant 1 : index
    %get3A_63 = memref.load %arg1[%get3A_59, %get3A_60, %get3A_61, %get3A_62] : memref<3x1x2x2xf32, #tpu.memory_space<smem>>
    %slice3A_64 = vector.extract_strided_slice %get3A_2 {offsets = [0, 0, 1], sizes = [200, 27, 27], strides = [1, 1, 1]} : vector<200x28x28xf32> to vector<200x27x27xf32>
    %mul3A_65 = vector.broadcast %get3A_63 : f32 to vector<200x27x27xf32>
    %mul3A_66 = arith.mulf %mul3A_65, %slice3A_64 : vector<200x27x27xf32>
    %add3A_67 = arith.addf %add3A_58, %mul3A_66 : vector<200x27x27xf32>
    %get3A_68 = arith.constant 1 : index
    %get3A_69 = arith.constant 0 : index
    %get3A_70 = arith.constant 1 : index
    %get3A_71 = arith.constant 0 : index
    %get3A_72 = memref.load %arg1[%get3A_68, %get3A_69, %get3A_70, %get3A_71] : memref<3x1x2x2xf32, #tpu.memory_space<smem>>
    %slice3A_73 = vector.extract_strided_slice %get3A_2 {offsets = [0, 1, 0], sizes = [200, 27, 27], strides = [1, 1, 1]} : vector<200x28x28xf32> to vector<200x27x27xf32>
    %mul3A_74 = vector.broadcast %get3A_72 : f32 to vector<200x27x27xf32>
    %mul3A_75 = arith.mulf %mul3A_74, %slice3A_73 : vector<200x27x27xf32>
    %add3A_76 = arith.addf %add3A_67, %mul3A_75 : vector<200x27x27xf32>
    %get3A_77 = arith.constant 1 : index
    %get3A_78 = arith.constant 0 : index
    %get3A_79 = arith.constant 1 : index
    %get3A_80 = arith.constant 1 : index
    %get3A_81 = memref.load %arg1[%get3A_77, %get3A_78, %get3A_79, %get3A_80] : memref<3x1x2x2xf32, #tpu.memory_space<smem>>
    %slice3A_82 = vector.extract_strided_slice %get3A_2 {offsets = [0, 1, 1], sizes = [200, 27, 27], strides = [1, 1, 1]} : vector<200x28x28xf32> to vector<200x27x27xf32>
    %mul3A_83 = vector.broadcast %get3A_81 : f32 to vector<200x27x27xf32>
    %mul3A_84 = arith.mulf %mul3A_83, %slice3A_82 : vector<200x27x27xf32>
    %add3A_85 = arith.addf %add3A_76, %mul3A_84 : vector<200x27x27xf32>
    %slice3A_86 = vector.extract_strided_slice %add3A_85 {offsets = [0, 0, 0], sizes = [200, 26, 26], strides = [1, 1, 1]} : vector<200x27x27xf32> to vector<200x26x26xf32>
    %slice3A_87 = vector.extract_strided_slice %add3A_85 {offsets = [0, 0, 1], sizes = [200, 26, 26], strides = [1, 1, 1]} : vector<200x27x27xf32> to vector<200x26x26xf32>
    %max3A_88 = arith.maximumf %slice3A_86, %slice3A_87 : vector<200x26x26xf32>
    %slice3A_89 = vector.extract_strided_slice %add3A_85 {offsets = [0, 1, 0], sizes = [200, 26, 26], strides = [1, 1, 1]} : vector<200x27x27xf32> to vector<200x26x26xf32>
    %slice3A_90 = vector.extract_strided_slice %add3A_85 {offsets = [0, 1, 1], sizes = [200, 26, 26], strides = [1, 1, 1]} : vector<200x27x27xf32> to vector<200x26x26xf32>
    %max3A_91 = arith.maximumf %slice3A_89, %slice3A_90 : vector<200x26x26xf32>
    %max3A_92 = arith.maximumf %max3A_88, %max3A_91 : vector<200x26x26xf32>
    %max3A_93 = arith.constant 0.000000e+00 : f32
    %max3A_94 = vector.broadcast %max3A_93 : f32 to vector<200x26x26xf32>
    %max3A_95 = arith.maximumf %max3A_92, %max3A_94 : vector<200x26x26xf32>
    %get3A_96 = arith.constant 2 : index
    %get3A_97 = memref.load %arg2[%get3A_96] : memref<3xf32, #tpu.memory_space<smem>>
    %broadcast_in_dim3A_98 = vector.broadcast %get3A_97 : f32 to vector<200x27x27xf32>
    %get3A_99 = arith.constant 2 : index
    %get3A_100 = arith.constant 0 : index
    %get3A_101 = arith.constant 0 : index
    %get3A_102 = arith.constant 0 : index
    %get3A_103 = memref.load %arg1[%get3A_99, %get3A_100, %get3A_101, %get3A_102] : memref<3x1x2x2xf32, #tpu.memory_space<smem>>
    %slice3A_104 = vector.extract_strided_slice %get3A_2 {offsets = [0, 0, 0], sizes = [200, 27, 27], strides = [1, 1, 1]} : vector<200x28x28xf32> to vector<200x27x27xf32>
    %mul3A_105 = vector.broadcast %get3A_103 : f32 to vector<200x27x27xf32>
    %mul3A_106 = arith.mulf %mul3A_105, %slice3A_104 : vector<200x27x27xf32>
    %add3A_107 = arith.addf %broadcast_in_dim3A_98, %mul3A_106 : vector<200x27x27xf32>
    %get3A_108 = arith.constant 2 : index
    %get3A_109 = arith.constant 0 : index
    %get3A_110 = arith.constant 0 : index
    %get3A_111 = arith.constant 1 : index
    %get3A_112 = memref.load %arg1[%get3A_108, %get3A_109, %get3A_110, %get3A_111] : memref<3x1x2x2xf32, #tpu.memory_space<smem>>
    %slice3A_113 = vector.extract_strided_slice %get3A_2 {offsets = [0, 0, 1], sizes = [200, 27, 27], strides = [1, 1, 1]} : vector<200x28x28xf32> to vector<200x27x27xf32>
    %mul3A_114 = vector.broadcast %get3A_112 : f32 to vector<200x27x27xf32>
    %mul3A_115 = arith.mulf %mul3A_114, %slice3A_113 : vector<200x27x27xf32>
    %add3A_116 = arith.addf %add3A_107, %mul3A_115 : vector<200x27x27xf32>
    %get3A_117 = arith.constant 2 : index
    %get3A_118 = arith.constant 0 : index
    %get3A_119 = arith.constant 1 : index
    %get3A_120 = arith.constant 0 : index
    %get3A_121 = memref.load %arg1[%get3A_117, %get3A_118, %get3A_119, %get3A_120] : memref<3x1x2x2xf32, #tpu.memory_space<smem>>
    %slice3A_122 = vector.extract_strided_slice %get3A_2 {offsets = [0, 1, 0], sizes = [200, 27, 27], strides = [1, 1, 1]} : vector<200x28x28xf32> to vector<200x27x27xf32>
    %mul3A_123 = vector.broadcast %get3A_121 : f32 to vector<200x27x27xf32>
    %mul3A_124 = arith.mulf %mul3A_123, %slice3A_122 : vector<200x27x27xf32>
    %add3A_125 = arith.addf %add3A_116, %mul3A_124 : vector<200x27x27xf32>
    %get3A_126 = arith.constant 2 : index
    %get3A_127 = arith.constant 0 : index
    %get3A_128 = arith.constant 1 : index
    %get3A_129 = arith.constant 1 : index
    %get3A_130 = memref.load %arg1[%get3A_126, %get3A_127, %get3A_128, %get3A_129] : memref<3x1x2x2xf32, #tpu.memory_space<smem>>
    %slice3A_131 = vector.extract_strided_slice %get3A_2 {offsets = [0, 1, 1], sizes = [200, 27, 27], strides = [1, 1, 1]} : vector<200x28x28xf32> to vector<200x27x27xf32>
    %mul3A_132 = vector.broadcast %get3A_130 : f32 to vector<200x27x27xf32>
    %mul3A_133 = arith.mulf %mul3A_132, %slice3A_131 : vector<200x27x27xf32>
    %add3A_134 = arith.addf %add3A_125, %mul3A_133 : vector<200x27x27xf32>
    %slice3A_135 = vector.extract_strided_slice %add3A_134 {offsets = [0, 0, 0], sizes = [200, 26, 26], strides = [1, 1, 1]} : vector<200x27x27xf32> to vector<200x26x26xf32>
    %slice3A_136 = vector.extract_strided_slice %add3A_134 {offsets = [0, 0, 1], sizes = [200, 26, 26], strides = [1, 1, 1]} : vector<200x27x27xf32> to vector<200x26x26xf32>
    %max3A_137 = arith.maximumf %slice3A_135, %slice3A_136 : vector<200x26x26xf32>
    %slice3A_138 = vector.extract_strided_slice %add3A_134 {offsets = [0, 1, 0], sizes = [200, 26, 26], strides = [1, 1, 1]} : vector<200x27x27xf32> to vector<200x26x26xf32>
    %slice3A_139 = vector.extract_strided_slice %add3A_134 {offsets = [0, 1, 1], sizes = [200, 26, 26], strides = [1, 1, 1]} : vector<200x27x27xf32> to vector<200x26x26xf32>
    %max3A_140 = arith.maximumf %slice3A_138, %slice3A_139 : vector<200x26x26xf32>
    %max3A_141 = arith.maximumf %max3A_137, %max3A_140 : vector<200x26x26xf32>
    %max3A_142 = arith.constant 0.000000e+00 : f32
    %max3A_143 = vector.broadcast %max3A_142 : f32 to vector<200x26x26xf32>
    %max3A_144 = arith.maximumf %max3A_141, %max3A_143 : vector<200x26x26xf32>
    %stack3A = vector.shape_cast %max3A_46 : vector<200x26x26xf32> to vector<1x200x26x26xf32>
    %stack3A_145 = vector.shape_cast %max3A_95 : vector<200x26x26xf32> to vector<1x200x26x26xf32>
    %stack3A_146 = vector.shape_cast %max3A_144 : vector<200x26x26xf32> to vector<1x200x26x26xf32>
    %stack3A_147 = tpu.concatenate %stack3A, %stack3A_145, %stack3A_146 in 0 : vector<1x200x26x26xf32>, vector<1x200x26x26xf32>, vector<1x200x26x26xf32> -> vector<3x200x26x26xf32>
    %swap3A = arith.constant 0 : index
    %swap3A_148 = arith.constant 0 : index
    %swap3A_149 = arith.constant 0 : index
    %swap3A_150 = arith.constant 0 : index
    %swap3A_151 = vector.load %arg3[%swap3A, %swap3A_148, %swap3A_149, %swap3A_150] : memref<3x200x26x26xf32, #tpu.memory_space<vmem>>, vector<3x200x26x26xf32>
    tpu.vector_store %arg3[%swap3A, %swap3A_148, %swap3A_149, %swap3A_150], %stack3A_147 {strides = array<i32>} : memref<3x200x26x26xf32, #tpu.memory_space<vmem>>, vector<3x200x26x26xf32>,
    return
  }
}

module attributes {stable_mosaic.version = 14 : i64} {
  func.func @_conv2_body(%arg0: memref<3x200x13x13xf32, #tpu.memory_space<vmem>>, %arg1: memref<6x3x2x2xf32, #tpu.memory_space<smem>>, %arg2: memref<6xf32, #tpu.memory_space<smem>>, %arg3: memref<6x200x11x11xf32, #tpu.memory_space<vmem>>) attributes {dimension_semantics = [], scalar_prefetch = 0 : i64, scratch_operands = 0 : i64, tpu.core_type = #tpu.core_type<tc>} {
    %get3A = arith.constant 0 : index
    %get3A_0 = arith.constant 0 : index
    %get3A_1 = arith.constant 0 : index
    %get3A_2 = arith.constant 0 : index
    %get3A_3 = vector.load %arg0[%get3A, %get3A_0, %get3A_1, %get3A_2] : memref<3x200x13x13xf32, #tpu.memory_space<vmem>>, vector<3x200x13x13xf32>
    %get3A_4 = arith.constant 0 : index
    %get3A_5 = memref.load %arg2[%get3A_4] : memref<6xf32, #tpu.memory_space<smem>>
    %broadcast_in_dim3A = vector.broadcast %get3A_5 : f32 to vector<200x12x12xf32>
    %get3A_6 = arith.constant 0 : index
    %get3A_7 = arith.constant 0 : index
    %get3A_8 = arith.constant 0 : index
    %get3A_9 = arith.constant 0 : index
    %get3A_10 = memref.load %arg1[%get3A_6, %get3A_7, %get3A_8, %get3A_9] : memref<6x3x2x2xf32, #tpu.memory_space<smem>>
    %slice3A = vector.extract_strided_slice %get3A_3 {offsets = [0, 0, 0, 0], sizes = [1, 200, 12, 12], strides = [1, 1, 1, 1]} : vector<3x200x13x13xf32> to vector<1x200x12x12xf32>
    %squeeze3A = vector.shape_cast %slice3A : vector<1x200x12x12xf32> to vector<200x12x12xf32>
    %mul3A = vector.broadcast %get3A_10 : f32 to vector<200x12x12xf32>
    %mul3A_11 = arith.mulf %mul3A, %squeeze3A : vector<200x12x12xf32>
    %add3A = arith.addf %broadcast_in_dim3A, %mul3A_11 : vector<200x12x12xf32>
    %get3A_12 = arith.constant 0 : index
    %get3A_13 = arith.constant 0 : index
    %get3A_14 = arith.constant 0 : index
    %get3A_15 = arith.constant 1 : index
    %get3A_16 = memref.load %arg1[%get3A_12, %get3A_13, %get3A_14, %get3A_15] : memref<6x3x2x2xf32, #tpu.memory_space<smem>>
    %slice3A_17 = vector.extract_strided_slice %get3A_3 {offsets = [0, 0, 0, 1], sizes = [1, 200, 12, 12], strides = [1, 1, 1, 1]} : vector<3x200x13x13xf32> to vector<1x200x12x12xf32>
    %squeeze3A_18 = vector.shape_cast %slice3A_17 : vector<1x200x12x12xf32> to vector<200x12x12xf32>
    %mul3A_19 = vector.broadcast %get3A_16 : f32 to vector<200x12x12xf32>
    %mul3A_20 = arith.mulf %mul3A_19, %squeeze3A_18 : vector<200x12x12xf32>
    %add3A_21 = arith.addf %add3A, %mul3A_20 : vector<200x12x12xf32>
    %get3A_22 = arith.constant 0 : index
    %get3A_23 = arith.constant 0 : index
    %get3A_24 = arith.constant 1 : index
    %get3A_25 = arith.constant 0 : index
    %get3A_26 = memref.load %arg1[%get3A_22, %get3A_23, %get3A_24, %get3A_25] : memref<6x3x2x2xf32, #tpu.memory_space<smem>>
    %slice3A_27 = vector.extract_strided_slice %get3A_3 {offsets = [0, 0, 1, 0], sizes = [1, 200, 12, 12], strides = [1, 1, 1, 1]} : vector<3x200x13x13xf32> to vector<1x200x12x12xf32>
    %squeeze3A_28 = vector.shape_cast %slice3A_27 : vector<1x200x12x12xf32> to vector<200x12x12xf32>
    %mul3A_29 = vector.broadcast %get3A_26 : f32 to vector<200x12x12xf32>
    %mul3A_30 = arith.mulf %mul3A_29, %squeeze3A_28 : vector<200x12x12xf32>
    %add3A_31 = arith.addf %add3A_21, %mul3A_30 : vector<200x12x12xf32>
    %get3A_32 = arith.constant 0 : index
    %get3A_33 = arith.constant 0 : index
    %get3A_34 = arith.constant 1 : index
    %get3A_35 = arith.constant 1 : index
    %get3A_36 = memref.load %arg1[%get3A_32, %get3A_33, %get3A_34, %get3A_35] : memref<6x3x2x2xf32, #tpu.memory_space<smem>>
    %slice3A_37 = vector.extract_strided_slice %get3A_3 {offsets = [0, 0, 1, 1], sizes = [1, 200, 12, 12], strides = [1, 1, 1, 1]} : vector<3x200x13x13xf32> to vector<1x200x12x12xf32>
    %squeeze3A_38 = vector.shape_cast %slice3A_37 : vector<1x200x12x12xf32> to vector<200x12x12xf32>
    %mul3A_39 = vector.broadcast %get3A_36 : f32 to vector<200x12x12xf32>
    %mul3A_40 = arith.mulf %mul3A_39, %squeeze3A_38 : vector<200x12x12xf32>
    %add3A_41 = arith.addf %add3A_31, %mul3A_40 : vector<200x12x12xf32>
    %get3A_42 = arith.constant 0 : index
    %get3A_43 = arith.constant 1 : index
    %get3A_44 = arith.constant 0 : index
    %get3A_45 = arith.constant 0 : index
    %get3A_46 = memref.load %arg1[%get3A_42, %get3A_43, %get3A_44, %get3A_45] : memref<6x3x2x2xf32, #tpu.memory_space<smem>>
    %slice3A_47 = vector.extract_strided_slice %get3A_3 {offsets = [1, 0, 0, 0], sizes = [1, 200, 12, 12], strides = [1, 1, 1, 1]} : vector<3x200x13x13xf32> to vector<1x200x12x12xf32>
    %squeeze3A_48 = vector.shape_cast %slice3A_47 : vector<1x200x12x12xf32> to vector<200x12x12xf32>
    %mul3A_49 = vector.broadcast %get3A_46 : f32 to vector<200x12x12xf32>
    %mul3A_50 = arith.mulf %mul3A_49, %squeeze3A_48 : vector<200x12x12xf32>
    %add3A_51 = arith.addf %add3A_41, %mul3A_50 : vector<200x12x12xf32>
    %get3A_52 = arith.constant 0 : index
    %get3A_53 = arith.constant 1 : index
    %get3A_54 = arith.constant 0 : index
    %get3A_55 = arith.constant 1 : index
    %get3A_56 = memref.load %arg1[%get3A_52, %get3A_53, %get3A_54, %get3A_55] : memref<6x3x2x2xf32, #tpu.memory_space<smem>>
    %slice3A_57 = vector.extract_strided_slice %get3A_3 {offsets = [1, 0, 0, 1], sizes = [1, 200, 12, 12], strides = [1, 1, 1, 1]} : vector<3x200x13x13xf32> to vector<1x200x12x12xf32>
    %squeeze3A_58 = vector.shape_cast %slice3A_57 : vector<1x200x12x12xf32> to vector<200x12x12xf32>
    %mul3A_59 = vector.broadcast %get3A_56 : f32 to vector<200x12x12xf32>
    %mul3A_60 = arith.mulf %mul3A_59, %squeeze3A_58 : vector<200x12x12xf32>
    %add3A_61 = arith.addf %add3A_51, %mul3A_60 : vector<200x12x12xf32>
    %get3A_62 = arith.constant 0 : index
    %get3A_63 = arith.constant 1 : index
    %get3A_64 = arith.constant 1 : index
    %get3A_65 = arith.constant 0 : index
    %get3A_66 = memref.load %arg1[%get3A_62, %get3A_63, %get3A_64, %get3A_65] : memref<6x3x2x2xf32, #tpu.memory_space<smem>>
    %slice3A_67 = vector.extract_strided_slice %get3A_3 {offsets = [1, 0, 1, 0], sizes = [1, 200, 12, 12], strides = [1, 1, 1, 1]} : vector<3x200x13x13xf32> to vector<1x200x12x12xf32>
    %squeeze3A_68 = vector.shape_cast %slice3A_67 : vector<1x200x12x12xf32> to vector<200x12x12xf32>
    %mul3A_69 = vector.broadcast %get3A_66 : f32 to vector<200x12x12xf32>
    %mul3A_70 = arith.mulf %mul3A_69, %squeeze3A_68 : vector<200x12x12xf32>
    %add3A_71 = arith.addf %add3A_61, %mul3A_70 : vector<200x12x12xf32>
    %get3A_72 = arith.constant 0 : index
    %get3A_73 = arith.constant 1 : index
    %get3A_74 = arith.constant 1 : index
    %get3A_75 = arith.constant 1 : index
    %get3A_76 = memref.load %arg1[%get3A_72, %get3A_73, %get3A_74, %get3A_75] : memref<6x3x2x2xf32, #tpu.memory_space<smem>>
    %slice3A_77 = vector.extract_strided_slice %get3A_3 {offsets = [1, 0, 1, 1], sizes = [1, 200, 12, 12], strides = [1, 1, 1, 1]} : vector<3x200x13x13xf32> to vector<1x200x12x12xf32>
    %squeeze3A_78 = vector.shape_cast %slice3A_77 : vector<1x200x12x12xf32> to vector<200x12x12xf32>
    %mul3A_79 = vector.broadcast %get3A_76 : f32 to vector<200x12x12xf32>
    %mul3A_80 = arith.mulf %mul3A_79, %squeeze3A_78 : vector<200x12x12xf32>
    %add3A_81 = arith.addf %add3A_71, %mul3A_80 : vector<200x12x12xf32>
    %get3A_82 = arith.constant 0 : index
    %get3A_83 = arith.constant 2 : index
    %get3A_84 = arith.constant 0 : index
    %get3A_85 = arith.constant 0 : index
    %get3A_86 = memref.load %arg1[%get3A_82, %get3A_83, %get3A_84, %get3A_85] : memref<6x3x2x2xf32, #tpu.memory_space<smem>>
    %slice3A_87 = vector.extract_strided_slice %get3A_3 {offsets = [2, 0, 0, 0], sizes = [1, 200, 12, 12], strides = [1, 1, 1, 1]} : vector<3x200x13x13xf32> to vector<1x200x12x12xf32>
    %squeeze3A_88 = vector.shape_cast %slice3A_87 : vector<1x200x12x12xf32> to vector<200x12x12xf32>
    %mul3A_89 = vector.broadcast %get3A_86 : f32 to vector<200x12x12xf32>
    %mul3A_90 = arith.mulf %mul3A_89, %squeeze3A_88 : vector<200x12x12xf32>
    %add3A_91 = arith.addf %add3A_81, %mul3A_90 : vector<200x12x12xf32>
    %get3A_92 = arith.constant 0 : index
    %get3A_93 = arith.constant 2 : index
    %get3A_94 = arith.constant 0 : index
    %get3A_95 = arith.constant 1 : index
    %get3A_96 = memref.load %arg1[%get3A_92, %get3A_93, %get3A_94, %get3A_95] : memref<6x3x2x2xf32, #tpu.memory_space<smem>>
    %slice3A_97 = vector.extract_strided_slice %get3A_3 {offsets = [2, 0, 0, 1], sizes = [1, 200, 12, 12], strides = [1, 1, 1, 1]} : vector<3x200x13x13xf32> to vector<1x200x12x12xf32>
    %squeeze3A_98 = vector.shape_cast %slice3A_97 : vector<1x200x12x12xf32> to vector<200x12x12xf32>
    %mul3A_99 = vector.broadcast %get3A_96 : f32 to vector<200x12x12xf32>
    %mul3A_100 = arith.mulf %mul3A_99, %squeeze3A_98 : vector<200x12x12xf32>
    %add3A_101 = arith.addf %add3A_91, %mul3A_100 : vector<200x12x12xf32>
    %get3A_102 = arith.constant 0 : index
    %get3A_103 = arith.constant 2 : index
    %get3A_104 = arith.constant 1 : index
    %get3A_105 = arith.constant 0 : index
    %get3A_106 = memref.load %arg1[%get3A_102, %get3A_103, %get3A_104, %get3A_105] : memref<6x3x2x2xf32, #tpu.memory_space<smem>>
    %slice3A_107 = vector.extract_strided_slice %get3A_3 {offsets = [2, 0, 1, 0], sizes = [1, 200, 12, 12], strides = [1, 1, 1, 1]} : vector<3x200x13x13xf32> to vector<1x200x12x12xf32>
    %squeeze3A_108 = vector.shape_cast %slice3A_107 : vector<1x200x12x12xf32> to vector<200x12x12xf32>
    %mul3A_109 = vector.broadcast %get3A_106 : f32 to vector<200x12x12xf32>
    %mul3A_110 = arith.mulf %mul3A_109, %squeeze3A_108 : vector<200x12x12xf32>
    %add3A_111 = arith.addf %add3A_101, %mul3A_110 : vector<200x12x12xf32>
    %get3A_112 = arith.constant 0 : index
    %get3A_113 = arith.constant 2 : index
    %get3A_114 = arith.constant 1 : index
    %get3A_115 = arith.constant 1 : index
    %get3A_116 = memref.load %arg1[%get3A_112, %get3A_113, %get3A_114, %get3A_115] : memref<6x3x2x2xf32, #tpu.memory_space<smem>>
    %slice3A_117 = vector.extract_strided_slice %get3A_3 {offsets = [2, 0, 1, 1], sizes = [1, 200, 12, 12], strides = [1, 1, 1, 1]} : vector<3x200x13x13xf32> to vector<1x200x12x12xf32>
    %squeeze3A_118 = vector.shape_cast %slice3A_117 : vector<1x200x12x12xf32> to vector<200x12x12xf32>
    %mul3A_119 = vector.broadcast %get3A_116 : f32 to vector<200x12x12xf32>
    %mul3A_120 = arith.mulf %mul3A_119, %squeeze3A_118 : vector<200x12x12xf32>
    %add3A_121 = arith.addf %add3A_111, %mul3A_120 : vector<200x12x12xf32>
    %slice3A_122 = vector.extract_strided_slice %add3A_121 {offsets = [0, 0, 0], sizes = [200, 11, 11], strides = [1, 1, 1]} : vector<200x12x12xf32> to vector<200x11x11xf32>
    %slice3A_123 = vector.extract_strided_slice %add3A_121 {offsets = [0, 0, 1], sizes = [200, 11, 11], strides = [1, 1, 1]} : vector<200x12x12xf32> to vector<200x11x11xf32>
    %max3A = arith.maximumf %slice3A_122, %slice3A_123 : vector<200x11x11xf32>
    %slice3A_124 = vector.extract_strided_slice %add3A_121 {offsets = [0, 1, 0], sizes = [200, 11, 11], strides = [1, 1, 1]} : vector<200x12x12xf32> to vector<200x11x11xf32>
    %slice3A_125 = vector.extract_strided_slice %add3A_121 {offsets = [0, 1, 1], sizes = [200, 11, 11], strides = [1, 1, 1]} : vector<200x12x12xf32> to vector<200x11x11xf32>
    %max3A_126 = arith.maximumf %slice3A_124, %slice3A_125 : vector<200x11x11xf32>
    %max3A_127 = arith.maximumf %max3A, %max3A_126 : vector<200x11x11xf32>
    %max3A_128 = arith.constant 0.000000e+00 : f32
    %max3A_129 = vector.broadcast %max3A_128 : f32 to vector<200x11x11xf32>
    %max3A_130 = arith.maximumf %max3A_127, %max3A_129 : vector<200x11x11xf32>
    %get3A_131 = arith.constant 1 : index
    %get3A_132 = memref.load %arg2[%get3A_131] : memref<6xf32, #tpu.memory_space<smem>>
    %broadcast_in_dim3A_133 = vector.broadcast %get3A_132 : f32 to vector<200x12x12xf32>
    %get3A_134 = arith.constant 1 : index
    %get3A_135 = arith.constant 0 : index
    %get3A_136 = arith.constant 0 : index
    %get3A_137 = arith.constant 0 : index
    %get3A_138 = memref.load %arg1[%get3A_134, %get3A_135, %get3A_136, %get3A_137] : memref<6x3x2x2xf32, #tpu.memory_space<smem>>
    %slice3A_139 = vector.extract_strided_slice %get3A_3 {offsets = [0, 0, 0, 0], sizes = [1, 200, 12, 12], strides = [1, 1, 1, 1]} : vector<3x200x13x13xf32> to vector<1x200x12x12xf32>
    %squeeze3A_140 = vector.shape_cast %slice3A_139 : vector<1x200x12x12xf32> to vector<200x12x12xf32>
    %mul3A_141 = vector.broadcast %get3A_138 : f32 to vector<200x12x12xf32>
    %mul3A_142 = arith.mulf %mul3A_141, %squeeze3A_140 : vector<200x12x12xf32>
    %add3A_143 = arith.addf %broadcast_in_dim3A_133, %mul3A_142 : vector<200x12x12xf32>
    %get3A_144 = arith.constant 1 : index
    %get3A_145 = arith.constant 0 : index
    %get3A_146 = arith.constant 0 : index
    %get3A_147 = arith.constant 1 : index
    %get3A_148 = memref.load %arg1[%get3A_144, %get3A_145, %get3A_146, %get3A_147] : memref<6x3x2x2xf32, #tpu.memory_space<smem>>
    %slice3A_149 = vector.extract_strided_slice %get3A_3 {offsets = [0, 0, 0, 1], sizes = [1, 200, 12, 12], strides = [1, 1, 1, 1]} : vector<3x200x13x13xf32> to vector<1x200x12x12xf32>
    %squeeze3A_150 = vector.shape_cast %slice3A_149 : vector<1x200x12x12xf32> to vector<200x12x12xf32>
    %mul3A_151 = vector.broadcast %get3A_148 : f32 to vector<200x12x12xf32>
    %mul3A_152 = arith.mulf %mul3A_151, %squeeze3A_150 : vector<200x12x12xf32>
    %add3A_153 = arith.addf %add3A_143, %mul3A_152 : vector<200x12x12xf32>
    %get3A_154 = arith.constant 1 : index
    %get3A_155 = arith.constant 0 : index
    %get3A_156 = arith.constant 1 : index
    %get3A_157 = arith.constant 0 : index
    %get3A_158 = memref.load %arg1[%get3A_154, %get3A_155, %get3A_156, %get3A_157] : memref<6x3x2x2xf32, #tpu.memory_space<smem>>
    %slice3A_159 = vector.extract_strided_slice %get3A_3 {offsets = [0, 0, 1, 0], sizes = [1, 200, 12, 12], strides = [1, 1, 1, 1]} : vector<3x200x13x13xf32> to vector<1x200x12x12xf32>
    %squeeze3A_160 = vector.shape_cast %slice3A_159 : vector<1x200x12x12xf32> to vector<200x12x12xf32>
    %mul3A_161 = vector.broadcast %get3A_158 : f32 to vector<200x12x12xf32>
    %mul3A_162 = arith.mulf %mul3A_161, %squeeze3A_160 : vector<200x12x12xf32>
    %add3A_163 = arith.addf %add3A_153, %mul3A_162 : vector<200x12x12xf32>
    %get3A_164 = arith.constant 1 : index
    %get3A_165 = arith.constant 0 : index
    %get3A_166 = arith.constant 1 : index
    %get3A_167 = arith.constant 1 : index
    %get3A_168 = memref.load %arg1[%get3A_164, %get3A_165, %get3A_166, %get3A_167] : memref<6x3x2x2xf32, #tpu.memory_space<smem>>
    %slice3A_169 = vector.extract_strided_slice %get3A_3 {offsets = [0, 0, 1, 1], sizes = [1, 200, 12, 12], strides = [1, 1, 1, 1]} : vector<3x200x13x13xf32> to vector<1x200x12x12xf32>
    %squeeze3A_170 = vector.shape_cast %slice3A_169 : vector<1x200x12x12xf32> to vector<200x12x12xf32>
    %mul3A_171 = vector.broadcast %get3A_168 : f32 to vector<200x12x12xf32>
    %mul3A_172 = arith.mulf %mul3A_171, %squeeze3A_170 : vector<200x12x12xf32>
    %add3A_173 = arith.addf %add3A_163, %mul3A_172 : vector<200x12x12xf32>
    %get3A_174 = arith.constant 1 : index
    %get3A_175 = arith.constant 1 : index
    %get3A_176 = arith.constant 0 : index
    %get3A_177 = arith.constant 0 : index
    %get3A_178 = memref.load %arg1[%get3A_174, %get3A_175, %get3A_176, %get3A_177] : memref<6x3x2x2xf32, #tpu.memory_space<smem>>
    %slice3A_179 = vector.extract_strided_slice %get3A_3 {offsets = [1, 0, 0, 0], sizes = [1, 200, 12, 12], strides = [1, 1, 1, 1]} : vector<3x200x13x13xf32> to vector<1x200x12x12xf32>
    %squeeze3A_180 = vector.shape_cast %slice3A_179 : vector<1x200x12x12xf32> to vector<200x12x12xf32>
    %mul3A_181 = vector.broadcast %get3A_178 : f32 to vector<200x12x12xf32>
    %mul3A_182 = arith.mulf %mul3A_181, %squeeze3A_180 : vector<200x12x12xf32>
    %add3A_183 = arith.addf %add3A_173, %mul3A_182 : vector<200x12x12xf32>
    %get3A_184 = arith.constant 1 : index
    %get3A_185 = arith.constant 1 : index
    %get3A_186 = arith.constant 0 : index
    %get3A_187 = arith.constant 1 : index
    %get3A_188 = memref.load %arg1[%get3A_184, %get3A_185, %get3A_186, %get3A_187] : memref<6x3x2x2xf32, #tpu.memory_space<smem>>
    %slice3A_189 = vector.extract_strided_slice %get3A_3 {offsets = [1, 0, 0, 1], sizes = [1, 200, 12, 12], strides = [1, 1, 1, 1]} : vector<3x200x13x13xf32> to vector<1x200x12x12xf32>
    %squeeze3A_190 = vector.shape_cast %slice3A_189 : vector<1x200x12x12xf32> to vector<200x12x12xf32>
    %mul3A_191 = vector.broadcast %get3A_188 : f32 to vector<200x12x12xf32>
    %mul3A_192 = arith.mulf %mul3A_191, %squeeze3A_190 : vector<200x12x12xf32>
    %add3A_193 = arith.addf %add3A_183, %mul3A_192 : vector<200x12x12xf32>
    %get3A_194 = arith.constant 1 : index
    %get3A_195 = arith.constant 1 : index
    %get3A_196 = arith.constant 1 : index
    %get3A_197 = arith.constant 0 : index
    %get3A_198 = memref.load %arg1[%get3A_194, %get3A_195, %get3A_196, %get3A_197] : memref<6x3x2x2xf32, #tpu.memory_space<smem>>
    %slice3A_199 = vector.extract_strided_slice %get3A_3 {offsets = [1, 0, 1, 0], sizes = [1, 200, 12, 12], strides = [1, 1, 1, 1]} : vector<3x200x13x13xf32> to vector<1x200x12x12xf32>
    %squeeze3A_200 = vector.shape_cast %slice3A_199 : vector<1x200x12x12xf32> to vector<200x12x12xf32>
    %mul3A_201 = vector.broadcast %get3A_198 : f32 to vector<200x12x12xf32>
    %mul3A_202 = arith.mulf %mul3A_201, %squeeze3A_200 : vector<200x12x12xf32>
    %add3A_203 = arith.addf %add3A_193, %mul3A_202 : vector<200x12x12xf32>
    %get3A_204 = arith.constant 1 : index
    %get3A_205 = arith.constant 1 : index
    %get3A_206 = arith.constant 1 : index
    %get3A_207 = arith.constant 1 : index
    %get3A_208 = memref.load %arg1[%get3A_204, %get3A_205, %get3A_206, %get3A_207] : memref<6x3x2x2xf32, #tpu.memory_space<smem>>
    %slice3A_209 = vector.extract_strided_slice %get3A_3 {offsets = [1, 0, 1, 1], sizes = [1, 200, 12, 12], strides = [1, 1, 1, 1]} : vector<3x200x13x13xf32> to vector<1x200x12x12xf32>
    %squeeze3A_210 = vector.shape_cast %slice3A_209 : vector<1x200x12x12xf32> to vector<200x12x12xf32>
    %mul3A_211 = vector.broadcast %get3A_208 : f32 to vector<200x12x12xf32>
    %mul3A_212 = arith.mulf %mul3A_211, %squeeze3A_210 : vector<200x12x12xf32>
    %add3A_213 = arith.addf %add3A_203, %mul3A_212 : vector<200x12x12xf32>
    %get3A_214 = arith.constant 1 : index
    %get3A_215 = arith.constant 2 : index
    %get3A_216 = arith.constant 0 : index
    %get3A_217 = arith.constant 0 : index
    %get3A_218 = memref.load %arg1[%get3A_214, %get3A_215, %get3A_216, %get3A_217] : memref<6x3x2x2xf32, #tpu.memory_space<smem>>
    %slice3A_219 = vector.extract_strided_slice %get3A_3 {offsets = [2, 0, 0, 0], sizes = [1, 200, 12, 12], strides = [1, 1, 1, 1]} : vector<3x200x13x13xf32> to vector<1x200x12x12xf32>
    %squeeze3A_220 = vector.shape_cast %slice3A_219 : vector<1x200x12x12xf32> to vector<200x12x12xf32>
    %mul3A_221 = vector.broadcast %get3A_218 : f32 to vector<200x12x12xf32>
    %mul3A_222 = arith.mulf %mul3A_221, %squeeze3A_220 : vector<200x12x12xf32>
    %add3A_223 = arith.addf %add3A_213, %mul3A_222 : vector<200x12x12xf32>
    %get3A_224 = arith.constant 1 : index
    %get3A_225 = arith.constant 2 : index
    %get3A_226 = arith.constant 0 : index
    %get3A_227 = arith.constant 1 : index
    %get3A_228 = memref.load %arg1[%get3A_224, %get3A_225, %get3A_226, %get3A_227] : memref<6x3x2x2xf32, #tpu.memory_space<smem>>
    %slice3A_229 = vector.extract_strided_slice %get3A_3 {offsets = [2, 0, 0, 1], sizes = [1, 200, 12, 12], strides = [1, 1, 1, 1]} : vector<3x200x13x13xf32> to vector<1x200x12x12xf32>
    %squeeze3A_230 = vector.shape_cast %slice3A_229 : vector<1x200x12x12xf32> to vector<200x12x12xf32>
    %mul3A_231 = vector.broadcast %get3A_228 : f32 to vector<200x12x12xf32>
    %mul3A_232 = arith.mulf %mul3A_231, %squeeze3A_230 : vector<200x12x12xf32>
    %add3A_233 = arith.addf %add3A_223, %mul3A_232 : vector<200x12x12xf32>
    %get3A_234 = arith.constant 1 : index
    %get3A_235 = arith.constant 2 : index
    %get3A_236 = arith.constant 1 : index
    %get3A_237 = arith.constant 0 : index
    %get3A_238 = memref.load %arg1[%get3A_234, %get3A_235, %get3A_236, %get3A_237] : memref<6x3x2x2xf32, #tpu.memory_space<smem>>
    %slice3A_239 = vector.extract_strided_slice %get3A_3 {offsets = [2, 0, 1, 0], sizes = [1, 200, 12, 12], strides = [1, 1, 1, 1]} : vector<3x200x13x13xf32> to vector<1x200x12x12xf32>
    %squeeze3A_240 = vector.shape_cast %slice3A_239 : vector<1x200x12x12xf32> to vector<200x12x12xf32>
    %mul3A_241 = vector.broadcast %get3A_238 : f32 to vector<200x12x12xf32>
    %mul3A_242 = arith.mulf %mul3A_241, %squeeze3A_240 : vector<200x12x12xf32>
    %add3A_243 = arith.addf %add3A_233, %mul3A_242 : vector<200x12x12xf32>
    %get3A_244 = arith.constant 1 : index
    %get3A_245 = arith.constant 2 : index
    %get3A_246 = arith.constant 1 : index
    %get3A_247 = arith.constant 1 : index
    %get3A_248 = memref.load %arg1[%get3A_244, %get3A_245, %get3A_246, %get3A_247] : memref<6x3x2x2xf32, #tpu.memory_space<smem>>
    %slice3A_249 = vector.extract_strided_slice %get3A_3 {offsets = [2, 0, 1, 1], sizes = [1, 200, 12, 12], strides = [1, 1, 1, 1]} : vector<3x200x13x13xf32> to vector<1x200x12x12xf32>
    %squeeze3A_250 = vector.shape_cast %slice3A_249 : vector<1x200x12x12xf32> to vector<200x12x12xf32>
    %mul3A_251 = vector.broadcast %get3A_248 : f32 to vector<200x12x12xf32>
    %mul3A_252 = arith.mulf %mul3A_251, %squeeze3A_250 : vector<200x12x12xf32>
    %add3A_253 = arith.addf %add3A_243, %mul3A_252 : vector<200x12x12xf32>
    %slice3A_254 = vector.extract_strided_slice %add3A_253 {offsets = [0, 0, 0], sizes = [200, 11, 11], strides = [1, 1, 1]} : vector<200x12x12xf32> to vector<200x11x11xf32>
    %slice3A_255 = vector.extract_strided_slice %add3A_253 {offsets = [0, 0, 1], sizes = [200, 11, 11], strides = [1, 1, 1]} : vector<200x12x12xf32> to vector<200x11x11xf32>
    %max3A_256 = arith.maximumf %slice3A_254, %slice3A_255 : vector<200x11x11xf32>
    %slice3A_257 = vector.extract_strided_slice %add3A_253 {offsets = [0, 1, 0], sizes = [200, 11, 11], strides = [1, 1, 1]} : vector<200x12x12xf32> to vector<200x11x11xf32>
    %slice3A_258 = vector.extract_strided_slice %add3A_253 {offsets = [0, 1, 1], sizes = [200, 11, 11], strides = [1, 1, 1]} : vector<200x12x12xf32> to vector<200x11x11xf32>
    %max3A_259 = arith.maximumf %slice3A_257, %slice3A_258 : vector<200x11x11xf32>
    %max3A_260 = arith.maximumf %max3A_256, %max3A_259 : vector<200x11x11xf32>
    %max3A_261 = arith.constant 0.000000e+00 : f32
    %max3A_262 = vector.broadcast %max3A_261 : f32 to vector<200x11x11xf32>
    %max3A_263 = arith.maximumf %max3A_260, %max3A_262 : vector<200x11x11xf32>
    %get3A_264 = arith.constant 2 : index
    %get3A_265 = memref.load %arg2[%get3A_264] : memref<6xf32, #tpu.memory_space<smem>>
    %broadcast_in_dim3A_266 = vector.broadcast %get3A_265 : f32 to vector<200x12x12xf32>
    %get3A_267 = arith.constant 2 : index
    %get3A_268 = arith.constant 0 : index
    %get3A_269 = arith.constant 0 : index
    %get3A_270 = arith.constant 0 : index
    %get3A_271 = memref.load %arg1[%get3A_267, %get3A_268, %get3A_269, %get3A_270] : memref<6x3x2x2xf32, #tpu.memory_space<smem>>
    %slice3A_272 = vector.extract_strided_slice %get3A_3 {offsets = [0, 0, 0, 0], sizes = [1, 200, 12, 12], strides = [1, 1, 1, 1]} : vector<3x200x13x13xf32> to vector<1x200x12x12xf32>
    %squeeze3A_273 = vector.shape_cast %slice3A_272 : vector<1x200x12x12xf32> to vector<200x12x12xf32>
    %mul3A_274 = vector.broadcast %get3A_271 : f32 to vector<200x12x12xf32>
    %mul3A_275 = arith.mulf %mul3A_274, %squeeze3A_273 : vector<200x12x12xf32>
    %add3A_276 = arith.addf %broadcast_in_dim3A_266, %mul3A_275 : vector<200x12x12xf32>
    %get3A_277 = arith.constant 2 : index
    %get3A_278 = arith.constant 0 : index
    %get3A_279 = arith.constant 0 : index
    %get3A_280 = arith.constant 1 : index
    %get3A_281 = memref.load %arg1[%get3A_277, %get3A_278, %get3A_279, %get3A_280] : memref<6x3x2x2xf32, #tpu.memory_space<smem>>
    %slice3A_282 = vector.extract_strided_slice %get3A_3 {offsets = [0, 0, 0, 1], sizes = [1, 200, 12, 12], strides = [1, 1, 1, 1]} : vector<3x200x13x13xf32> to vector<1x200x12x12xf32>
    %squeeze3A_283 = vector.shape_cast %slice3A_282 : vector<1x200x12x12xf32> to vector<200x12x12xf32>
    %mul3A_284 = vector.broadcast %get3A_281 : f32 to vector<200x12x12xf32>
    %mul3A_285 = arith.mulf %mul3A_284, %squeeze3A_283 : vector<200x12x12xf32>
    %add3A_286 = arith.addf %add3A_276, %mul3A_285 : vector<200x12x12xf32>
    %get3A_287 = arith.constant 2 : index
    %get3A_288 = arith.constant 0 : index
    %get3A_289 = arith.constant 1 : index
    %get3A_290 = arith.constant 0 : index
    %get3A_291 = memref.load %arg1[%get3A_287, %get3A_288, %get3A_289, %get3A_290] : memref<6x3x2x2xf32, #tpu.memory_space<smem>>
    %slice3A_292 = vector.extract_strided_slice %get3A_3 {offsets = [0, 0, 1, 0], sizes = [1, 200, 12, 12], strides = [1, 1, 1, 1]} : vector<3x200x13x13xf32> to vector<1x200x12x12xf32>
    %squeeze3A_293 = vector.shape_cast %slice3A_292 : vector<1x200x12x12xf32> to vector<200x12x12xf32>
    %mul3A_294 = vector.broadcast %get3A_291 : f32 to vector<200x12x12xf32>
    %mul3A_295 = arith.mulf %mul3A_294, %squeeze3A_293 : vector<200x12x12xf32>
    %add3A_296 = arith.addf %add3A_286, %mul3A_295 : vector<200x12x12xf32>
    %get3A_297 = arith.constant 2 : index
    %get3A_298 = arith.constant 0 : index
    %get3A_299 = arith.constant 1 : index
    %get3A_300 = arith.constant 1 : index
    %get3A_301 = memref.load %arg1[%get3A_297, %get3A_298, %get3A_299, %get3A_300] : memref<6x3x2x2xf32, #tpu.memory_space<smem>>
    %slice3A_302 = vector.extract_strided_slice %get3A_3 {offsets = [0, 0, 1, 1], sizes = [1, 200, 12, 12], strides = [1, 1, 1, 1]} : vector<3x200x13x13xf32> to vector<1x200x12x12xf32>
    %squeeze3A_303 = vector.shape_cast %slice3A_302 : vector<1x200x12x12xf32> to vector<200x12x12xf32>
    %mul3A_304 = vector.broadcast %get3A_301 : f32 to vector<200x12x12xf32>
    %mul3A_305 = arith.mulf %mul3A_304, %squeeze3A_303 : vector<200x12x12xf32>
    %add3A_306 = arith.addf %add3A_296, %mul3A_305 : vector<200x12x12xf32>
    %get3A_307 = arith.constant 2 : index
    %get3A_308 = arith.constant 1 : index
    %get3A_309 = arith.constant 0 : index
    %get3A_310 = arith.constant 0 : index
    %get3A_311 = memref.load %arg1[%get3A_307, %get3A_308, %get3A_309, %get3A_310] : memref<6x3x2x2xf32, #tpu.memory_space<smem>>
    %slice3A_312 = vector.extract_strided_slice %get3A_3 {offsets = [1, 0, 0, 0], sizes = [1, 200, 12, 12], strides = [1, 1, 1, 1]} : vector<3x200x13x13xf32> to vector<1x200x12x12xf32>
    %squeeze3A_313 = vector.shape_cast %slice3A_312 : vector<1x200x12x12xf32> to vector<200x12x12xf32>
    %mul3A_314 = vector.broadcast %get3A_311 : f32 to vector<200x12x12xf32>
    %mul3A_315 = arith.mulf %mul3A_314, %squeeze3A_313 : vector<200x12x12xf32>
    %add3A_316 = arith.addf %add3A_306, %mul3A_315 : vector<200x12x12xf32>
    %get3A_317 = arith.constant 2 : index
    %get3A_318 = arith.constant 1 : index
    %get3A_319 = arith.constant 0 : index
    %get3A_320 = arith.constant 1 : index
    %get3A_321 = memref.load %arg1[%get3A_317, %get3A_318, %get3A_319, %get3A_320] : memref<6x3x2x2xf32, #tpu.memory_space<smem>>
    %slice3A_322 = vector.extract_strided_slice %get3A_3 {offsets = [1, 0, 0, 1], sizes = [1, 200, 12, 12], strides = [1, 1, 1, 1]} : vector<3x200x13x13xf32> to vector<1x200x12x12xf32>
    %squeeze3A_323 = vector.shape_cast %slice3A_322 : vector<1x200x12x12xf32> to vector<200x12x12xf32>
    %mul3A_324 = vector.broadcast %get3A_321 : f32 to vector<200x12x12xf32>
    %mul3A_325 = arith.mulf %mul3A_324, %squeeze3A_323 : vector<200x12x12xf32>
    %add3A_326 = arith.addf %add3A_316, %mul3A_325 : vector<200x12x12xf32>
    %get3A_327 = arith.constant 2 : index
    %get3A_328 = arith.constant 1 : index
    %get3A_329 = arith.constant 1 : index
    %get3A_330 = arith.constant 0 : index
    %get3A_331 = memref.load %arg1[%get3A_327, %get3A_328, %get3A_329, %get3A_330] : memref<6x3x2x2xf32, #tpu.memory_space<smem>>
    %slice3A_332 = vector.extract_strided_slice %get3A_3 {offsets = [1, 0, 1, 0], sizes = [1, 200, 12, 12], strides = [1, 1, 1, 1]} : vector<3x200x13x13xf32> to vector<1x200x12x12xf32>
    %squeeze3A_333 = vector.shape_cast %slice3A_332 : vector<1x200x12x12xf32> to vector<200x12x12xf32>
    %mul3A_334 = vector.broadcast %get3A_331 : f32 to vector<200x12x12xf32>
    %mul3A_335 = arith.mulf %mul3A_334, %squeeze3A_333 : vector<200x12x12xf32>
    %add3A_336 = arith.addf %add3A_326, %mul3A_335 : vector<200x12x12xf32>
    %get3A_337 = arith.constant 2 : index
    %get3A_338 = arith.constant 1 : index
    %get3A_339 = arith.constant 1 : index
    %get3A_340 = arith.constant 1 : index
    %get3A_341 = memref.load %arg1[%get3A_337, %get3A_338, %get3A_339, %get3A_340] : memref<6x3x2x2xf32, #tpu.memory_space<smem>>
    %slice3A_342 = vector.extract_strided_slice %get3A_3 {offsets = [1, 0, 1, 1], sizes = [1, 200, 12, 12], strides = [1, 1, 1, 1]} : vector<3x200x13x13xf32> to vector<1x200x12x12xf32>
    %squeeze3A_343 = vector.shape_cast %slice3A_342 : vector<1x200x12x12xf32> to vector<200x12x12xf32>
    %mul3A_344 = vector.broadcast %get3A_341 : f32 to vector<200x12x12xf32>
    %mul3A_345 = arith.mulf %mul3A_344, %squeeze3A_343 : vector<200x12x12xf32>
    %add3A_346 = arith.addf %add3A_336, %mul3A_345 : vector<200x12x12xf32>
    %get3A_347 = arith.constant 2 : index
    %get3A_348 = arith.constant 2 : index
    %get3A_349 = arith.constant 0 : index
    %get3A_350 = arith.constant 0 : index
    %get3A_351 = memref.load %arg1[%get3A_347, %get3A_348, %get3A_349, %get3A_350] : memref<6x3x2x2xf32, #tpu.memory_space<smem>>
    %slice3A_352 = vector.extract_strided_slice %get3A_3 {offsets = [2, 0, 0, 0], sizes = [1, 200, 12, 12], strides = [1, 1, 1, 1]} : vector<3x200x13x13xf32> to vector<1x200x12x12xf32>
    %squeeze3A_353 = vector.shape_cast %slice3A_352 : vector<1x200x12x12xf32> to vector<200x12x12xf32>
    %mul3A_354 = vector.broadcast %get3A_351 : f32 to vector<200x12x12xf32>
    %mul3A_355 = arith.mulf %mul3A_354, %squeeze3A_353 : vector<200x12x12xf32>
    %add3A_356 = arith.addf %add3A_346, %mul3A_355 : vector<200x12x12xf32>
    %get3A_357 = arith.constant 2 : index
    %get3A_358 = arith.constant 2 : index
    %get3A_359 = arith.constant 0 : index
    %get3A_360 = arith.constant 1 : index
    %get3A_361 = memref.load %arg1[%get3A_357, %get3A_358, %get3A_359, %get3A_360] : memref<6x3x2x2xf32, #tpu.memory_space<smem>>
    %slice3A_362 = vector.extract_strided_slice %get3A_3 {offsets = [2, 0, 0, 1], sizes = [1, 200, 12, 12], strides = [1, 1, 1, 1]} : vector<3x200x13x13xf32> to vector<1x200x12x12xf32>
    %squeeze3A_363 = vector.shape_cast %slice3A_362 : vector<1x200x12x12xf32> to vector<200x12x12xf32>
    %mul3A_364 = vector.broadcast %get3A_361 : f32 to vector<200x12x12xf32>
    %mul3A_365 = arith.mulf %mul3A_364, %squeeze3A_363 : vector<200x12x12xf32>
    %add3A_366 = arith.addf %add3A_356, %mul3A_365 : vector<200x12x12xf32>
    %get3A_367 = arith.constant 2 : index
    %get3A_368 = arith.constant 2 : index
    %get3A_369 = arith.constant 1 : index
    %get3A_370 = arith.constant 0 : index
    %get3A_371 = memref.load %arg1[%get3A_367, %get3A_368, %get3A_369, %get3A_370] : memref<6x3x2x2xf32, #tpu.memory_space<smem>>
    %slice3A_372 = vector.extract_strided_slice %get3A_3 {offsets = [2, 0, 1, 0], sizes = [1, 200, 12, 12], strides = [1, 1, 1, 1]} : vector<3x200x13x13xf32> to vector<1x200x12x12xf32>
    %squeeze3A_373 = vector.shape_cast %slice3A_372 : vector<1x200x12x12xf32> to vector<200x12x12xf32>
    %mul3A_374 = vector.broadcast %get3A_371 : f32 to vector<200x12x12xf32>
    %mul3A_375 = arith.mulf %mul3A_374, %squeeze3A_373 : vector<200x12x12xf32>
    %add3A_376 = arith.addf %add3A_366, %mul3A_375 : vector<200x12x12xf32>
    %get3A_377 = arith.constant 2 : index
    %get3A_378 = arith.constant 2 : index
    %get3A_379 = arith.constant 1 : index
    %get3A_380 = arith.constant 1 : index
    %get3A_381 = memref.load %arg1[%get3A_377, %get3A_378, %get3A_379, %get3A_380] : memref<6x3x2x2xf32, #tpu.memory_space<smem>>
    %slice3A_382 = vector.extract_strided_slice %get3A_3 {offsets = [2, 0, 1, 1], sizes = [1, 200, 12, 12], strides = [1, 1, 1, 1]} : vector<3x200x13x13xf32> to vector<1x200x12x12xf32>
    %squeeze3A_383 = vector.shape_cast %slice3A_382 : vector<1x200x12x12xf32> to vector<200x12x12xf32>
    %mul3A_384 = vector.broadcast %get3A_381 : f32 to vector<200x12x12xf32>
    %mul3A_385 = arith.mulf %mul3A_384, %squeeze3A_383 : vector<200x12x12xf32>
    %add3A_386 = arith.addf %add3A_376, %mul3A_385 : vector<200x12x12xf32>
    %slice3A_387 = vector.extract_strided_slice %add3A_386 {offsets = [0, 0, 0], sizes = [200, 11, 11], strides = [1, 1, 1]} : vector<200x12x12xf32> to vector<200x11x11xf32>
    %slice3A_388 = vector.extract_strided_slice %add3A_386 {offsets = [0, 0, 1], sizes = [200, 11, 11], strides = [1, 1, 1]} : vector<200x12x12xf32> to vector<200x11x11xf32>
    %max3A_389 = arith.maximumf %slice3A_387, %slice3A_388 : vector<200x11x11xf32>
    %slice3A_390 = vector.extract_strided_slice %add3A_386 {offsets = [0, 1, 0], sizes = [200, 11, 11], strides = [1, 1, 1]} : vector<200x12x12xf32> to vector<200x11x11xf32>
    %slice3A_391 = vector.extract_strided_slice %add3A_386 {offsets = [0, 1, 1], sizes = [200, 11, 11], strides = [1, 1, 1]} : vector<200x12x12xf32> to vector<200x11x11xf32>
    %max3A_392 = arith.maximumf %slice3A_390, %slice3A_391 : vector<200x11x11xf32>
    %max3A_393 = arith.maximumf %max3A_389, %max3A_392 : vector<200x11x11xf32>
    %max3A_394 = arith.constant 0.000000e+00 : f32
    %max3A_395 = vector.broadcast %max3A_394 : f32 to vector<200x11x11xf32>
    %max3A_396 = arith.maximumf %max3A_393, %max3A_395 : vector<200x11x11xf32>
    %get3A_397 = arith.constant 3 : index
    %get3A_398 = memref.load %arg2[%get3A_397] : memref<6xf32, #tpu.memory_space<smem>>
    %broadcast_in_dim3A_399 = vector.broadcast %get3A_398 : f32 to vector<200x12x12xf32>
    %get3A_400 = arith.constant 3 : index
    %get3A_401 = arith.constant 0 : index
    %get3A_402 = arith.constant 0 : index
    %get3A_403 = arith.constant 0 : index
    %get3A_404 = memref.load %arg1[%get3A_400, %get3A_401, %get3A_402, %get3A_403] : memref<6x3x2x2xf32, #tpu.memory_space<smem>>
    %slice3A_405 = vector.extract_strided_slice %get3A_3 {offsets = [0, 0, 0, 0], sizes = [1, 200, 12, 12], strides = [1, 1, 1, 1]} : vector<3x200x13x13xf32> to vector<1x200x12x12xf32>
    %squeeze3A_406 = vector.shape_cast %slice3A_405 : vector<1x200x12x12xf32> to vector<200x12x12xf32>
    %mul3A_407 = vector.broadcast %get3A_404 : f32 to vector<200x12x12xf32>
    %mul3A_408 = arith.mulf %mul3A_407, %squeeze3A_406 : vector<200x12x12xf32>
    %add3A_409 = arith.addf %broadcast_in_dim3A_399, %mul3A_408 : vector<200x12x12xf32>
    %get3A_410 = arith.constant 3 : index
    %get3A_411 = arith.constant 0 : index
    %get3A_412 = arith.constant 0 : index
    %get3A_413 = arith.constant 1 : index
    %get3A_414 = memref.load %arg1[%get3A_410, %get3A_411, %get3A_412, %get3A_413] : memref<6x3x2x2xf32, #tpu.memory_space<smem>>
    %slice3A_415 = vector.extract_strided_slice %get3A_3 {offsets = [0, 0, 0, 1], sizes = [1, 200, 12, 12], strides = [1, 1, 1, 1]} : vector<3x200x13x13xf32> to vector<1x200x12x12xf32>
    %squeeze3A_416 = vector.shape_cast %slice3A_415 : vector<1x200x12x12xf32> to vector<200x12x12xf32>
    %mul3A_417 = vector.broadcast %get3A_414 : f32 to vector<200x12x12xf32>
    %mul3A_418 = arith.mulf %mul3A_417, %squeeze3A_416 : vector<200x12x12xf32>
    %add3A_419 = arith.addf %add3A_409, %mul3A_418 : vector<200x12x12xf32>
    %get3A_420 = arith.constant 3 : index
    %get3A_421 = arith.constant 0 : index
    %get3A_422 = arith.constant 1 : index
    %get3A_423 = arith.constant 0 : index
    %get3A_424 = memref.load %arg1[%get3A_420, %get3A_421, %get3A_422, %get3A_423] : memref<6x3x2x2xf32, #tpu.memory_space<smem>>
    %slice3A_425 = vector.extract_strided_slice %get3A_3 {offsets = [0, 0, 1, 0], sizes = [1, 200, 12, 12], strides = [1, 1, 1, 1]} : vector<3x200x13x13xf32> to vector<1x200x12x12xf32>
    %squeeze3A_426 = vector.shape_cast %slice3A_425 : vector<1x200x12x12xf32> to vector<200x12x12xf32>
    %mul3A_427 = vector.broadcast %get3A_424 : f32 to vector<200x12x12xf32>
    %mul3A_428 = arith.mulf %mul3A_427, %squeeze3A_426 : vector<200x12x12xf32>
    %add3A_429 = arith.addf %add3A_419, %mul3A_428 : vector<200x12x12xf32>
    %get3A_430 = arith.constant 3 : index
    %get3A_431 = arith.constant 0 : index
    %get3A_432 = arith.constant 1 : index
    %get3A_433 = arith.constant 1 : index
    %get3A_434 = memref.load %arg1[%get3A_430, %get3A_431, %get3A_432, %get3A_433] : memref<6x3x2x2xf32, #tpu.memory_space<smem>>
    %slice3A_435 = vector.extract_strided_slice %get3A_3 {offsets = [0, 0, 1, 1], sizes = [1, 200, 12, 12], strides = [1, 1, 1, 1]} : vector<3x200x13x13xf32> to vector<1x200x12x12xf32>
    %squeeze3A_436 = vector.shape_cast %slice3A_435 : vector<1x200x12x12xf32> to vector<200x12x12xf32>
    %mul3A_437 = vector.broadcast %get3A_434 : f32 to vector<200x12x12xf32>
    %mul3A_438 = arith.mulf %mul3A_437, %squeeze3A_436 : vector<200x12x12xf32>
    %add3A_439 = arith.addf %add3A_429, %mul3A_438 : vector<200x12x12xf32>
    %get3A_440 = arith.constant 3 : index
    %get3A_441 = arith.constant 1 : index
    %get3A_442 = arith.constant 0 : index
    %get3A_443 = arith.constant 0 : index
    %get3A_444 = memref.load %arg1[%get3A_440, %get3A_441, %get3A_442, %get3A_443] : memref<6x3x2x2xf32, #tpu.memory_space<smem>>
    %slice3A_445 = vector.extract_strided_slice %get3A_3 {offsets = [1, 0, 0, 0], sizes = [1, 200, 12, 12], strides = [1, 1, 1, 1]} : vector<3x200x13x13xf32> to vector<1x200x12x12xf32>
    %squeeze3A_446 = vector.shape_cast %slice3A_445 : vector<1x200x12x12xf32> to vector<200x12x12xf32>
    %mul3A_447 = vector.broadcast %get3A_444 : f32 to vector<200x12x12xf32>
    %mul3A_448 = arith.mulf %mul3A_447, %squeeze3A_446 : vector<200x12x12xf32>
    %add3A_449 = arith.addf %add3A_439, %mul3A_448 : vector<200x12x12xf32>
    %get3A_450 = arith.constant 3 : index
    %get3A_451 = arith.constant 1 : index
    %get3A_452 = arith.constant 0 : index
    %get3A_453 = arith.constant 1 : index
    %get3A_454 = memref.load %arg1[%get3A_450, %get3A_451, %get3A_452, %get3A_453] : memref<6x3x2x2xf32, #tpu.memory_space<smem>>
    %slice3A_455 = vector.extract_strided_slice %get3A_3 {offsets = [1, 0, 0, 1], sizes = [1, 200, 12, 12], strides = [1, 1, 1, 1]} : vector<3x200x13x13xf32> to vector<1x200x12x12xf32>
    %squeeze3A_456 = vector.shape_cast %slice3A_455 : vector<1x200x12x12xf32> to vector<200x12x12xf32>
    %mul3A_457 = vector.broadcast %get3A_454 : f32 to vector<200x12x12xf32>
    %mul3A_458 = arith.mulf %mul3A_457, %squeeze3A_456 : vector<200x12x12xf32>
    %add3A_459 = arith.addf %add3A_449, %mul3A_458 : vector<200x12x12xf32>
    %get3A_460 = arith.constant 3 : index
    %get3A_461 = arith.constant 1 : index
    %get3A_462 = arith.constant 1 : index
    %get3A_463 = arith.constant 0 : index
    %get3A_464 = memref.load %arg1[%get3A_460, %get3A_461, %get3A_462, %get3A_463] : memref<6x3x2x2xf32, #tpu.memory_space<smem>>
    %slice3A_465 = vector.extract_strided_slice %get3A_3 {offsets = [1, 0, 1, 0], sizes = [1, 200, 12, 12], strides = [1, 1, 1, 1]} : vector<3x200x13x13xf32> to vector<1x200x12x12xf32>
    %squeeze3A_466 = vector.shape_cast %slice3A_465 : vector<1x200x12x12xf32> to vector<200x12x12xf32>
    %mul3A_467 = vector.broadcast %get3A_464 : f32 to vector<200x12x12xf32>
    %mul3A_468 = arith.mulf %mul3A_467, %squeeze3A_466 : vector<200x12x12xf32>
    %add3A_469 = arith.addf %add3A_459, %mul3A_468 : vector<200x12x12xf32>
    %get3A_470 = arith.constant 3 : index
    %get3A_471 = arith.constant 1 : index
    %get3A_472 = arith.constant 1 : index
    %get3A_473 = arith.constant 1 : index
    %get3A_474 = memref.load %arg1[%get3A_470, %get3A_471, %get3A_472, %get3A_473] : memref<6x3x2x2xf32, #tpu.memory_space<smem>>
    %slice3A_475 = vector.extract_strided_slice %get3A_3 {offsets = [1, 0, 1, 1], sizes = [1, 200, 12, 12], strides = [1, 1, 1, 1]} : vector<3x200x13x13xf32> to vector<1x200x12x12xf32>
    %squeeze3A_476 = vector.shape_cast %slice3A_475 : vector<1x200x12x12xf32> to vector<200x12x12xf32>
    %mul3A_477 = vector.broadcast %get3A_474 : f32 to vector<200x12x12xf32>
    %mul3A_478 = arith.mulf %mul3A_477, %squeeze3A_476 : vector<200x12x12xf32>
    %add3A_479 = arith.addf %add3A_469, %mul3A_478 : vector<200x12x12xf32>
    %get3A_480 = arith.constant 3 : index
    %get3A_481 = arith.constant 2 : index
    %get3A_482 = arith.constant 0 : index
    %get3A_483 = arith.constant 0 : index
    %get3A_484 = memref.load %arg1[%get3A_480, %get3A_481, %get3A_482, %get3A_483] : memref<6x3x2x2xf32, #tpu.memory_space<smem>>
    %slice3A_485 = vector.extract_strided_slice %get3A_3 {offsets = [2, 0, 0, 0], sizes = [1, 200, 12, 12], strides = [1, 1, 1, 1]} : vector<3x200x13x13xf32> to vector<1x200x12x12xf32>
    %squeeze3A_486 = vector.shape_cast %slice3A_485 : vector<1x200x12x12xf32> to vector<200x12x12xf32>
    %mul3A_487 = vector.broadcast %get3A_484 : f32 to vector<200x12x12xf32>
    %mul3A_488 = arith.mulf %mul3A_487, %squeeze3A_486 : vector<200x12x12xf32>
    %add3A_489 = arith.addf %add3A_479, %mul3A_488 : vector<200x12x12xf32>
    %get3A_490 = arith.constant 3 : index
    %get3A_491 = arith.constant 2 : index
    %get3A_492 = arith.constant 0 : index
    %get3A_493 = arith.constant 1 : index
    %get3A_494 = memref.load %arg1[%get3A_490, %get3A_491, %get3A_492, %get3A_493] : memref<6x3x2x2xf32, #tpu.memory_space<smem>>
    %slice3A_495 = vector.extract_strided_slice %get3A_3 {offsets = [2, 0, 0, 1], sizes = [1, 200, 12, 12], strides = [1, 1, 1, 1]} : vector<3x200x13x13xf32> to vector<1x200x12x12xf32>
    %squeeze3A_496 = vector.shape_cast %slice3A_495 : vector<1x200x12x12xf32> to vector<200x12x12xf32>
    %mul3A_497 = vector.broadcast %get3A_494 : f32 to vector<200x12x12xf32>
    %mul3A_498 = arith.mulf %mul3A_497, %squeeze3A_496 : vector<200x12x12xf32>
    %add3A_499 = arith.addf %add3A_489, %mul3A_498 : vector<200x12x12xf32>
    %get3A_500 = arith.constant 3 : index
    %get3A_501 = arith.constant 2 : index
    %get3A_502 = arith.constant 1 : index
    %get3A_503 = arith.constant 0 : index
    %get3A_504 = memref.load %arg1[%get3A_500, %get3A_501, %get3A_502, %get3A_503] : memref<6x3x2x2xf32, #tpu.memory_space<smem>>
    %slice3A_505 = vector.extract_strided_slice %get3A_3 {offsets = [2, 0, 1, 0], sizes = [1, 200, 12, 12], strides = [1, 1, 1, 1]} : vector<3x200x13x13xf32> to vector<1x200x12x12xf32>
    %squeeze3A_506 = vector.shape_cast %slice3A_505 : vector<1x200x12x12xf32> to vector<200x12x12xf32>
    %mul3A_507 = vector.broadcast %get3A_504 : f32 to vector<200x12x12xf32>
    %mul3A_508 = arith.mulf %mul3A_507, %squeeze3A_506 : vector<200x12x12xf32>
    %add3A_509 = arith.addf %add3A_499, %mul3A_508 : vector<200x12x12xf32>
    %get3A_510 = arith.constant 3 : index
    %get3A_511 = arith.constant 2 : index
    %get3A_512 = arith.constant 1 : index
    %get3A_513 = arith.constant 1 : index
    %get3A_514 = memref.load %arg1[%get3A_510, %get3A_511, %get3A_512, %get3A_513] : memref<6x3x2x2xf32, #tpu.memory_space<smem>>
    %slice3A_515 = vector.extract_strided_slice %get3A_3 {offsets = [2, 0, 1, 1], sizes = [1, 200, 12, 12], strides = [1, 1, 1, 1]} : vector<3x200x13x13xf32> to vector<1x200x12x12xf32>
    %squeeze3A_516 = vector.shape_cast %slice3A_515 : vector<1x200x12x12xf32> to vector<200x12x12xf32>
    %mul3A_517 = vector.broadcast %get3A_514 : f32 to vector<200x12x12xf32>
    %mul3A_518 = arith.mulf %mul3A_517, %squeeze3A_516 : vector<200x12x12xf32>
    %add3A_519 = arith.addf %add3A_509, %mul3A_518 : vector<200x12x12xf32>
    %slice3A_520 = vector.extract_strided_slice %add3A_519 {offsets = [0, 0, 0], sizes = [200, 11, 11], strides = [1, 1, 1]} : vector<200x12x12xf32> to vector<200x11x11xf32>
    %slice3A_521 = vector.extract_strided_slice %add3A_519 {offsets = [0, 0, 1], sizes = [200, 11, 11], strides = [1, 1, 1]} : vector<200x12x12xf32> to vector<200x11x11xf32>
    %max3A_522 = arith.maximumf %slice3A_520, %slice3A_521 : vector<200x11x11xf32>
    %slice3A_523 = vector.extract_strided_slice %add3A_519 {offsets = [0, 1, 0], sizes = [200, 11, 11], strides = [1, 1, 1]} : vector<200x12x12xf32> to vector<200x11x11xf32>
    %slice3A_524 = vector.extract_strided_slice %add3A_519 {offsets = [0, 1, 1], sizes = [200, 11, 11], strides = [1, 1, 1]} : vector<200x12x12xf32> to vector<200x11x11xf32>
    %max3A_525 = arith.maximumf %slice3A_523, %slice3A_524 : vector<200x11x11xf32>
    %max3A_526 = arith.maximumf %max3A_522, %max3A_525 : vector<200x11x11xf32>
    %max3A_527 = arith.constant 0.000000e+00 : f32
    %max3A_528 = vector.broadcast %max3A_527 : f32 to vector<200x11x11xf32>
    %max3A_529 = arith.maximumf %max3A_526, %max3A_528 : vector<200x11x11xf32>
    %get3A_530 = arith.constant 4 : index
    %get3A_531 = memref.load %arg2[%get3A_530] : memref<6xf32, #tpu.memory_space<smem>>
    %broadcast_in_dim3A_532 = vector.broadcast %get3A_531 : f32 to vector<200x12x12xf32>
    %get3A_533 = arith.constant 4 : index
    %get3A_534 = arith.constant 0 : index
    %get3A_535 = arith.constant 0 : index
    %get3A_536 = arith.constant 0 : index
    %get3A_537 = memref.load %arg1[%get3A_533, %get3A_534, %get3A_535, %get3A_536] : memref<6x3x2x2xf32, #tpu.memory_space<smem>>
    %slice3A_538 = vector.extract_strided_slice %get3A_3 {offsets = [0, 0, 0, 0], sizes = [1, 200, 12, 12], strides = [1, 1, 1, 1]} : vector<3x200x13x13xf32> to vector<1x200x12x12xf32>
    %squeeze3A_539 = vector.shape_cast %slice3A_538 : vector<1x200x12x12xf32> to vector<200x12x12xf32>
    %mul3A_540 = vector.broadcast %get3A_537 : f32 to vector<200x12x12xf32>
    %mul3A_541 = arith.mulf %mul3A_540, %squeeze3A_539 : vector<200x12x12xf32>
    %add3A_542 = arith.addf %broadcast_in_dim3A_532, %mul3A_541 : vector<200x12x12xf32>
    %get3A_543 = arith.constant 4 : index
    %get3A_544 = arith.constant 0 : index
    %get3A_545 = arith.constant 0 : index
    %get3A_546 = arith.constant 1 : index
    %get3A_547 = memref.load %arg1[%get3A_543, %get3A_544, %get3A_545, %get3A_546] : memref<6x3x2x2xf32, #tpu.memory_space<smem>>
    %slice3A_548 = vector.extract_strided_slice %get3A_3 {offsets = [0, 0, 0, 1], sizes = [1, 200, 12, 12], strides = [1, 1, 1, 1]} : vector<3x200x13x13xf32> to vector<1x200x12x12xf32>
    %squeeze3A_549 = vector.shape_cast %slice3A_548 : vector<1x200x12x12xf32> to vector<200x12x12xf32>
    %mul3A_550 = vector.broadcast %get3A_547 : f32 to vector<200x12x12xf32>
    %mul3A_551 = arith.mulf %mul3A_550, %squeeze3A_549 : vector<200x12x12xf32>
    %add3A_552 = arith.addf %add3A_542, %mul3A_551 : vector<200x12x12xf32>
    %get3A_553 = arith.constant 4 : index
    %get3A_554 = arith.constant 0 : index
    %get3A_555 = arith.constant 1 : index
    %get3A_556 = arith.constant 0 : index
    %get3A_557 = memref.load %arg1[%get3A_553, %get3A_554, %get3A_555, %get3A_556] : memref<6x3x2x2xf32, #tpu.memory_space<smem>>
    %slice3A_558 = vector.extract_strided_slice %get3A_3 {offsets = [0, 0, 1, 0], sizes = [1, 200, 12, 12], strides = [1, 1, 1, 1]} : vector<3x200x13x13xf32> to vector<1x200x12x12xf32>
    %squeeze3A_559 = vector.shape_cast %slice3A_558 : vector<1x200x12x12xf32> to vector<200x12x12xf32>
    %mul3A_560 = vector.broadcast %get3A_557 : f32 to vector<200x12x12xf32>
    %mul3A_561 = arith.mulf %mul3A_560, %squeeze3A_559 : vector<200x12x12xf32>
    %add3A_562 = arith.addf %add3A_552, %mul3A_561 : vector<200x12x12xf32>
    %get3A_563 = arith.constant 4 : index
    %get3A_564 = arith.constant 0 : index
    %get3A_565 = arith.constant 1 : index
    %get3A_566 = arith.constant 1 : index
    %get3A_567 = memref.load %arg1[%get3A_563, %get3A_564, %get3A_565, %get3A_566] : memref<6x3x2x2xf32, #tpu.memory_space<smem>>
    %slice3A_568 = vector.extract_strided_slice %get3A_3 {offsets = [0, 0, 1, 1], sizes = [1, 200, 12, 12], strides = [1, 1, 1, 1]} : vector<3x200x13x13xf32> to vector<1x200x12x12xf32>
    %squeeze3A_569 = vector.shape_cast %slice3A_568 : vector<1x200x12x12xf32> to vector<200x12x12xf32>
    %mul3A_570 = vector.broadcast %get3A_567 : f32 to vector<200x12x12xf32>
    %mul3A_571 = arith.mulf %mul3A_570, %squeeze3A_569 : vector<200x12x12xf32>
    %add3A_572 = arith.addf %add3A_562, %mul3A_571 : vector<200x12x12xf32>
    %get3A_573 = arith.constant 4 : index
    %get3A_574 = arith.constant 1 : index
    %get3A_575 = arith.constant 0 : index
    %get3A_576 = arith.constant 0 : index
    %get3A_577 = memref.load %arg1[%get3A_573, %get3A_574, %get3A_575, %get3A_576] : memref<6x3x2x2xf32, #tpu.memory_space<smem>>
    %slice3A_578 = vector.extract_strided_slice %get3A_3 {offsets = [1, 0, 0, 0], sizes = [1, 200, 12, 12], strides = [1, 1, 1, 1]} : vector<3x200x13x13xf32> to vector<1x200x12x12xf32>
    %squeeze3A_579 = vector.shape_cast %slice3A_578 : vector<1x200x12x12xf32> to vector<200x12x12xf32>
    %mul3A_580 = vector.broadcast %get3A_577 : f32 to vector<200x12x12xf32>
    %mul3A_581 = arith.mulf %mul3A_580, %squeeze3A_579 : vector<200x12x12xf32>
    %add3A_582 = arith.addf %add3A_572, %mul3A_581 : vector<200x12x12xf32>
    %get3A_583 = arith.constant 4 : index
    %get3A_584 = arith.constant 1 : index
    %get3A_585 = arith.constant 0 : index
    %get3A_586 = arith.constant 1 : index
    %get3A_587 = memref.load %arg1[%get3A_583, %get3A_584, %get3A_585, %get3A_586] : memref<6x3x2x2xf32, #tpu.memory_space<smem>>
    %slice3A_588 = vector.extract_strided_slice %get3A_3 {offsets = [1, 0, 0, 1], sizes = [1, 200, 12, 12], strides = [1, 1, 1, 1]} : vector<3x200x13x13xf32> to vector<1x200x12x12xf32>
    %squeeze3A_589 = vector.shape_cast %slice3A_588 : vector<1x200x12x12xf32> to vector<200x12x12xf32>
    %mul3A_590 = vector.broadcast %get3A_587 : f32 to vector<200x12x12xf32>
    %mul3A_591 = arith.mulf %mul3A_590, %squeeze3A_589 : vector<200x12x12xf32>
    %add3A_592 = arith.addf %add3A_582, %mul3A_591 : vector<200x12x12xf32>
    %get3A_593 = arith.constant 4 : index
    %get3A_594 = arith.constant 1 : index
    %get3A_595 = arith.constant 1 : index
    %get3A_596 = arith.constant 0 : index
    %get3A_597 = memref.load %arg1[%get3A_593, %get3A_594, %get3A_595, %get3A_596] : memref<6x3x2x2xf32, #tpu.memory_space<smem>>
    %slice3A_598 = vector.extract_strided_slice %get3A_3 {offsets = [1, 0, 1, 0], sizes = [1, 200, 12, 12], strides = [1, 1, 1, 1]} : vector<3x200x13x13xf32> to vector<1x200x12x12xf32>
    %squeeze3A_599 = vector.shape_cast %slice3A_598 : vector<1x200x12x12xf32> to vector<200x12x12xf32>
    %mul3A_600 = vector.broadcast %get3A_597 : f32 to vector<200x12x12xf32>
    %mul3A_601 = arith.mulf %mul3A_600, %squeeze3A_599 : vector<200x12x12xf32>
    %add3A_602 = arith.addf %add3A_592, %mul3A_601 : vector<200x12x12xf32>
    %get3A_603 = arith.constant 4 : index
    %get3A_604 = arith.constant 1 : index
    %get3A_605 = arith.constant 1 : index
    %get3A_606 = arith.constant 1 : index
    %get3A_607 = memref.load %arg1[%get3A_603, %get3A_604, %get3A_605, %get3A_606] : memref<6x3x2x2xf32, #tpu.memory_space<smem>>
    %slice3A_608 = vector.extract_strided_slice %get3A_3 {offsets = [1, 0, 1, 1], sizes = [1, 200, 12, 12], strides = [1, 1, 1, 1]} : vector<3x200x13x13xf32> to vector<1x200x12x12xf32>
    %squeeze3A_609 = vector.shape_cast %slice3A_608 : vector<1x200x12x12xf32> to vector<200x12x12xf32>
    %mul3A_610 = vector.broadcast %get3A_607 : f32 to vector<200x12x12xf32>
    %mul3A_611 = arith.mulf %mul3A_610, %squeeze3A_609 : vector<200x12x12xf32>
    %add3A_612 = arith.addf %add3A_602, %mul3A_611 : vector<200x12x12xf32>
    %get3A_613 = arith.constant 4 : index
    %get3A_614 = arith.constant 2 : index
    %get3A_615 = arith.constant 0 : index
    %get3A_616 = arith.constant 0 : index
    %get3A_617 = memref.load %arg1[%get3A_613, %get3A_614, %get3A_615, %get3A_616] : memref<6x3x2x2xf32, #tpu.memory_space<smem>>
    %slice3A_618 = vector.extract_strided_slice %get3A_3 {offsets = [2, 0, 0, 0], sizes = [1, 200, 12, 12], strides = [1, 1, 1, 1]} : vector<3x200x13x13xf32> to vector<1x200x12x12xf32>
    %squeeze3A_619 = vector.shape_cast %slice3A_618 : vector<1x200x12x12xf32> to vector<200x12x12xf32>
    %mul3A_620 = vector.broadcast %get3A_617 : f32 to vector<200x12x12xf32>
    %mul3A_621 = arith.mulf %mul3A_620, %squeeze3A_619 : vector<200x12x12xf32>
    %add3A_622 = arith.addf %add3A_612, %mul3A_621 : vector<200x12x12xf32>
    %get3A_623 = arith.constant 4 : index
    %get3A_624 = arith.constant 2 : index
    %get3A_625 = arith.constant 0 : index
    %get3A_626 = arith.constant 1 : index
    %get3A_627 = memref.load %arg1[%get3A_623, %get3A_624, %get3A_625, %get3A_626] : memref<6x3x2x2xf32, #tpu.memory_space<smem>>
    %slice3A_628 = vector.extract_strided_slice %get3A_3 {offsets = [2, 0, 0, 1], sizes = [1, 200, 12, 12], strides = [1, 1, 1, 1]} : vector<3x200x13x13xf32> to vector<1x200x12x12xf32>
    %squeeze3A_629 = vector.shape_cast %slice3A_628 : vector<1x200x12x12xf32> to vector<200x12x12xf32>
    %mul3A_630 = vector.broadcast %get3A_627 : f32 to vector<200x12x12xf32>
    %mul3A_631 = arith.mulf %mul3A_630, %squeeze3A_629 : vector<200x12x12xf32>
    %add3A_632 = arith.addf %add3A_622, %mul3A_631 : vector<200x12x12xf32>
    %get3A_633 = arith.constant 4 : index
    %get3A_634 = arith.constant 2 : index
    %get3A_635 = arith.constant 1 : index
    %get3A_636 = arith.constant 0 : index
    %get3A_637 = memref.load %arg1[%get3A_633, %get3A_634, %get3A_635, %get3A_636] : memref<6x3x2x2xf32, #tpu.memory_space<smem>>
    %slice3A_638 = vector.extract_strided_slice %get3A_3 {offsets = [2, 0, 1, 0], sizes = [1, 200, 12, 12], strides = [1, 1, 1, 1]} : vector<3x200x13x13xf32> to vector<1x200x12x12xf32>
    %squeeze3A_639 = vector.shape_cast %slice3A_638 : vector<1x200x12x12xf32> to vector<200x12x12xf32>
    %mul3A_640 = vector.broadcast %get3A_637 : f32 to vector<200x12x12xf32>
    %mul3A_641 = arith.mulf %mul3A_640, %squeeze3A_639 : vector<200x12x12xf32>
    %add3A_642 = arith.addf %add3A_632, %mul3A_641 : vector<200x12x12xf32>
    %get3A_643 = arith.constant 4 : index
    %get3A_644 = arith.constant 2 : index
    %get3A_645 = arith.constant 1 : index
    %get3A_646 = arith.constant 1 : index
    %get3A_647 = memref.load %arg1[%get3A_643, %get3A_644, %get3A_645, %get3A_646] : memref<6x3x2x2xf32, #tpu.memory_space<smem>>
    %slice3A_648 = vector.extract_strided_slice %get3A_3 {offsets = [2, 0, 1, 1], sizes = [1, 200, 12, 12], strides = [1, 1, 1, 1]} : vector<3x200x13x13xf32> to vector<1x200x12x12xf32>
    %squeeze3A_649 = vector.shape_cast %slice3A_648 : vector<1x200x12x12xf32> to vector<200x12x12xf32>
    %mul3A_650 = vector.broadcast %get3A_647 : f32 to vector<200x12x12xf32>
    %mul3A_651 = arith.mulf %mul3A_650, %squeeze3A_649 : vector<200x12x12xf32>
    %add3A_652 = arith.addf %add3A_642, %mul3A_651 : vector<200x12x12xf32>
    %slice3A_653 = vector.extract_strided_slice %add3A_652 {offsets = [0, 0, 0], sizes = [200, 11, 11], strides = [1, 1, 1]} : vector<200x12x12xf32> to vector<200x11x11xf32>
    %slice3A_654 = vector.extract_strided_slice %add3A_652 {offsets = [0, 0, 1], sizes = [200, 11, 11], strides = [1, 1, 1]} : vector<200x12x12xf32> to vector<200x11x11xf32>
    %max3A_655 = arith.maximumf %slice3A_653, %slice3A_654 : vector<200x11x11xf32>
    %slice3A_656 = vector.extract_strided_slice %add3A_652 {offsets = [0, 1, 0], sizes = [200, 11, 11], strides = [1, 1, 1]} : vector<200x12x12xf32> to vector<200x11x11xf32>
    %slice3A_657 = vector.extract_strided_slice %add3A_652 {offsets = [0, 1, 1], sizes = [200, 11, 11], strides = [1, 1, 1]} : vector<200x12x12xf32> to vector<200x11x11xf32>
    %max3A_658 = arith.maximumf %slice3A_656, %slice3A_657 : vector<200x11x11xf32>
    %max3A_659 = arith.maximumf %max3A_655, %max3A_658 : vector<200x11x11xf32>
    %max3A_660 = arith.constant 0.000000e+00 : f32
    %max3A_661 = vector.broadcast %max3A_660 : f32 to vector<200x11x11xf32>
    %max3A_662 = arith.maximumf %max3A_659, %max3A_661 : vector<200x11x11xf32>
    %get3A_663 = arith.constant 5 : index
    %get3A_664 = memref.load %arg2[%get3A_663] : memref<6xf32, #tpu.memory_space<smem>>
    %broadcast_in_dim3A_665 = vector.broadcast %get3A_664 : f32 to vector<200x12x12xf32>
    %get3A_666 = arith.constant 5 : index
    %get3A_667 = arith.constant 0 : index
    %get3A_668 = arith.constant 0 : index
    %get3A_669 = arith.constant 0 : index
    %get3A_670 = memref.load %arg1[%get3A_666, %get3A_667, %get3A_668, %get3A_669] : memref<6x3x2x2xf32, #tpu.memory_space<smem>>
    %slice3A_671 = vector.extract_strided_slice %get3A_3 {offsets = [0, 0, 0, 0], sizes = [1, 200, 12, 12], strides = [1, 1, 1, 1]} : vector<3x200x13x13xf32> to vector<1x200x12x12xf32>
    %squeeze3A_672 = vector.shape_cast %slice3A_671 : vector<1x200x12x12xf32> to vector<200x12x12xf32>
    %mul3A_673 = vector.broadcast %get3A_670 : f32 to vector<200x12x12xf32>
    %mul3A_674 = arith.mulf %mul3A_673, %squeeze3A_672 : vector<200x12x12xf32>
    %add3A_675 = arith.addf %broadcast_in_dim3A_665, %mul3A_674 : vector<200x12x12xf32>
    %get3A_676 = arith.constant 5 : index
    %get3A_677 = arith.constant 0 : index
    %get3A_678 = arith.constant 0 : index
    %get3A_679 = arith.constant 1 : index
    %get3A_680 = memref.load %arg1[%get3A_676, %get3A_677, %get3A_678, %get3A_679] : memref<6x3x2x2xf32, #tpu.memory_space<smem>>
    %slice3A_681 = vector.extract_strided_slice %get3A_3 {offsets = [0, 0, 0, 1], sizes = [1, 200, 12, 12], strides = [1, 1, 1, 1]} : vector<3x200x13x13xf32> to vector<1x200x12x12xf32>
    %squeeze3A_682 = vector.shape_cast %slice3A_681 : vector<1x200x12x12xf32> to vector<200x12x12xf32>
    %mul3A_683 = vector.broadcast %get3A_680 : f32 to vector<200x12x12xf32>
    %mul3A_684 = arith.mulf %mul3A_683, %squeeze3A_682 : vector<200x12x12xf32>
    %add3A_685 = arith.addf %add3A_675, %mul3A_684 : vector<200x12x12xf32>
    %get3A_686 = arith.constant 5 : index
    %get3A_687 = arith.constant 0 : index
    %get3A_688 = arith.constant 1 : index
    %get3A_689 = arith.constant 0 : index
    %get3A_690 = memref.load %arg1[%get3A_686, %get3A_687, %get3A_688, %get3A_689] : memref<6x3x2x2xf32, #tpu.memory_space<smem>>
    %slice3A_691 = vector.extract_strided_slice %get3A_3 {offsets = [0, 0, 1, 0], sizes = [1, 200, 12, 12], strides = [1, 1, 1, 1]} : vector<3x200x13x13xf32> to vector<1x200x12x12xf32>
    %squeeze3A_692 = vector.shape_cast %slice3A_691 : vector<1x200x12x12xf32> to vector<200x12x12xf32>
    %mul3A_693 = vector.broadcast %get3A_690 : f32 to vector<200x12x12xf32>
    %mul3A_694 = arith.mulf %mul3A_693, %squeeze3A_692 : vector<200x12x12xf32>
    %add3A_695 = arith.addf %add3A_685, %mul3A_694 : vector<200x12x12xf32>
    %get3A_696 = arith.constant 5 : index
    %get3A_697 = arith.constant 0 : index
    %get3A_698 = arith.constant 1 : index
    %get3A_699 = arith.constant 1 : index
    %get3A_700 = memref.load %arg1[%get3A_696, %get3A_697, %get3A_698, %get3A_699] : memref<6x3x2x2xf32, #tpu.memory_space<smem>>
    %slice3A_701 = vector.extract_strided_slice %get3A_3 {offsets = [0, 0, 1, 1], sizes = [1, 200, 12, 12], strides = [1, 1, 1, 1]} : vector<3x200x13x13xf32> to vector<1x200x12x12xf32>
    %squeeze3A_702 = vector.shape_cast %slice3A_701 : vector<1x200x12x12xf32> to vector<200x12x12xf32>
    %mul3A_703 = vector.broadcast %get3A_700 : f32 to vector<200x12x12xf32>
    %mul3A_704 = arith.mulf %mul3A_703, %squeeze3A_702 : vector<200x12x12xf32>
    %add3A_705 = arith.addf %add3A_695, %mul3A_704 : vector<200x12x12xf32>
    %get3A_706 = arith.constant 5 : index
    %get3A_707 = arith.constant 1 : index
    %get3A_708 = arith.constant 0 : index
    %get3A_709 = arith.constant 0 : index
    %get3A_710 = memref.load %arg1[%get3A_706, %get3A_707, %get3A_708, %get3A_709] : memref<6x3x2x2xf32, #tpu.memory_space<smem>>
    %slice3A_711 = vector.extract_strided_slice %get3A_3 {offsets = [1, 0, 0, 0], sizes = [1, 200, 12, 12], strides = [1, 1, 1, 1]} : vector<3x200x13x13xf32> to vector<1x200x12x12xf32>
    %squeeze3A_712 = vector.shape_cast %slice3A_711 : vector<1x200x12x12xf32> to vector<200x12x12xf32>
    %mul3A_713 = vector.broadcast %get3A_710 : f32 to vector<200x12x12xf32>
    %mul3A_714 = arith.mulf %mul3A_713, %squeeze3A_712 : vector<200x12x12xf32>
    %add3A_715 = arith.addf %add3A_705, %mul3A_714 : vector<200x12x12xf32>
    %get3A_716 = arith.constant 5 : index
    %get3A_717 = arith.constant 1 : index
    %get3A_718 = arith.constant 0 : index
    %get3A_719 = arith.constant 1 : index
    %get3A_720 = memref.load %arg1[%get3A_716, %get3A_717, %get3A_718, %get3A_719] : memref<6x3x2x2xf32, #tpu.memory_space<smem>>
    %slice3A_721 = vector.extract_strided_slice %get3A_3 {offsets = [1, 0, 0, 1], sizes = [1, 200, 12, 12], strides = [1, 1, 1, 1]} : vector<3x200x13x13xf32> to vector<1x200x12x12xf32>
    %squeeze3A_722 = vector.shape_cast %slice3A_721 : vector<1x200x12x12xf32> to vector<200x12x12xf32>
    %mul3A_723 = vector.broadcast %get3A_720 : f32 to vector<200x12x12xf32>
    %mul3A_724 = arith.mulf %mul3A_723, %squeeze3A_722 : vector<200x12x12xf32>
    %add3A_725 = arith.addf %add3A_715, %mul3A_724 : vector<200x12x12xf32>
    %get3A_726 = arith.constant 5 : index
    %get3A_727 = arith.constant 1 : index
    %get3A_728 = arith.constant 1 : index
    %get3A_729 = arith.constant 0 : index
    %get3A_730 = memref.load %arg1[%get3A_726, %get3A_727, %get3A_728, %get3A_729] : memref<6x3x2x2xf32, #tpu.memory_space<smem>>
    %slice3A_731 = vector.extract_strided_slice %get3A_3 {offsets = [1, 0, 1, 0], sizes = [1, 200, 12, 12], strides = [1, 1, 1, 1]} : vector<3x200x13x13xf32> to vector<1x200x12x12xf32>
    %squeeze3A_732 = vector.shape_cast %slice3A_731 : vector<1x200x12x12xf32> to vector<200x12x12xf32>
    %mul3A_733 = vector.broadcast %get3A_730 : f32 to vector<200x12x12xf32>
    %mul3A_734 = arith.mulf %mul3A_733, %squeeze3A_732 : vector<200x12x12xf32>
    %add3A_735 = arith.addf %add3A_725, %mul3A_734 : vector<200x12x12xf32>
    %get3A_736 = arith.constant 5 : index
    %get3A_737 = arith.constant 1 : index
    %get3A_738 = arith.constant 1 : index
    %get3A_739 = arith.constant 1 : index
    %get3A_740 = memref.load %arg1[%get3A_736, %get3A_737, %get3A_738, %get3A_739] : memref<6x3x2x2xf32, #tpu.memory_space<smem>>
    %slice3A_741 = vector.extract_strided_slice %get3A_3 {offsets = [1, 0, 1, 1], sizes = [1, 200, 12, 12], strides = [1, 1, 1, 1]} : vector<3x200x13x13xf32> to vector<1x200x12x12xf32>
    %squeeze3A_742 = vector.shape_cast %slice3A_741 : vector<1x200x12x12xf32> to vector<200x12x12xf32>
    %mul3A_743 = vector.broadcast %get3A_740 : f32 to vector<200x12x12xf32>
    %mul3A_744 = arith.mulf %mul3A_743, %squeeze3A_742 : vector<200x12x12xf32>
    %add3A_745 = arith.addf %add3A_735, %mul3A_744 : vector<200x12x12xf32>
    %get3A_746 = arith.constant 5 : index
    %get3A_747 = arith.constant 2 : index
    %get3A_748 = arith.constant 0 : index
    %get3A_749 = arith.constant 0 : index
    %get3A_750 = memref.load %arg1[%get3A_746, %get3A_747, %get3A_748, %get3A_749] : memref<6x3x2x2xf32, #tpu.memory_space<smem>>
    %slice3A_751 = vector.extract_strided_slice %get3A_3 {offsets = [2, 0, 0, 0], sizes = [1, 200, 12, 12], strides = [1, 1, 1, 1]} : vector<3x200x13x13xf32> to vector<1x200x12x12xf32>
    %squeeze3A_752 = vector.shape_cast %slice3A_751 : vector<1x200x12x12xf32> to vector<200x12x12xf32>
    %mul3A_753 = vector.broadcast %get3A_750 : f32 to vector<200x12x12xf32>
    %mul3A_754 = arith.mulf %mul3A_753, %squeeze3A_752 : vector<200x12x12xf32>
    %add3A_755 = arith.addf %add3A_745, %mul3A_754 : vector<200x12x12xf32>
    %get3A_756 = arith.constant 5 : index
    %get3A_757 = arith.constant 2 : index
    %get3A_758 = arith.constant 0 : index
    %get3A_759 = arith.constant 1 : index
    %get3A_760 = memref.load %arg1[%get3A_756, %get3A_757, %get3A_758, %get3A_759] : memref<6x3x2x2xf32, #tpu.memory_space<smem>>
    %slice3A_761 = vector.extract_strided_slice %get3A_3 {offsets = [2, 0, 0, 1], sizes = [1, 200, 12, 12], strides = [1, 1, 1, 1]} : vector<3x200x13x13xf32> to vector<1x200x12x12xf32>
    %squeeze3A_762 = vector.shape_cast %slice3A_761 : vector<1x200x12x12xf32> to vector<200x12x12xf32>
    %mul3A_763 = vector.broadcast %get3A_760 : f32 to vector<200x12x12xf32>
    %mul3A_764 = arith.mulf %mul3A_763, %squeeze3A_762 : vector<200x12x12xf32>
    %add3A_765 = arith.addf %add3A_755, %mul3A_764 : vector<200x12x12xf32>
    %get3A_766 = arith.constant 5 : index
    %get3A_767 = arith.constant 2 : index
    %get3A_768 = arith.constant 1 : index
    %get3A_769 = arith.constant 0 : index
    %get3A_770 = memref.load %arg1[%get3A_766, %get3A_767, %get3A_768, %get3A_769] : memref<6x3x2x2xf32, #tpu.memory_space<smem>>
    %slice3A_771 = vector.extract_strided_slice %get3A_3 {offsets = [2, 0, 1, 0], sizes = [1, 200, 12, 12], strides = [1, 1, 1, 1]} : vector<3x200x13x13xf32> to vector<1x200x12x12xf32>
    %squeeze3A_772 = vector.shape_cast %slice3A_771 : vector<1x200x12x12xf32> to vector<200x12x12xf32>
    %mul3A_773 = vector.broadcast %get3A_770 : f32 to vector<200x12x12xf32>
    %mul3A_774 = arith.mulf %mul3A_773, %squeeze3A_772 : vector<200x12x12xf32>
    %add3A_775 = arith.addf %add3A_765, %mul3A_774 : vector<200x12x12xf32>
    %get3A_776 = arith.constant 5 : index
    %get3A_777 = arith.constant 2 : index
    %get3A_778 = arith.constant 1 : index
    %get3A_779 = arith.constant 1 : index
    %get3A_780 = memref.load %arg1[%get3A_776, %get3A_777, %get3A_778, %get3A_779] : memref<6x3x2x2xf32, #tpu.memory_space<smem>>
    %slice3A_781 = vector.extract_strided_slice %get3A_3 {offsets = [2, 0, 1, 1], sizes = [1, 200, 12, 12], strides = [1, 1, 1, 1]} : vector<3x200x13x13xf32> to vector<1x200x12x12xf32>
    %squeeze3A_782 = vector.shape_cast %slice3A_781 : vector<1x200x12x12xf32> to vector<200x12x12xf32>
    %mul3A_783 = vector.broadcast %get3A_780 : f32 to vector<200x12x12xf32>
    %mul3A_784 = arith.mulf %mul3A_783, %squeeze3A_782 : vector<200x12x12xf32>
    %add3A_785 = arith.addf %add3A_775, %mul3A_784 : vector<200x12x12xf32>
    %slice3A_786 = vector.extract_strided_slice %add3A_785 {offsets = [0, 0, 0], sizes = [200, 11, 11], strides = [1, 1, 1]} : vector<200x12x12xf32> to vector<200x11x11xf32>
    %slice3A_787 = vector.extract_strided_slice %add3A_785 {offsets = [0, 0, 1], sizes = [200, 11, 11], strides = [1, 1, 1]} : vector<200x12x12xf32> to vector<200x11x11xf32>
    %max3A_788 = arith.maximumf %slice3A_786, %slice3A_787 : vector<200x11x11xf32>
    %slice3A_789 = vector.extract_strided_slice %add3A_785 {offsets = [0, 1, 0], sizes = [200, 11, 11], strides = [1, 1, 1]} : vector<200x12x12xf32> to vector<200x11x11xf32>
    %slice3A_790 = vector.extract_strided_slice %add3A_785 {offsets = [0, 1, 1], sizes = [200, 11, 11], strides = [1, 1, 1]} : vector<200x12x12xf32> to vector<200x11x11xf32>
    %max3A_791 = arith.maximumf %slice3A_789, %slice3A_790 : vector<200x11x11xf32>
    %max3A_792 = arith.maximumf %max3A_788, %max3A_791 : vector<200x11x11xf32>
    %max3A_793 = arith.constant 0.000000e+00 : f32
    %max3A_794 = vector.broadcast %max3A_793 : f32 to vector<200x11x11xf32>
    %max3A_795 = arith.maximumf %max3A_792, %max3A_794 : vector<200x11x11xf32>
    %stack3A = vector.shape_cast %max3A_130 : vector<200x11x11xf32> to vector<1x200x11x11xf32>
    %stack3A_796 = vector.shape_cast %max3A_263 : vector<200x11x11xf32> to vector<1x200x11x11xf32>
    %stack3A_797 = vector.shape_cast %max3A_396 : vector<200x11x11xf32> to vector<1x200x11x11xf32>
    %stack3A_798 = vector.shape_cast %max3A_529 : vector<200x11x11xf32> to vector<1x200x11x11xf32>
    %stack3A_799 = vector.shape_cast %max3A_662 : vector<200x11x11xf32> to vector<1x200x11x11xf32>
    %stack3A_800 = vector.shape_cast %max3A_795 : vector<200x11x11xf32> to vector<1x200x11x11xf32>
    %stack3A_801 = tpu.concatenate %stack3A, %stack3A_796, %stack3A_797, %stack3A_798, %stack3A_799, %stack3A_800 in 0 : vector<1x200x11x11xf32>, vector<1x200x11x11xf32>, vector<1x200x11x11xf32>, vector<1x200x11x11xf32>, vector<1x200x11x11xf32>, vector<1x200x11x11xf32> -> vector<6x200x11x11xf32>
    %swap3A = arith.constant 0 : index
    %swap3A_802 = arith.constant 0 : index
    %swap3A_803 = arith.constant 0 : index
    %swap3A_804 = arith.constant 0 : index
    %swap3A_805 = vector.load %arg3[%swap3A, %swap3A_802, %swap3A_803, %swap3A_804] : memref<6x200x11x11xf32, #tpu.memory_space<vmem>>, vector<6x200x11x11xf32>
    tpu.vector_store %arg3[%swap3A, %swap3A_802, %swap3A_803, %swap3A_804], %stack3A_801 {strides = array<i32>} : memref<6x200x11x11xf32, #tpu.memory_space<vmem>>, vector<6x200x11x11xf32>,
    return
  }
}

module attributes {stable_mosaic.version = 14 : i64} {
  func.func @_node_last_body(%arg0: memref<10000x32xf32, #tpu.memory_space<vmem>>, %arg1: memref<10000x32xf32, #tpu.memory_space<vmem>>, %arg2: memref<10000x32xf32, #tpu.memory_space<vmem>>, %arg3: memref<64x64xf32, #tpu.memory_space<vmem>>, %arg4: memref<1x64xf32, #tpu.memory_space<vmem>>, %arg5: memref<64x64xf32, #tpu.memory_space<vmem>>, %arg6: memref<1x64xf32, #tpu.memory_space<vmem>>, %arg7: memref<1x64xf32, #tpu.memory_space<vmem>>, %arg8: memref<1x64xf32, #tpu.memory_space<vmem>>, %arg9: memref<32x32xf32, #tpu.memory_space<vmem>>, %arg10: memref<1x32xf32, #tpu.memory_space<vmem>>, %arg11: memref<1x32xf32, #tpu.memory_space<vmem>>, %arg12: memref<1x32xf32, #tpu.memory_space<vmem>>, %arg13: memref<200x96xf32, #tpu.memory_space<vmem>>) attributes {dimension_semantics = [], scalar_prefetch = 0 : i64, scratch_operands = 0 : i64, tpu.core_type = #tpu.core_type<tc>} {
    %get3A = arith.constant 0 : index
    %get3A_0 = arith.constant 0 : index
    %get3A_1 = vector.load %arg0[%get3A, %get3A_0] : memref<10000x32xf32, #tpu.memory_space<vmem>>, vector<10000x32xf32>
    %get3A_2 = arith.constant 0 : index
    %get3A_3 = arith.constant 0 : index
    %get3A_4 = vector.load %arg1[%get3A_2, %get3A_3] : memref<10000x32xf32, #tpu.memory_space<vmem>>, vector<10000x32xf32>
    %concatenate3A = tpu.concatenate %get3A_1, %get3A_4 in 1 : vector<10000x32xf32>, vector<10000x32xf32> -> vector<10000x64xf32>
    %get3A_5 = arith.constant 0 : index
    %get3A_6 = arith.constant 0 : index
    %get3A_7 = vector.load %arg3[%get3A_5, %get3A_6] : memref<64x64xf32, #tpu.memory_space<vmem>>, vector<64x64xf32>
    %dot_general3A = arith.constant dense<0.000000e+00> : vector<10000x64xf32>
    %dot_general3A_8 = tpu.matmul %concatenate3A, %get3A_7, %dot_general3A {dimension_numbers = #tpu.dot_dimension_numbers<[1], [0], [0], [1], [0, 0, 1, 1], [], []>, transpose_lhs_hint = false} : vector<10000x64xf32>, vector<64x64xf32>, vector<10000x64xf32> -> vector<10000x64xf32>
    %get3A_9 = arith.constant 0 : index
    %get3A_10 = arith.constant 0 : index
    %get3A_11 = vector.load %arg4[%get3A_9, %get3A_10] : memref<1x64xf32, #tpu.memory_space<vmem>>, vector<1x64xf32>
    %add3A = vector.broadcast %get3A_11 : vector<1x64xf32> to vector<10000x64xf32>
    %add3A_12 = arith.addf %dot_general3A_8, %add3A : vector<10000x64xf32>
    %tanh3A = math.tanh %add3A_12 : vector<10000x64xf32>
    %get3A_13 = arith.constant 0 : index
    %get3A_14 = arith.constant 0 : index
    %get3A_15 = vector.load %arg5[%get3A_13, %get3A_14] : memref<64x64xf32, #tpu.memory_space<vmem>>, vector<64x64xf32>
    %dot_general3A_16 = arith.constant dense<0.000000e+00> : vector<10000x64xf32>
    %dot_general3A_17 = tpu.matmul %tanh3A, %get3A_15, %dot_general3A_16 {dimension_numbers = #tpu.dot_dimension_numbers<[1], [0], [0], [1], [0, 0, 1, 1], [], []>, transpose_lhs_hint = false} : vector<10000x64xf32>, vector<64x64xf32>, vector<10000x64xf32> -> vector<10000x64xf32>
    %get3A_18 = arith.constant 0 : index
    %get3A_19 = arith.constant 0 : index
    %get3A_20 = vector.load %arg6[%get3A_18, %get3A_19] : memref<1x64xf32, #tpu.memory_space<vmem>>, vector<1x64xf32>
    %add3A_21 = vector.broadcast %get3A_20 : vector<1x64xf32> to vector<10000x64xf32>
    %add3A_22 = arith.addf %dot_general3A_17, %add3A_21 : vector<10000x64xf32>
    %tanh3A_23 = math.tanh %add3A_22 : vector<10000x64xf32>
    %get3A_24 = arith.constant 0 : index
    %get3A_25 = arith.constant 0 : index
    %get3A_26 = vector.load %arg7[%get3A_24, %get3A_25] : memref<1x64xf32, #tpu.memory_space<vmem>>, vector<1x64xf32>
    %get3A_27 = arith.constant 0 : index
    %get3A_28 = arith.constant 0 : index
    %get3A_29 = vector.load %arg8[%get3A_27, %get3A_28] : memref<1x64xf32, #tpu.memory_space<vmem>>, vector<1x64xf32>
    %reduce_sum3A = arith.constant dense<0.000000e+00> : vector<64xf32>
    %reduce_sum3A_30 = vector.multi_reduction <add>, %tanh3A_23, %reduce_sum3A [0] : vector<10000x64xf32> to vector<64xf32>
    %broadcast_in_dim3A = vector.shape_cast %reduce_sum3A_30 : vector<64xf32> to vector<1x64xf32>
    %div3A = arith.constant 1.000000e+04 : f32
    %div3A_31 = vector.broadcast %div3A : f32 to vector<1x64xf32>
    %div3A_32 = arith.divf %broadcast_in_dim3A, %div3A_31 : vector<1x64xf32>
    %mul3A = arith.mulf %tanh3A_23, %tanh3A_23 : vector<10000x64xf32>
    %reduce_sum3A_33 = arith.constant dense<0.000000e+00> : vector<64xf32>
    %reduce_sum3A_34 = vector.multi_reduction <add>, %mul3A, %reduce_sum3A_33 [0] : vector<10000x64xf32> to vector<64xf32>
    %broadcast_in_dim3A_35 = vector.shape_cast %reduce_sum3A_34 : vector<64xf32> to vector<1x64xf32>
    %div3A_36 = arith.constant 1.000000e+04 : f32
    %div3A_37 = vector.broadcast %div3A_36 : f32 to vector<1x64xf32>
    %div3A_38 = arith.divf %broadcast_in_dim3A_35, %div3A_37 : vector<1x64xf32>
    %mul3A_39 = arith.mulf %div3A_32, %div3A_32 : vector<1x64xf32>
    %sub3A = arith.subf %div3A_38, %mul3A_39 : vector<1x64xf32>
    %sub3A_40 = vector.broadcast %div3A_32 : vector<1x64xf32> to vector<10000x64xf32>
    %sub3A_41 = arith.subf %tanh3A_23, %sub3A_40 : vector<10000x64xf32>
    %add3A_42 = arith.constant 9.99999974E-6 : f32
    %add3A_43 = vector.broadcast %add3A_42 : f32 to vector<1x64xf32>
    %add3A_44 = arith.addf %sub3A, %add3A_43 : vector<1x64xf32>
    %sqrt3A = math.sqrt %add3A_44 : vector<1x64xf32>
    %div3A_45 = arith.divf %get3A_26, %sqrt3A : vector<1x64xf32>
    %mul3A_46 = vector.broadcast %div3A_45 : vector<1x64xf32> to vector<10000x64xf32>
    %mul3A_47 = arith.mulf %sub3A_41, %mul3A_46 : vector<10000x64xf32>
    %add3A_48 = vector.broadcast %get3A_29 : vector<1x64xf32> to vector<10000x64xf32>
    %add3A_49 = arith.addf %mul3A_47, %add3A_48 : vector<10000x64xf32>
    %slice3A = vector.extract_strided_slice %add3A_49 {offsets = [0, 0], sizes = [10000, 32], strides = [1, 1]} : vector<10000x64xf32> to vector<10000x32xf32>
    %slice3A_50 = vector.extract_strided_slice %add3A_49 {offsets = [0, 32], sizes = [10000, 32], strides = [1, 1]} : vector<10000x64xf32> to vector<10000x32xf32>
    %mul3A_51 = arith.mulf %slice3A, %slice3A_50 : vector<10000x32xf32>
    %get3A_52 = arith.constant 0 : index
    %get3A_53 = arith.constant 0 : index
    %get3A_54 = vector.load %arg1[%get3A_52, %get3A_53] : memref<10000x32xf32, #tpu.memory_space<vmem>>, vector<10000x32xf32>
    %add3A_55 = arith.addf %mul3A_51, %get3A_54 : vector<10000x32xf32>
    %get3A_56 = arith.constant 0 : index
    %get3A_57 = arith.constant 0 : index
    %get3A_58 = vector.load %arg2[%get3A_56, %get3A_57] : memref<10000x32xf32, #tpu.memory_space<vmem>>, vector<10000x32xf32>
    %get3A_59 = arith.constant 0 : index
    %get3A_60 = arith.constant 0 : index
    %get3A_61 = vector.load %arg9[%get3A_59, %get3A_60] : memref<32x32xf32, #tpu.memory_space<vmem>>, vector<32x32xf32>
    %dot_general3A_62 = arith.constant dense<0.000000e+00> : vector<10000x32xf32>
    %dot_general3A_63 = tpu.matmul %get3A_58, %get3A_61, %dot_general3A_62 {dimension_numbers = #tpu.dot_dimension_numbers<[1], [0], [0], [1], [0, 0, 1, 1], [], []>, transpose_lhs_hint = false} : vector<10000x32xf32>, vector<32x32xf32>, vector<10000x32xf32> -> vector<10000x32xf32>
    %get3A_64 = arith.constant 0 : index
    %get3A_65 = arith.constant 0 : index
    %get3A_66 = vector.load %arg10[%get3A_64, %get3A_65] : memref<1x32xf32, #tpu.memory_space<vmem>>, vector<1x32xf32>
    %add3A_67 = vector.broadcast %get3A_66 : vector<1x32xf32> to vector<10000x32xf32>
    %add3A_68 = arith.addf %dot_general3A_63, %add3A_67 : vector<10000x32xf32>
    %get3A_69 = arith.constant 0 : index
    %get3A_70 = arith.constant 0 : index
    %get3A_71 = vector.load %arg11[%get3A_69, %get3A_70] : memref<1x32xf32, #tpu.memory_space<vmem>>, vector<1x32xf32>
    %get3A_72 = arith.constant 0 : index
    %get3A_73 = arith.constant 0 : index
    %get3A_74 = vector.load %arg12[%get3A_72, %get3A_73] : memref<1x32xf32, #tpu.memory_space<vmem>>, vector<1x32xf32>
    %reduce_sum3A_75 = arith.constant dense<0.000000e+00> : vector<32xf32>
    %reduce_sum3A_76 = vector.multi_reduction <add>, %add3A_68, %reduce_sum3A_75 [0] : vector<10000x32xf32> to vector<32xf32>
    %broadcast_in_dim3A_77 = vector.shape_cast %reduce_sum3A_76 : vector<32xf32> to vector<1x32xf32>
    %div3A_78 = arith.constant 1.000000e+04 : f32
    %div3A_79 = vector.broadcast %div3A_78 : f32 to vector<1x32xf32>
    %div3A_80 = arith.divf %broadcast_in_dim3A_77, %div3A_79 : vector<1x32xf32>
    %mul3A_81 = arith.mulf %add3A_68, %add3A_68 : vector<10000x32xf32>
    %reduce_sum3A_82 = arith.constant dense<0.000000e+00> : vector<32xf32>
    %reduce_sum3A_83 = vector.multi_reduction <add>, %mul3A_81, %reduce_sum3A_82 [0] : vector<10000x32xf32> to vector<32xf32>
    %broadcast_in_dim3A_84 = vector.shape_cast %reduce_sum3A_83 : vector<32xf32> to vector<1x32xf32>
    %div3A_85 = arith.constant 1.000000e+04 : f32
    %div3A_86 = vector.broadcast %div3A_85 : f32 to vector<1x32xf32>
    %div3A_87 = arith.divf %broadcast_in_dim3A_84, %div3A_86 : vector<1x32xf32>
    %mul3A_88 = arith.mulf %div3A_80, %div3A_80 : vector<1x32xf32>
    %sub3A_89 = arith.subf %div3A_87, %mul3A_88 : vector<1x32xf32>
    %sub3A_90 = vector.broadcast %div3A_80 : vector<1x32xf32> to vector<10000x32xf32>
    %sub3A_91 = arith.subf %add3A_68, %sub3A_90 : vector<10000x32xf32>
    %add3A_92 = arith.constant 9.99999974E-6 : f32
    %add3A_93 = vector.broadcast %add3A_92 : f32 to vector<1x32xf32>
    %add3A_94 = arith.addf %sub3A_89, %add3A_93 : vector<1x32xf32>
    %sqrt3A_95 = math.sqrt %add3A_94 : vector<1x32xf32>
    %div3A_96 = arith.divf %get3A_71, %sqrt3A_95 : vector<1x32xf32>
    %mul3A_97 = vector.broadcast %div3A_96 : vector<1x32xf32> to vector<10000x32xf32>
    %mul3A_98 = arith.mulf %sub3A_91, %mul3A_97 : vector<10000x32xf32>
    %add3A_99 = vector.broadcast %get3A_74 : vector<1x32xf32> to vector<10000x32xf32>
    %add3A_100 = arith.addf %mul3A_98, %add3A_99 : vector<10000x32xf32>
    %get3A_101 = arith.constant 0 : index
    %get3A_102 = arith.constant 0 : index
    %get3A_103 = vector.load %arg2[%get3A_101, %get3A_102] : memref<10000x32xf32, #tpu.memory_space<vmem>>, vector<10000x32xf32>
    %add3A_104 = arith.addf %add3A_100, %get3A_103 : vector<10000x32xf32>
    %mul3A_105 = arith.constant 1.600000e+01 : f32
    %mul3A_106 = vector.broadcast %mul3A_105 : f32 to vector<10000x32xf32>
    %mul3A_107 = arith.mulf %get3A_1, %mul3A_106 : vector<10000x32xf32>
    %concatenate3A_108 = tpu.concatenate %mul3A_107, %add3A_55, %add3A_104 in 1 : vector<10000x32xf32>, vector<10000x32xf32>, vector<10000x32xf32> -> vector<10000x96xf32>
    %reshape3A = vector.shape_cast %concatenate3A_108 : vector<10000x96xf32> to vector<200x50x96xf32>
    %reduce_sum3A_109 = arith.constant dense<0.000000e+00> : vector<200x96xf32>
    %reduce_sum3A_110 = vector.multi_reduction <add>, %reshape3A, %reduce_sum3A_109 [1] : vector<200x50x96xf32> to vector<200x96xf32>
    %div3A_111 = arith.constant 5.000000e+01 : f32
    %div3A_112 = vector.broadcast %div3A_111 : f32 to vector<200x96xf32>
    %div3A_113 = arith.divf %reduce_sum3A_110, %div3A_112 : vector<200x96xf32>
    %swap3A = arith.constant 0 : index
    %swap3A_114 = arith.constant 0 : index
    %swap3A_115 = vector.load %arg13[%swap3A, %swap3A_114] : memref<200x96xf32, #tpu.memory_space<vmem>>, vector<200x96xf32>
    tpu.vector_store %arg13[%swap3A, %swap3A_114], %div3A_113 {strides = array<i32>} : memref<200x96xf32, #tpu.memory_space<vmem>>, vector<200x96xf32>,
    return
  }
}

module attributes {stable_mosaic.version = 14 : i64} {
  func.func @_head_body(%arg0: memref<200x96xf32, #tpu.memory_space<vmem>>, %arg1: memref<200x216xf32, #tpu.memory_space<vmem>>, %arg2: memref<216x12xf32, #tpu.memory_space<vmem>>, %arg3: memref<1x12xf32, #tpu.memory_space<vmem>>, %arg4: memref<108x128xf32, #tpu.memory_space<vmem>>, %arg5: memref<1x128xf32, #tpu.memory_space<vmem>>, %arg6: memref<128x1xf32, #tpu.memory_space<vmem>>, %arg7: memref<1x1xf32, #tpu.memory_space<vmem>>, %arg8: memref<200x1xf32, #tpu.memory_space<vmem>>) attributes {dimension_semantics = [], scalar_prefetch = 0 : i64, scratch_operands = 0 : i64, tpu.core_type = #tpu.core_type<tc>} {
    %get3A = arith.constant 0 : index
    %get3A_0 = arith.constant 0 : index
    %get3A_1 = vector.load %arg1[%get3A, %get3A_0] : memref<200x216xf32, #tpu.memory_space<vmem>>, vector<200x216xf32>
    %get3A_2 = arith.constant 0 : index
    %get3A_3 = arith.constant 0 : index
    %get3A_4 = vector.load %arg2[%get3A_2, %get3A_3] : memref<216x12xf32, #tpu.memory_space<vmem>>, vector<216x12xf32>
    %dot_general3A = arith.constant dense<0.000000e+00> : vector<200x12xf32>
    %dot_general3A_5 = tpu.matmul %get3A_1, %get3A_4, %dot_general3A {dimension_numbers = #tpu.dot_dimension_numbers<[1], [0], [0], [1], [0, 0, 1, 1], [], []>, transpose_lhs_hint = false} : vector<200x216xf32>, vector<216x12xf32>, vector<200x12xf32> -> vector<200x12xf32>
    %get3A_6 = arith.constant 0 : index
    %get3A_7 = arith.constant 0 : index
    %get3A_8 = vector.load %arg3[%get3A_6, %get3A_7] : memref<1x12xf32, #tpu.memory_space<vmem>>, vector<1x12xf32>
    %add3A = vector.broadcast %get3A_8 : vector<1x12xf32> to vector<200x12xf32>
    %add3A_9 = arith.addf %dot_general3A_5, %add3A : vector<200x12xf32>
    %tanh3A = math.tanh %add3A_9 : vector<200x12xf32>
    %get3A_10 = arith.constant 0 : index
    %get3A_11 = arith.constant 0 : index
    %get3A_12 = vector.load %arg0[%get3A_10, %get3A_11] : memref<200x96xf32, #tpu.memory_space<vmem>>, vector<200x96xf32>
    %concatenate3A = tpu.concatenate %get3A_12, %tanh3A in 1 : vector<200x96xf32>, vector<200x12xf32> -> vector<200x108xf32>
    %get3A_13 = arith.constant 0 : index
    %get3A_14 = arith.constant 0 : index
    %get3A_15 = vector.load %arg4[%get3A_13, %get3A_14] : memref<108x128xf32, #tpu.memory_space<vmem>>, vector<108x128xf32>
    %dot_general3A_16 = arith.constant dense<0.000000e+00> : vector<200x128xf32>
    %dot_general3A_17 = tpu.matmul %concatenate3A, %get3A_15, %dot_general3A_16 {dimension_numbers = #tpu.dot_dimension_numbers<[1], [0], [0], [1], [0, 0, 1, 1], [], []>, transpose_lhs_hint = false} : vector<200x108xf32>, vector<108x128xf32>, vector<200x128xf32> -> vector<200x128xf32>
    %get3A_18 = arith.constant 0 : index
    %get3A_19 = arith.constant 0 : index
    %get3A_20 = vector.load %arg5[%get3A_18, %get3A_19] : memref<1x128xf32, #tpu.memory_space<vmem>>, vector<1x128xf32>
    %add3A_21 = vector.broadcast %get3A_20 : vector<1x128xf32> to vector<200x128xf32>
    %add3A_22 = arith.addf %dot_general3A_17, %add3A_21 : vector<200x128xf32>
    %tanh3A_23 = math.tanh %add3A_22 : vector<200x128xf32>
    %get3A_24 = arith.constant 0 : index
    %get3A_25 = arith.constant 0 : index
    %get3A_26 = vector.load %arg6[%get3A_24, %get3A_25] : memref<128x1xf32, #tpu.memory_space<vmem>>, vector<128x1xf32>
    %dot_general3A_27 = arith.constant dense<0.000000e+00> : vector<200x1xf32>
    %dot_general3A_28 = tpu.matmul %tanh3A_23, %get3A_26, %dot_general3A_27 {dimension_numbers = #tpu.dot_dimension_numbers<[1], [0], [0], [1], [0, 0, 1, 1], [], []>, transpose_lhs_hint = false} : vector<200x128xf32>, vector<128x1xf32>, vector<200x1xf32> -> vector<200x1xf32>
    %get3A_29 = arith.constant 0 : index
    %get3A_30 = arith.constant 0 : index
    %get3A_31 = vector.load %arg7[%get3A_29, %get3A_30] : memref<1x1xf32, #tpu.memory_space<vmem>>, vector<1x1xf32>
    %add3A_32 = vector.broadcast %get3A_31 : vector<1x1xf32> to vector<200x1xf32>
    %add3A_33 = arith.addf %dot_general3A_28, %add3A_32 : vector<200x1xf32>
    %swap3A = arith.constant 0 : index
    %swap3A_34 = arith.constant 0 : index
    %swap3A_35 = vector.load %arg8[%swap3A, %swap3A_34] : memref<200x1xf32, #tpu.memory_space<vmem>>, vector<200x1xf32>
    tpu.vector_store %arg8[%swap3A, %swap3A_34], %add3A_33 {strides = array<i32>} : memref<200x1xf32, #tpu.memory_space<vmem>>, vector<200x1xf32>,
    return
  }
}

</mosaic_0001>

<sc_bundles>
// kernel: gather_offload_async_start
scs
__scs_entry_jumppad:
0x0: {  	(pc) =	sbr.rel $0x88, $3  }
0x1: {  	(tag) =	ssettag $0x0;
	lr =	simm.s32 $0x1  }
0x2: {  	[smem:$0x3F5C] =	sst lr;
	_ =	strace $0xD0000000  }
0x3: {  	_ = 	snop  }
0x4: {  	_ = 	snop  }
0x5: {  	_ = 	snop  }
0x6: {  	_ = 	snop  }
0x7: {  	_ = 	snop  }
__scs_overlays_trampoline_lowered:
0x8: {  	[smem:$0x3F6B] =	sst s0  }
0x9: {  	[smem:$0x3F6C] =	sst s1  }
0xa: {  	[smem:$0x3F6D] =	sst s2  }
0xb: {  	[smem:$0x3F6E] =	sst s3  }
0xc: {  	[smem:$0x3F6F] =	sst s4  }
0xd: {  	[smem:$0x3F70] =	sst s5  }
0xe: {  	[smem:$0x3F71] =	sst s6  }
0xf: {  	[smem:$0x3F72] =	sst s7  }
0x10: {  	[smem:$0x3F73] =	sst s8  }
0x11: {  	[smem:$0x3F74] =	sst s9;
	s0 =	simm.s32 @!p0 $0x0  }
0x12: {  	s1 =	sld [smem:$0x3F5A];
	s0 =	simm.s32 @p0 $0x1  }
0x13: {  	[smem:$0x3F75] =	sst s0;
	s0 =	simm.s32 @!p1 $0x0  }
0x14: {  	s2 =	sld [smem:$0x3F59];
	s0 =	simm.s32 @p1 $0x1  }
0x15: {  	[smem:$0x3F76] =	sst s0;
	s0 =	simm.s32 @!p2 $0x0  }
0x16: {  	s3 =	sld [smem:$0x3FDB];
	s0 =	simm.s32 @p2 $0x1  }
0x17: {  	s4 =	simm.s32 $0x1BF5;
	[smem:$0x3F78] =	sst s0  }
0x18: {  	s0 =	sld [smem:$0x3F5B];
	_ =	swait.ge [sflag:s4], $0x0  }
0x19: {  	s7 =	sld [smem:$0x3F5C]  }
0x1a: {  	s8 =	sadd.s32 $0xFFFFE003, lr  }
0x1b: {  	s9 =	sadd.s32 $0xFFFFFEF7, lr;
	s5 =	simm.s32 $0xFFFFFFFF;
	p2 =	slt.u32 s8, $0xFFFFF086  }
0x1c: {  	p1 =	slt.u32 s9, $0xF7A;
	s5 =	simm.s32 @!p2 $0x0  }
0x1d: {  	s5 =	simm.s32 @p1 $0x1;
	p0 =	seq.s32 s7, s2  }
0x1e: {  	s7 =	smul.u32 @!p0 $0xF7A, s2;
	p2 =	seq.s32 @!p0 s5, $0x0  }
0x1f: {  	s9 =	smul.u32 $0xF7A, s1;
	s8 =	simm.s32 @!p0 $0x1BF5;
	p2 =	por !p2, p0  }
0x20: {  	[sflag:s8] =	ssyncset.s32 @!p0 $0xFFFFF086;
	s6 =	sadd.s32 @!p0 s3, s7;
	s7 =	simm.s32 @!p0 $0x108  }
0x21: {  	s3 =	sadd.s32 s3, s9;
	s6 =	sadd.s32 @!p0 $0x88, s6;
	s7 =	simm.s32 @p2 $0x1082  }
0x22: {  	[simem:s7], [sflag:s8] =	dma.local @!p0 [hbm:s6], $0xF7A  }
0x23: {  	s9 =	sor.u32 $0xD0000000, s2;
	s6 =	simm.s32 $0x108;
	_ =	swait.ge @!p0 [sflag:s8], $0x0  }
0x24: {  	s3 =	sadd.s32 $0x88, s3;
	s6 =	simm.s32 @!p1 $0x1082;
	[sflag:s4] =	ssyncset.s32 $0xFFFFF086  }
0x25: {  	[simem:s6], [sflag:s4] =	dma.local [hbm:s3], $0xF7A  }
0x26: {  	[smem:$0x3F5C] =	sst s1;
	(tag) =	ssettag s2;
	_ =	strace s9  }
0x27: {  	s1 =	sld [smem:$0x3F6C]  }
0x28: {  	s2 =	sld [smem:$0x3F6D]  }
0x29: {  	s4 =	sld [smem:$0x3F6F]  }
0x2a: {  	p0 =	seq.s32 s5, $0x0;
	s5 =	sld [smem:$0x3F70]  }
0x2b: {  	s6 =	sld [smem:$0x3F71]  }
0x2c: {  	s7 =	sld [smem:$0x3F72]  }
0x2d: {  	s3 =	simm.s32 $0x108;
	s8 =	sld [smem:$0x3F73]  }
0x2e: {  	s3 =	simm.s32 @!p0 $0x1082;
	s9 =	sld [smem:$0x3F74]  }
0x2f: {  	lr =	sadd.s32 s0, s3;
	s0 =	sld [smem:$0x3F6B]  }
0x30: {  	s3 =	sld [smem:$0x3F6E]  }
0x31: {  	[smem:$0x3F77] =	sst s10  }
0x32: {  	s10 =	sld [smem:$0x3F75];
	_ =	sdelay $0x3  }
0x33: {  	p0 =	seq.s32 s10, $0x1;
	s10 =	sld [smem:$0x3F77];
	_ =	sdelay $0x3  }
0x34: {  	[smem:$0x3F77] =	sst s10  }
0x35: {  	s10 =	sld [smem:$0x3F76];
	_ =	sdelay $0x3  }
0x36: {  	p1 =	seq.s32 s10, $0x1;
	s10 =	sld [smem:$0x3F77];
	_ =	sdelay $0x3  }
0x37: {  	[smem:$0x3F77] =	sst s10  }
0x38: {  	s10 =	sld [smem:$0x3F78]  }
0x39: {  	_ = 	snop;
	(pc) =	sbr.ind lr, $3  }
0x3a: {  	_ = 	snop  }
0x3b: {  	_ = 	snop  }
0x3c: {  	p2 =	seq.s32 s10, $0x1;
	s10 =	sld [smem:$0x3F77]  }
0x3d: {  	_ =	shalt  }
0x3e: {  	_ =	shalt  }
0x3f: {  	_ =	shalt  }
0x40: {  	_ =	shalt  }
0x41: {  	_ =	shalt  }
0x42: {  	_ =	shalt  }
0x43: {  	_ =	shalt  }
0x44: {  	_ =	shalt  }
0x45: {  	_ =	shalt  }
0x46: {  	_ =	shalt  }
0x47: {  	_ =	shalt  }
0x48: {  	_ =	shalt  }
0x49: {  	_ =	shalt  }
0x4a: {  	_ =	shalt  }
0x4b: {  	_ =	shalt  }
0x4c: {  	_ =	shalt  }
0x4d: {  	_ =	shalt  }
0x4e: {  	_ =	shalt  }
0x4f: {  	_ =	shalt  }
0x50: {  	_ =	shalt  }
0x51: {  	_ =	shalt  }
0x52: {  	_ =	shalt  }
0x53: {  	_ =	shalt  }
0x54: {  	_ =	shalt  }
0x55: {  	_ =	shalt  }
0x56: {  	_ =	shalt  }
0x57: {  	_ =	shalt  }
0x58: {  	_ =	shalt  }
0x59: {  	_ =	shalt  }
0x5a: {  	_ =	shalt  }
0x5b: {  	_ =	shalt  }
0x5c: {  	_ =	shalt  }
0x5d: {  	_ =	shalt  }
0x5e: {  	_ =	shalt  }
0x5f: {  	_ =	shalt  }
0x60: {  	_ =	shalt  }
0x61: {  	_ =	shalt  }
0x62: {  	_ =	shalt  }
0x63: {  	_ =	shalt  }
0x64: {  	_ =	shalt  }
0x65: {  	_ =	shalt  }
0x66: {  	_ =	shalt  }
0x67: {  	_ =	shalt  }
0x68: {  	_ =	shalt  }
0x69: {  	_ =	shalt  }
0x6a: {  	_ =	shalt  }
0x6b: {  	_ =	shalt  }
0x6c: {  	_ =	shalt  }
0x6d: {  	_ =	shalt  }
0x6e: {  	_ =	shalt  }
0x6f: {  	_ =	shalt  }
0x70: {  	_ =	shalt  }
0x71: {  	_ =	shalt  }
0x72: {  	_ =	shalt  }
0x73: {  	_ =	shalt  }
0x74: {  	_ =	shalt  }
0x75: {  	_ =	shalt  }
0x76: {  	_ =	shalt  }
0x77: {  	_ =	shalt  }
0x78: {  	_ =	shalt  }
0x79: {  	_ =	shalt  }
0x7a: {  	_ =	shalt  }
0x7b: {  	_ =	shalt  }
0x7c: {  	_ =	shalt  }
0x7d: {  	_ =	shalt  }
0x7e: {  	_ =	shalt  }
0x7f: {  	_ =	shalt  }
0x80: {  	_ =	shalt  }
0x81: {  	_ =	shalt  }
0x82: {  	_ =	shalt  }
0x83: {  	_ =	shalt  }
0x84: {  	_ =	shalt  }
0x85: {  	_ =	shalt  }
0x86: {  	_ =	shalt  }
0x87: {  	_ =	shalt  }
.Lfunc_end0:
.L_simem_size_0:
called_computation_lowered:
.L_overlay_start_0:
0x88: {  	s2 =	sld [smem:$0x3FD9]  }
0x89: {  	s3 =	sld [smem:$0x3FFE];
	_ =	sdelay $0x1  }
0x8a: {  	s1 =	srdreg.scid  }
0x8b: {  	s0 =	sand.u32 $0x1, s1  }
0x8c: {  	s16 =	sshll.u32 s0, $0xA;
	s2 =	sadd.s32 s3, s2  }
0x8d: {  	s2 =	sadd.s32 s2, s16  }
0x8e: {  	[smem:$0x3F83] =	sst s2  }
0x8f: {  	_ = 	snop  }
0x90: {  	(tm) =	ssettm $0x1  }
0x91: {  	s17 =	sld [smem:$0x3FFB];
	_ =	sdelay $0x3  }
0x92: {  	_ =	strace s17  }
0x93: {  	s2 =	sld [smem:$0x3FFC];
	_ =	sdelay $0x3  }
0x94: {  	_ =	strace s2  }
0x95: {  	s2 =	sld [smem:$0x3FFD];
	_ =	sdelay $0x3  }
0x96: {  	_ =	strace s2  }
0x97: {  	_ =	strace $0x8FFFFFFF  }
0x98: {  	s18 =	sld [smem:$0x3FDB];
	_ =	sdelay $0x1  }
0x99: {  	s19 =	simm.s32 $_scs_section_size  }
0x9a: {  	s4 =	simm.s32 $_size__tile_overlayer_lowered;
	s5 =	simm.s32 $_tile_overlayer_lowered  }
0x9b: {  	s22 =	simm.s32 $0x1BFF;
	s21 =	sshll.u32 s5, $0x1;
	s2 =	sadd.s32 s19, s18  }
0x9c: {  	s6 =	simm.s32 $0x0;
	s20 =	sshll.u32 s4, $0x1;
	s4 =	sadd.s32 s21, s2  }
0x9d: {  	[timem:s6], [sflag:s22] =	dma.local [hbm:s4], s20  }
0x9e: {  	_ =	swait.ge [sflag:s22], s20  }
0x9f: {  	s3 =	ssub.s32 $0x0, s20;
	[sflag:s22] =	ssyncset.done $0x0  }
0xa0: {  	[sflag:s22] =	ssyncadd.s32 s3;
	_ =	sdelay $0x1  }
0xa1: {  	s23 =	simm.s32 $0x1B8B  }
0xa2: {  	_ =	swait.ge [sflag:s23], $0x1  }
0xa3: {  	[sflag:s23] =	ssyncset.done $0x0  }
0xa4: {  	s25 =	simm.s32 $0x1B8E;
	s24 =	sld [smem:$0x3FFE];
	[sflag:s23] =	ssyncadd.s32 $0xFFFFFFFF  }
0xa5: {  	s26 =	simm.s32 $execute0_lowered;
	[smem:$0x3FD2] =	sst s25  }
0xa6: {  	s4 =	sshll.u32 s26, $0x1;
	_ =	strace $0x80000046;
	[dreg:$0x1] =	wrdreg $0xFFFFFFFF  }
0xa7: {  	s28 =	simm.s32 $_size_execute0_lowered;
	s2 =	sadd.s32 s2, s4;
	[dreg:$0x0] =	wrdreg $0x0  }
0xa8: {  	s4 =	sshll.u32 s28, $0x1;
	[dreg:$0x2] =	wrdreg s2  }
0xa9: {  	[dreg:$0x3] =	wrdreg s4  }
0xaa: {  	[dreg:$0x4] =	wrdreg $0xC0  }
0xab: {  	_ =	task [dreg:s6], $0x5FFFF  }
0xac: {  	[dreg:$0x1] =	wrdreg $0xFFFFFFFF  }
0xad: {  	[dreg:$0x0] =	wrdreg $0x60  }
0xae: {  	[dreg:$0x2] =	wrdreg s24  }
0xaf: {  	[dreg:$0x3] =	wrdreg $0x9  }
0xb0: {  	_ =	task.clear_ibuf [dreg:s6], $0x4FFFF;
	_ =	strace $0x90000046  }
0xb1: {  	s29 =	simm.s32 $0x9;
	_ =	strace $0x80000048  }
0xb2: {  	_ =	swait.ge [sflag:s29], $0x1  }
0xb3: {  	[sflag:s29] =	ssyncadd.s32 $0xFFFFFFFF  }
0xb4: {  	_ =	strace $0x90000048  }
0xb5: {  	_ =	sfence  }
0xb6: {  	s30 =	sld [smem:$0x0];
	_ =	sdelay $0x2  }
0xb7: {  	s31 =	sshll.u32 s1, $0xD;
	s1 =	sshrl.u32 s1, $0x2  }
0xb8: {  	s3 =	sand.u32 $0x4000, s31;
	s1 =	sadd.s32 s1, s30  }
0xb9: {  	s0 =	sor.u32 s3, s0;
	s1 =	sshll.u32 s1, $0x11  }
0xba: {  	s0 =	sor.u32 s1, s0  }
0xbb: {  	s0 =	sadd.s32 $0x8F2B, s0  }
0xbc: {  	[sflag:s0] =	ssyncadd.remote.s32 $0x1  }
0xbd: {  	_ =	sfence.sel $0xFFFF  }
0xbe: {  	[dreg:$0x0] =	wrdreg $0xFFFFFFFF;
	(pc) =	sbr.abs _section_cstart, $3  }
0xbf: {  	[dreg:$0x1] =	wrdreg $0xFFFFFFFF  }
0xc0: {  	_ =	task.clear_ibuf [dreg:s6], $0x2FFFF;
	_ =	strace $0x9FFFFFFF  }
0xc1: {  	(tm) =	ssettm $0x7FFFFFFF  }
tec
execute0_lowered:
.L_overlay_start_1:
0x0: {  	(tag) =	ssettag $0x1  }
0x1: {  	s0 =	srdreg.scid;
	s5 =	rddreg [dreg:$0x0]  }
0x2: {  	s1 =	stileid.u32;
	s6 =	simm.s32 $0x1;
	s9 =	simm.s32 $0x1  }
0x3: {  	s10 =	simm.s32 $0x3;
	s13 =	simm.s32 $0x0;
	s2 =	sshll.u32 s0, $0xC  }
0x4: {  	s12 =	simm.s32 $0x0;
	s3 =	sshll.u32 s1, $0xD;
	s2 =	sand.u32 $0x1000, s2  }
0x5: {  	s0 =	rddreg [dreg:$0x1];
	_ =	strace $0x80000047;
	s2 =	sor.u32 s3, s2  }
0x6: {  	s4 =	sadd.s32 $0x5F800, s5;
	[sflag:s6] =	ssyncpa.u1 $0x0;
	s8 =	ssub.s32 $0x28000, s2  }
.Ltmp0:
0x7: {  	s3 =	sadd.s32 $0x5A800, s5;
	s7 =	sand.u32 $0x1F000, s8;
	(pc) =	sbr.rel .LBB2_1-.Ltmp0, $4  }
0x8: {  	s5 =	sadd.s32 $0xB2C00, s5;
	s11 =	smov.u32 s2;
	p0 =	sne.s32 s7, $0x0  }
0x9: {  	s8 =	sshrl.u32 s8, $0x11;
	s7 =	simm.s32 $0x2;
	s9 =	simm.s32 @!p0 $0x0  }
0xa: {  	[sflag:s7] =	ssyncpa.u1 $0x0;
	p0 =	por $0x0, $0x0;
	s8 =	sadd.s32 s9, s8  }
0xb: {  	vm0 =	vmmov $0xffff;
	[sflag:s10] =	ssyncpa.u1 $0x0;
	s10 =	simm.s32 $0x0;
	s9 =	sadd.s32 $0x1, s8  }
.LBB2_4:
0xc: {  	v2 =	vnsel vm1, $0x0, v2  }
0xd: {  	vm1 =	vgt.s32 v0, $0x0;
	v2 =	vmin.u32 v2, $0x270FF  }
0xe: {  	v0 =	vnsel vm1, $0x0, v0  }
0xf: {  	v0 =	vmin.u32 v0, $0x270FF  }
0x10: {  	[tilespmem:s15], [sflag:$0x1] =	stream.indirect_vreg.gather [hbm4b:s3+s10], $0x1, v1, vm0, $0x4038;
	[tilespmem:$0x4000] =	vst v63  }
0x11: {  	(ifvalue) =	ssetifvalue $0x7FFFFFFF  }
0x12: {  	[tilespmem:s16], [sflag:$0x1] =	stream.indirect_vreg.gather [hbm4b:s3+s10], $0x1, v2, vm0, $0x4038;
	[tilespmem:$0x4000] =	vst v63  }
0x13: {  	s29 =	sadd.s32 $0x10, s16;
	(ifvalue) =	ssetifvalue $0x7FFFFFFF  }
0x14: {  	[tilespmem:s29], [sflag:$0x1] =	stream.indirect_vreg.gather [hbm4b:s3+s10], $0x1, v0, vm0, $0x4038;
	[tilespmem:$0x4000] =	vst v63  }
0x15: {  	_ =	swait.ge [sflag:s6], $0x1000  }
0x16: {  	s30 =	sshrl.u32 s13, $0x3;
	[sflag:s6] =	ssyncset.done $0x0  }
0x17: {  	s31 =	sand.u32 $0x7, s13;
	s15 =	sadd.s32 s5, s30;
	[sflag:s6] =	ssyncadd.s32 $0xFFFFF000  }
0x18: {  	[hbm4b:s15+s31] =	stream.linear.scatter [tilespmem:s14], [sflag:$0x3], $0x1000, $0x38;
	[tilespmem:$0x4000] =	vst v63  }
.LBB2_5:
0x19: {  	s15 =	sadd.s32 $0x20000, s11  }
0x1a: {  	p2 =	sgt.s32 s15, $0x27FFF  }
0x1b: {  	s15 =	smov.u32 @p2 s2;
	p2 =	sne.s32 s12, s9  }
.Ltmp1:
0x1c: {  	p1 =	slt.u32 s12, $0x2;
	(pc) =	sbr.rel @!p2 .LBB2_6-.Ltmp1, $4  }
0x1d: {  	s14 =	simm.s32 @!p1 $0x3  }
0x1e: {  	s16 =	sadd.s32 $0x1, s12;
	_ =	swait.ge @!p1 [sflag:s14], $0x1000  }
0x1f: {  	s13 =	smov.u32 s11;
	p0 =	por !p0, !p0;
	[sflag:s14] =	ssyncset.done @!p1 $0x0  }
0x20: {  	s12 =	smov.u32 s16;
	s11 =	smov.u32 s15;
	[sflag:s14] =	ssyncadd.s32 @!p1 $0xFFFFF000  }
.LBB2_1:
0x21: {  	p1 =	sge.u32 s12, s8  }
0x22: {  	s14 =	sxor.u32 @!p1 $0xFFFFFFFF, s12  }
0x23: {  	s31 =	sadd.s32 $0xFFFFFFFF, s12;
	s15 =	sshrl.u32 @!p1 s11, $0x3;
	s14 =	sshll.u32 @!p1 s14, $0xC  }
0x24: {  	s16 =	sand.u32 @!p1 $0x7, s11;
	s15 =	sadd.s32 @!p1 s4, s15;
	s14 =	sand.u32 @!p1 $0x1000, s14  }
0x25: {  	[tilespmem:s14], [sflag:$0x2] =	stream.linear.gather @!p1 [hbm4b:s15+s16], $0x1000, $0x38;
	[tilespmem:$0x4000] =	vst v63  }
0x26: {  	p1 =	sge.u32 s31, s8  }
.Ltmp2:
0x27: {  	_ = 	snop;
	(pc) =	sbr.rel @p1 .LBB2_5-.Ltmp2, $1  }
0x28: {  	_ =	sdelay $0x3  }
0x29: {  	s14 =	simm.s32 $0x1  }
0x2a: {  	_ =	swait.ge [sflag:s7], $0x1000;
	s14 =	simm.s32 @!p0 $0x0  }
0x2b: {  	[sflag:s7] =	ssyncset.done $0x0;
	s14 =	sshll.u32 s14, $0xC  }
0x2c: {  	[sflag:s7] =	ssyncadd.s32 $0xFFFFF000;
	(ifvalue) =	ssetifvalue $0x7FFFFFFF;
	v0 =	vld.msk [tilespmem:s14+$0x0 ss:$0x1], $0xffff;
	_ =	sdelay $0x4  }
0x2d: {  	s15 =	sadd.s32 $0x10, s14;
	vm1 =	vgt.s32 v0, $0x0  }
0x2e: {  	v2 =	vld.msk [tilespmem:s15+$0x0 ss:$0x1], $0xffff;
	v1 =	vnsel vm1, $0x0, v0  }
0x2f: {  	v1 =	vmin.u32 v1, $0x270FF;
	_ =	sdelay $0x1  }
0x30: {  	s16 =	sshll.u32 s12, $0xC;
	s18 =	simm.s32 $0x20  }
0x31: {  	s16 =	sand.u32 $0x1000, s16;
	s17 =	sadd.s32 $0x10, s15;
	s15 =	sor.u32 $0x2000, s14  }
0x32: {  	s14 =	sor.u32 $0x2000, s16;
	s16 =	sadd.s32 $0x10, s15;
	v0 =	vld.msk [tilespmem:s17+$0x0 ss:$0x1], $0xffff;
	vm1 =	vgt.s32 v2, $0x0;
	(ifvalue) =	ssetifvalue $0x7FFFFFFF  }
.LBB2_3:
0x33: {  	[tilespmem:s15], [sflag:$0x1] =	stream.indirect_vreg.gather [hbm4b:s3+s10], $0x1, v1, vm0, $0x4038;
	[tilespmem:$0x4000] =	vst v63  }
0x34: {  	s18 =	sadd.s32 $0x10, s18  }
0x35: {  	v2 =	vnsel vm1, $0x0, v2;
	p1 =	slt.u32 s18, $0xFF0  }
.Ltmp3:
0x36: {  	s15 =	smov.u32 s16;
	v1 =	vmin.u32 v2, $0x270FF;
	(pc) =	sbr.rel @p1 .LBB2_3-.Ltmp3, $3  }
0x37: {  	_ =	sdelay $0x1  }
0x38: {  	s17 =	sadd.s32 $0x10, s17  }
0x39: {  	vm1 =	vgt.s32 v0, $0x0;
	s16 =	sadd.s32 $0x10, s16;
	v2 =	vmov v0;
	(ifvalue) =	ssetifvalue $0x7FFFFFFF;
	v0 =	vld.msk [tilespmem:s17+$0x0 ss:$0x1], $0xffff  }
.Ltmp4:
0x3a: {  	_ = 	snop;
	(pc) =	sbr.rel .LBB2_4-.Ltmp4, $1  }
0x3b: {  	_ =	sdelay $0x3  }
.LBB2_6:
0x3c: {  	_ =	sfence.sel $0x180000  }
0x3d: {  	s2 =	simm.s32 $0x2;
	[bflag:$0x0] =	sbarrier.arrive $0xFFFF  }
0x3e: {  	s30 =	simm.s32 $0x3;
	[sflag:s2] =	ssyncpa.u1 $0x1  }
0x3f: {  	s31 =	simm.s32 $0x1;
	[sflag:s30] =	ssyncpa.u1 $0x1  }
0x40: {  	[sflag:s31] =	ssyncpa.u1 $0x1  }
0x41: {  	p0 =	sne.s32 s1, $0x0;
	_ =	strace $0x90000047  }
0x42: {  	s0 =	sadd.s32 @!p0 $0x100000, s0;
	[bflag:$0x2] =	sbarrier.arrive $0xFFFF  }
0x43: {  	[sflag:s0] =	ssyncadd.tile.s32 @!p0 $0x1;
	_ =	shalt  }
.Lfunc_end2:
_tile_overlayer_lowered:
.L_overlay_start_2:
0x44: {  	(tag) =	ssettag $0x2  }
0x45: {  	s0 =	rddreg [dreg:$0x0];
	s2 =	stileid.u32  }
0x46: {  	s1 =	rddreg [dreg:$0x1];
	p0 =	sne.s32 s2, $0x0  }
0x47: {  	s3 =	rddreg [dreg:$0x2];
	[bflag:$0x3] =	sbarrier.arrive $0xFFFF;
	s2 =	simm.s32 @!p0 $0x1C01  }
0x48: {  	[timem:s3], [sflag:s2] =	dma.local @!p0 [hbm:s0], s1  }
0x49: {  	s0 =	simm.s32 @!p0 $0x1  }
0x4a: {  	_ =	swait.ge @!p0 [sflag:s0], s1  }
0x4b: {  	s1 =	ssub.s32 @!p0 $0x0, s1;
	[sflag:s0] =	ssyncset.done @!p0 $0x0  }
0x4c: {  	[sflag:s0] =	ssyncadd.s32 @!p0 s1  }
0x4d: {  	[bflag:$0x3] =	sbarrier.arrive $0xFFFF  }
0x4e: {  	_ =	shalt  }

// kernel: kernel.18.cloned.1.call-start
scs
__scs_entry_jumppad:
0x0: {  	(pc) =	sbr.rel $0x88, $3  }
0x1: {  	(tag) =	ssettag $0x0;
	lr =	simm.s32 $0x1  }
0x2: {  	[smem:$0x3F5C] =	sst lr;
	_ =	strace $0xD0000000  }
0x3: {  	_ = 	snop  }
0x4: {  	_ = 	snop  }
0x5: {  	_ = 	snop  }
0x6: {  	_ = 	snop  }
0x7: {  	_ = 	snop  }
__scs_overlays_trampoline_lowered:
0x8: {  	[smem:$0x3F6B] =	sst s0  }
0x9: {  	[smem:$0x3F6C] =	sst s1  }
0xa: {  	[smem:$0x3F6D] =	sst s2  }
0xb: {  	[smem:$0x3F6E] =	sst s3  }
0xc: {  	[smem:$0x3F6F] =	sst s4  }
0xd: {  	[smem:$0x3F70] =	sst s5  }
0xe: {  	[smem:$0x3F71] =	sst s6  }
0xf: {  	[smem:$0x3F72] =	sst s7  }
0x10: {  	[smem:$0x3F73] =	sst s8  }
0x11: {  	[smem:$0x3F74] =	sst s9;
	s0 =	simm.s32 @!p0 $0x0  }
0x12: {  	s1 =	sld [smem:$0x3F5A];
	s0 =	simm.s32 @p0 $0x1  }
0x13: {  	[smem:$0x3F75] =	sst s0;
	s0 =	simm.s32 @!p1 $0x0  }
0x14: {  	s2 =	sld [smem:$0x3F59];
	s0 =	simm.s32 @p1 $0x1  }
0x15: {  	[smem:$0x3F76] =	sst s0;
	s0 =	simm.s32 @!p2 $0x0  }
0x16: {  	s3 =	sld [smem:$0x3FDB];
	s0 =	simm.s32 @p2 $0x1  }
0x17: {  	s4 =	simm.s32 $0x1BF5;
	[smem:$0x3F78] =	sst s0  }
0x18: {  	s0 =	sld [smem:$0x3F5B];
	_ =	swait.ge [sflag:s4], $0x0  }
0x19: {  	s7 =	sld [smem:$0x3F5C]  }
0x1a: {  	s8 =	sadd.s32 $0xFFFFE003, lr  }
0x1b: {  	s9 =	sadd.s32 $0xFFFFFEF7, lr;
	s5 =	simm.s32 $0xFFFFFFFF;
	p2 =	slt.u32 s8, $0xFFFFF086  }
0x1c: {  	p1 =	slt.u32 s9, $0xF7A;
	s5 =	simm.s32 @!p2 $0x0  }
0x1d: {  	s5 =	simm.s32 @p1 $0x1;
	p0 =	seq.s32 s7, s2  }
0x1e: {  	s7 =	smul.u32 @!p0 $0xF7A, s2;
	p2 =	seq.s32 @!p0 s5, $0x0  }
0x1f: {  	s9 =	smul.u32 $0xF7A, s1;
	s8 =	simm.s32 @!p0 $0x1BF5;
	p2 =	por !p2, p0  }
0x20: {  	[sflag:s8] =	ssyncset.s32 @!p0 $0xFFFFF086;
	s6 =	sadd.s32 @!p0 s3, s7;
	s7 =	simm.s32 @!p0 $0x108  }
0x21: {  	s3 =	sadd.s32 s3, s9;
	s6 =	sadd.s32 @!p0 $0x88, s6;
	s7 =	simm.s32 @p2 $0x1082  }
0x22: {  	[simem:s7], [sflag:s8] =	dma.local @!p0 [hbm:s6], $0xF7A  }
0x23: {  	s9 =	sor.u32 $0xD0000000, s2;
	s6 =	simm.s32 $0x108;
	_ =	swait.ge @!p0 [sflag:s8], $0x0  }
0x24: {  	s3 =	sadd.s32 $0x88, s3;
	s6 =	simm.s32 @!p1 $0x1082;
	[sflag:s4] =	ssyncset.s32 $0xFFFFF086  }
0x25: {  	[simem:s6], [sflag:s4] =	dma.local [hbm:s3], $0xF7A  }
0x26: {  	[smem:$0x3F5C] =	sst s1;
	(tag) =	ssettag s2;
	_ =	strace s9  }
0x27: {  	s1 =	sld [smem:$0x3F6C]  }
0x28: {  	s2 =	sld [smem:$0x3F6D]  }
0x29: {  	s4 =	sld [smem:$0x3F6F]  }
0x2a: {  	p0 =	seq.s32 s5, $0x0;
	s5 =	sld [smem:$0x3F70]  }
0x2b: {  	s6 =	sld [smem:$0x3F71]  }
0x2c: {  	s7 =	sld [smem:$0x3F72]  }
0x2d: {  	s3 =	simm.s32 $0x108;
	s8 =	sld [smem:$0x3F73]  }
0x2e: {  	s3 =	simm.s32 @!p0 $0x1082;
	s9 =	sld [smem:$0x3F74]  }
0x2f: {  	lr =	sadd.s32 s0, s3;
	s0 =	sld [smem:$0x3F6B]  }
0x30: {  	s3 =	sld [smem:$0x3F6E]  }
0x31: {  	[smem:$0x3F77] =	sst s10  }
0x32: {  	s10 =	sld [smem:$0x3F75];
	_ =	sdelay $0x3  }
0x33: {  	p0 =	seq.s32 s10, $0x1;
	s10 =	sld [smem:$0x3F77];
	_ =	sdelay $0x3  }
0x34: {  	[smem:$0x3F77] =	sst s10  }
0x35: {  	s10 =	sld [smem:$0x3F76];
	_ =	sdelay $0x3  }
0x36: {  	p1 =	seq.s32 s10, $0x1;
	s10 =	sld [smem:$0x3F77];
	_ =	sdelay $0x3  }
0x37: {  	[smem:$0x3F77] =	sst s10  }
0x38: {  	s10 =	sld [smem:$0x3F78]  }
0x39: {  	_ = 	snop;
	(pc) =	sbr.ind lr, $3  }
0x3a: {  	_ = 	snop  }
0x3b: {  	_ = 	snop  }
0x3c: {  	p2 =	seq.s32 s10, $0x1;
	s10 =	sld [smem:$0x3F77]  }
0x3d: {  	_ =	shalt  }
0x3e: {  	_ =	shalt  }
0x3f: {  	_ =	shalt  }
0x40: {  	_ =	shalt  }
0x41: {  	_ =	shalt  }
0x42: {  	_ =	shalt  }
0x43: {  	_ =	shalt  }
0x44: {  	_ =	shalt  }
0x45: {  	_ =	shalt  }
0x46: {  	_ =	shalt  }
0x47: {  	_ =	shalt  }
0x48: {  	_ =	shalt  }
0x49: {  	_ =	shalt  }
0x4a: {  	_ =	shalt  }
0x4b: {  	_ =	shalt  }
0x4c: {  	_ =	shalt  }
0x4d: {  	_ =	shalt  }
0x4e: {  	_ =	shalt  }
0x4f: {  	_ =	shalt  }
0x50: {  	_ =	shalt  }
0x51: {  	_ =	shalt  }
0x52: {  	_ =	shalt  }
0x53: {  	_ =	shalt  }
0x54: {  	_ =	shalt  }
0x55: {  	_ =	shalt  }
0x56: {  	_ =	shalt  }
0x57: {  	_ =	shalt  }
0x58: {  	_ =	shalt  }
0x59: {  	_ =	shalt  }
0x5a: {  	_ =	shalt  }
0x5b: {  	_ =	shalt  }
0x5c: {  	_ =	shalt  }
0x5d: {  	_ =	shalt  }
0x5e: {  	_ =	shalt  }
0x5f: {  	_ =	shalt  }
0x60: {  	_ =	shalt  }
0x61: {  	_ =	shalt  }
0x62: {  	_ =	shalt  }
0x63: {  	_ =	shalt  }
0x64: {  	_ =	shalt  }
0x65: {  	_ =	shalt  }
0x66: {  	_ =	shalt  }
0x67: {  	_ =	shalt  }
0x68: {  	_ =	shalt  }
0x69: {  	_ =	shalt  }
0x6a: {  	_ =	shalt  }
0x6b: {  	_ =	shalt  }
0x6c: {  	_ =	shalt  }
0x6d: {  	_ =	shalt  }
0x6e: {  	_ =	shalt  }
0x6f: {  	_ =	shalt  }
0x70: {  	_ =	shalt  }
0x71: {  	_ =	shalt  }
0x72: {  	_ =	shalt  }
0x73: {  	_ =	shalt  }
0x74: {  	_ =	shalt  }
0x75: {  	_ =	shalt  }
0x76: {  	_ =	shalt  }
0x77: {  	_ =	shalt  }
0x78: {  	_ =	shalt  }
0x79: {  	_ =	shalt  }
0x7a: {  	_ =	shalt  }
0x7b: {  	_ =	shalt  }
0x7c: {  	_ =	shalt  }
0x7d: {  	_ =	shalt  }
0x7e: {  	_ =	shalt  }
0x7f: {  	_ =	shalt  }
0x80: {  	_ =	shalt  }
0x81: {  	_ =	shalt  }
0x82: {  	_ =	shalt  }
0x83: {  	_ =	shalt  }
0x84: {  	_ =	shalt  }
0x85: {  	_ =	shalt  }
0x86: {  	_ =	shalt  }
0x87: {  	_ =	shalt  }
.Lfunc_end0:
.L_simem_size_0:
called_computation.1_lowered:
.L_overlay_start_0:
0x88: {  	s2 =	sld [smem:$0x3FD9]  }
0x89: {  	s3 =	sld [smem:$0x3FFE];
	_ =	sdelay $0x1  }
0x8a: {  	s1 =	srdreg.scid  }
0x8b: {  	s0 =	sand.u32 $0x1, s1  }
0x8c: {  	s16 =	sshll.u32 s0, $0xA;
	s2 =	sadd.s32 s3, s2  }
0x8d: {  	s2 =	sadd.s32 s2, s16  }
0x8e: {  	[smem:$0x3F83] =	sst s2  }
0x8f: {  	_ = 	snop  }
0x90: {  	(tm) =	ssettm $0x1  }
0x91: {  	s17 =	sld [smem:$0x3FFB];
	_ =	sdelay $0x3  }
0x92: {  	_ =	strace s17  }
0x93: {  	s2 =	sld [smem:$0x3FFC];
	_ =	sdelay $0x3  }
0x94: {  	_ =	strace s2  }
0x95: {  	s2 =	sld [smem:$0x3FFD];
	_ =	sdelay $0x3  }
0x96: {  	_ =	strace s2  }
0x97: {  	_ =	strace $0x8FFFFFFF  }
0x98: {  	s18 =	sld [smem:$0x3FDB];
	_ =	sdelay $0x1  }
0x99: {  	s19 =	simm.s32 $_scs_section_size  }
0x9a: {  	s4 =	simm.s32 $_size__tile_overlayer_lowered;
	s5 =	simm.s32 $_tile_overlayer_lowered  }
0x9b: {  	s22 =	simm.s32 $0x1BFF;
	s21 =	sshll.u32 s5, $0x1;
	s2 =	sadd.s32 s19, s18  }
0x9c: {  	s6 =	simm.s32 $0x0;
	s20 =	sshll.u32 s4, $0x1;
	s4 =	sadd.s32 s21, s2  }
0x9d: {  	[timem:s6], [sflag:s22] =	dma.local [hbm:s4], s20  }
0x9e: {  	_ =	swait.ge [sflag:s22], s20  }
0x9f: {  	s3 =	ssub.s32 $0x0, s20;
	[sflag:s22] =	ssyncset.done $0x0  }
0xa0: {  	[sflag:s22] =	ssyncadd.s32 s3;
	_ =	sdelay $0x1  }
0xa1: {  	s23 =	simm.s32 $0x1B8B  }
0xa2: {  	_ =	swait.ge [sflag:s23], $0x1  }
0xa3: {  	[sflag:s23] =	ssyncset.done $0x0  }
0xa4: {  	s25 =	simm.s32 $0x1B8E;
	s24 =	sld [smem:$0x3FFE];
	[sflag:s23] =	ssyncadd.s32 $0xFFFFFFFF  }
0xa5: {  	s26 =	simm.s32 $execute0_lowered;
	[smem:$0x3FD2] =	sst s25  }
0xa6: {  	s4 =	sshll.u32 s26, $0x1;
	_ =	strace $0x80000049;
	[dreg:$0x1] =	wrdreg $0xFFFFFFFF  }
0xa7: {  	s28 =	simm.s32 $_size_execute0_lowered;
	s2 =	sadd.s32 s2, s4;
	[dreg:$0x0] =	wrdreg $0x0  }
0xa8: {  	s4 =	sshll.u32 s28, $0x1;
	[dreg:$0x2] =	wrdreg s2  }
0xa9: {  	[dreg:$0x3] =	wrdreg s4  }
0xaa: {  	[dreg:$0x4] =	wrdreg $0xC0  }
0xab: {  	_ =	task [dreg:s6], $0x5FFFF  }
0xac: {  	[dreg:$0x1] =	wrdreg $0xFFFFFFFF  }
0xad: {  	[dreg:$0x0] =	wrdreg $0x60  }
0xae: {  	[dreg:$0x2] =	wrdreg s24  }
0xaf: {  	[dreg:$0x3] =	wrdreg $0x9  }
0xb0: {  	_ =	task.clear_ibuf [dreg:s6], $0x4FFFF;
	_ =	strace $0x90000049  }
0xb1: {  	s29 =	simm.s32 $0x9;
	_ =	strace $0x8000004B  }
0xb2: {  	_ =	swait.ge [sflag:s29], $0x1  }
0xb3: {  	[sflag:s29] =	ssyncadd.s32 $0xFFFFFFFF  }
0xb4: {  	_ =	strace $0x9000004B  }
0xb5: {  	_ =	sfence  }
0xb6: {  	s30 =	sld [smem:$0x0];
	_ =	sdelay $0x2  }
0xb7: {  	s31 =	sshll.u32 s1, $0xD;
	s1 =	sshrl.u32 s1, $0x2  }
0xb8: {  	s3 =	sand.u32 $0x4000, s31;
	s1 =	sadd.s32 s1, s30  }
0xb9: {  	s0 =	sor.u32 s3, s0;
	s1 =	sshll.u32 s1, $0x11  }
0xba: {  	s0 =	sor.u32 s1, s0  }
0xbb: {  	s0 =	sadd.s32 $0x8F2B, s0  }
0xbc: {  	[sflag:s0] =	ssyncadd.remote.s32 $0x1  }
0xbd: {  	_ =	sfence.sel $0xFFFF  }
0xbe: {  	[dreg:$0x0] =	wrdreg $0xFFFFFFFF;
	(pc) =	sbr.abs _section_cstart, $3  }
0xbf: {  	[dreg:$0x1] =	wrdreg $0xFFFFFFFF  }
0xc0: {  	_ =	task.clear_ibuf [dreg:s6], $0x2FFFF;
	_ =	strace $0x9FFFFFFF  }
0xc1: {  	(tm) =	ssettm $0x7FFFFFFF  }
tec
execute0_lowered:
.L_overlay_start_1:
0x0: {  	(tag) =	ssettag $0x1  }
0x1: {  	s0 =	rddreg [dreg:$0x0];
	s2 =	simm.s32 $0x0;
	s1 =	srdreg.scid  }
0x2: {  	s9 =	stileid.u32;
	s15 =	simm.s32 $0x9;
	s16 =	simm.s32 $0x80  }
0x3: {  	s17 =	simm.s32 $0x1400;
	s18 =	simm.s32 $0x3400;
	s20 =	simm.s32 $0x5400  }
0x4: {  	s21 =	simm.s32 $0x180;
	s22 =	simm.s32 $0x7400;
	s28 =	simm.s32 $0x5  }
0x5: {  	s29 =	simm.s32 $0x6;
	s30 =	simm.s32 $0x7;
	s31 =	simm.s32 $0x8  }
0x6: {  	[smem:$0x7FF] =	sst s2;
	s1 =	sand.u32 $0x1, s1;
	s6 =	smul.u32 $0x280, s9  }
0x7: {  	s3 =	sadd.s32 $0xB7C00, s0;
	s10 =	sadd.s32 $0x5A800, s0;
	s8 =	smul.u32 $0x28, s9  }
0x8: {  	s4 =	sadd.s32 $0xCB600, s0;
	_ =	strace $0x8000004A;
	s5 =	ssub.s32 $0x2, s1  }
0x9: {  	p0 =	seq.s32 s1, $0x1;
	s7 =	sshrl.u32 s5, $0x1;
	s23 =	sadd.s32 s10, s6  }
0xa: {  	s6 =	smul.u32 $0xA000, s9;
	s24 =	sadd.s32 $0x280, s8;
	s8 =	sadd.s32 $0xCBE00, s0  }
0xb: {  	s9 =	sadd.s32 $0xCC200, s0;
	s5 =	ssub.s32 s5, s7;
	[dreg:$0x2] =	wrdreg s23  }
.Ltmp0:
0xc: {  	s7 =	sadd.s32 $0xCBA00, s0;
	s11 =	sshll.u32 s24, $0x4;
	(pc) =	sbr.rel .LBB2_1-.Ltmp0, $4  }
0xd: {  	s23 =	simm.s32 $0x1;
	s0 =	simm.s32 $0x0;
	s25 =	sadd.s32 s10, s11  }
0xe: {  	s26 =	sadd.s32 s6, s4;
	s11 =	sshll.u32 s24, $0xA;
	s12 =	smax.u32 s5, $0x1  }
0xf: {  	s24 =	simm.s32 $0x2;
	[dreg:$0x3] =	wrdreg s25;
	s13 =	sadd.s32 $0xC00, s26  }
0x10: {  	s14 =	sadd.s32 $0xA0C00, s26;
	s25 =	simm.s32 $0x3;
	s26 =	simm.s32 $0x4  }
.LBB2_7:
0x11: {  	[tilespmem:s22], [sflag:$0x4] =	stream.indirect.gather [hbm4b:s3+s16], $0x40, s19, s16, $0xb8;
	[tilespmem:$0x9400] =	vst v63  }
0x12: {  	s1 =	smov.u32 s11  }
.LBB2_8:
0x13: {  	_ =	swait.ge [sflag:s23], $0x2000  }
0x14: {  	s1 =	sadd.s32 $0x9000, s1;
	[sflag:s23] =	ssyncset.done $0x0  }
0x15: {  	s5 =	sadd.s32 s4, s1;
	[sflag:s23] =	ssyncadd.s32 $0xFFFFE000  }
0x16: {  	[hbm4b:s5+s2] =	stream.linear.scatter [tilespmem:s17], [sflag:$0x5], $0x2000, $0x38;
	[tilespmem:$0x9400] =	vst v63  }
0x17: {  	_ =	swait.ge [sflag:s24], $0x2000  }
0x18: {  	[sflag:s24] =	ssyncset.done $0x0  }
0x19: {  	s10 =	sadd.s32 s1, s7;
	[sflag:s24] =	ssyncadd.s32 $0xFFFFE000  }
0x1a: {  	[hbm4b:s10+s2] =	stream.linear.scatter [tilespmem:s18], [sflag:$0x6], $0x2000, $0x38;
	[tilespmem:$0x9400] =	vst v63  }
0x1b: {  	_ =	swait.ge [sflag:s25], $0x2000  }
0x1c: {  	[sflag:s25] =	ssyncset.done $0x0  }
0x1d: {  	s19 =	sadd.s32 s1, s8;
	[sflag:s25] =	ssyncadd.s32 $0xFFFFE000  }
0x1e: {  	[hbm4b:s19+s2] =	stream.linear.scatter [tilespmem:s20], [sflag:$0x7], $0x2000, $0x38;
	[tilespmem:$0x9400] =	vst v63  }
0x1f: {  	_ =	swait.ge [sflag:s26], $0x2000  }
0x20: {  	[sflag:s26] =	ssyncset.done $0x0  }
0x21: {  	s1 =	sadd.s32 s1, s9;
	[sflag:s26] =	ssyncadd.s32 $0xFFFFE000  }
0x22: {  	[hbm4b:s1+s2] =	stream.linear.scatter [tilespmem:s22], [sflag:$0x8], $0x2000, $0x38;
	[tilespmem:$0x9400] =	vst v63  }
0x23: {  	_ =	swait.ge [sflag:s28], $0x2000  }
0x24: {  	[sflag:s28] =	ssyncset.done $0x0  }
0x25: {  	[sflag:s28] =	ssyncadd.s32 $0xFFFFE000  }
0x26: {  	_ =	swait.ge [sflag:s29], $0x2000  }
0x27: {  	[sflag:s29] =	ssyncset.done $0x0  }
0x28: {  	s0 =	sadd.s32 $0x1, s0;
	[sflag:s29] =	ssyncadd.s32 $0xFFFFE000  }
0x29: {  	p1 =	sne.s32 s0, s12;
	_ =	swait.ge [sflag:s30], $0x2000  }
.Ltmp1:
0x2a: {  	[sflag:s30] =	ssyncset.done $0x0;
	(pc) =	sbr.rel @!p1 .LBB2_9-.Ltmp1, $4  }
0x2b: {  	[sflag:s30] =	ssyncadd.s32 $0xFFFFE000  }
0x2c: {  	_ =	swait.ge [sflag:s31], $0x2000  }
0x2d: {  	[sflag:s31] =	ssyncset.done $0x0  }
0x2e: {  	[sflag:s31] =	ssyncadd.s32 $0xFFFFE000  }
.LBB2_1:
.Ltmp2:
0x2f: {  	(pc) =	sbr.rel @!p0 .LBB2_2-.Ltmp2, $2  }
0x30: {  	_ =	sdelay $0x2  }
0x31: {  	s1 =	simm.s32 $0x0  }
0x32: {  	s5 =	rddreg [dreg:$0x3]  }
0x33: {  	[tilespmem:s1], [sflag:$0x9] =	stream.linear.gather [hbm4b:s5+s1], $0x1400, $0x38;
	[tilespmem:$0x9400] =	vst v63  }
0x34: {  	_ =	swait.ge [sflag:s15], $0x1400  }
0x35: {  	[sflag:s15] =	ssyncset.done $0x0  }
0x36: {  	[sflag:s15] =	ssyncadd.s32 $0xFFFFEC00  }
0x37: {  	[tilespmem:s17], [sflag:$0x1] =	stream.indirect.gather [hbm4b:s3+s16], $0x40, s1, s16, $0xb8;
	[tilespmem:$0x9400] =	vst v63  }
0x38: {  	_ = 	snop  }
0x39: {  	[tilespmem:s18], [sflag:$0x2] =	stream.indirect.gather [hbm4b:s3+s16], $0x40, s16, s16, $0xb8;
	[tilespmem:$0x9400] =	vst v63  }
0x3a: {  	s19 =	simm.s32 $0x100  }
0x3b: {  	[tilespmem:s20], [sflag:$0x3] =	stream.indirect.gather [hbm4b:s3+s16], $0x40, s19, s16, $0xb8;
	[tilespmem:$0x9400] =	vst v63  }
0x3c: {  	_ = 	snop  }
0x3d: {  	[tilespmem:s22], [sflag:$0x4] =	stream.indirect.gather [hbm4b:s3+s16], $0x40, s21, s16, $0xb8;
	[tilespmem:$0x9400] =	vst v63  }
0x3e: {  	_ =	swait.ge [sflag:s23], $0x2000  }
0x3f: {  	[sflag:s23] =	ssyncset.done $0x0  }
0x40: {  	s5 =	sadd.s32 $0xFFFFF400, s14;
	[sflag:s23] =	ssyncadd.s32 $0xFFFFE000  }
0x41: {  	[hbm4b:s5+s2] =	stream.linear.scatter [tilespmem:s17], [sflag:$0x5], $0x2000, $0x38;
	[tilespmem:$0x9400] =	vst v63  }
0x42: {  	_ =	swait.ge [sflag:s24], $0x2000  }
0x43: {  	[sflag:s24] =	ssyncset.done $0x0  }
0x44: {  	s10 =	sadd.s32 $0xFFFFF800, s14;
	[sflag:s24] =	ssyncadd.s32 $0xFFFFE000  }
0x45: {  	[hbm4b:s10+s2] =	stream.linear.scatter [tilespmem:s18], [sflag:$0x6], $0x2000, $0x38;
	[tilespmem:$0x9400] =	vst v63  }
0x46: {  	_ =	swait.ge [sflag:s25], $0x2000  }
0x47: {  	[sflag:s25] =	ssyncset.done $0x0  }
0x48: {  	s19 =	sadd.s32 $0xFFFFFC00, s14;
	[sflag:s25] =	ssyncadd.s32 $0xFFFFE000  }
0x49: {  	[hbm4b:s19+s2] =	stream.linear.scatter [tilespmem:s20], [sflag:$0x7], $0x2000, $0x38;
	[tilespmem:$0x9400] =	vst v63  }
0x4a: {  	_ =	swait.ge [sflag:s26], $0x2000  }
0x4b: {  	[sflag:s26] =	ssyncset.done $0x0  }
0x4c: {  	[sflag:s26] =	ssyncadd.s32 $0xFFFFE000  }
0x4d: {  	[hbm4b:s14+s2] =	stream.linear.scatter [tilespmem:s22], [sflag:$0x8], $0x2000, $0x38;
	[tilespmem:$0x9400] =	vst v63  }
0x4e: {  	_ =	swait.ge [sflag:s28], $0x2000  }
0x4f: {  	[sflag:s28] =	ssyncset.done $0x0  }
0x50: {  	s5 =	simm.s32 $0x200;
	[sflag:s28] =	ssyncadd.s32 $0xFFFFE000  }
0x51: {  	[tilespmem:s17], [sflag:$0x1] =	stream.indirect.gather [hbm4b:s3+s16], $0x40, s5, s16, $0xb8;
	[tilespmem:$0x9400] =	vst v63  }
0x52: {  	_ =	swait.ge [sflag:s29], $0x2000  }
0x53: {  	[sflag:s29] =	ssyncset.done $0x0  }
0x54: {  	s10 =	simm.s32 $0x280;
	[sflag:s29] =	ssyncadd.s32 $0xFFFFE000  }
0x55: {  	[tilespmem:s18], [sflag:$0x2] =	stream.indirect.gather [hbm4b:s3+s16], $0x40, s10, s16, $0xb8;
	[tilespmem:$0x9400] =	vst v63  }
0x56: {  	_ =	swait.ge [sflag:s30], $0x2000  }
0x57: {  	[sflag:s30] =	ssyncset.done $0x0  }
0x58: {  	s19 =	simm.s32 $0x300;
	[sflag:s30] =	ssyncadd.s32 $0xFFFFE000  }
0x59: {  	[tilespmem:s20], [sflag:$0x3] =	stream.indirect.gather [hbm4b:s3+s16], $0x40, s19, s16, $0xb8;
	[tilespmem:$0x9400] =	vst v63  }
0x5a: {  	_ =	swait.ge [sflag:s31], $0x2000  }
0x5b: {  	s1 =	simm.s32 $0x800;
	[sflag:s31] =	ssyncset.done $0x0  }
0x5c: {  	s5 =	sadd.s32 $0x1000, s14;
	s19 =	simm.s32 $0x380;
	[sflag:s31] =	ssyncadd.s32 $0xFFFFE000  }
.LBB2_6:
0x5d: {  	[tilespmem:s22], [sflag:$0x4] =	stream.indirect.gather [hbm4b:s3+s16], $0x40, s19, s16, $0xb8;
	[tilespmem:$0x9400] =	vst v63  }
0x5e: {  	s10 =	smov.u32 s1  }
0x5f: {  	p1 =	sne.s32 s1, $0x4000;
	s1 =	sadd.s32 $0x800, s1;
	_ =	swait.ge [sflag:s23], $0x2000  }
0x60: {  	[sflag:s23] =	ssyncset.done $0x0  }
0x61: {  	s19 =	sadd.s32 $0xFFFFF400, s5;
	[sflag:s23] =	ssyncadd.s32 $0xFFFFE000  }
0x62: {  	[hbm4b:s19+s2] =	stream.linear.scatter [tilespmem:s17], [sflag:$0x5], $0x2000, $0x38;
	[tilespmem:$0x9400] =	vst v63  }
0x63: {  	_ =	swait.ge [sflag:s24], $0x2000  }
0x64: {  	[sflag:s24] =	ssyncset.done $0x0  }
0x65: {  	s19 =	sadd.s32 $0xFFFFF800, s5;
	[sflag:s24] =	ssyncadd.s32 $0xFFFFE000  }
0x66: {  	[hbm4b:s19+s2] =	stream.linear.scatter [tilespmem:s18], [sflag:$0x6], $0x2000, $0x38;
	[tilespmem:$0x9400] =	vst v63  }
0x67: {  	_ =	swait.ge [sflag:s25], $0x2000  }
0x68: {  	[sflag:s25] =	ssyncset.done $0x0  }
0x69: {  	s19 =	sadd.s32 $0xFFFFFC00, s5;
	[sflag:s25] =	ssyncadd.s32 $0xFFFFE000  }
0x6a: {  	[hbm4b:s19+s2] =	stream.linear.scatter [tilespmem:s20], [sflag:$0x7], $0x2000, $0x38;
	[tilespmem:$0x9400] =	vst v63  }
0x6b: {  	_ =	swait.ge [sflag:s26], $0x2000  }
0x6c: {  	[sflag:s26] =	ssyncset.done $0x0  }
0x6d: {  	[sflag:s26] =	ssyncadd.s32 $0xFFFFE000  }
0x6e: {  	[hbm4b:s5+s2] =	stream.linear.scatter [tilespmem:s22], [sflag:$0x8], $0x2000, $0x38;
	[tilespmem:$0x9400] =	vst v63  }
0x6f: {  	_ =	swait.ge [sflag:s28], $0x2000  }
0x70: {  	s10 =	sshra.s32 s10, $0x2;
	[sflag:s28] =	ssyncset.done $0x0  }
0x71: {  	s19 =	sadd.s32 $0x200, s10;
	[sflag:s28] =	ssyncadd.s32 $0xFFFFE000  }
0x72: {  	[tilespmem:s17], [sflag:$0x1] =	stream.indirect.gather [hbm4b:s3+s16], $0x40, s19, s16, $0xb8;
	[tilespmem:$0x9400] =	vst v63  }
0x73: {  	_ =	swait.ge [sflag:s29], $0x2000  }
0x74: {  	[sflag:s29] =	ssyncset.done $0x0  }
0x75: {  	s19 =	sadd.s32 $0x280, s10;
	[sflag:s29] =	ssyncadd.s32 $0xFFFFE000  }
0x76: {  	[tilespmem:s18], [sflag:$0x2] =	stream.indirect.gather [hbm4b:s3+s16], $0x40, s19, s16, $0xb8;
	[tilespmem:$0x9400] =	vst v63  }
0x77: {  	_ =	swait.ge [sflag:s30], $0x2000  }
0x78: {  	[sflag:s30] =	ssyncset.done $0x0  }
.Ltmp3:
0x79: {  	s19 =	sadd.s32 $0x300, s10;
	[sflag:s30] =	ssyncadd.s32 $0xFFFFE000;
	(pc) =	sbr.rel @p1 .LBB2_6-.Ltmp3, $4  }
0x7a: {  	[tilespmem:s20], [sflag:$0x3] =	stream.indirect.gather [hbm4b:s3+s16], $0x40, s19, s16, $0xb8;
	[tilespmem:$0x9400] =	vst v63  }
0x7b: {  	_ =	swait.ge [sflag:s31], $0x2000  }
0x7c: {  	[sflag:s31] =	ssyncset.done $0x0  }
0x7d: {  	s5 =	sadd.s32 $0x1000, s5;
	s19 =	sadd.s32 $0x380, s10;
	[sflag:s31] =	ssyncadd.s32 $0xFFFFE000  }
.Ltmp4:
0x7e: {  	_ = 	snop;
	(pc) =	sbr.rel .LBB2_7-.Ltmp4, $1  }
0x7f: {  	_ =	sdelay $0x3  }
.LBB2_2:
0x80: {  	s5 =	rddreg [dreg:$0x2]  }
0x81: {  	[tilespmem:s1], [sflag:$0x9] =	stream.linear.gather [hbm4b:s5+s1], $0x1400, $0x38;
	[tilespmem:$0x9400] =	vst v63  }
0x82: {  	_ =	swait.ge [sflag:s15], $0x1400  }
0x83: {  	[sflag:s15] =	ssyncset.done $0x0  }
0x84: {  	[sflag:s15] =	ssyncadd.s32 $0xFFFFEC00  }
0x85: {  	[tilespmem:s17], [sflag:$0x1] =	stream.indirect.gather [hbm4b:s3+s16], $0x40, s1, s16, $0xb8;
	[tilespmem:$0x9400] =	vst v63  }
0x86: {  	_ = 	snop  }
0x87: {  	[tilespmem:s18], [sflag:$0x2] =	stream.indirect.gather [hbm4b:s3+s16], $0x40, s16, s16, $0xb8;
	[tilespmem:$0x9400] =	vst v63  }
0x88: {  	s19 =	simm.s32 $0x100  }
0x89: {  	[tilespmem:s20], [sflag:$0x3] =	stream.indirect.gather [hbm4b:s3+s16], $0x40, s19, s16, $0xb8;
	[tilespmem:$0x9400] =	vst v63  }
0x8a: {  	_ = 	snop  }
0x8b: {  	[tilespmem:s22], [sflag:$0x4] =	stream.indirect.gather [hbm4b:s3+s16], $0x40, s21, s16, $0xb8;
	[tilespmem:$0x9400] =	vst v63  }
0x8c: {  	_ =	swait.ge [sflag:s23], $0x2000  }
0x8d: {  	[sflag:s23] =	ssyncset.done $0x0  }
0x8e: {  	s5 =	sadd.s32 $0xFFFFF400, s13;
	[sflag:s23] =	ssyncadd.s32 $0xFFFFE000  }
0x8f: {  	[hbm4b:s5+s2] =	stream.linear.scatter [tilespmem:s17], [sflag:$0x5], $0x2000, $0x38;
	[tilespmem:$0x9400] =	vst v63  }
0x90: {  	_ =	swait.ge [sflag:s24], $0x2000  }
0x91: {  	[sflag:s24] =	ssyncset.done $0x0  }
0x92: {  	s10 =	sadd.s32 $0xFFFFF800, s13;
	[sflag:s24] =	ssyncadd.s32 $0xFFFFE000  }
0x93: {  	[hbm4b:s10+s2] =	stream.linear.scatter [tilespmem:s18], [sflag:$0x6], $0x2000, $0x38;
	[tilespmem:$0x9400] =	vst v63  }
0x94: {  	_ =	swait.ge [sflag:s25], $0x2000  }
0x95: {  	[sflag:s25] =	ssyncset.done $0x0  }
0x96: {  	s19 =	sadd.s32 $0xFFFFFC00, s13;
	[sflag:s25] =	ssyncadd.s32 $0xFFFFE000  }
0x97: {  	[hbm4b:s19+s2] =	stream.linear.scatter [tilespmem:s20], [sflag:$0x7], $0x2000, $0x38;
	[tilespmem:$0x9400] =	vst v63  }
0x98: {  	_ =	swait.ge [sflag:s26], $0x2000  }
0x99: {  	[sflag:s26] =	ssyncset.done $0x0  }
0x9a: {  	[sflag:s26] =	ssyncadd.s32 $0xFFFFE000  }
0x9b: {  	[hbm4b:s13+s2] =	stream.linear.scatter [tilespmem:s22], [sflag:$0x8], $0x2000, $0x38;
	[tilespmem:$0x9400] =	vst v63  }
0x9c: {  	_ =	swait.ge [sflag:s28], $0x2000  }
0x9d: {  	[sflag:s28] =	ssyncset.done $0x0  }
0x9e: {  	s5 =	simm.s32 $0x200;
	[sflag:s28] =	ssyncadd.s32 $0xFFFFE000  }
0x9f: {  	[tilespmem:s17], [sflag:$0x1] =	stream.indirect.gather [hbm4b:s3+s16], $0x40, s5, s16, $0xb8;
	[tilespmem:$0x9400] =	vst v63  }
0xa0: {  	_ =	swait.ge [sflag:s29], $0x2000  }
0xa1: {  	[sflag:s29] =	ssyncset.done $0x0  }
0xa2: {  	s10 =	simm.s32 $0x280;
	[sflag:s29] =	ssyncadd.s32 $0xFFFFE000  }
0xa3: {  	[tilespmem:s18], [sflag:$0x2] =	stream.indirect.gather [hbm4b:s3+s16], $0x40, s10, s16, $0xb8;
	[tilespmem:$0x9400] =	vst v63  }
0xa4: {  	_ =	swait.ge [sflag:s30], $0x2000  }
0xa5: {  	[sflag:s30] =	ssyncset.done $0x0  }
0xa6: {  	s19 =	simm.s32 $0x300;
	[sflag:s30] =	ssyncadd.s32 $0xFFFFE000  }
0xa7: {  	[tilespmem:s20], [sflag:$0x3] =	stream.indirect.gather [hbm4b:s3+s16], $0x40, s19, s16, $0xb8;
	[tilespmem:$0x9400] =	vst v63  }
0xa8: {  	_ =	swait.ge [sflag:s31], $0x2000  }
0xa9: {  	s1 =	simm.s32 $0x800;
	[sflag:s31] =	ssyncset.done $0x0  }
0xaa: {  	s5 =	sadd.s32 $0x1000, s13;
	s19 =	simm.s32 $0x380;
	[sflag:s31] =	ssyncadd.s32 $0xFFFFE000  }
.LBB2_3:
0xab: {  	[tilespmem:s22], [sflag:$0x4] =	stream.indirect.gather [hbm4b:s3+s16], $0x40, s19, s16, $0xb8;
	[tilespmem:$0x9400] =	vst v63  }
0xac: {  	s19 =	smov.u32 s1  }
0xad: {  	p1 =	seq.s32 s1, $0x4000;
	s1 =	sadd.s32 $0x800, s1;
	_ =	swait.ge [sflag:s23], $0x2000  }
0xae: {  	[sflag:s23] =	ssyncset.done $0x0  }
0xaf: {  	s10 =	sadd.s32 $0xFFFFF400, s5;
	[sflag:s23] =	ssyncadd.s32 $0xFFFFE000  }
0xb0: {  	[hbm4b:s10+s2] =	stream.linear.scatter [tilespmem:s17], [sflag:$0x5], $0x2000, $0x38;
	[tilespmem:$0x9400] =	vst v63  }
0xb1: {  	_ =	swait.ge [sflag:s24], $0x2000  }
0xb2: {  	[sflag:s24] =	ssyncset.done $0x0  }
0xb3: {  	s10 =	sadd.s32 $0xFFFFF800, s5;
	[sflag:s24] =	ssyncadd.s32 $0xFFFFE000  }
0xb4: {  	[hbm4b:s10+s2] =	stream.linear.scatter [tilespmem:s18], [sflag:$0x6], $0x2000, $0x38;
	[tilespmem:$0x9400] =	vst v63  }
0xb5: {  	_ =	swait.ge [sflag:s25], $0x2000  }
0xb6: {  	[sflag:s25] =	ssyncset.done $0x0  }
0xb7: {  	s10 =	sadd.s32 $0xFFFFFC00, s5;
	[sflag:s25] =	ssyncadd.s32 $0xFFFFE000  }
0xb8: {  	[hbm4b:s10+s2] =	stream.linear.scatter [tilespmem:s20], [sflag:$0x7], $0x2000, $0x38;
	[tilespmem:$0x9400] =	vst v63  }
0xb9: {  	_ =	swait.ge [sflag:s26], $0x2000  }
0xba: {  	[sflag:s26] =	ssyncset.done $0x0  }
0xbb: {  	[sflag:s26] =	ssyncadd.s32 $0xFFFFE000  }
0xbc: {  	[hbm4b:s5+s2] =	stream.linear.scatter [tilespmem:s22], [sflag:$0x8], $0x2000, $0x38;
	[tilespmem:$0x9400] =	vst v63  }
0xbd: {  	_ =	swait.ge [sflag:s28], $0x2000  }
0xbe: {  	s10 =	sshra.s32 s19, $0x2;
	[sflag:s28] =	ssyncset.done $0x0  }
0xbf: {  	s19 =	sadd.s32 $0x200, s10;
	[sflag:s28] =	ssyncadd.s32 $0xFFFFE000  }
0xc0: {  	[tilespmem:s17], [sflag:$0x1] =	stream.indirect.gather [hbm4b:s3+s16], $0x40, s19, s16, $0xb8;
	[tilespmem:$0x9400] =	vst v63  }
0xc1: {  	_ =	swait.ge [sflag:s29], $0x2000  }
0xc2: {  	[sflag:s29] =	ssyncset.done $0x0  }
0xc3: {  	s19 =	sadd.s32 $0x280, s10;
	[sflag:s29] =	ssyncadd.s32 $0xFFFFE000  }
0xc4: {  	[tilespmem:s18], [sflag:$0x2] =	stream.indirect.gather [hbm4b:s3+s16], $0x40, s19, s16, $0xb8;
	[tilespmem:$0x9400] =	vst v63  }
0xc5: {  	_ =	swait.ge [sflag:s30], $0x2000  }
0xc6: {  	[sflag:s30] =	ssyncset.done $0x0  }
.Ltmp5:
0xc7: {  	s19 =	sadd.s32 $0x300, s10;
	[sflag:s30] =	ssyncadd.s32 $0xFFFFE000;
	(pc) =	sbr.rel @!p1 .LBB2_3-.Ltmp5, $4  }
0xc8: {  	[tilespmem:s20], [sflag:$0x3] =	stream.indirect.gather [hbm4b:s3+s16], $0x40, s19, s16, $0xb8;
	[tilespmem:$0x9400] =	vst v63  }
0xc9: {  	_ =	swait.ge [sflag:s31], $0x2000  }
0xca: {  	[sflag:s31] =	ssyncset.done $0x0  }
0xcb: {  	s5 =	sadd.s32 $0x1000, s5;
	s19 =	sadd.s32 $0x380, s10;
	[sflag:s31] =	ssyncadd.s32 $0xFFFFE000  }
.Ltmp6:
0xcc: {  	(pc) =	sbr.rel .LBB2_8-.Ltmp6, $3  }
0xcd: {  	_ =	sdelay $0x1  }
0xce: {  	[tilespmem:s22], [sflag:$0x4] =	stream.indirect.gather [hbm4b:s3+s16], $0x40, s19, s16, $0xb8;
	[tilespmem:$0x9400] =	vst v63  }
0xcf: {  	s1 =	smov.u32 s6  }
.LBB2_9:
0xd0: {  	_ =	sfence.sel $0x180000  }
0xd1: {  	[bflag:$0x0] =	sbarrier.arrive $0xFFFF  }
0xd2: {  	_ =	strace $0x9000004A  }
0xd3: {  	s0 =	stileid.u32;
	[bflag:$0x2] =	sbarrier.arrive $0xFFFF  }
0xd4: {  	p0 =	sne.s32 s0, $0x0;
	s0 =	rddreg [dreg:$0x1]  }
0xd5: {  	s0 =	sadd.s32 @!p0 $0x100000, s0  }
0xd6: {  	[sflag:s0] =	ssyncadd.tile.s32 @!p0 $0x1;
	_ =	shalt  }
.Lfunc_end2:
_tile_overlayer_lowered:
.L_overlay_start_2:
0xd7: {  	(tag) =	ssettag $0x2  }
0xd8: {  	s0 =	rddreg [dreg:$0x0];
	s2 =	stileid.u32  }
0xd9: {  	s1 =	rddreg [dreg:$0x1];
	p0 =	sne.s32 s2, $0x0  }
0xda: {  	s3 =	rddreg [dreg:$0x2];
	[bflag:$0x3] =	sbarrier.arrive $0xFFFF;
	s2 =	simm.s32 @!p0 $0x1C09  }
0xdb: {  	[timem:s3], [sflag:s2] =	dma.local @!p0 [hbm:s0], s1  }
0xdc: {  	s0 =	simm.s32 @!p0 $0x9  }
0xdd: {  	_ =	swait.ge @!p0 [sflag:s0], s1  }
0xde: {  	s1 =	ssub.s32 @!p0 $0x0, s1;
	[sflag:s0] =	ssyncset.done @!p0 $0x0  }
0xdf: {  	[sflag:s0] =	ssyncadd.s32 @!p0 s1  }
0xe0: {  	[bflag:$0x3] =	sbarrier.arrive $0xFFFF  }
0xe1: {  	_ =	shalt  }

// kernel: kernel.21.cloned.1.call-start
scs
__scs_entry_jumppad:
0x0: {  	(pc) =	sbr.rel $0x88, $3  }
0x1: {  	(tag) =	ssettag $0x0;
	lr =	simm.s32 $0x1  }
0x2: {  	[smem:$0x3F5C] =	sst lr;
	_ =	strace $0xD0000000  }
0x3: {  	_ = 	snop  }
0x4: {  	_ = 	snop  }
0x5: {  	_ = 	snop  }
0x6: {  	_ = 	snop  }
0x7: {  	_ = 	snop  }
__scs_overlays_trampoline_lowered:
0x8: {  	[smem:$0x3F6B] =	sst s0  }
0x9: {  	[smem:$0x3F6C] =	sst s1  }
0xa: {  	[smem:$0x3F6D] =	sst s2  }
0xb: {  	[smem:$0x3F6E] =	sst s3  }
0xc: {  	[smem:$0x3F6F] =	sst s4  }
0xd: {  	[smem:$0x3F70] =	sst s5  }
0xe: {  	[smem:$0x3F71] =	sst s6  }
0xf: {  	[smem:$0x3F72] =	sst s7  }
0x10: {  	[smem:$0x3F73] =	sst s8  }
0x11: {  	[smem:$0x3F74] =	sst s9;
	s0 =	simm.s32 @!p0 $0x0  }
0x12: {  	s1 =	sld [smem:$0x3F5A];
	s0 =	simm.s32 @p0 $0x1  }
0x13: {  	[smem:$0x3F75] =	sst s0;
	s0 =	simm.s32 @!p1 $0x0  }
0x14: {  	s2 =	sld [smem:$0x3F59];
	s0 =	simm.s32 @p1 $0x1  }
0x15: {  	[smem:$0x3F76] =	sst s0;
	s0 =	simm.s32 @!p2 $0x0  }
0x16: {  	s3 =	sld [smem:$0x3FDB];
	s0 =	simm.s32 @p2 $0x1  }
0x17: {  	s4 =	simm.s32 $0x1BF5;
	[smem:$0x3F78] =	sst s0  }
0x18: {  	s0 =	sld [smem:$0x3F5B];
	_ =	swait.ge [sflag:s4], $0x0  }
0x19: {  	s7 =	sld [smem:$0x3F5C]  }
0x1a: {  	s8 =	sadd.s32 $0xFFFFE003, lr  }
0x1b: {  	s9 =	sadd.s32 $0xFFFFFEF7, lr;
	s5 =	simm.s32 $0xFFFFFFFF;
	p2 =	slt.u32 s8, $0xFFFFF086  }
0x1c: {  	p1 =	slt.u32 s9, $0xF7A;
	s5 =	simm.s32 @!p2 $0x0  }
0x1d: {  	s5 =	simm.s32 @p1 $0x1;
	p0 =	seq.s32 s7, s2  }
0x1e: {  	s7 =	smul.u32 @!p0 $0xF7A, s2;
	p2 =	seq.s32 @!p0 s5, $0x0  }
0x1f: {  	s9 =	smul.u32 $0xF7A, s1;
	s8 =	simm.s32 @!p0 $0x1BF5;
	p2 =	por !p2, p0  }
0x20: {  	[sflag:s8] =	ssyncset.s32 @!p0 $0xFFFFF086;
	s6 =	sadd.s32 @!p0 s3, s7;
	s7 =	simm.s32 @!p0 $0x108  }
0x21: {  	s3 =	sadd.s32 s3, s9;
	s6 =	sadd.s32 @!p0 $0x88, s6;
	s7 =	simm.s32 @p2 $0x1082  }
0x22: {  	[simem:s7], [sflag:s8] =	dma.local @!p0 [hbm:s6], $0xF7A  }
0x23: {  	s9 =	sor.u32 $0xD0000000, s2;
	s6 =	simm.s32 $0x108;
	_ =	swait.ge @!p0 [sflag:s8], $0x0  }
0x24: {  	s3 =	sadd.s32 $0x88, s3;
	s6 =	simm.s32 @!p1 $0x1082;
	[sflag:s4] =	ssyncset.s32 $0xFFFFF086  }
0x25: {  	[simem:s6], [sflag:s4] =	dma.local [hbm:s3], $0xF7A  }
0x26: {  	[smem:$0x3F5C] =	sst s1;
	(tag) =	ssettag s2;
	_ =	strace s9  }
0x27: {  	s1 =	sld [smem:$0x3F6C]  }
0x28: {  	s2 =	sld [smem:$0x3F6D]  }
0x29: {  	s4 =	sld [smem:$0x3F6F]  }
0x2a: {  	p0 =	seq.s32 s5, $0x0;
	s5 =	sld [smem:$0x3F70]  }
0x2b: {  	s6 =	sld [smem:$0x3F71]  }
0x2c: {  	s7 =	sld [smem:$0x3F72]  }
0x2d: {  	s3 =	simm.s32 $0x108;
	s8 =	sld [smem:$0x3F73]  }
0x2e: {  	s3 =	simm.s32 @!p0 $0x1082;
	s9 =	sld [smem:$0x3F74]  }
0x2f: {  	lr =	sadd.s32 s0, s3;
	s0 =	sld [smem:$0x3F6B]  }
0x30: {  	s3 =	sld [smem:$0x3F6E]  }
0x31: {  	[smem:$0x3F77] =	sst s10  }
0x32: {  	s10 =	sld [smem:$0x3F75];
	_ =	sdelay $0x3  }
0x33: {  	p0 =	seq.s32 s10, $0x1;
	s10 =	sld [smem:$0x3F77];
	_ =	sdelay $0x3  }
0x34: {  	[smem:$0x3F77] =	sst s10  }
0x35: {  	s10 =	sld [smem:$0x3F76];
	_ =	sdelay $0x3  }
0x36: {  	p1 =	seq.s32 s10, $0x1;
	s10 =	sld [smem:$0x3F77];
	_ =	sdelay $0x3  }
0x37: {  	[smem:$0x3F77] =	sst s10  }
0x38: {  	s10 =	sld [smem:$0x3F78]  }
0x39: {  	_ = 	snop;
	(pc) =	sbr.ind lr, $3  }
0x3a: {  	_ = 	snop  }
0x3b: {  	_ = 	snop  }
0x3c: {  	p2 =	seq.s32 s10, $0x1;
	s10 =	sld [smem:$0x3F77]  }
0x3d: {  	_ =	shalt  }
0x3e: {  	_ =	shalt  }
0x3f: {  	_ =	shalt  }
0x40: {  	_ =	shalt  }
0x41: {  	_ =	shalt  }
0x42: {  	_ =	shalt  }
0x43: {  	_ =	shalt  }
0x44: {  	_ =	shalt  }
0x45: {  	_ =	shalt  }
0x46: {  	_ =	shalt  }
0x47: {  	_ =	shalt  }
0x48: {  	_ =	shalt  }
0x49: {  	_ =	shalt  }
0x4a: {  	_ =	shalt  }
0x4b: {  	_ =	shalt  }
0x4c: {  	_ =	shalt  }
0x4d: {  	_ =	shalt  }
0x4e: {  	_ =	shalt  }
0x4f: {  	_ =	shalt  }
0x50: {  	_ =	shalt  }
0x51: {  	_ =	shalt  }
0x52: {  	_ =	shalt  }
0x53: {  	_ =	shalt  }
0x54: {  	_ =	shalt  }
0x55: {  	_ =	shalt  }
0x56: {  	_ =	shalt  }
0x57: {  	_ =	shalt  }
0x58: {  	_ =	shalt  }
0x59: {  	_ =	shalt  }
0x5a: {  	_ =	shalt  }
0x5b: {  	_ =	shalt  }
0x5c: {  	_ =	shalt  }
0x5d: {  	_ =	shalt  }
0x5e: {  	_ =	shalt  }
0x5f: {  	_ =	shalt  }
0x60: {  	_ =	shalt  }
0x61: {  	_ =	shalt  }
0x62: {  	_ =	shalt  }
0x63: {  	_ =	shalt  }
0x64: {  	_ =	shalt  }
0x65: {  	_ =	shalt  }
0x66: {  	_ =	shalt  }
0x67: {  	_ =	shalt  }
0x68: {  	_ =	shalt  }
0x69: {  	_ =	shalt  }
0x6a: {  	_ =	shalt  }
0x6b: {  	_ =	shalt  }
0x6c: {  	_ =	shalt  }
0x6d: {  	_ =	shalt  }
0x6e: {  	_ =	shalt  }
0x6f: {  	_ =	shalt  }
0x70: {  	_ =	shalt  }
0x71: {  	_ =	shalt  }
0x72: {  	_ =	shalt  }
0x73: {  	_ =	shalt  }
0x74: {  	_ =	shalt  }
0x75: {  	_ =	shalt  }
0x76: {  	_ =	shalt  }
0x77: {  	_ =	shalt  }
0x78: {  	_ =	shalt  }
0x79: {  	_ =	shalt  }
0x7a: {  	_ =	shalt  }
0x7b: {  	_ =	shalt  }
0x7c: {  	_ =	shalt  }
0x7d: {  	_ =	shalt  }
0x7e: {  	_ =	shalt  }
0x7f: {  	_ =	shalt  }
0x80: {  	_ =	shalt  }
0x81: {  	_ =	shalt  }
0x82: {  	_ =	shalt  }
0x83: {  	_ =	shalt  }
0x84: {  	_ =	shalt  }
0x85: {  	_ =	shalt  }
0x86: {  	_ =	shalt  }
0x87: {  	_ =	shalt  }
.Lfunc_end0:
.L_simem_size_0:
called_computation.2_lowered:
.L_overlay_start_0:
0x88: {  	s2 =	sld [smem:$0x3FD9]  }
0x89: {  	s3 =	sld [smem:$0x3FFE];
	_ =	sdelay $0x1  }
0x8a: {  	s1 =	srdreg.scid  }
0x8b: {  	s0 =	sand.u32 $0x1, s1  }
0x8c: {  	s16 =	sshll.u32 s0, $0xA;
	s2 =	sadd.s32 s3, s2  }
0x8d: {  	s2 =	sadd.s32 s2, s16  }
0x8e: {  	[smem:$0x3F83] =	sst s2  }
0x8f: {  	_ = 	snop  }
0x90: {  	(tm) =	ssettm $0x1  }
0x91: {  	s17 =	sld [smem:$0x3FFB];
	_ =	sdelay $0x3  }
0x92: {  	_ =	strace s17  }
0x93: {  	s2 =	sld [smem:$0x3FFC];
	_ =	sdelay $0x3  }
0x94: {  	_ =	strace s2  }
0x95: {  	s2 =	sld [smem:$0x3FFD];
	_ =	sdelay $0x3  }
0x96: {  	_ =	strace s2  }
0x97: {  	_ =	strace $0x8FFFFFFF  }
0x98: {  	s18 =	sld [smem:$0x3FDB];
	_ =	sdelay $0x1  }
0x99: {  	s19 =	simm.s32 $_scs_section_size  }
0x9a: {  	s4 =	simm.s32 $_size__tile_overlayer_lowered;
	s5 =	simm.s32 $_tile_overlayer_lowered  }
0x9b: {  	s22 =	simm.s32 $0x1BFF;
	s21 =	sshll.u32 s5, $0x1;
	s2 =	sadd.s32 s19, s18  }
0x9c: {  	s6 =	simm.s32 $0x0;
	s20 =	sshll.u32 s4, $0x1;
	s4 =	sadd.s32 s21, s2  }
0x9d: {  	[timem:s6], [sflag:s22] =	dma.local [hbm:s4], s20  }
0x9e: {  	_ =	swait.ge [sflag:s22], s20  }
0x9f: {  	s3 =	ssub.s32 $0x0, s20;
	[sflag:s22] =	ssyncset.done $0x0  }
0xa0: {  	[sflag:s22] =	ssyncadd.s32 s3;
	_ =	sdelay $0x1  }
0xa1: {  	s23 =	simm.s32 $0x1B8B  }
0xa2: {  	_ =	swait.ge [sflag:s23], $0x1  }
0xa3: {  	[sflag:s23] =	ssyncset.done $0x0  }
0xa4: {  	s25 =	simm.s32 $0x1B8E;
	s24 =	sld [smem:$0x3FFE];
	[sflag:s23] =	ssyncadd.s32 $0xFFFFFFFF  }
0xa5: {  	s26 =	simm.s32 $execute0_lowered;
	[smem:$0x3FD2] =	sst s25  }
0xa6: {  	s4 =	sshll.u32 s26, $0x1;
	_ =	strace $0x8000004C;
	[dreg:$0x1] =	wrdreg $0xFFFFFFFF  }
0xa7: {  	s28 =	simm.s32 $_size_execute0_lowered;
	s2 =	sadd.s32 s2, s4;
	[dreg:$0x0] =	wrdreg $0x0  }
0xa8: {  	s4 =	sshll.u32 s28, $0x1;
	[dreg:$0x2] =	wrdreg s2  }
0xa9: {  	[dreg:$0x3] =	wrdreg s4  }
0xaa: {  	[dreg:$0x4] =	wrdreg $0xC0  }
0xab: {  	_ =	task [dreg:s6], $0x5FFFF  }
0xac: {  	[dreg:$0x1] =	wrdreg $0xFFFFFFFF  }
0xad: {  	[dreg:$0x0] =	wrdreg $0x60  }
0xae: {  	[dreg:$0x2] =	wrdreg s24  }
0xaf: {  	[dreg:$0x3] =	wrdreg $0x9  }
0xb0: {  	_ =	task.clear_ibuf [dreg:s6], $0x4FFFF;
	_ =	strace $0x9000004C  }
0xb1: {  	s29 =	simm.s32 $0x9;
	_ =	strace $0x8000004E  }
0xb2: {  	_ =	swait.ge [sflag:s29], $0x1  }
0xb3: {  	[sflag:s29] =	ssyncadd.s32 $0xFFFFFFFF  }
0xb4: {  	_ =	strace $0x9000004E  }
0xb5: {  	_ =	sfence  }
0xb6: {  	s30 =	sld [smem:$0x0];
	_ =	sdelay $0x2  }
0xb7: {  	s31 =	sshll.u32 s1, $0xD;
	s1 =	sshrl.u32 s1, $0x2  }
0xb8: {  	s3 =	sand.u32 $0x4000, s31;
	s1 =	sadd.s32 s1, s30  }
0xb9: {  	s0 =	sor.u32 s3, s0;
	s1 =	sshll.u32 s1, $0x11  }
0xba: {  	s0 =	sor.u32 s1, s0  }
0xbb: {  	s0 =	sadd.s32 $0x8F2B, s0  }
0xbc: {  	[sflag:s0] =	ssyncadd.remote.s32 $0x1  }
0xbd: {  	_ =	sfence.sel $0xFFFF  }
0xbe: {  	[dreg:$0x0] =	wrdreg $0xFFFFFFFF;
	(pc) =	sbr.abs _section_cstart, $3  }
0xbf: {  	[dreg:$0x1] =	wrdreg $0xFFFFFFFF  }
0xc0: {  	_ =	task.clear_ibuf [dreg:s6], $0x2FFFF;
	_ =	strace $0x9FFFFFFF  }
0xc1: {  	(tm) =	ssettm $0x7FFFFFFF  }
tec
execute0_lowered:
.L_overlay_start_1:
0x0: {  	(tag) =	ssettag $0x1  }
0x1: {  	s0 =	rddreg [dreg:$0x0];
	s2 =	simm.s32 $0x0;
	s1 =	srdreg.scid  }
0x2: {  	s9 =	stileid.u32;
	s15 =	simm.s32 $0x9;
	s16 =	simm.s32 $0x80  }
0x3: {  	s17 =	simm.s32 $0x1400;
	s18 =	simm.s32 $0x3400;
	s20 =	simm.s32 $0x5400  }
0x4: {  	s21 =	simm.s32 $0x180;
	s22 =	simm.s32 $0x7400;
	s28 =	simm.s32 $0x5  }
0x5: {  	s29 =	simm.s32 $0x6;
	s30 =	simm.s32 $0x7;
	s31 =	simm.s32 $0x8  }
0x6: {  	[smem:$0x7FF] =	sst s2;
	s1 =	sand.u32 $0x1, s1;
	s6 =	smul.u32 $0x280, s9  }
0x7: {  	s3 =	sadd.s32 $0x33200, s0;
	s10 =	sadd.s32 $0x5A800, s0;
	s8 =	smul.u32 $0x28, s9  }
0x8: {  	s4 =	sadd.s32 $0x127E00, s0;
	_ =	strace $0x8000004D;
	s5 =	ssub.s32 $0x2, s1  }
0x9: {  	p0 =	seq.s32 s1, $0x1;
	s7 =	sshrl.u32 s5, $0x1;
	s23 =	sadd.s32 s10, s6  }
0xa: {  	s6 =	smul.u32 $0xA000, s9;
	s24 =	sadd.s32 $0x280, s8;
	s8 =	sadd.s32 $0x128600, s0  }
0xb: {  	s9 =	sadd.s32 $0x128A00, s0;
	s5 =	ssub.s32 s5, s7;
	[dreg:$0x2] =	wrdreg s23  }
.Ltmp0:
0xc: {  	s7 =	sadd.s32 $0x128200, s0;
	s11 =	sshll.u32 s24, $0x4;
	(pc) =	sbr.rel .LBB2_1-.Ltmp0, $4  }
0xd: {  	s23 =	simm.s32 $0x1;
	s0 =	simm.s32 $0x0;
	s25 =	sadd.s32 s10, s11  }
0xe: {  	s26 =	sadd.s32 s6, s4;
	s11 =	sshll.u32 s24, $0xA;
	s12 =	smax.u32 s5, $0x1  }
0xf: {  	s24 =	simm.s32 $0x2;
	[dreg:$0x3] =	wrdreg s25;
	s13 =	sadd.s32 $0xC00, s26  }
0x10: {  	s14 =	sadd.s32 $0xA0C00, s26;
	s25 =	simm.s32 $0x3;
	s26 =	simm.s32 $0x4  }
.LBB2_7:
0x11: {  	[tilespmem:s22], [sflag:$0x4] =	stream.indirect.gather [hbm4b:s3+s16], $0x40, s19, s16, $0xb8;
	[tilespmem:$0x9400] =	vst v63  }
0x12: {  	s1 =	smov.u32 s11  }
.LBB2_8:
0x13: {  	_ =	swait.ge [sflag:s23], $0x2000  }
0x14: {  	s1 =	sadd.s32 $0x9000, s1;
	[sflag:s23] =	ssyncset.done $0x0  }
0x15: {  	s5 =	sadd.s32 s4, s1;
	[sflag:s23] =	ssyncadd.s32 $0xFFFFE000  }
0x16: {  	[hbm4b:s5+s2] =	stream.linear.scatter [tilespmem:s17], [sflag:$0x5], $0x2000, $0x38;
	[tilespmem:$0x9400] =	vst v63  }
0x17: {  	_ =	swait.ge [sflag:s24], $0x2000  }
0x18: {  	[sflag:s24] =	ssyncset.done $0x0  }
0x19: {  	s10 =	sadd.s32 s1, s7;
	[sflag:s24] =	ssyncadd.s32 $0xFFFFE000  }
0x1a: {  	[hbm4b:s10+s2] =	stream.linear.scatter [tilespmem:s18], [sflag:$0x6], $0x2000, $0x38;
	[tilespmem:$0x9400] =	vst v63  }
0x1b: {  	_ =	swait.ge [sflag:s25], $0x2000  }
0x1c: {  	[sflag:s25] =	ssyncset.done $0x0  }
0x1d: {  	s19 =	sadd.s32 s1, s8;
	[sflag:s25] =	ssyncadd.s32 $0xFFFFE000  }
0x1e: {  	[hbm4b:s19+s2] =	stream.linear.scatter [tilespmem:s20], [sflag:$0x7], $0x2000, $0x38;
	[tilespmem:$0x9400] =	vst v63  }
0x1f: {  	_ =	swait.ge [sflag:s26], $0x2000  }
0x20: {  	[sflag:s26] =	ssyncset.done $0x0  }
0x21: {  	s1 =	sadd.s32 s1, s9;
	[sflag:s26] =	ssyncadd.s32 $0xFFFFE000  }
0x22: {  	[hbm4b:s1+s2] =	stream.linear.scatter [tilespmem:s22], [sflag:$0x8], $0x2000, $0x38;
	[tilespmem:$0x9400] =	vst v63  }
0x23: {  	_ =	swait.ge [sflag:s28], $0x2000  }
0x24: {  	[sflag:s28] =	ssyncset.done $0x0  }
0x25: {  	[sflag:s28] =	ssyncadd.s32 $0xFFFFE000  }
0x26: {  	_ =	swait.ge [sflag:s29], $0x2000  }
0x27: {  	[sflag:s29] =	ssyncset.done $0x0  }
0x28: {  	s0 =	sadd.s32 $0x1, s0;
	[sflag:s29] =	ssyncadd.s32 $0xFFFFE000  }
0x29: {  	p1 =	sne.s32 s0, s12;
	_ =	swait.ge [sflag:s30], $0x2000  }
.Ltmp1:
0x2a: {  	[sflag:s30] =	ssyncset.done $0x0;
	(pc) =	sbr.rel @!p1 .LBB2_9-.Ltmp1, $4  }
0x2b: {  	[sflag:s30] =	ssyncadd.s32 $0xFFFFE000  }
0x2c: {  	_ =	swait.ge [sflag:s31], $0x2000  }
0x2d: {  	[sflag:s31] =	ssyncset.done $0x0  }
0x2e: {  	[sflag:s31] =	ssyncadd.s32 $0xFFFFE000  }
.LBB2_1:
.Ltmp2:
0x2f: {  	(pc) =	sbr.rel @!p0 .LBB2_2-.Ltmp2, $2  }
0x30: {  	_ =	sdelay $0x2  }
0x31: {  	s1 =	simm.s32 $0x0  }
0x32: {  	s5 =	rddreg [dreg:$0x3]  }
0x33: {  	[tilespmem:s1], [sflag:$0x9] =	stream.linear.gather [hbm4b:s5+s1], $0x1400, $0x38;
	[tilespmem:$0x9400] =	vst v63  }
0x34: {  	_ =	swait.ge [sflag:s15], $0x1400  }
0x35: {  	[sflag:s15] =	ssyncset.done $0x0  }
0x36: {  	[sflag:s15] =	ssyncadd.s32 $0xFFFFEC00  }
0x37: {  	[tilespmem:s17], [sflag:$0x1] =	stream.indirect.gather [hbm4b:s3+s16], $0x40, s1, s16, $0xb8;
	[tilespmem:$0x9400] =	vst v63  }
0x38: {  	_ = 	snop  }
0x39: {  	[tilespmem:s18], [sflag:$0x2] =	stream.indirect.gather [hbm4b:s3+s16], $0x40, s16, s16, $0xb8;
	[tilespmem:$0x9400] =	vst v63  }
0x3a: {  	s19 =	simm.s32 $0x100  }
0x3b: {  	[tilespmem:s20], [sflag:$0x3] =	stream.indirect.gather [hbm4b:s3+s16], $0x40, s19, s16, $0xb8;
	[tilespmem:$0x9400] =	vst v63  }
0x3c: {  	_ = 	snop  }
0x3d: {  	[tilespmem:s22], [sflag:$0x4] =	stream.indirect.gather [hbm4b:s3+s16], $0x40, s21, s16, $0xb8;
	[tilespmem:$0x9400] =	vst v63  }
0x3e: {  	_ =	swait.ge [sflag:s23], $0x2000  }
0x3f: {  	[sflag:s23] =	ssyncset.done $0x0  }
0x40: {  	s5 =	sadd.s32 $0xFFFFF400, s14;
	[sflag:s23] =	ssyncadd.s32 $0xFFFFE000  }
0x41: {  	[hbm4b:s5+s2] =	stream.linear.scatter [tilespmem:s17], [sflag:$0x5], $0x2000, $0x38;
	[tilespmem:$0x9400] =	vst v63  }
0x42: {  	_ =	swait.ge [sflag:s24], $0x2000  }
0x43: {  	[sflag:s24] =	ssyncset.done $0x0  }
0x44: {  	s10 =	sadd.s32 $0xFFFFF800, s14;
	[sflag:s24] =	ssyncadd.s32 $0xFFFFE000  }
0x45: {  	[hbm4b:s10+s2] =	stream.linear.scatter [tilespmem:s18], [sflag:$0x6], $0x2000, $0x38;
	[tilespmem:$0x9400] =	vst v63  }
0x46: {  	_ =	swait.ge [sflag:s25], $0x2000  }
0x47: {  	[sflag:s25] =	ssyncset.done $0x0  }
0x48: {  	s19 =	sadd.s32 $0xFFFFFC00, s14;
	[sflag:s25] =	ssyncadd.s32 $0xFFFFE000  }
0x49: {  	[hbm4b:s19+s2] =	stream.linear.scatter [tilespmem:s20], [sflag:$0x7], $0x2000, $0x38;
	[tilespmem:$0x9400] =	vst v63  }
0x4a: {  	_ =	swait.ge [sflag:s26], $0x2000  }
0x4b: {  	[sflag:s26] =	ssyncset.done $0x0  }
0x4c: {  	[sflag:s26] =	ssyncadd.s32 $0xFFFFE000  }
0x4d: {  	[hbm4b:s14+s2] =	stream.linear.scatter [tilespmem:s22], [sflag:$0x8], $0x2000, $0x38;
	[tilespmem:$0x9400] =	vst v63  }
0x4e: {  	_ =	swait.ge [sflag:s28], $0x2000  }
0x4f: {  	[sflag:s28] =	ssyncset.done $0x0  }
0x50: {  	s5 =	simm.s32 $0x200;
	[sflag:s28] =	ssyncadd.s32 $0xFFFFE000  }
0x51: {  	[tilespmem:s17], [sflag:$0x1] =	stream.indirect.gather [hbm4b:s3+s16], $0x40, s5, s16, $0xb8;
	[tilespmem:$0x9400] =	vst v63  }
0x52: {  	_ =	swait.ge [sflag:s29], $0x2000  }
0x53: {  	[sflag:s29] =	ssyncset.done $0x0  }
0x54: {  	s10 =	simm.s32 $0x280;
	[sflag:s29] =	ssyncadd.s32 $0xFFFFE000  }
0x55: {  	[tilespmem:s18], [sflag:$0x2] =	stream.indirect.gather [hbm4b:s3+s16], $0x40, s10, s16, $0xb8;
	[tilespmem:$0x9400] =	vst v63  }
0x56: {  	_ =	swait.ge [sflag:s30], $0x2000  }
0x57: {  	[sflag:s30] =	ssyncset.done $0x0  }
0x58: {  	s19 =	simm.s32 $0x300;
	[sflag:s30] =	ssyncadd.s32 $0xFFFFE000  }
0x59: {  	[tilespmem:s20], [sflag:$0x3] =	stream.indirect.gather [hbm4b:s3+s16], $0x40, s19, s16, $0xb8;
	[tilespmem:$0x9400] =	vst v63  }
0x5a: {  	_ =	swait.ge [sflag:s31], $0x2000  }
0x5b: {  	s1 =	simm.s32 $0x800;
	[sflag:s31] =	ssyncset.done $0x0  }
0x5c: {  	s5 =	sadd.s32 $0x1000, s14;
	s19 =	simm.s32 $0x380;
	[sflag:s31] =	ssyncadd.s32 $0xFFFFE000  }
.LBB2_6:
0x5d: {  	[tilespmem:s22], [sflag:$0x4] =	stream.indirect.gather [hbm4b:s3+s16], $0x40, s19, s16, $0xb8;
	[tilespmem:$0x9400] =	vst v63  }
0x5e: {  	s10 =	smov.u32 s1  }
0x5f: {  	p1 =	sne.s32 s1, $0x4000;
	s1 =	sadd.s32 $0x800, s1;
	_ =	swait.ge [sflag:s23], $0x2000  }
0x60: {  	[sflag:s23] =	ssyncset.done $0x0  }
0x61: {  	s19 =	sadd.s32 $0xFFFFF400, s5;
	[sflag:s23] =	ssyncadd.s32 $0xFFFFE000  }
0x62: {  	[hbm4b:s19+s2] =	stream.linear.scatter [tilespmem:s17], [sflag:$0x5], $0x2000, $0x38;
	[tilespmem:$0x9400] =	vst v63  }
0x63: {  	_ =	swait.ge [sflag:s24], $0x2000  }
0x64: {  	[sflag:s24] =	ssyncset.done $0x0  }
0x65: {  	s19 =	sadd.s32 $0xFFFFF800, s5;
	[sflag:s24] =	ssyncadd.s32 $0xFFFFE000  }
0x66: {  	[hbm4b:s19+s2] =	stream.linear.scatter [tilespmem:s18], [sflag:$0x6], $0x2000, $0x38;
	[tilespmem:$0x9400] =	vst v63  }
0x67: {  	_ =	swait.ge [sflag:s25], $0x2000  }
0x68: {  	[sflag:s25] =	ssyncset.done $0x0  }
0x69: {  	s19 =	sadd.s32 $0xFFFFFC00, s5;
	[sflag:s25] =	ssyncadd.s32 $0xFFFFE000  }
0x6a: {  	[hbm4b:s19+s2] =	stream.linear.scatter [tilespmem:s20], [sflag:$0x7], $0x2000, $0x38;
	[tilespmem:$0x9400] =	vst v63  }
0x6b: {  	_ =	swait.ge [sflag:s26], $0x2000  }
0x6c: {  	[sflag:s26] =	ssyncset.done $0x0  }
0x6d: {  	[sflag:s26] =	ssyncadd.s32 $0xFFFFE000  }
0x6e: {  	[hbm4b:s5+s2] =	stream.linear.scatter [tilespmem:s22], [sflag:$0x8], $0x2000, $0x38;
	[tilespmem:$0x9400] =	vst v63  }
0x6f: {  	_ =	swait.ge [sflag:s28], $0x2000  }
0x70: {  	s10 =	sshra.s32 s10, $0x2;
	[sflag:s28] =	ssyncset.done $0x0  }
0x71: {  	s19 =	sadd.s32 $0x200, s10;
	[sflag:s28] =	ssyncadd.s32 $0xFFFFE000  }
0x72: {  	[tilespmem:s17], [sflag:$0x1] =	stream.indirect.gather [hbm4b:s3+s16], $0x40, s19, s16, $0xb8;
	[tilespmem:$0x9400] =	vst v63  }
0x73: {  	_ =	swait.ge [sflag:s29], $0x2000  }
0x74: {  	[sflag:s29] =	ssyncset.done $0x0  }
0x75: {  	s19 =	sadd.s32 $0x280, s10;
	[sflag:s29] =	ssyncadd.s32 $0xFFFFE000  }
0x76: {  	[tilespmem:s18], [sflag:$0x2] =	stream.indirect.gather [hbm4b:s3+s16], $0x40, s19, s16, $0xb8;
	[tilespmem:$0x9400] =	vst v63  }
0x77: {  	_ =	swait.ge [sflag:s30], $0x2000  }
0x78: {  	[sflag:s30] =	ssyncset.done $0x0  }
.Ltmp3:
0x79: {  	s19 =	sadd.s32 $0x300, s10;
	[sflag:s30] =	ssyncadd.s32 $0xFFFFE000;
	(pc) =	sbr.rel @p1 .LBB2_6-.Ltmp3, $4  }
0x7a: {  	[tilespmem:s20], [sflag:$0x3] =	stream.indirect.gather [hbm4b:s3+s16], $0x40, s19, s16, $0xb8;
	[tilespmem:$0x9400] =	vst v63  }
0x7b: {  	_ =	swait.ge [sflag:s31], $0x2000  }
0x7c: {  	[sflag:s31] =	ssyncset.done $0x0  }
0x7d: {  	s5 =	sadd.s32 $0x1000, s5;
	s19 =	sadd.s32 $0x380, s10;
	[sflag:s31] =	ssyncadd.s32 $0xFFFFE000  }
.Ltmp4:
0x7e: {  	_ = 	snop;
	(pc) =	sbr.rel .LBB2_7-.Ltmp4, $1  }
0x7f: {  	_ =	sdelay $0x3  }
.LBB2_2:
0x80: {  	s5 =	rddreg [dreg:$0x2]  }
0x81: {  	[tilespmem:s1], [sflag:$0x9] =	stream.linear.gather [hbm4b:s5+s1], $0x1400, $0x38;
	[tilespmem:$0x9400] =	vst v63  }
0x82: {  	_ =	swait.ge [sflag:s15], $0x1400  }
0x83: {  	[sflag:s15] =	ssyncset.done $0x0  }
0x84: {  	[sflag:s15] =	ssyncadd.s32 $0xFFFFEC00  }
0x85: {  	[tilespmem:s17], [sflag:$0x1] =	stream.indirect.gather [hbm4b:s3+s16], $0x40, s1, s16, $0xb8;
	[tilespmem:$0x9400] =	vst v63  }
0x86: {  	_ = 	snop  }
0x87: {  	[tilespmem:s18], [sflag:$0x2] =	stream.indirect.gather [hbm4b:s3+s16], $0x40, s16, s16, $0xb8;
	[tilespmem:$0x9400] =	vst v63  }
0x88: {  	s19 =	simm.s32 $0x100  }
0x89: {  	[tilespmem:s20], [sflag:$0x3] =	stream.indirect.gather [hbm4b:s3+s16], $0x40, s19, s16, $0xb8;
	[tilespmem:$0x9400] =	vst v63  }
0x8a: {  	_ = 	snop  }
0x8b: {  	[tilespmem:s22], [sflag:$0x4] =	stream.indirect.gather [hbm4b:s3+s16], $0x40, s21, s16, $0xb8;
	[tilespmem:$0x9400] =	vst v63  }
0x8c: {  	_ =	swait.ge [sflag:s23], $0x2000  }
0x8d: {  	[sflag:s23] =	ssyncset.done $0x0  }
0x8e: {  	s5 =	sadd.s32 $0xFFFFF400, s13;
	[sflag:s23] =	ssyncadd.s32 $0xFFFFE000  }
0x8f: {  	[hbm4b:s5+s2] =	stream.linear.scatter [tilespmem:s17], [sflag:$0x5], $0x2000, $0x38;
	[tilespmem:$0x9400] =	vst v63  }
0x90: {  	_ =	swait.ge [sflag:s24], $0x2000  }
0x91: {  	[sflag:s24] =	ssyncset.done $0x0  }
0x92: {  	s10 =	sadd.s32 $0xFFFFF800, s13;
	[sflag:s24] =	ssyncadd.s32 $0xFFFFE000  }
0x93: {  	[hbm4b:s10+s2] =	stream.linear.scatter [tilespmem:s18], [sflag:$0x6], $0x2000, $0x38;
	[tilespmem:$0x9400] =	vst v63  }
0x94: {  	_ =	swait.ge [sflag:s25], $0x2000  }
0x95: {  	[sflag:s25] =	ssyncset.done $0x0  }
0x96: {  	s19 =	sadd.s32 $0xFFFFFC00, s13;
	[sflag:s25] =	ssyncadd.s32 $0xFFFFE000  }
0x97: {  	[hbm4b:s19+s2] =	stream.linear.scatter [tilespmem:s20], [sflag:$0x7], $0x2000, $0x38;
	[tilespmem:$0x9400] =	vst v63  }
0x98: {  	_ =	swait.ge [sflag:s26], $0x2000  }
0x99: {  	[sflag:s26] =	ssyncset.done $0x0  }
0x9a: {  	[sflag:s26] =	ssyncadd.s32 $0xFFFFE000  }
0x9b: {  	[hbm4b:s13+s2] =	stream.linear.scatter [tilespmem:s22], [sflag:$0x8], $0x2000, $0x38;
	[tilespmem:$0x9400] =	vst v63  }
0x9c: {  	_ =	swait.ge [sflag:s28], $0x2000  }
0x9d: {  	[sflag:s28] =	ssyncset.done $0x0  }
0x9e: {  	s5 =	simm.s32 $0x200;
	[sflag:s28] =	ssyncadd.s32 $0xFFFFE000  }
0x9f: {  	[tilespmem:s17], [sflag:$0x1] =	stream.indirect.gather [hbm4b:s3+s16], $0x40, s5, s16, $0xb8;
	[tilespmem:$0x9400] =	vst v63  }
0xa0: {  	_ =	swait.ge [sflag:s29], $0x2000  }
0xa1: {  	[sflag:s29] =	ssyncset.done $0x0  }
0xa2: {  	s10 =	simm.s32 $0x280;
	[sflag:s29] =	ssyncadd.s32 $0xFFFFE000  }
0xa3: {  	[tilespmem:s18], [sflag:$0x2] =	stream.indirect.gather [hbm4b:s3+s16], $0x40, s10, s16, $0xb8;
	[tilespmem:$0x9400] =	vst v63  }
0xa4: {  	_ =	swait.ge [sflag:s30], $0x2000  }
0xa5: {  	[sflag:s30] =	ssyncset.done $0x0  }
0xa6: {  	s19 =	simm.s32 $0x300;
	[sflag:s30] =	ssyncadd.s32 $0xFFFFE000  }
0xa7: {  	[tilespmem:s20], [sflag:$0x3] =	stream.indirect.gather [hbm4b:s3+s16], $0x40, s19, s16, $0xb8;
	[tilespmem:$0x9400] =	vst v63  }
0xa8: {  	_ =	swait.ge [sflag:s31], $0x2000  }
0xa9: {  	s1 =	simm.s32 $0x800;
	[sflag:s31] =	ssyncset.done $0x0  }
0xaa: {  	s5 =	sadd.s32 $0x1000, s13;
	s19 =	simm.s32 $0x380;
	[sflag:s31] =	ssyncadd.s32 $0xFFFFE000  }
.LBB2_3:
0xab: {  	[tilespmem:s22], [sflag:$0x4] =	stream.indirect.gather [hbm4b:s3+s16], $0x40, s19, s16, $0xb8;
	[tilespmem:$0x9400] =	vst v63  }
0xac: {  	s19 =	smov.u32 s1  }
0xad: {  	p1 =	seq.s32 s1, $0x4000;
	s1 =	sadd.s32 $0x800, s1;
	_ =	swait.ge [sflag:s23], $0x2000  }
0xae: {  	[sflag:s23] =	ssyncset.done $0x0  }
0xaf: {  	s10 =	sadd.s32 $0xFFFFF400, s5;
	[sflag:s23] =	ssyncadd.s32 $0xFFFFE000  }
0xb0: {  	[hbm4b:s10+s2] =	stream.linear.scatter [tilespmem:s17], [sflag:$0x5], $0x2000, $0x38;
	[tilespmem:$0x9400] =	vst v63  }
0xb1: {  	_ =	swait.ge [sflag:s24], $0x2000  }
0xb2: {  	[sflag:s24] =	ssyncset.done $0x0  }
0xb3: {  	s10 =	sadd.s32 $0xFFFFF800, s5;
	[sflag:s24] =	ssyncadd.s32 $0xFFFFE000  }
0xb4: {  	[hbm4b:s10+s2] =	stream.linear.scatter [tilespmem:s18], [sflag:$0x6], $0x2000, $0x38;
	[tilespmem:$0x9400] =	vst v63  }
0xb5: {  	_ =	swait.ge [sflag:s25], $0x2000  }
0xb6: {  	[sflag:s25] =	ssyncset.done $0x0  }
0xb7: {  	s10 =	sadd.s32 $0xFFFFFC00, s5;
	[sflag:s25] =	ssyncadd.s32 $0xFFFFE000  }
0xb8: {  	[hbm4b:s10+s2] =	stream.linear.scatter [tilespmem:s20], [sflag:$0x7], $0x2000, $0x38;
	[tilespmem:$0x9400] =	vst v63  }
0xb9: {  	_ =	swait.ge [sflag:s26], $0x2000  }
0xba: {  	[sflag:s26] =	ssyncset.done $0x0  }
0xbb: {  	[sflag:s26] =	ssyncadd.s32 $0xFFFFE000  }
0xbc: {  	[hbm4b:s5+s2] =	stream.linear.scatter [tilespmem:s22], [sflag:$0x8], $0x2000, $0x38;
	[tilespmem:$0x9400] =	vst v63  }
0xbd: {  	_ =	swait.ge [sflag:s28], $0x2000  }
0xbe: {  	s10 =	sshra.s32 s19, $0x2;
	[sflag:s28] =	ssyncset.done $0x0  }
0xbf: {  	s19 =	sadd.s32 $0x200, s10;
	[sflag:s28] =	ssyncadd.s32 $0xFFFFE000  }
0xc0: {  	[tilespmem:s17], [sflag:$0x1] =	stream.indirect.gather [hbm4b:s3+s16], $0x40, s19, s16, $0xb8;
	[tilespmem:$0x9400] =	vst v63  }
0xc1: {  	_ =	swait.ge [sflag:s29], $0x2000  }
0xc2: {  	[sflag:s29] =	ssyncset.done $0x0  }
0xc3: {  	s19 =	sadd.s32 $0x280, s10;
	[sflag:s29] =	ssyncadd.s32 $0xFFFFE000  }
0xc4: {  	[tilespmem:s18], [sflag:$0x2] =	stream.indirect.gather [hbm4b:s3+s16], $0x40, s19, s16, $0xb8;
	[tilespmem:$0x9400] =	vst v63  }
0xc5: {  	_ =	swait.ge [sflag:s30], $0x2000  }
0xc6: {  	[sflag:s30] =	ssyncset.done $0x0  }
.Ltmp5:
0xc7: {  	s19 =	sadd.s32 $0x300, s10;
	[sflag:s30] =	ssyncadd.s32 $0xFFFFE000;
	(pc) =	sbr.rel @!p1 .LBB2_3-.Ltmp5, $4  }
0xc8: {  	[tilespmem:s20], [sflag:$0x3] =	stream.indirect.gather [hbm4b:s3+s16], $0x40, s19, s16, $0xb8;
	[tilespmem:$0x9400] =	vst v63  }
0xc9: {  	_ =	swait.ge [sflag:s31], $0x2000  }
0xca: {  	[sflag:s31] =	ssyncset.done $0x0  }
0xcb: {  	s5 =	sadd.s32 $0x1000, s5;
	s19 =	sadd.s32 $0x380, s10;
	[sflag:s31] =	ssyncadd.s32 $0xFFFFE000  }
.Ltmp6:
0xcc: {  	(pc) =	sbr.rel .LBB2_8-.Ltmp6, $3  }
0xcd: {  	_ =	sdelay $0x1  }
0xce: {  	[tilespmem:s22], [sflag:$0x4] =	stream.indirect.gather [hbm4b:s3+s16], $0x40, s19, s16, $0xb8;
	[tilespmem:$0x9400] =	vst v63  }
0xcf: {  	s1 =	smov.u32 s6  }
.LBB2_9:
0xd0: {  	_ =	sfence.sel $0x180000  }
0xd1: {  	[bflag:$0x0] =	sbarrier.arrive $0xFFFF  }
0xd2: {  	_ =	strace $0x9000004D  }
0xd3: {  	s0 =	stileid.u32;
	[bflag:$0x2] =	sbarrier.arrive $0xFFFF  }
0xd4: {  	p0 =	sne.s32 s0, $0x0;
	s0 =	rddreg [dreg:$0x1]  }
0xd5: {  	s0 =	sadd.s32 @!p0 $0x100000, s0  }
0xd6: {  	[sflag:s0] =	ssyncadd.tile.s32 @!p0 $0x1;
	_ =	shalt  }
.Lfunc_end2:
_tile_overlayer_lowered:
.L_overlay_start_2:
0xd7: {  	(tag) =	ssettag $0x2  }
0xd8: {  	s0 =	rddreg [dreg:$0x0];
	s2 =	stileid.u32  }
0xd9: {  	s1 =	rddreg [dreg:$0x1];
	p0 =	sne.s32 s2, $0x0  }
0xda: {  	s3 =	rddreg [dreg:$0x2];
	[bflag:$0x3] =	sbarrier.arrive $0xFFFF;
	s2 =	simm.s32 @!p0 $0x1C09  }
0xdb: {  	[timem:s3], [sflag:s2] =	dma.local @!p0 [hbm:s0], s1  }
0xdc: {  	s0 =	simm.s32 @!p0 $0x9  }
0xdd: {  	_ =	swait.ge @!p0 [sflag:s0], s1  }
0xde: {  	s1 =	ssub.s32 @!p0 $0x0, s1;
	[sflag:s0] =	ssyncset.done @!p0 $0x0  }
0xdf: {  	[sflag:s0] =	ssyncadd.s32 @!p0 s1  }
0xe0: {  	[bflag:$0x3] =	sbarrier.arrive $0xFFFF  }
0xe1: {  	_ =	shalt  }

// kernel: kernel.24.cloned.1.call-start
scs
__scs_entry_jumppad:
0x0: {  	(pc) =	sbr.rel $0x88, $3  }
0x1: {  	(tag) =	ssettag $0x0;
	lr =	simm.s32 $0x1  }
0x2: {  	[smem:$0x3F5C] =	sst lr;
	_ =	strace $0xD0000000  }
0x3: {  	_ = 	snop  }
0x4: {  	_ = 	snop  }
0x5: {  	_ = 	snop  }
0x6: {  	_ = 	snop  }
0x7: {  	_ = 	snop  }
__scs_overlays_trampoline_lowered:
0x8: {  	[smem:$0x3F6B] =	sst s0  }
0x9: {  	[smem:$0x3F6C] =	sst s1  }
0xa: {  	[smem:$0x3F6D] =	sst s2  }
0xb: {  	[smem:$0x3F6E] =	sst s3  }
0xc: {  	[smem:$0x3F6F] =	sst s4  }
0xd: {  	[smem:$0x3F70] =	sst s5  }
0xe: {  	[smem:$0x3F71] =	sst s6  }
0xf: {  	[smem:$0x3F72] =	sst s7  }
0x10: {  	[smem:$0x3F73] =	sst s8  }
0x11: {  	[smem:$0x3F74] =	sst s9;
	s0 =	simm.s32 @!p0 $0x0  }
0x12: {  	s1 =	sld [smem:$0x3F5A];
	s0 =	simm.s32 @p0 $0x1  }
0x13: {  	[smem:$0x3F75] =	sst s0;
	s0 =	simm.s32 @!p1 $0x0  }
0x14: {  	s2 =	sld [smem:$0x3F59];
	s0 =	simm.s32 @p1 $0x1  }
0x15: {  	[smem:$0x3F76] =	sst s0;
	s0 =	simm.s32 @!p2 $0x0  }
0x16: {  	s3 =	sld [smem:$0x3FDB];
	s0 =	simm.s32 @p2 $0x1  }
0x17: {  	s4 =	simm.s32 $0x1BF5;
	[smem:$0x3F78] =	sst s0  }
0x18: {  	s0 =	sld [smem:$0x3F5B];
	_ =	swait.ge [sflag:s4], $0x0  }
0x19: {  	s7 =	sld [smem:$0x3F5C]  }
0x1a: {  	s8 =	sadd.s32 $0xFFFFE003, lr  }
0x1b: {  	s9 =	sadd.s32 $0xFFFFFEF7, lr;
	s5 =	simm.s32 $0xFFFFFFFF;
	p2 =	slt.u32 s8, $0xFFFFF086  }
0x1c: {  	p1 =	slt.u32 s9, $0xF7A;
	s5 =	simm.s32 @!p2 $0x0  }
0x1d: {  	s5 =	simm.s32 @p1 $0x1;
	p0 =	seq.s32 s7, s2  }
0x1e: {  	s7 =	smul.u32 @!p0 $0xF7A, s2;
	p2 =	seq.s32 @!p0 s5, $0x0  }
0x1f: {  	s9 =	smul.u32 $0xF7A, s1;
	s8 =	simm.s32 @!p0 $0x1BF5;
	p2 =	por !p2, p0  }
0x20: {  	[sflag:s8] =	ssyncset.s32 @!p0 $0xFFFFF086;
	s6 =	sadd.s32 @!p0 s3, s7;
	s7 =	simm.s32 @!p0 $0x108  }
0x21: {  	s3 =	sadd.s32 s3, s9;
	s6 =	sadd.s32 @!p0 $0x88, s6;
	s7 =	simm.s32 @p2 $0x1082  }
0x22: {  	[simem:s7], [sflag:s8] =	dma.local @!p0 [hbm:s6], $0xF7A  }
0x23: {  	s9 =	sor.u32 $0xD0000000, s2;
	s6 =	simm.s32 $0x108;
	_ =	swait.ge @!p0 [sflag:s8], $0x0  }
0x24: {  	s3 =	sadd.s32 $0x88, s3;
	s6 =	simm.s32 @!p1 $0x1082;
	[sflag:s4] =	ssyncset.s32 $0xFFFFF086  }
0x25: {  	[simem:s6], [sflag:s4] =	dma.local [hbm:s3], $0xF7A  }
0x26: {  	[smem:$0x3F5C] =	sst s1;
	(tag) =	ssettag s2;
	_ =	strace s9  }
0x27: {  	s1 =	sld [smem:$0x3F6C]  }
0x28: {  	s2 =	sld [smem:$0x3F6D]  }
0x29: {  	s4 =	sld [smem:$0x3F6F]  }
0x2a: {  	p0 =	seq.s32 s5, $0x0;
	s5 =	sld [smem:$0x3F70]  }
0x2b: {  	s6 =	sld [smem:$0x3F71]  }
0x2c: {  	s7 =	sld [smem:$0x3F72]  }
0x2d: {  	s3 =	simm.s32 $0x108;
	s8 =	sld [smem:$0x3F73]  }
0x2e: {  	s3 =	simm.s32 @!p0 $0x1082;
	s9 =	sld [smem:$0x3F74]  }
0x2f: {  	lr =	sadd.s32 s0, s3;
	s0 =	sld [smem:$0x3F6B]  }
0x30: {  	s3 =	sld [smem:$0x3F6E]  }
0x31: {  	[smem:$0x3F77] =	sst s10  }
0x32: {  	s10 =	sld [smem:$0x3F75];
	_ =	sdelay $0x3  }
0x33: {  	p0 =	seq.s32 s10, $0x1;
	s10 =	sld [smem:$0x3F77];
	_ =	sdelay $0x3  }
0x34: {  	[smem:$0x3F77] =	sst s10  }
0x35: {  	s10 =	sld [smem:$0x3F76];
	_ =	sdelay $0x3  }
0x36: {  	p1 =	seq.s32 s10, $0x1;
	s10 =	sld [smem:$0x3F77];
	_ =	sdelay $0x3  }
0x37: {  	[smem:$0x3F77] =	sst s10  }
0x38: {  	s10 =	sld [smem:$0x3F78]  }
0x39: {  	_ = 	snop;
	(pc) =	sbr.ind lr, $3  }
0x3a: {  	_ = 	snop  }
0x3b: {  	_ = 	snop  }
0x3c: {  	p2 =	seq.s32 s10, $0x1;
	s10 =	sld [smem:$0x3F77]  }
0x3d: {  	_ =	shalt  }
0x3e: {  	_ =	shalt  }
0x3f: {  	_ =	shalt  }
0x40: {  	_ =	shalt  }
0x41: {  	_ =	shalt  }
0x42: {  	_ =	shalt  }
0x43: {  	_ =	shalt  }
0x44: {  	_ =	shalt  }
0x45: {  	_ =	shalt  }
0x46: {  	_ =	shalt  }
0x47: {  	_ =	shalt  }
0x48: {  	_ =	shalt  }
0x49: {  	_ =	shalt  }
0x4a: {  	_ =	shalt  }
0x4b: {  	_ =	shalt  }
0x4c: {  	_ =	shalt  }
0x4d: {  	_ =	shalt  }
0x4e: {  	_ =	shalt  }
0x4f: {  	_ =	shalt  }
0x50: {  	_ =	shalt  }
0x51: {  	_ =	shalt  }
0x52: {  	_ =	shalt  }
0x53: {  	_ =	shalt  }
0x54: {  	_ =	shalt  }
0x55: {  	_ =	shalt  }
0x56: {  	_ =	shalt  }
0x57: {  	_ =	shalt  }
0x58: {  	_ =	shalt  }
0x59: {  	_ =	shalt  }
0x5a: {  	_ =	shalt  }
0x5b: {  	_ =	shalt  }
0x5c: {  	_ =	shalt  }
0x5d: {  	_ =	shalt  }
0x5e: {  	_ =	shalt  }
0x5f: {  	_ =	shalt  }
0x60: {  	_ =	shalt  }
0x61: {  	_ =	shalt  }
0x62: {  	_ =	shalt  }
0x63: {  	_ =	shalt  }
0x64: {  	_ =	shalt  }
0x65: {  	_ =	shalt  }
0x66: {  	_ =	shalt  }
0x67: {  	_ =	shalt  }
0x68: {  	_ =	shalt  }
0x69: {  	_ =	shalt  }
0x6a: {  	_ =	shalt  }
0x6b: {  	_ =	shalt  }
0x6c: {  	_ =	shalt  }
0x6d: {  	_ =	shalt  }
0x6e: {  	_ =	shalt  }
0x6f: {  	_ =	shalt  }
0x70: {  	_ =	shalt  }
0x71: {  	_ =	shalt  }
0x72: {  	_ =	shalt  }
0x73: {  	_ =	shalt  }
0x74: {  	_ =	shalt  }
0x75: {  	_ =	shalt  }
0x76: {  	_ =	shalt  }
0x77: {  	_ =	shalt  }
0x78: {  	_ =	shalt  }
0x79: {  	_ =	shalt  }
0x7a: {  	_ =	shalt  }
0x7b: {  	_ =	shalt  }
0x7c: {  	_ =	shalt  }
0x7d: {  	_ =	shalt  }
0x7e: {  	_ =	shalt  }
0x7f: {  	_ =	shalt  }
0x80: {  	_ =	shalt  }
0x81: {  	_ =	shalt  }
0x82: {  	_ =	shalt  }
0x83: {  	_ =	shalt  }
0x84: {  	_ =	shalt  }
0x85: {  	_ =	shalt  }
0x86: {  	_ =	shalt  }
0x87: {  	_ =	shalt  }
.Lfunc_end0:
.L_simem_size_0:
called_computation.3_lowered:
.L_overlay_start_0:
0x88: {  	s2 =	sld [smem:$0x3FD9]  }
0x89: {  	s3 =	sld [smem:$0x3FFE];
	_ =	sdelay $0x1  }
0x8a: {  	s1 =	srdreg.scid  }
0x8b: {  	s0 =	sand.u32 $0x1, s1  }
0x8c: {  	s16 =	sshll.u32 s0, $0xA;
	s2 =	sadd.s32 s3, s2  }
0x8d: {  	s2 =	sadd.s32 s2, s16  }
0x8e: {  	[smem:$0x3F83] =	sst s2  }
0x8f: {  	_ = 	snop  }
0x90: {  	(tm) =	ssettm $0x1  }
0x91: {  	s17 =	sld [smem:$0x3FFB];
	_ =	sdelay $0x3  }
0x92: {  	_ =	strace s17  }
0x93: {  	s2 =	sld [smem:$0x3FFC];
	_ =	sdelay $0x3  }
0x94: {  	_ =	strace s2  }
0x95: {  	s2 =	sld [smem:$0x3FFD];
	_ =	sdelay $0x3  }
0x96: {  	_ =	strace s2  }
0x97: {  	_ =	strace $0x8FFFFFFF  }
0x98: {  	s18 =	sld [smem:$0x3FDB];
	_ =	sdelay $0x1  }
0x99: {  	s19 =	simm.s32 $_scs_section_size  }
0x9a: {  	s4 =	simm.s32 $_size__tile_overlayer_lowered;
	s5 =	simm.s32 $_tile_overlayer_lowered  }
0x9b: {  	s22 =	simm.s32 $0x1BFF;
	s21 =	sshll.u32 s5, $0x1;
	s2 =	sadd.s32 s19, s18  }
0x9c: {  	s6 =	simm.s32 $0x0;
	s20 =	sshll.u32 s4, $0x1;
	s4 =	sadd.s32 s21, s2  }
0x9d: {  	[timem:s6], [sflag:s22] =	dma.local [hbm:s4], s20  }
0x9e: {  	_ =	swait.ge [sflag:s22], s20  }
0x9f: {  	s3 =	ssub.s32 $0x0, s20;
	[sflag:s22] =	ssyncset.done $0x0  }
0xa0: {  	[sflag:s22] =	ssyncadd.s32 s3;
	_ =	sdelay $0x1  }
0xa1: {  	s23 =	simm.s32 $0x1B8B  }
0xa2: {  	_ =	swait.ge [sflag:s23], $0x1  }
0xa3: {  	[sflag:s23] =	ssyncset.done $0x0  }
0xa4: {  	s25 =	simm.s32 $0x1B8E;
	s24 =	sld [smem:$0x3FFE];
	[sflag:s23] =	ssyncadd.s32 $0xFFFFFFFF  }
0xa5: {  	s26 =	simm.s32 $execute0_lowered;
	[smem:$0x3FD2] =	sst s25  }
0xa6: {  	s4 =	sshll.u32 s26, $0x1;
	_ =	strace $0x8000004F;
	[dreg:$0x1] =	wrdreg $0xFFFFFFFF  }
0xa7: {  	s28 =	simm.s32 $_size_execute0_lowered;
	s2 =	sadd.s32 s2, s4;
	[dreg:$0x0] =	wrdreg $0x0  }
0xa8: {  	s4 =	sshll.u32 s28, $0x1;
	[dreg:$0x2] =	wrdreg s2  }
0xa9: {  	[dreg:$0x3] =	wrdreg s4  }
0xaa: {  	[dreg:$0x4] =	wrdreg $0xC0  }
0xab: {  	_ =	task [dreg:s6], $0x5FFFF  }
0xac: {  	[dreg:$0x1] =	wrdreg $0xFFFFFFFF  }
0xad: {  	[dreg:$0x0] =	wrdreg $0x60  }
0xae: {  	[dreg:$0x2] =	wrdreg s24  }
0xaf: {  	[dreg:$0x3] =	wrdreg $0x9  }
0xb0: {  	_ =	task.clear_ibuf [dreg:s6], $0x4FFFF;
	_ =	strace $0x9000004F  }
0xb1: {  	s29 =	simm.s32 $0x9;
	_ =	strace $0x80000051  }
0xb2: {  	_ =	swait.ge [sflag:s29], $0x1  }
0xb3: {  	[sflag:s29] =	ssyncadd.s32 $0xFFFFFFFF  }
0xb4: {  	_ =	strace $0x90000051  }
0xb5: {  	_ =	sfence  }
0xb6: {  	s30 =	sld [smem:$0x0];
	_ =	sdelay $0x2  }
0xb7: {  	s31 =	sshll.u32 s1, $0xD;
	s1 =	sshrl.u32 s1, $0x2  }
0xb8: {  	s3 =	sand.u32 $0x4000, s31;
	s1 =	sadd.s32 s1, s30  }
0xb9: {  	s0 =	sor.u32 s3, s0;
	s1 =	sshll.u32 s1, $0x11  }
0xba: {  	s0 =	sor.u32 s1, s0  }
0xbb: {  	s0 =	sadd.s32 $0x8F2B, s0  }
0xbc: {  	[sflag:s0] =	ssyncadd.remote.s32 $0x1  }
0xbd: {  	_ =	sfence.sel $0xFFFF  }
0xbe: {  	[dreg:$0x0] =	wrdreg $0xFFFFFFFF;
	(pc) =	sbr.abs _section_cstart, $3  }
0xbf: {  	[dreg:$0x1] =	wrdreg $0xFFFFFFFF  }
0xc0: {  	_ =	task.clear_ibuf [dreg:s6], $0x2FFFF;
	_ =	strace $0x9FFFFFFF  }
0xc1: {  	(tm) =	ssettm $0x7FFFFFFF  }
tec
execute0_lowered:
.L_overlay_start_1:
0x0: {  	(tag) =	ssettag $0x1  }
0x1: {  	s0 =	rddreg [dreg:$0x0];
	s2 =	simm.s32 $0x0;
	s1 =	srdreg.scid  }
0x2: {  	s9 =	stileid.u32;
	s15 =	simm.s32 $0x9;
	s16 =	simm.s32 $0x80  }
0x3: {  	s17 =	simm.s32 $0x1400;
	s18 =	simm.s32 $0x3400;
	s20 =	simm.s32 $0x5400  }
0x4: {  	s21 =	simm.s32 $0x180;
	s22 =	simm.s32 $0x7400;
	s28 =	simm.s32 $0x5  }
0x5: {  	s29 =	simm.s32 $0x6;
	s30 =	simm.s32 $0x7;
	s31 =	simm.s32 $0x8  }
0x6: {  	[smem:$0x7FF] =	sst s2;
	s1 =	sand.u32 $0x1, s1;
	s6 =	smul.u32 $0x280, s9  }
0x7: {  	s3 =	sadd.s32 $0x33200, s0;
	s10 =	sadd.s32 $0x5A800, s0;
	s8 =	smul.u32 $0x28, s9  }
0x8: {  	s4 =	sadd.s32 $0x1C4200, s0;
	_ =	strace $0x80000050;
	s5 =	ssub.s32 $0x2, s1  }
0x9: {  	p0 =	seq.s32 s1, $0x1;
	s7 =	sshrl.u32 s5, $0x1;
	s23 =	sadd.s32 s10, s6  }
0xa: {  	s6 =	smul.u32 $0xA000, s9;
	s24 =	sadd.s32 $0x280, s8;
	s8 =	sadd.s32 $0x1C4A00, s0  }
0xb: {  	s9 =	sadd.s32 $0x1C4E00, s0;
	s5 =	ssub.s32 s5, s7;
	[dreg:$0x2] =	wrdreg s23  }
.Ltmp0:
0xc: {  	s7 =	sadd.s32 $0x1C4600, s0;
	s11 =	sshll.u32 s24, $0x4;
	(pc) =	sbr.rel .LBB2_1-.Ltmp0, $4  }
0xd: {  	s23 =	simm.s32 $0x1;
	s0 =	simm.s32 $0x0;
	s25 =	sadd.s32 s10, s11  }
0xe: {  	s26 =	sadd.s32 s6, s4;
	s11 =	sshll.u32 s24, $0xA;
	s12 =	smax.u32 s5, $0x1  }
0xf: {  	s24 =	simm.s32 $0x2;
	[dreg:$0x3] =	wrdreg s25;
	s13 =	sadd.s32 $0xC00, s26  }
0x10: {  	s14 =	sadd.s32 $0xA0C00, s26;
	s25 =	simm.s32 $0x3;
	s26 =	simm.s32 $0x4  }
.LBB2_7:
0x11: {  	[tilespmem:s22], [sflag:$0x4] =	stream.indirect.gather [hbm4b:s3+s16], $0x40, s19, s16, $0xb8;
	[tilespmem:$0x9400] =	vst v63  }
0x12: {  	s1 =	smov.u32 s11  }
.LBB2_8:
0x13: {  	_ =	swait.ge [sflag:s23], $0x2000  }
0x14: {  	s1 =	sadd.s32 $0x9000, s1;
	[sflag:s23] =	ssyncset.done $0x0  }
0x15: {  	s5 =	sadd.s32 s4, s1;
	[sflag:s23] =	ssyncadd.s32 $0xFFFFE000  }
0x16: {  	[hbm4b:s5+s2] =	stream.linear.scatter [tilespmem:s17], [sflag:$0x5], $0x2000, $0x38;
	[tilespmem:$0x9400] =	vst v63  }
0x17: {  	_ =	swait.ge [sflag:s24], $0x2000  }
0x18: {  	[sflag:s24] =	ssyncset.done $0x0  }
0x19: {  	s10 =	sadd.s32 s1, s7;
	[sflag:s24] =	ssyncadd.s32 $0xFFFFE000  }
0x1a: {  	[hbm4b:s10+s2] =	stream.linear.scatter [tilespmem:s18], [sflag:$0x6], $0x2000, $0x38;
	[tilespmem:$0x9400] =	vst v63  }
0x1b: {  	_ =	swait.ge [sflag:s25], $0x2000  }
0x1c: {  	[sflag:s25] =	ssyncset.done $0x0  }
0x1d: {  	s19 =	sadd.s32 s1, s8;
	[sflag:s25] =	ssyncadd.s32 $0xFFFFE000  }
0x1e: {  	[hbm4b:s19+s2] =	stream.linear.scatter [tilespmem:s20], [sflag:$0x7], $0x2000, $0x38;
	[tilespmem:$0x9400] =	vst v63  }
0x1f: {  	_ =	swait.ge [sflag:s26], $0x2000  }
0x20: {  	[sflag:s26] =	ssyncset.done $0x0  }
0x21: {  	s1 =	sadd.s32 s1, s9;
	[sflag:s26] =	ssyncadd.s32 $0xFFFFE000  }
0x22: {  	[hbm4b:s1+s2] =	stream.linear.scatter [tilespmem:s22], [sflag:$0x8], $0x2000, $0x38;
	[tilespmem:$0x9400] =	vst v63  }
0x23: {  	_ =	swait.ge [sflag:s28], $0x2000  }
0x24: {  	[sflag:s28] =	ssyncset.done $0x0  }
0x25: {  	[sflag:s28] =	ssyncadd.s32 $0xFFFFE000  }
0x26: {  	_ =	swait.ge [sflag:s29], $0x2000  }
0x27: {  	[sflag:s29] =	ssyncset.done $0x0  }
0x28: {  	s0 =	sadd.s32 $0x1, s0;
	[sflag:s29] =	ssyncadd.s32 $0xFFFFE000  }
0x29: {  	p1 =	sne.s32 s0, s12;
	_ =	swait.ge [sflag:s30], $0x2000  }
.Ltmp1:
0x2a: {  	[sflag:s30] =	ssyncset.done $0x0;
	(pc) =	sbr.rel @!p1 .LBB2_9-.Ltmp1, $4  }
0x2b: {  	[sflag:s30] =	ssyncadd.s32 $0xFFFFE000  }
0x2c: {  	_ =	swait.ge [sflag:s31], $0x2000  }
0x2d: {  	[sflag:s31] =	ssyncset.done $0x0  }
0x2e: {  	[sflag:s31] =	ssyncadd.s32 $0xFFFFE000  }
.LBB2_1:
.Ltmp2:
0x2f: {  	(pc) =	sbr.rel @!p0 .LBB2_2-.Ltmp2, $2  }
0x30: {  	_ =	sdelay $0x2  }
0x31: {  	s1 =	simm.s32 $0x0  }
0x32: {  	s5 =	rddreg [dreg:$0x3]  }
0x33: {  	[tilespmem:s1], [sflag:$0x9] =	stream.linear.gather [hbm4b:s5+s1], $0x1400, $0x38;
	[tilespmem:$0x9400] =	vst v63  }
0x34: {  	_ =	swait.ge [sflag:s15], $0x1400  }
0x35: {  	[sflag:s15] =	ssyncset.done $0x0  }
0x36: {  	[sflag:s15] =	ssyncadd.s32 $0xFFFFEC00  }
0x37: {  	[tilespmem:s17], [sflag:$0x1] =	stream.indirect.gather [hbm4b:s3+s16], $0x40, s1, s16, $0xb8;
	[tilespmem:$0x9400] =	vst v63  }
0x38: {  	_ = 	snop  }
0x39: {  	[tilespmem:s18], [sflag:$0x2] =	stream.indirect.gather [hbm4b:s3+s16], $0x40, s16, s16, $0xb8;
	[tilespmem:$0x9400] =	vst v63  }
0x3a: {  	s19 =	simm.s32 $0x100  }
0x3b: {  	[tilespmem:s20], [sflag:$0x3] =	stream.indirect.gather [hbm4b:s3+s16], $0x40, s19, s16, $0xb8;
	[tilespmem:$0x9400] =	vst v63  }
0x3c: {  	_ = 	snop  }
0x3d: {  	[tilespmem:s22], [sflag:$0x4] =	stream.indirect.gather [hbm4b:s3+s16], $0x40, s21, s16, $0xb8;
	[tilespmem:$0x9400] =	vst v63  }
0x3e: {  	_ =	swait.ge [sflag:s23], $0x2000  }
0x3f: {  	[sflag:s23] =	ssyncset.done $0x0  }
0x40: {  	s5 =	sadd.s32 $0xFFFFF400, s14;
	[sflag:s23] =	ssyncadd.s32 $0xFFFFE000  }
0x41: {  	[hbm4b:s5+s2] =	stream.linear.scatter [tilespmem:s17], [sflag:$0x5], $0x2000, $0x38;
	[tilespmem:$0x9400] =	vst v63  }
0x42: {  	_ =	swait.ge [sflag:s24], $0x2000  }
0x43: {  	[sflag:s24] =	ssyncset.done $0x0  }
0x44: {  	s10 =	sadd.s32 $0xFFFFF800, s14;
	[sflag:s24] =	ssyncadd.s32 $0xFFFFE000  }
0x45: {  	[hbm4b:s10+s2] =	stream.linear.scatter [tilespmem:s18], [sflag:$0x6], $0x2000, $0x38;
	[tilespmem:$0x9400] =	vst v63  }
0x46: {  	_ =	swait.ge [sflag:s25], $0x2000  }
0x47: {  	[sflag:s25] =	ssyncset.done $0x0  }
0x48: {  	s19 =	sadd.s32 $0xFFFFFC00, s14;
	[sflag:s25] =	ssyncadd.s32 $0xFFFFE000  }
0x49: {  	[hbm4b:s19+s2] =	stream.linear.scatter [tilespmem:s20], [sflag:$0x7], $0x2000, $0x38;
	[tilespmem:$0x9400] =	vst v63  }
0x4a: {  	_ =	swait.ge [sflag:s26], $0x2000  }
0x4b: {  	[sflag:s26] =	ssyncset.done $0x0  }
0x4c: {  	[sflag:s26] =	ssyncadd.s32 $0xFFFFE000  }
0x4d: {  	[hbm4b:s14+s2] =	stream.linear.scatter [tilespmem:s22], [sflag:$0x8], $0x2000, $0x38;
	[tilespmem:$0x9400] =	vst v63  }
0x4e: {  	_ =	swait.ge [sflag:s28], $0x2000  }
0x4f: {  	[sflag:s28] =	ssyncset.done $0x0  }
0x50: {  	s5 =	simm.s32 $0x200;
	[sflag:s28] =	ssyncadd.s32 $0xFFFFE000  }
0x51: {  	[tilespmem:s17], [sflag:$0x1] =	stream.indirect.gather [hbm4b:s3+s16], $0x40, s5, s16, $0xb8;
	[tilespmem:$0x9400] =	vst v63  }
0x52: {  	_ =	swait.ge [sflag:s29], $0x2000  }
0x53: {  	[sflag:s29] =	ssyncset.done $0x0  }
0x54: {  	s10 =	simm.s32 $0x280;
	[sflag:s29] =	ssyncadd.s32 $0xFFFFE000  }
0x55: {  	[tilespmem:s18], [sflag:$0x2] =	stream.indirect.gather [hbm4b:s3+s16], $0x40, s10, s16, $0xb8;
	[tilespmem:$0x9400] =	vst v63  }
0x56: {  	_ =	swait.ge [sflag:s30], $0x2000  }
0x57: {  	[sflag:s30] =	ssyncset.done $0x0  }
0x58: {  	s19 =	simm.s32 $0x300;
	[sflag:s30] =	ssyncadd.s32 $0xFFFFE000  }
0x59: {  	[tilespmem:s20], [sflag:$0x3] =	stream.indirect.gather [hbm4b:s3+s16], $0x40, s19, s16, $0xb8;
	[tilespmem:$0x9400] =	vst v63  }
0x5a: {  	_ =	swait.ge [sflag:s31], $0x2000  }
0x5b: {  	s1 =	simm.s32 $0x800;
	[sflag:s31] =	ssyncset.done $0x0  }
0x5c: {  	s5 =	sadd.s32 $0x1000, s14;
	s19 =	simm.s32 $0x380;
	[sflag:s31] =	ssyncadd.s32 $0xFFFFE000  }
.LBB2_6:
0x5d: {  	[tilespmem:s22], [sflag:$0x4] =	stream.indirect.gather [hbm4b:s3+s16], $0x40, s19, s16, $0xb8;
	[tilespmem:$0x9400] =	vst v63  }
0x5e: {  	s10 =	smov.u32 s1  }
0x5f: {  	p1 =	sne.s32 s1, $0x4000;
	s1 =	sadd.s32 $0x800, s1;
	_ =	swait.ge [sflag:s23], $0x2000  }
0x60: {  	[sflag:s23] =	ssyncset.done $0x0  }
0x61: {  	s19 =	sadd.s32 $0xFFFFF400, s5;
	[sflag:s23] =	ssyncadd.s32 $0xFFFFE000  }
0x62: {  	[hbm4b:s19+s2] =	stream.linear.scatter [tilespmem:s17], [sflag:$0x5], $0x2000, $0x38;
	[tilespmem:$0x9400] =	vst v63  }
0x63: {  	_ =	swait.ge [sflag:s24], $0x2000  }
0x64: {  	[sflag:s24] =	ssyncset.done $0x0  }
0x65: {  	s19 =	sadd.s32 $0xFFFFF800, s5;
	[sflag:s24] =	ssyncadd.s32 $0xFFFFE000  }
0x66: {  	[hbm4b:s19+s2] =	stream.linear.scatter [tilespmem:s18], [sflag:$0x6], $0x2000, $0x38;
	[tilespmem:$0x9400] =	vst v63  }
0x67: {  	_ =	swait.ge [sflag:s25], $0x2000  }
0x68: {  	[sflag:s25] =	ssyncset.done $0x0  }
0x69: {  	s19 =	sadd.s32 $0xFFFFFC00, s5;
	[sflag:s25] =	ssyncadd.s32 $0xFFFFE000  }
0x6a: {  	[hbm4b:s19+s2] =	stream.linear.scatter [tilespmem:s20], [sflag:$0x7], $0x2000, $0x38;
	[tilespmem:$0x9400] =	vst v63  }
0x6b: {  	_ =	swait.ge [sflag:s26], $0x2000  }
0x6c: {  	[sflag:s26] =	ssyncset.done $0x0  }
0x6d: {  	[sflag:s26] =	ssyncadd.s32 $0xFFFFE000  }
0x6e: {  	[hbm4b:s5+s2] =	stream.linear.scatter [tilespmem:s22], [sflag:$0x8], $0x2000, $0x38;
	[tilespmem:$0x9400] =	vst v63  }
0x6f: {  	_ =	swait.ge [sflag:s28], $0x2000  }
0x70: {  	s10 =	sshra.s32 s10, $0x2;
	[sflag:s28] =	ssyncset.done $0x0  }
0x71: {  	s19 =	sadd.s32 $0x200, s10;
	[sflag:s28] =	ssyncadd.s32 $0xFFFFE000  }
0x72: {  	[tilespmem:s17], [sflag:$0x1] =	stream.indirect.gather [hbm4b:s3+s16], $0x40, s19, s16, $0xb8;
	[tilespmem:$0x9400] =	vst v63  }
0x73: {  	_ =	swait.ge [sflag:s29], $0x2000  }
0x74: {  	[sflag:s29] =	ssyncset.done $0x0  }
0x75: {  	s19 =	sadd.s32 $0x280, s10;
	[sflag:s29] =	ssyncadd.s32 $0xFFFFE000  }
0x76: {  	[tilespmem:s18], [sflag:$0x2] =	stream.indirect.gather [hbm4b:s3+s16], $0x40, s19, s16, $0xb8;
	[tilespmem:$0x9400] =	vst v63  }
0x77: {  	_ =	swait.ge [sflag:s30], $0x2000  }
0x78: {  	[sflag:s30] =	ssyncset.done $0x0  }
.Ltmp3:
0x79: {  	s19 =	sadd.s32 $0x300, s10;
	[sflag:s30] =	ssyncadd.s32 $0xFFFFE000;
	(pc) =	sbr.rel @p1 .LBB2_6-.Ltmp3, $4  }
0x7a: {  	[tilespmem:s20], [sflag:$0x3] =	stream.indirect.gather [hbm4b:s3+s16], $0x40, s19, s16, $0xb8;
	[tilespmem:$0x9400] =	vst v63  }
0x7b: {  	_ =	swait.ge [sflag:s31], $0x2000  }
0x7c: {  	[sflag:s31] =	ssyncset.done $0x0  }
0x7d: {  	s5 =	sadd.s32 $0x1000, s5;
	s19 =	sadd.s32 $0x380, s10;
	[sflag:s31] =	ssyncadd.s32 $0xFFFFE000  }
.Ltmp4:
0x7e: {  	_ = 	snop;
	(pc) =	sbr.rel .LBB2_7-.Ltmp4, $1  }
0x7f: {  	_ =	sdelay $0x3  }
.LBB2_2:
0x80: {  	s5 =	rddreg [dreg:$0x2]  }
0x81: {  	[tilespmem:s1], [sflag:$0x9] =	stream.linear.gather [hbm4b:s5+s1], $0x1400, $0x38;
	[tilespmem:$0x9400] =	vst v63  }
0x82: {  	_ =	swait.ge [sflag:s15], $0x1400  }
0x83: {  	[sflag:s15] =	ssyncset.done $0x0  }
0x84: {  	[sflag:s15] =	ssyncadd.s32 $0xFFFFEC00  }
0x85: {  	[tilespmem:s17], [sflag:$0x1] =	stream.indirect.gather [hbm4b:s3+s16], $0x40, s1, s16, $0xb8;
	[tilespmem:$0x9400] =	vst v63  }
0x86: {  	_ = 	snop  }
0x87: {  	[tilespmem:s18], [sflag:$0x2] =	stream.indirect.gather [hbm4b:s3+s16], $0x40, s16, s16, $0xb8;
	[tilespmem:$0x9400] =	vst v63  }
0x88: {  	s19 =	simm.s32 $0x100  }
0x89: {  	[tilespmem:s20], [sflag:$0x3] =	stream.indirect.gather [hbm4b:s3+s16], $0x40, s19, s16, $0xb8;
	[tilespmem:$0x9400] =	vst v63  }
0x8a: {  	_ = 	snop  }
0x8b: {  	[tilespmem:s22], [sflag:$0x4] =	stream.indirect.gather [hbm4b:s3+s16], $0x40, s21, s16, $0xb8;
	[tilespmem:$0x9400] =	vst v63  }
0x8c: {  	_ =	swait.ge [sflag:s23], $0x2000  }
0x8d: {  	[sflag:s23] =	ssyncset.done $0x0  }
0x8e: {  	s5 =	sadd.s32 $0xFFFFF400, s13;
	[sflag:s23] =	ssyncadd.s32 $0xFFFFE000  }
0x8f: {  	[hbm4b:s5+s2] =	stream.linear.scatter [tilespmem:s17], [sflag:$0x5], $0x2000, $0x38;
	[tilespmem:$0x9400] =	vst v63  }
0x90: {  	_ =	swait.ge [sflag:s24], $0x2000  }
0x91: {  	[sflag:s24] =	ssyncset.done $0x0  }
0x92: {  	s10 =	sadd.s32 $0xFFFFF800, s13;
	[sflag:s24] =	ssyncadd.s32 $0xFFFFE000  }
0x93: {  	[hbm4b:s10+s2] =	stream.linear.scatter [tilespmem:s18], [sflag:$0x6], $0x2000, $0x38;
	[tilespmem:$0x9400] =	vst v63  }
0x94: {  	_ =	swait.ge [sflag:s25], $0x2000  }
0x95: {  	[sflag:s25] =	ssyncset.done $0x0  }
0x96: {  	s19 =	sadd.s32 $0xFFFFFC00, s13;
	[sflag:s25] =	ssyncadd.s32 $0xFFFFE000  }
0x97: {  	[hbm4b:s19+s2] =	stream.linear.scatter [tilespmem:s20], [sflag:$0x7], $0x2000, $0x38;
	[tilespmem:$0x9400] =	vst v63  }
0x98: {  	_ =	swait.ge [sflag:s26], $0x2000  }
0x99: {  	[sflag:s26] =	ssyncset.done $0x0  }
0x9a: {  	[sflag:s26] =	ssyncadd.s32 $0xFFFFE000  }
0x9b: {  	[hbm4b:s13+s2] =	stream.linear.scatter [tilespmem:s22], [sflag:$0x8], $0x2000, $0x38;
	[tilespmem:$0x9400] =	vst v63  }
0x9c: {  	_ =	swait.ge [sflag:s28], $0x2000  }
0x9d: {  	[sflag:s28] =	ssyncset.done $0x0  }
0x9e: {  	s5 =	simm.s32 $0x200;
	[sflag:s28] =	ssyncadd.s32 $0xFFFFE000  }
0x9f: {  	[tilespmem:s17], [sflag:$0x1] =	stream.indirect.gather [hbm4b:s3+s16], $0x40, s5, s16, $0xb8;
	[tilespmem:$0x9400] =	vst v63  }
0xa0: {  	_ =	swait.ge [sflag:s29], $0x2000  }
0xa1: {  	[sflag:s29] =	ssyncset.done $0x0  }
0xa2: {  	s10 =	simm.s32 $0x280;
	[sflag:s29] =	ssyncadd.s32 $0xFFFFE000  }
0xa3: {  	[tilespmem:s18], [sflag:$0x2] =	stream.indirect.gather [hbm4b:s3+s16], $0x40, s10, s16, $0xb8;
	[tilespmem:$0x9400] =	vst v63  }
0xa4: {  	_ =	swait.ge [sflag:s30], $0x2000  }
0xa5: {  	[sflag:s30] =	ssyncset.done $0x0  }
0xa6: {  	s19 =	simm.s32 $0x300;
	[sflag:s30] =	ssyncadd.s32 $0xFFFFE000  }
0xa7: {  	[tilespmem:s20], [sflag:$0x3] =	stream.indirect.gather [hbm4b:s3+s16], $0x40, s19, s16, $0xb8;
	[tilespmem:$0x9400] =	vst v63  }
0xa8: {  	_ =	swait.ge [sflag:s31], $0x2000  }
0xa9: {  	s1 =	simm.s32 $0x800;
	[sflag:s31] =	ssyncset.done $0x0  }
0xaa: {  	s5 =	sadd.s32 $0x1000, s13;
	s19 =	simm.s32 $0x380;
	[sflag:s31] =	ssyncadd.s32 $0xFFFFE000  }
.LBB2_3:
0xab: {  	[tilespmem:s22], [sflag:$0x4] =	stream.indirect.gather [hbm4b:s3+s16], $0x40, s19, s16, $0xb8;
	[tilespmem:$0x9400] =	vst v63  }
0xac: {  	s19 =	smov.u32 s1  }
0xad: {  	p1 =	seq.s32 s1, $0x4000;
	s1 =	sadd.s32 $0x800, s1;
	_ =	swait.ge [sflag:s23], $0x2000  }
0xae: {  	[sflag:s23] =	ssyncset.done $0x0  }
0xaf: {  	s10 =	sadd.s32 $0xFFFFF400, s5;
	[sflag:s23] =	ssyncadd.s32 $0xFFFFE000  }
0xb0: {  	[hbm4b:s10+s2] =	stream.linear.scatter [tilespmem:s17], [sflag:$0x5], $0x2000, $0x38;
	[tilespmem:$0x9400] =	vst v63  }
0xb1: {  	_ =	swait.ge [sflag:s24], $0x2000  }
0xb2: {  	[sflag:s24] =	ssyncset.done $0x0  }
0xb3: {  	s10 =	sadd.s32 $0xFFFFF800, s5;
	[sflag:s24] =	ssyncadd.s32 $0xFFFFE000  }
0xb4: {  	[hbm4b:s10+s2] =	stream.linear.scatter [tilespmem:s18], [sflag:$0x6], $0x2000, $0x38;
	[tilespmem:$0x9400] =	vst v63  }
0xb5: {  	_ =	swait.ge [sflag:s25], $0x2000  }
0xb6: {  	[sflag:s25] =	ssyncset.done $0x0  }
0xb7: {  	s10 =	sadd.s32 $0xFFFFFC00, s5;
	[sflag:s25] =	ssyncadd.s32 $0xFFFFE000  }
0xb8: {  	[hbm4b:s10+s2] =	stream.linear.scatter [tilespmem:s20], [sflag:$0x7], $0x2000, $0x38;
	[tilespmem:$0x9400] =	vst v63  }
0xb9: {  	_ =	swait.ge [sflag:s26], $0x2000  }
0xba: {  	[sflag:s26] =	ssyncset.done $0x0  }
0xbb: {  	[sflag:s26] =	ssyncadd.s32 $0xFFFFE000  }
0xbc: {  	[hbm4b:s5+s2] =	stream.linear.scatter [tilespmem:s22], [sflag:$0x8], $0x2000, $0x38;
	[tilespmem:$0x9400] =	vst v63  }
0xbd: {  	_ =	swait.ge [sflag:s28], $0x2000  }
0xbe: {  	s10 =	sshra.s32 s19, $0x2;
	[sflag:s28] =	ssyncset.done $0x0  }
0xbf: {  	s19 =	sadd.s32 $0x200, s10;
	[sflag:s28] =	ssyncadd.s32 $0xFFFFE000  }
0xc0: {  	[tilespmem:s17], [sflag:$0x1] =	stream.indirect.gather [hbm4b:s3+s16], $0x40, s19, s16, $0xb8;
	[tilespmem:$0x9400] =	vst v63  }
0xc1: {  	_ =	swait.ge [sflag:s29], $0x2000  }
0xc2: {  	[sflag:s29] =	ssyncset.done $0x0  }
0xc3: {  	s19 =	sadd.s32 $0x280, s10;
	[sflag:s29] =	ssyncadd.s32 $0xFFFFE000  }
0xc4: {  	[tilespmem:s18], [sflag:$0x2] =	stream.indirect.gather [hbm4b:s3+s16], $0x40, s19, s16, $0xb8;
	[tilespmem:$0x9400] =	vst v63  }
0xc5: {  	_ =	swait.ge [sflag:s30], $0x2000  }
0xc6: {  	[sflag:s30] =	ssyncset.done $0x0  }
.Ltmp5:
0xc7: {  	s19 =	sadd.s32 $0x300, s10;
	[sflag:s30] =	ssyncadd.s32 $0xFFFFE000;
	(pc) =	sbr.rel @!p1 .LBB2_3-.Ltmp5, $4  }
0xc8: {  	[tilespmem:s20], [sflag:$0x3] =	stream.indirect.gather [hbm4b:s3+s16], $0x40, s19, s16, $0xb8;
	[tilespmem:$0x9400] =	vst v63  }
0xc9: {  	_ =	swait.ge [sflag:s31], $0x2000  }
0xca: {  	[sflag:s31] =	ssyncset.done $0x0  }
0xcb: {  	s5 =	sadd.s32 $0x1000, s5;
	s19 =	sadd.s32 $0x380, s10;
	[sflag:s31] =	ssyncadd.s32 $0xFFFFE000  }
.Ltmp6:
0xcc: {  	(pc) =	sbr.rel .LBB2_8-.Ltmp6, $3  }
0xcd: {  	_ =	sdelay $0x1  }
0xce: {  	[tilespmem:s22], [sflag:$0x4] =	stream.indirect.gather [hbm4b:s3+s16], $0x40, s19, s16, $0xb8;
	[tilespmem:$0x9400] =	vst v63  }
0xcf: {  	s1 =	smov.u32 s6  }
.LBB2_9:
0xd0: {  	_ =	sfence.sel $0x180000  }
0xd1: {  	[bflag:$0x0] =	sbarrier.arrive $0xFFFF  }
0xd2: {  	_ =	strace $0x90000050  }
0xd3: {  	s0 =	stileid.u32;
	[bflag:$0x2] =	sbarrier.arrive $0xFFFF  }
0xd4: {  	p0 =	sne.s32 s0, $0x0;
	s0 =	rddreg [dreg:$0x1]  }
0xd5: {  	s0 =	sadd.s32 @!p0 $0x100000, s0  }
0xd6: {  	[sflag:s0] =	ssyncadd.tile.s32 @!p0 $0x1;
	_ =	shalt  }
.Lfunc_end2:
_tile_overlayer_lowered:
.L_overlay_start_2:
0xd7: {  	(tag) =	ssettag $0x2  }
0xd8: {  	s0 =	rddreg [dreg:$0x0];
	s2 =	stileid.u32  }
0xd9: {  	s1 =	rddreg [dreg:$0x1];
	p0 =	sne.s32 s2, $0x0  }
0xda: {  	s3 =	rddreg [dreg:$0x2];
	[bflag:$0x3] =	sbarrier.arrive $0xFFFF;
	s2 =	simm.s32 @!p0 $0x1C09  }
0xdb: {  	[timem:s3], [sflag:s2] =	dma.local @!p0 [hbm:s0], s1  }
0xdc: {  	s0 =	simm.s32 @!p0 $0x9  }
0xdd: {  	_ =	swait.ge @!p0 [sflag:s0], s1  }
0xde: {  	s1 =	ssub.s32 @!p0 $0x0, s1;
	[sflag:s0] =	ssyncset.done @!p0 $0x0  }
0xdf: {  	[sflag:s0] =	ssyncadd.s32 @!p0 s1  }
0xe0: {  	[bflag:$0x3] =	sbarrier.arrive $0xFFFF  }
0xe1: {  	_ =	shalt  }

</sc_bundles>
